<compile_context>
chip_gen: v7x
topology: tpu7x:2x2x1
jax: 0.10.2.dev20260603
libtpu: 0.0.44.dev20260713+nightly
codegen_flags: <defaults>
</compile_context>

<pallas_src>
import functools

import jax
import jax.numpy as jnp
from jax import lax
from jax.experimental import pallas as pl
from jax.experimental.pallas import tpu as pltpu
from jax.experimental.pallas import tpu_sc as plsc

N_NODES = 10000
N_PAD = 10240
N_EDGES = 320000
E_PAD = 327680
D_IN = 128
F0 = 64
F1 = 16
N_CLASSES = 10
K_ITERS = 10
ALPHA = 0.1

NS = 16
SB = 128
ROWS_PER_CHUNK = 8
EROWS = E_PAD // SB
RPW = EROWS // NS
RPW_DEG = EROWS // (2 * NS)
N_CHUNKS_DEG = RPW_DEG // ROWS_PER_CHUNK
NPW = N_PAD // NS
NODE_CHUNK = 80
N_NODE_CHUNKS = NPW // NODE_CHUNK
CH_ROWS = 8
N_ECHUNKS = RPW // CH_ROWS
N_SLOTS = 5
GA = 2

_mesh = plsc.VectorSubcoreMesh(core_axis_name="c", subcore_axis_name="s")
_sc_params = pltpu.CompilerParams(use_tc_tiling_on_sc=False)


@functools.partial(
    pl.kernel,
    mesh=_mesh,
    out_type=jax.ShapeDtypeStruct((2 * N_PAD,), jnp.float32),
    scratch_types=[
        pltpu.VMEM((ROWS_PER_CHUNK, SB), jnp.int32),
        pltpu.VMEM((SB,), jnp.float32),
        pltpu.VMEM((NPW,), jnp.float32),
        pltpu.VMEM_SHARED((N_PAD,), jnp.float32),
        pltpu.SemaphoreType.DMA,
    ],
    compiler_params=_sc_params,
)
def _deg_kernel(dst2d, deg_out, idx_b, ones_b, node_b, acc, sem):
    c = lax.axis_index("c")
    s = lax.axis_index("s")
    one = jnp.full((16,), 1.0, dtype=jnp.float32)
    zero = jnp.zeros((16,), dtype=jnp.float32)
    for i in range(SB // 16):
        ones_b[pl.ds(i * 16, 16)] = one

    def zero_body(i, _):
        node_b[pl.ds(i * 16, 16)] = zero
        return 0

    lax.fori_loop(0, NPW // 16, zero_body, 0)
    pltpu.sync_copy(node_b, acc.at[pl.ds(s * NPW, NPW)])
    plsc.subcore_barrier()

    base_row = (c * NS + s) * RPW_DEG

    def chunk_body(j, _):
        row0 = pl.multiple_of(base_row + j * ROWS_PER_CHUNK, 8)
        pltpu.sync_copy(dst2d.at[pl.ds(row0, ROWS_PER_CHUNK)], idx_b)
        for b in range(ROWS_PER_CHUNK):
            pltpu.sync_copy(ones_b.at[pl.ds(0, SB)], acc.at[idx_b.at[b]], add=True)
        return 0

    lax.fori_loop(0, N_CHUNKS_DEG, chunk_body, 0)
    plsc.subcore_barrier()

    pltpu.sync_copy(acc.at[pl.ds(s * NPW, NPW)], node_b)
    pltpu.sync_copy(node_b, deg_out.at[pl.ds(c * N_PAD + s * NPW, NPW)])


def _prep_body(x_ref, w0_ref, b0_ref, w1_ref, b1_ref, dega_ref, degb_ref,
               y0h_ref, c1h_ref, c2h_ref, d1h_ref, d2h_ref,
               y0o_ref, c1o_ref, c2o_ref, d1o_ref, d2o_ref):
    x = x_ref[...]
    h = jnp.maximum(
        lax.dot_general(x, w0_ref[...], (((1,), (1,)), ((), ())),
                        preferred_element_type=jnp.float32) + b0_ref[...],
        0.0)
    out = lax.dot_general(h, w1_ref[...], (((1,), (1,)), ((), ())),
                          preferred_element_type=jnp.float32) + b1_ref[...]
    deg = dega_ref[...] + degb_ref[...] + 1.0
    dinv = lax.rsqrt(deg)
    onesh = jnp.ones_like(h)
    oneso = jnp.ones_like(out)
    y0h_ref[...] = dinv * h
    c1h_ref[...] = ((1.0 - ALPHA) * dinv * dinv) * onesh
    c2h_ref[...] = ALPHA * dinv * h
    d1h_ref[...] = ((1.0 - ALPHA) * dinv) * onesh
    d2h_ref[...] = ALPHA * h
    y0o_ref[...] = dinv * out
    c1o_ref[...] = ((1.0 - ALPHA) * dinv * dinv) * oneso
    c2o_ref[...] = ALPHA * dinv * out
    d1o_ref[...] = ((1.0 - ALPHA) * dinv) * oneso
    d2o_ref[...] = ALPHA * out


def _prep(x_pad, w0, b0, w1p, b1p, dega, degb):
    blk = 1024
    grid = (N_PAD // blk,)
    fullspec = lambda shape: pl.BlockSpec(shape, lambda i: (0,) * len(shape))
    rowspec = lambda w: pl.BlockSpec((blk, w), lambda i: (i, 0))
    outs = ([jax.ShapeDtypeStruct((N_PAD, F0), jnp.float32)] * 5
            + [jax.ShapeDtypeStruct((N_PAD, F1), jnp.float32)] * 5)
    return pl.pallas_call(
        _prep_body,
        grid=grid,
        in_specs=[rowspec(D_IN), fullspec((F0, D_IN)), fullspec((1, F0)),
                  fullspec((F1, F0)), fullspec((1, F1)), rowspec(1), rowspec(1)],
        out_specs=[rowspec(F0)] * 5 + [rowspec(F1)] * 5,
        out_shape=outs,
    )(x_pad, w0, b0, w1p, b1p, dega, degb)


@functools.partial(
    pl.kernel,
    mesh=_mesh,
    out_type=[jax.ShapeDtypeStruct((N_PAD, F0), jnp.float32),
              jax.ShapeDtypeStruct((N_PAD, F1), jnp.float32)],
    scratch_types=[
        pltpu.VMEM((CH_ROWS, SB), jnp.int32),
        pltpu.VMEM((CH_ROWS, SB), jnp.int32),
        pltpu.VMEM((N_SLOTS * SB, F0), jnp.float32),
        pltpu.VMEM((N_SLOTS * SB, F1), jnp.float32),
        pltpu.VMEM((NODE_CHUNK, F0), jnp.float32),
        pltpu.VMEM((NODE_CHUNK, F0), jnp.float32),
        pltpu.VMEM((NODE_CHUNK, F0), jnp.float32),
        pltpu.VMEM((NODE_CHUNK, F1), jnp.float32),
        pltpu.VMEM((NODE_CHUNK, F1), jnp.float32),
        pltpu.VMEM((NODE_CHUNK, F1), jnp.float32),
        pltpu.VMEM_SHARED((N_PAD, F0), jnp.float32),
        pltpu.VMEM_SHARED((N_PAD, F1), jnp.float32),
        pltpu.SemaphoreType.DMA,
        pltpu.SemaphoreType.DMA,
        pltpu.SemaphoreType.DMA,
        pltpu.SemaphoreType.DMA,
        pltpu.SemaphoreType.DMA,
        pltpu.SemaphoreType.DMA,
        pltpu.SemaphoreType.DMA,
        pltpu.SemaphoreType.DMA,
        pltpu.SemaphoreType.DMA,
        pltpu.SemaphoreType.DMA,
        pltpu.SemaphoreType.DMA,
    ],
    compiler_params=_sc_params,
)
def _appnp_kernel(src2d, dst2d, y0h, c1h, c2h, d1h, d2h, y0o, c1o, c2o, d1o, d2o,
                  yh_out, yo_out,
                  isrc, idst, rows0, rows1, agg0, cf10, cf20, agg1, cf11, cf21,
                  acc0, acc1, sem,
                  gs0, gs1, gs2, gs3, gs4, ss0, ss1, ss2, ss3, ss4):
    gsems = [gs0, gs1, gs2, gs3, gs4]
    ssems = [ss0, ss1, ss2, ss3, ss4]
    c = lax.axis_index("c")
    s = lax.axis_index("s")
    base_row = s * RPW
    nbase = s * NPW

    def init_chain(y0, y_out, acc, aggb):
        def body(t, _):
            sl = pl.ds(pl.multiple_of(nbase + t * NODE_CHUNK, 8), NODE_CHUNK)
            pltpu.sync_copy(y0.at[sl], aggb)
            pltpu.sync_copy(aggb, y_out.at[sl])
            pltpu.sync_copy(aggb, acc.at[sl])
            return 0
        lax.fori_loop(0, N_NODE_CHUNKS, body, 0)

    def edge_phase(y_ref, rows, acc):
        def _slot(b):
            return pl.ds((b % N_SLOTS) * SB, SB)

        def chunk_body(j, _):
            row0 = pl.multiple_of(base_row + j * CH_ROWS, 8)
            pltpu.sync_copy(src2d.at[pl.ds(row0, CH_ROWS)], isrc)
            pltpu.sync_copy(dst2d.at[pl.ds(row0, CH_ROWS)], idst)

            def _gather(b):
                return pltpu.async_copy(y_ref.at[isrc.at[b]], rows.at[_slot(b)],
                                        gsems[b % N_SLOTS])

            def _scatter(b):
                return pltpu.async_copy(rows.at[_slot(b)], acc.at[idst.at[b]],
                                        ssems[b % N_SLOTS], add=True)

            gd = {}
            sd = {}
            waited = set()
            for b in range(GA):
                gd[b] = _gather(b)
            for b in range(CH_ROWS):
                gd[b].wait()
                sd[b] = _scatter(b)
                nb = b + GA
                if nb < CH_ROWS:
                    if nb >= N_SLOTS:
                        sd[nb - N_SLOTS].wait()
                        waited.add(nb - N_SLOTS)
                    gd[nb] = _gather(nb)
            for k in range(CH_ROWS):
                if k not in waited:
                    sd[k].wait()
            return 0

        lax.fori_loop(0, N_ECHUNKS, chunk_body, 0)

    def node_phase(acc, aggb, c1b, c2b, coef1, coef2, y_out, f):
        nvr = f // 16

        def body(t, _):
            sl = pl.ds(pl.multiple_of(nbase + t * NODE_CHUNK, 8), NODE_CHUNK)
            pltpu.sync_copy(acc.at[sl], aggb)
            pltpu.sync_copy(coef1.at[sl], c1b)
            pltpu.sync_copy(coef2.at[sl], c2b)

            def row(i, _):
                for j in range(nvr):
                    fs = pl.ds(j * 16, 16)
                    aggb[i, fs] = aggb[i, fs] * c1b[i, fs] + c2b[i, fs]
                return 0

            lax.fori_loop(0, NODE_CHUNK, row, 0)
            pltpu.sync_copy(aggb, y_out.at[sl])
            pltpu.sync_copy(aggb, acc.at[sl])
            return 0

        lax.fori_loop(0, N_NODE_CHUNKS, body, 0)

    def iteration(k10, k20, k11, k21):
        @pl.when(c == 0)
        def _():
            edge_phase(yh_out, rows0, acc0)

        @pl.when(c == 1)
        def _():
            edge_phase(yo_out, rows1, acc1)

        plsc.subcore_barrier()

        @pl.when(c == 0)
        def _():
            node_phase(acc0, agg0, cf10, cf20, k10, k20, yh_out, F0)

        @pl.when(c == 1)
        def _():
            node_phase(acc1, agg1, cf11, cf21, k11, k21, yo_out, F1)

        plsc.subcore_barrier()

    @pl.when(c == 0)
    def _():
        init_chain(y0h, yh_out, acc0, agg0)

    @pl.when(c == 1)
    def _():
        init_chain(y0o, yo_out, acc1, agg1)

    plsc.subcore_barrier()

    def main_iter(k, _):
        iteration(c1h, c2h, c1o, c2o)
        return 0

    lax.fori_loop(0, K_ITERS - 1, main_iter, 0)
    iteration(d1h, d2h, d1o, d2o)


def kernel(x, edge_index, W0, b0, W1, b1):
    ei = edge_index.astype(jnp.int32)
    n_fill = E_PAD - N_EDGES
    fill = N_NODES + (jnp.arange(n_fill, dtype=jnp.int32) % (N_PAD - N_NODES))
    src2d = jnp.concatenate([ei[0], fill]).reshape(EROWS, SB)
    dst2d = jnp.concatenate([ei[1], fill]).reshape(EROWS, SB)

    x_pad = jnp.zeros((N_PAD, D_IN), jnp.float32).at[:N_NODES].set(x)
    w1p = jnp.zeros((F1, F0), jnp.float32).at[:N_CLASSES].set(W1)
    b1p = jnp.zeros((1, F1), jnp.float32).at[0, :N_CLASSES].set(b1)
    b0r = b0.reshape(1, F0)

    deg_part = _deg_kernel(dst2d)
    dega = deg_part[:N_PAD].reshape(N_PAD, 1)
    degb = deg_part[N_PAD:].reshape(N_PAD, 1)

    (y0h, c1h, c2h, d1h, d2h, y0o, c1o, c2o, d1o, d2o) = _prep(
        x_pad, W0, b0r, w1p, b1p, dega, degb)

    yh, yo = _appnp_kernel(src2d, dst2d, y0h, c1h, c2h, d1h, d2h,
                           y0o, c1o, c2o, d1o, d2o)

    return (x, yh[:N_NODES], yo[:N_NODES, :N_CLASSES])

# --- scband reference (transcript-rebuilt; emitter-appended) ---
"""Pipeline reference for scband-appnp-78709570667357 (READ-ONLY COPY).

The authoritative reference and input builder live on the scoring server;
editing this copy changes nothing except your own understanding.
"""

import jax, jax.numpy as jnp
import numpy as np

N_NODES = 10000
N_EDGES = 320000
D_IN = 128
D_HID = 64
N_CLASSES = 10
K_ITERS = 10
ALPHA = 0.1


def setup_inputs(seed: int = 0) -> dict:
    key = jax.random.key(seed)
    k1, k2, k3, k4, k5, k6 = jax.random.split(key, 6)
    x = jax.random.normal(k1, (N_NODES, D_IN), dtype=jnp.float32)
    edge_index = jax.random.randint(k2, (2, N_EDGES), 0, N_NODES, dtype=jnp.int64)
    # MLP params: Linear(128 -> 64) with bias, Linear(64 -> 10) with bias (torch layout: W[out, in])
    W0 = jax.random.normal(k3, (D_HID, D_IN), dtype=jnp.float32) * (1.0 / np.sqrt(D_IN))
    b0 = jax.random.normal(k4, (D_HID,), dtype=jnp.float32) * 0.01
    W1 = jax.random.normal(k5, (N_CLASSES, D_HID), dtype=jnp.float32) * (1.0 / np.sqrt(D_HID))
    b1 = jax.random.normal(k6, (N_CLASSES,), dtype=jnp.float32) * 0.01
    return {"x": x, "edge_index": edge_index, "W0": W0, "b0": b0, "W1": W1, "b1": b1}


def _appnp_propagate(x, edge_index, K, alpha):
    """APPNP propagation with GCN normalization and self loops (as in torch_geometric.nn.APPNP)."""
    N = x.shape[0]
    loop = jnp.arange(N, dtype=edge_index.dtype)
    src = jnp.concatenate([edge_index[0], loop])
    dst = jnp.concatenate([edge_index[1], loop])
    ones = jnp.ones(src.shape[0], dtype=x.dtype)
    deg = jnp.zeros(N, dtype=x.dtype).at[dst].add(ones)
    deg_inv_sqrt = jnp.where(deg > 0, 1.0 / jnp.sqrt(deg), 0.0)
    norm = deg_inv_sqrt[src] * deg_inv_sqrt[dst]
    h = x
    for _ in range(K):
        msg = x[src] * norm[:, None]
        agg = jnp.zeros_like(x).at[dst].add(msg)
        x = (1.0 - alpha) * agg + alpha * h
    return x


def reference(x, edge_index, W0, b0, W1, b1):
    # embeddings[0] = input x
    emb0 = x
    # layer 0: Linear + ReLU; since it is the penultimate layer (num == len-2),
    # append appnp(h, edge_index) to embeddings
    h = jax.nn.relu(x @ W0.T + b0)
    emb1 = _appnp_propagate(h, edge_index, K_ITERS, ALPHA)
    # layer 1 (last): Linear, no activation
    out = h @ W1.T + b1
    # final APPNP diffusion
    emb2 = _appnp_propagate(out, edge_index, K_ITERS, ALPHA)
    return (emb0, emb1, emb2)

if __name__ == "__main__":
    import jax
    _d = setup_inputs()
    print(jax.jit(kernel)(*tuple(_d.values())))

</pallas_src>

<mosaic_0001>
#map = affine_map<(d0, d1) -> (0, 0)>
module attributes {stable_mosaic.version = 14 : i64} {
  func.func @_appnp_kernel(%arg0: i32, %arg1: i32, %arg2: memref<2560x128xi32, #tpu.memory_space<hbm>>, %arg3: memref<2560x128xi32, #tpu.memory_space<hbm>>, %arg4: memref<10240x64xf32, #tpu.memory_space<hbm>>, %arg5: memref<10240x64xf32, #tpu.memory_space<hbm>>, %arg6: memref<10240x64xf32, #tpu.memory_space<hbm>>, %arg7: memref<10240x64xf32, #tpu.memory_space<hbm>>, %arg8: memref<10240x64xf32, #tpu.memory_space<hbm>>, %arg9: memref<10240x16xf32, #tpu.memory_space<hbm>>, %arg10: memref<10240x16xf32, #tpu.memory_space<hbm>>, %arg11: memref<10240x16xf32, #tpu.memory_space<hbm>>, %arg12: memref<10240x16xf32, #tpu.memory_space<hbm>>, %arg13: memref<10240x16xf32, #tpu.memory_space<hbm>>, %arg14: memref<10240x64xf32, #tpu.memory_space<hbm>>, %arg15: memref<10240x16xf32, #tpu.memory_space<hbm>>, %arg16: memref<8x128xi32, #tpu.memory_space<vmem>>, %arg17: memref<8x128xi32, #tpu.memory_space<vmem>>, %arg18: memref<640x64xf32, #tpu.memory_space<vmem>>, %arg19: memref<640x16xf32, #tpu.memory_space<vmem>>, %arg20: memref<80x64xf32, #tpu.memory_space<vmem>>, %arg21: memref<80x64xf32, #tpu.memory_space<vmem>>, %arg22: memref<80x64xf32, #tpu.memory_space<vmem>>, %arg23: memref<80x16xf32, #tpu.memory_space<vmem>>, %arg24: memref<80x16xf32, #tpu.memory_space<vmem>>, %arg25: memref<80x16xf32, #tpu.memory_space<vmem>>, %arg26: memref<10240x64xf32, #tpu.memory_space<vmem_shared>>, %arg27: memref<10240x16xf32, #tpu.memory_space<vmem_shared>>, %arg28: memref<!tpu.dma_semaphore, #tpu.memory_space<semaphore_mem>>, %arg29: memref<!tpu.dma_semaphore, #tpu.memory_space<semaphore_mem>>, %arg30: memref<!tpu.dma_semaphore, #tpu.memory_space<semaphore_mem>>, %arg31: memref<!tpu.dma_semaphore, #tpu.memory_space<semaphore_mem>>, %arg32: memref<!tpu.dma_semaphore, #tpu.memory_space<semaphore_mem>>, %arg33: memref<!tpu.dma_semaphore, #tpu.memory_space<semaphore_mem>>, %arg34: memref<!tpu.dma_semaphore, #tpu.memory_space<semaphore_mem>>, %arg35: memref<!tpu.dma_semaphore, #tpu.memory_space<semaphore_mem>>, %arg36: memref<!tpu.dma_semaphore, #tpu.memory_space<semaphore_mem>>, %arg37: memref<!tpu.dma_semaphore, #tpu.memory_space<semaphore_mem>>, %arg38: memref<!tpu.dma_semaphore, #tpu.memory_space<semaphore_mem>>) attributes {dimension_semantics = [#tpu.dimension_semantics<core_parallel>, #tpu.dimension_semantics<subcore_parallel>], iteration_bounds = array<i64: 2, 16>, scalar_prefetch = 0 : i64, scratch_operands = 23 : i64, tpu.core_type = #tpu.core_type<sc_vector_subcore>, window_params = [{transform_indices = #map}, {transform_indices = #map}, {transform_indices = #map}, {transform_indices = #map}, {transform_indices = #map}, {transform_indices = #map}, {transform_indices = #map}, {transform_indices = #map}, {transform_indices = #map}, {transform_indices = #map}, {transform_indices = #map}, {transform_indices = #map}, {transform_indices = #map}, {transform_indices = #map}]} {
    %mul3A = arith.constant 160 : i32
    %mul3A_0 = arith.muli %arg1, %mul3A : i32
    %mul3A_1 = arith.constant 640 : i32
    %mul3A_2 = arith.muli %arg1, %mul3A_1 : i32
    %eq3A = arith.constant 0 : i32
    %eq3A_3 = arith.cmpi eq, %arg0, %eq3A : i32
    %convert_element_type3A = arith.extui %eq3A_3 : i1 to i32
    %cond3A = arith.constant 0 : i32
    %cond3A_4 = arith.cmpi ne, %convert_element_type3A, %cond3A : i32
    scf.if %cond3A_4 {
      %scan3A_38 = arith.constant 0 : i32
      %scan3A_39 = arith.constant 0 : i32
      %scan3A_40 = arith.constant 8 : i32
      %scan3A_41 = arith.addi %scan3A_39, %scan3A_40 : i32
      %scan3A_42 = arith.constant 1 : i32
      %scan3A_43 = scf.for %scan3A_45 = %scan3A_39 to %scan3A_41 step %scan3A_42 iter_args(%scan3A_46 = %scan3A_38) -> (i32)  : i32 {
        %mul3A_47 = arith.constant 80 : i32
        %mul3A_48 = arith.muli %scan3A_45, %mul3A_47 : i32
        %add3A = arith.addi %mul3A_2, %mul3A_48 : i32
        %multiple_of3A = tpu.assume_multiple %add3A, 8 : i32
        "tpu.region"() ({
          %run_scoped3A = tpu.sem_alloc : memref<!tpu.dma_semaphore, #tpu.memory_space<semaphore_mem>>
          %dma_start3A = arith.constant 0 : i32
          %dma_start3A_50 = tpu.memref_slice %arg4[%multiple_of3A, %dma_start3A] : memref<10240x64xf32, #tpu.memory_space<hbm>> -> memref<80x64xf32, #tpu.memory_space<hbm>>
          %dma_start3A_51 = arith.constant 0 : i32
          %dma_start3A_52 = tpu.memref_slice %arg4[%multiple_of3A, %dma_start3A_51] : memref<10240x64xf32, #tpu.memory_space<hbm>> -> memref<80x64xf32, #tpu.memory_space<hbm>>
          tpu.enqueue_dma source(%dma_start3A_52 : memref<80x64xf32, #tpu.memory_space<hbm>>) target(%arg20 : memref<80x64xf32, #tpu.memory_space<vmem>>) target_semaphore(%run_scoped3A : memref<!tpu.dma_semaphore, #tpu.memory_space<semaphore_mem>>)
          %dma_wait3A = arith.constant 0 : i32
          %dma_wait3A_53 = tpu.memref_slice %arg4[%multiple_of3A, %dma_wait3A] : memref<10240x64xf32, #tpu.memory_space<hbm>> -> memref<80x64xf32, #tpu.memory_space<hbm>>
          %dma_wait3A_54 = arith.constant 0 : i32
          %dma_wait3A_55 = tpu.memref_slice %arg4[%multiple_of3A, %dma_wait3A_54] : memref<10240x64xf32, #tpu.memory_space<hbm>> -> memref<80x64xf32, #tpu.memory_space<hbm>>
          tpu.wait_dma2 semaphore(%run_scoped3A : memref<!tpu.dma_semaphore, #tpu.memory_space<semaphore_mem>>) src(%dma_wait3A_55 : memref<80x64xf32, #tpu.memory_space<hbm>>) dst(%arg20 : memref<80x64xf32, #tpu.memory_space<vmem>>)
          tpu.yield
        }) : () -> ()
        "tpu.region"() ({
          %run_scoped3A = tpu.sem_alloc : memref<!tpu.dma_semaphore, #tpu.memory_space<semaphore_mem>>
          %dma_start3A = arith.constant 0 : i32
          %dma_start3A_50 = tpu.memref_slice %arg14[%multiple_of3A, %dma_start3A] : memref<10240x64xf32, #tpu.memory_space<hbm>> -> memref<80x64xf32, #tpu.memory_space<hbm>>
          %dma_start3A_51 = arith.constant 0 : i32
          %dma_start3A_52 = tpu.memref_slice %arg14[%multiple_of3A, %dma_start3A_51] : memref<10240x64xf32, #tpu.memory_space<hbm>> -> memref<80x64xf32, #tpu.memory_space<hbm>>
          tpu.enqueue_dma source(%arg20 : memref<80x64xf32, #tpu.memory_space<vmem>>) target(%dma_start3A_52 : memref<80x64xf32, #tpu.memory_space<hbm>>) target_semaphore(%run_scoped3A : memref<!tpu.dma_semaphore, #tpu.memory_space<semaphore_mem>>)
          %dma_wait3A = arith.constant 0 : i32
          %dma_wait3A_53 = tpu.memref_slice %arg14[%multiple_of3A, %dma_wait3A] : memref<10240x64xf32, #tpu.memory_space<hbm>> -> memref<80x64xf32, #tpu.memory_space<hbm>>
          %dma_wait3A_54 = arith.constant 0 : i32
          %dma_wait3A_55 = tpu.memref_slice %arg14[%multiple_of3A, %dma_wait3A_54] : memref<10240x64xf32, #tpu.memory_space<hbm>> -> memref<80x64xf32, #tpu.memory_space<hbm>>
          tpu.wait_dma2 semaphore(%run_scoped3A : memref<!tpu.dma_semaphore, #tpu.memory_space<semaphore_mem>>) src(%arg20 : memref<80x64xf32, #tpu.memory_space<vmem>>) dst(%dma_wait3A_55 : memref<80x64xf32, #tpu.memory_space<hbm>>)
          tpu.yield
        }) : () -> ()
        "tpu.region"() ({
          %run_scoped3A = tpu.sem_alloc : memref<!tpu.dma_semaphore, #tpu.memory_space<semaphore_mem>>
          %dma_start3A = arith.constant 0 : i32
          %dma_start3A_50 = tpu.memref_slice %arg26[%multiple_of3A, %dma_start3A] : memref<10240x64xf32, #tpu.memory_space<vmem_shared>> -> memref<80x64xf32, #tpu.memory_space<vmem_shared>>
          %dma_start3A_51 = arith.constant 0 : i32
          %dma_start3A_52 = tpu.memref_slice %arg26[%multiple_of3A, %dma_start3A_51] : memref<10240x64xf32, #tpu.memory_space<vmem_shared>> -> memref<80x64xf32, #tpu.memory_space<vmem_shared>>
          tpu.enqueue_dma source(%arg20 : memref<80x64xf32, #tpu.memory_space<vmem>>) target(%dma_start3A_52 : memref<80x64xf32, #tpu.memory_space<vmem_shared>>) target_semaphore(%run_scoped3A : memref<!tpu.dma_semaphore, #tpu.memory_space<semaphore_mem>>)
          %dma_wait3A = arith.constant 0 : i32
          %dma_wait3A_53 = tpu.memref_slice %arg26[%multiple_of3A, %dma_wait3A] : memref<10240x64xf32, #tpu.memory_space<vmem_shared>> -> memref<80x64xf32, #tpu.memory_space<vmem_shared>>
          %dma_wait3A_54 = arith.constant 0 : i32
          %dma_wait3A_55 = tpu.memref_slice %arg26[%multiple_of3A, %dma_wait3A_54] : memref<10240x64xf32, #tpu.memory_space<vmem_shared>> -> memref<80x64xf32, #tpu.memory_space<vmem_shared>>
          tpu.wait_dma2 semaphore(%run_scoped3A : memref<!tpu.dma_semaphore, #tpu.memory_space<semaphore_mem>>) src(%arg20 : memref<80x64xf32, #tpu.memory_space<vmem>>) dst(%dma_wait3A_55 : memref<80x64xf32, #tpu.memory_space<vmem_shared>>)
          tpu.yield
        }) : () -> ()
        %scan3A_49 = arith.constant 0 : i32
        scf.yield %scan3A_49 : i32
      }
      %scan3A_44 = arith.constant 8 : i32
    } else {
    }
    %eq3A_5 = arith.constant 1 : i32
    %eq3A_6 = arith.cmpi eq, %arg0, %eq3A_5 : i32
    %convert_element_type3A_7 = arith.extui %eq3A_6 : i1 to i32
    %cond3A_8 = arith.constant 0 : i32
    %cond3A_9 = arith.cmpi ne, %convert_element_type3A_7, %cond3A_8 : i32
    scf.if %cond3A_9 {
      %scan3A_38 = arith.constant 0 : i32
      %scan3A_39 = arith.constant 0 : i32
      %scan3A_40 = arith.constant 8 : i32
      %scan3A_41 = arith.addi %scan3A_39, %scan3A_40 : i32
      %scan3A_42 = arith.constant 1 : i32
      %scan3A_43 = scf.for %scan3A_45 = %scan3A_39 to %scan3A_41 step %scan3A_42 iter_args(%scan3A_46 = %scan3A_38) -> (i32)  : i32 {
        %mul3A_47 = arith.constant 80 : i32
        %mul3A_48 = arith.muli %scan3A_45, %mul3A_47 : i32
        %add3A = arith.addi %mul3A_2, %mul3A_48 : i32
        %multiple_of3A = tpu.assume_multiple %add3A, 8 : i32
        "tpu.region"() ({
          %run_scoped3A = tpu.sem_alloc : memref<!tpu.dma_semaphore, #tpu.memory_space<semaphore_mem>>
          %dma_start3A = arith.constant 0 : i32
          %dma_start3A_50 = tpu.memref_slice %arg9[%multiple_of3A, %dma_start3A] : memref<10240x16xf32, #tpu.memory_space<hbm>> -> memref<80x16xf32, #tpu.memory_space<hbm>>
          %dma_start3A_51 = arith.constant 0 : i32
          %dma_start3A_52 = tpu.memref_slice %arg9[%multiple_of3A, %dma_start3A_51] : memref<10240x16xf32, #tpu.memory_space<hbm>> -> memref<80x16xf32, #tpu.memory_space<hbm>>
          tpu.enqueue_dma source(%dma_start3A_52 : memref<80x16xf32, #tpu.memory_space<hbm>>) target(%arg23 : memref<80x16xf32, #tpu.memory_space<vmem>>) target_semaphore(%run_scoped3A : memref<!tpu.dma_semaphore, #tpu.memory_space<semaphore_mem>>)
          %dma_wait3A = arith.constant 0 : i32
          %dma_wait3A_53 = tpu.memref_slice %arg9[%multiple_of3A, %dma_wait3A] : memref<10240x16xf32, #tpu.memory_space<hbm>> -> memref<80x16xf32, #tpu.memory_space<hbm>>
          %dma_wait3A_54 = arith.constant 0 : i32
          %dma_wait3A_55 = tpu.memref_slice %arg9[%multiple_of3A, %dma_wait3A_54] : memref<10240x16xf32, #tpu.memory_space<hbm>> -> memref<80x16xf32, #tpu.memory_space<hbm>>
          tpu.wait_dma2 semaphore(%run_scoped3A : memref<!tpu.dma_semaphore, #tpu.memory_space<semaphore_mem>>) src(%dma_wait3A_55 : memref<80x16xf32, #tpu.memory_space<hbm>>) dst(%arg23 : memref<80x16xf32, #tpu.memory_space<vmem>>)
          tpu.yield
        }) : () -> ()
        "tpu.region"() ({
          %run_scoped3A = tpu.sem_alloc : memref<!tpu.dma_semaphore, #tpu.memory_space<semaphore_mem>>
          %dma_start3A = arith.constant 0 : i32
          %dma_start3A_50 = tpu.memref_slice %arg15[%multiple_of3A, %dma_start3A] : memref<10240x16xf32, #tpu.memory_space<hbm>> -> memref<80x16xf32, #tpu.memory_space<hbm>>
          %dma_start3A_51 = arith.constant 0 : i32
          %dma_start3A_52 = tpu.memref_slice %arg15[%multiple_of3A, %dma_start3A_51] : memref<10240x16xf32, #tpu.memory_space<hbm>> -> memref<80x16xf32, #tpu.memory_space<hbm>>
          tpu.enqueue_dma source(%arg23 : memref<80x16xf32, #tpu.memory_space<vmem>>) target(%dma_start3A_52 : memref<80x16xf32, #tpu.memory_space<hbm>>) target_semaphore(%run_scoped3A : memref<!tpu.dma_semaphore, #tpu.memory_space<semaphore_mem>>)
          %dma_wait3A = arith.constant 0 : i32
          %dma_wait3A_53 = tpu.memref_slice %arg15[%multiple_of3A, %dma_wait3A] : memref<10240x16xf32, #tpu.memory_space<hbm>> -> memref<80x16xf32, #tpu.memory_space<hbm>>
          %dma_wait3A_54 = arith.constant 0 : i32
          %dma_wait3A_55 = tpu.memref_slice %arg15[%multiple_of3A, %dma_wait3A_54] : memref<10240x16xf32, #tpu.memory_space<hbm>> -> memref<80x16xf32, #tpu.memory_space<hbm>>
          tpu.wait_dma2 semaphore(%run_scoped3A : memref<!tpu.dma_semaphore, #tpu.memory_space<semaphore_mem>>) src(%arg23 : memref<80x16xf32, #tpu.memory_space<vmem>>) dst(%dma_wait3A_55 : memref<80x16xf32, #tpu.memory_space<hbm>>)
          tpu.yield
        }) : () -> ()
        "tpu.region"() ({
          %run_scoped3A = tpu.sem_alloc : memref<!tpu.dma_semaphore, #tpu.memory_space<semaphore_mem>>
          %dma_start3A = arith.constant 0 : i32
          %dma_start3A_50 = tpu.memref_slice %arg27[%multiple_of3A, %dma_start3A] : memref<10240x16xf32, #tpu.memory_space<vmem_shared>> -> memref<80x16xf32, #tpu.memory_space<vmem_shared>>
          %dma_start3A_51 = arith.constant 0 : i32
          %dma_start3A_52 = tpu.memref_slice %arg27[%multiple_of3A, %dma_start3A_51] : memref<10240x16xf32, #tpu.memory_space<vmem_shared>> -> memref<80x16xf32, #tpu.memory_space<vmem_shared>>
          tpu.enqueue_dma source(%arg23 : memref<80x16xf32, #tpu.memory_space<vmem>>) target(%dma_start3A_52 : memref<80x16xf32, #tpu.memory_space<vmem_shared>>) target_semaphore(%run_scoped3A : memref<!tpu.dma_semaphore, #tpu.memory_space<semaphore_mem>>)
          %dma_wait3A = arith.constant 0 : i32
          %dma_wait3A_53 = tpu.memref_slice %arg27[%multiple_of3A, %dma_wait3A] : memref<10240x16xf32, #tpu.memory_space<vmem_shared>> -> memref<80x16xf32, #tpu.memory_space<vmem_shared>>
          %dma_wait3A_54 = arith.constant 0 : i32
          %dma_wait3A_55 = tpu.memref_slice %arg27[%multiple_of3A, %dma_wait3A_54] : memref<10240x16xf32, #tpu.memory_space<vmem_shared>> -> memref<80x16xf32, #tpu.memory_space<vmem_shared>>
          tpu.wait_dma2 semaphore(%run_scoped3A : memref<!tpu.dma_semaphore, #tpu.memory_space<semaphore_mem>>) src(%arg23 : memref<80x16xf32, #tpu.memory_space<vmem>>) dst(%dma_wait3A_55 : memref<80x16xf32, #tpu.memory_space<vmem_shared>>)
          tpu.yield
        }) : () -> ()
        %scan3A_49 = arith.constant 0 : i32
        scf.yield %scan3A_49 : i32
      }
      %scan3A_44 = arith.constant 8 : i32
    } else {
    }
    %barrier3A = arith.constant 0 : index
    tpu.barrier barrier_id(%barrier3A)
    %scan3A = arith.constant 0 : i32
    %scan3A_10 = arith.constant 0 : i32
    %scan3A_11 = arith.constant 9 : i32
    %scan3A_12 = arith.addi %scan3A_10, %scan3A_11 : i32
    %scan3A_13 = arith.constant 1 : i32
    %scan3A_14 = scf.for %scan3A_38 = %scan3A_10 to %scan3A_12 step %scan3A_13 iter_args(%scan3A_39 = %scan3A) -> (i32)  : i32 {
      %eq3A_40 = arith.constant 0 : i32
      %eq3A_41 = arith.cmpi eq, %arg0, %eq3A_40 : i32
      %convert_element_type3A_42 = arith.extui %eq3A_41 : i1 to i32
      %cond3A_43 = arith.constant 0 : i32
      %cond3A_44 = arith.cmpi ne, %convert_element_type3A_42, %cond3A_43 : i32
      scf.if %cond3A_44 {
        %scan3A_63 = arith.constant 0 : i32
        %scan3A_64 = arith.constant 0 : i32
        %scan3A_65 = arith.constant 20 : i32
        %scan3A_66 = arith.addi %scan3A_64, %scan3A_65 : i32
        %scan3A_67 = arith.constant 1 : i32
        %scan3A_68 = scf.for %scan3A_70 = %scan3A_64 to %scan3A_66 step %scan3A_67 iter_args(%scan3A_71 = %scan3A_63) -> (i32)  : i32 {
          %mul3A_72 = arith.constant 8 : i32
          %mul3A_73 = arith.muli %scan3A_70, %mul3A_72 : i32
          %add3A = arith.addi %mul3A_0, %mul3A_73 : i32
          %multiple_of3A = tpu.assume_multiple %add3A, 8 : i32
          "tpu.region"() ({
            %run_scoped3A = tpu.sem_alloc : memref<!tpu.dma_semaphore, #tpu.memory_space<semaphore_mem>>
            %dma_start3A_393 = arith.constant 0 : i32
            %dma_start3A_394 = tpu.memref_slice %arg2[%multiple_of3A, %dma_start3A_393] : memref<2560x128xi32, #tpu.memory_space<hbm>> -> memref<8x128xi32, #tpu.memory_space<hbm>>
            %dma_start3A_395 = arith.constant 0 : i32
            %dma_start3A_396 = tpu.memref_slice %arg2[%multiple_of3A, %dma_start3A_395] : memref<2560x128xi32, #tpu.memory_space<hbm>> -> memref<8x128xi32, #tpu.memory_space<hbm>>
            tpu.enqueue_dma source(%dma_start3A_396 : memref<8x128xi32, #tpu.memory_space<hbm>>) target(%arg16 : memref<8x128xi32, #tpu.memory_space<vmem>>) target_semaphore(%run_scoped3A : memref<!tpu.dma_semaphore, #tpu.memory_space<semaphore_mem>>)
            %dma_wait3A_397 = arith.constant 0 : i32
            %dma_wait3A_398 = tpu.memref_slice %arg2[%multiple_of3A, %dma_wait3A_397] : memref<2560x128xi32, #tpu.memory_space<hbm>> -> memref<8x128xi32, #tpu.memory_space<hbm>>
            %dma_wait3A_399 = arith.constant 0 : i32
            %dma_wait3A_400 = tpu.memref_slice %arg2[%multiple_of3A, %dma_wait3A_399] : memref<2560x128xi32, #tpu.memory_space<hbm>> -> memref<8x128xi32, #tpu.memory_space<hbm>>
            tpu.wait_dma2 semaphore(%run_scoped3A : memref<!tpu.dma_semaphore, #tpu.memory_space<semaphore_mem>>) src(%dma_wait3A_400 : memref<8x128xi32, #tpu.memory_space<hbm>>) dst(%arg16 : memref<8x128xi32, #tpu.memory_space<vmem>>)
            tpu.yield
          }) : () -> ()
          "tpu.region"() ({
            %run_scoped3A = tpu.sem_alloc : memref<!tpu.dma_semaphore, #tpu.memory_space<semaphore_mem>>
            %dma_start3A_393 = arith.constant 0 : i32
            %dma_start3A_394 = tpu.memref_slice %arg3[%multiple_of3A, %dma_start3A_393] : memref<2560x128xi32, #tpu.memory_space<hbm>> -> memref<8x128xi32, #tpu.memory_space<hbm>>
            %dma_start3A_395 = arith.constant 0 : i32
            %dma_start3A_396 = tpu.memref_slice %arg3[%multiple_of3A, %dma_start3A_395] : memref<2560x128xi32, #tpu.memory_space<hbm>> -> memref<8x128xi32, #tpu.memory_space<hbm>>
            tpu.enqueue_dma source(%dma_start3A_396 : memref<8x128xi32, #tpu.memory_space<hbm>>) target(%arg17 : memref<8x128xi32, #tpu.memory_space<vmem>>) target_semaphore(%run_scoped3A : memref<!tpu.dma_semaphore, #tpu.memory_space<semaphore_mem>>)
            %dma_wait3A_397 = arith.constant 0 : i32
            %dma_wait3A_398 = tpu.memref_slice %arg3[%multiple_of3A, %dma_wait3A_397] : memref<2560x128xi32, #tpu.memory_space<hbm>> -> memref<8x128xi32, #tpu.memory_space<hbm>>
            %dma_wait3A_399 = arith.constant 0 : i32
            %dma_wait3A_400 = tpu.memref_slice %arg3[%multiple_of3A, %dma_wait3A_399] : memref<2560x128xi32, #tpu.memory_space<hbm>> -> memref<8x128xi32, #tpu.memory_space<hbm>>
            tpu.wait_dma2 semaphore(%run_scoped3A : memref<!tpu.dma_semaphore, #tpu.memory_space<semaphore_mem>>) src(%dma_wait3A_400 : memref<8x128xi32, #tpu.memory_space<hbm>>) dst(%arg17 : memref<8x128xi32, #tpu.memory_space<vmem>>)
            tpu.yield
          }) : () -> ()
          %dma_start3A = arith.constant 0 : i32
          %dma_start3A_74 = arith.constant 0 : i32
          %dma_start3A_75 = arith.constant 0 : i32
          %dma_start3A_76 = tpu.memref_slice %arg18[%dma_start3A_74, %dma_start3A_75] : memref<640x64xf32, #tpu.memory_space<vmem>> -> memref<128x64xf32, #tpu.memory_space<vmem>>
          %dma_start3A_77 = arith.constant 0 : i32
          %dma_start3A_78 = tpu.memref_slice %arg16[%dma_start3A, %dma_start3A_77] : memref<8x128xi32, #tpu.memory_space<vmem>> -> memref<1x128xi32, #tpu.memory_space<vmem>>
          %dma_start3A_79 = tpu.memref_squeeze %dma_start3A_78 : memref<1x128xi32, #tpu.memory_space<vmem>> -> memref<128xi32, #tpu.memory_space<vmem>>
          %dma_start3A_80 = arith.constant 0 : i32
          %dma_start3A_81 = arith.constant 0 : i32
          %dma_start3A_82 = tpu.memref_slice %arg14[%dma_start3A_80, %dma_start3A_81] : memref<10240x64xf32, #tpu.memory_space<hbm>> -> memref<10240x64xf32, #tpu.memory_space<hbm>>
          tpu.enqueue_indirect_dma source(%dma_start3A_82 : memref<10240x64xf32, #tpu.memory_space<hbm>>) target(%dma_start3A_76 : memref<128x64xf32, #tpu.memory_space<vmem>>) offsets(%dma_start3A_79 : memref<128xi32, #tpu.memory_space<vmem>>) semaphore(%arg29 : memref<!tpu.dma_semaphore, #tpu.memory_space<semaphore_mem>>)
          %dma_start3A_83 = arith.constant 1 : i32
          %dma_start3A_84 = arith.constant 128 : i32
          %dma_start3A_85 = arith.constant 0 : i32
          %dma_start3A_86 = tpu.memref_slice %arg18[%dma_start3A_84, %dma_start3A_85] : memref<640x64xf32, #tpu.memory_space<vmem>> -> memref<128x64xf32, #tpu.memory_space<vmem>>
          %dma_start3A_87 = arith.constant 0 : i32
          %dma_start3A_88 = tpu.memref_slice %arg16[%dma_start3A_83, %dma_start3A_87] : memref<8x128xi32, #tpu.memory_space<vmem>> -> memref<1x128xi32, #tpu.memory_space<vmem>>
          %dma_start3A_89 = tpu.memref_squeeze %dma_start3A_88 : memref<1x128xi32, #tpu.memory_space<vmem>> -> memref<128xi32, #tpu.memory_space<vmem>>
          %dma_start3A_90 = arith.constant 0 : i32
          %dma_start3A_91 = arith.constant 0 : i32
          %dma_start3A_92 = tpu.memref_slice %arg14[%dma_start3A_90, %dma_start3A_91] : memref<10240x64xf32, #tpu.memory_space<hbm>> -> memref<10240x64xf32, #tpu.memory_space<hbm>>
          tpu.enqueue_indirect_dma source(%dma_start3A_92 : memref<10240x64xf32, #tpu.memory_space<hbm>>) target(%dma_start3A_86 : memref<128x64xf32, #tpu.memory_space<vmem>>) offsets(%dma_start3A_89 : memref<128xi32, #tpu.memory_space<vmem>>) semaphore(%arg30 : memref<!tpu.dma_semaphore, #tpu.memory_space<semaphore_mem>>)
          %dma_wait3A = arith.constant 0 : i32
          %dma_wait3A_93 = arith.constant 0 : i32
          %dma_wait3A_94 = arith.constant 0 : i32
          %dma_wait3A_95 = tpu.memref_slice %arg18[%dma_wait3A_93, %dma_wait3A_94] : memref<640x64xf32, #tpu.memory_space<vmem>> -> memref<128x64xf32, #tpu.memory_space<vmem>>
          %dma_wait3A_96 = arith.constant 0 : i32
          %dma_wait3A_97 = tpu.memref_slice %arg16[%dma_wait3A, %dma_wait3A_96] : memref<8x128xi32, #tpu.memory_space<vmem>> -> memref<1x128xi32, #tpu.memory_space<vmem>>
          %dma_wait3A_98 = tpu.memref_squeeze %dma_wait3A_97 : memref<1x128xi32, #tpu.memory_space<vmem>> -> memref<128xi32, #tpu.memory_space<vmem>>
          %dma_wait3A_99 = arith.constant 0 : i32
          %dma_wait3A_100 = arith.constant 0 : i32
          %dma_wait3A_101 = tpu.memref_slice %arg14[%dma_wait3A_99, %dma_wait3A_100] : memref<10240x64xf32, #tpu.memory_space<hbm>> -> memref<10240x64xf32, #tpu.memory_space<hbm>>
          tpu.wait_indirect_dma semaphore(%arg29 : memref<!tpu.dma_semaphore, #tpu.memory_space<semaphore_mem>>) src(%dma_wait3A_101 : memref<10240x64xf32, #tpu.memory_space<hbm>>) dst(%dma_wait3A_95 : memref<128x64xf32, #tpu.memory_space<vmem>>)
          %dma_start3A_102 = arith.constant 0 : i32
          %dma_start3A_103 = arith.constant 0 : i32
          %dma_start3A_104 = arith.constant 0 : i32
          %dma_start3A_105 = tpu.memref_slice %arg18[%dma_start3A_103, %dma_start3A_104] : memref<640x64xf32, #tpu.memory_space<vmem>> -> memref<128x64xf32, #tpu.memory_space<vmem>>
          %dma_start3A_106 = arith.constant 0 : i32
          %dma_start3A_107 = tpu.memref_slice %arg17[%dma_start3A_102, %dma_start3A_106] : memref<8x128xi32, #tpu.memory_space<vmem>> -> memref<1x128xi32, #tpu.memory_space<vmem>>
          %dma_start3A_108 = tpu.memref_squeeze %dma_start3A_107 : memref<1x128xi32, #tpu.memory_space<vmem>> -> memref<128xi32, #tpu.memory_space<vmem>>
          %dma_start3A_109 = arith.constant 0 : i32
          %dma_start3A_110 = arith.constant 0 : i32
          %dma_start3A_111 = tpu.memref_slice %arg26[%dma_start3A_109, %dma_start3A_110] : memref<10240x64xf32, #tpu.memory_space<vmem_shared>> -> memref<10240x64xf32, #tpu.memory_space<vmem_shared>>
          tpu.enqueue_indirect_dma source(%dma_start3A_105 : memref<128x64xf32, #tpu.memory_space<vmem>>) target(%dma_start3A_111 : memref<10240x64xf32, #tpu.memory_space<vmem_shared>>) offsets(%dma_start3A_108 : memref<128xi32, #tpu.memory_space<vmem>>) semaphore(%arg34 : memref<!tpu.dma_semaphore, #tpu.memory_space<semaphore_mem>>) {add = true}
          %dma_start3A_112 = arith.constant 2 : i32
          %dma_start3A_113 = arith.constant 256 : i32
          %dma_start3A_114 = arith.constant 0 : i32
          %dma_start3A_115 = tpu.memref_slice %arg18[%dma_start3A_113, %dma_start3A_114] : memref<640x64xf32, #tpu.memory_space<vmem>> -> memref<128x64xf32, #tpu.memory_space<vmem>>
          %dma_start3A_116 = arith.constant 0 : i32
          %dma_start3A_117 = tpu.memref_slice %arg16[%dma_start3A_112, %dma_start3A_116] : memref<8x128xi32, #tpu.memory_space<vmem>> -> memref<1x128xi32, #tpu.memory_space<vmem>>
          %dma_start3A_118 = tpu.memref_squeeze %dma_start3A_117 : memref<1x128xi32, #tpu.memory_space<vmem>> -> memref<128xi32, #tpu.memory_space<vmem>>
          %dma_start3A_119 = arith.constant 0 : i32
          %dma_start3A_120 = arith.constant 0 : i32
          %dma_start3A_121 = tpu.memref_slice %arg14[%dma_start3A_119, %dma_start3A_120] : memref<10240x64xf32, #tpu.memory_space<hbm>> -> memref<10240x64xf32, #tpu.memory_space<hbm>>
          tpu.enqueue_indirect_dma source(%dma_start3A_121 : memref<10240x64xf32, #tpu.memory_space<hbm>>) target(%dma_start3A_115 : memref<128x64xf32, #tpu.memory_space<vmem>>) offsets(%dma_start3A_118 : memref<128xi32, #tpu.memory_space<vmem>>) semaphore(%arg31 : memref<!tpu.dma_semaphore, #tpu.memory_space<semaphore_mem>>)
          %dma_wait3A_122 = arith.constant 1 : i32
          %dma_wait3A_123 = arith.constant 128 : i32
          %dma_wait3A_124 = arith.constant 0 : i32
          %dma_wait3A_125 = tpu.memref_slice %arg18[%dma_wait3A_123, %dma_wait3A_124] : memref<640x64xf32, #tpu.memory_space<vmem>> -> memref<128x64xf32, #tpu.memory_space<vmem>>
          %dma_wait3A_126 = arith.constant 0 : i32
          %dma_wait3A_127 = tpu.memref_slice %arg16[%dma_wait3A_122, %dma_wait3A_126] : memref<8x128xi32, #tpu.memory_space<vmem>> -> memref<1x128xi32, #tpu.memory_space<vmem>>
          %dma_wait3A_128 = tpu.memref_squeeze %dma_wait3A_127 : memref<1x128xi32, #tpu.memory_space<vmem>> -> memref<128xi32, #tpu.memory_space<vmem>>
          %dma_wait3A_129 = arith.constant 0 : i32
          %dma_wait3A_130 = arith.constant 0 : i32
          %dma_wait3A_131 = tpu.memref_slice %arg14[%dma_wait3A_129, %dma_wait3A_130] : memref<10240x64xf32, #tpu.memory_space<hbm>> -> memref<10240x64xf32, #tpu.memory_space<hbm>>
          tpu.wait_indirect_dma semaphore(%arg30 : memref<!tpu.dma_semaphore, #tpu.memory_space<semaphore_mem>>) src(%dma_wait3A_131 : memref<10240x64xf32, #tpu.memory_space<hbm>>) dst(%dma_wait3A_125 : memref<128x64xf32, #tpu.memory_space<vmem>>)
          %dma_start3A_132 = arith.constant 1 : i32
          %dma_start3A_133 = arith.constant 128 : i32
          %dma_start3A_134 = arith.constant 0 : i32
          %dma_start3A_135 = tpu.memref_slice %arg18[%dma_start3A_133, %dma_start3A_134] : memref<640x64xf32, #tpu.memory_space<vmem>> -> memref<128x64xf32, #tpu.memory_space<vmem>>
          %dma_start3A_136 = arith.constant 0 : i32
          %dma_start3A_137 = tpu.memref_slice %arg17[%dma_start3A_132, %dma_start3A_136] : memref<8x128xi32, #tpu.memory_space<vmem>> -> memref<1x128xi32, #tpu.memory_space<vmem>>
          %dma_start3A_138 = tpu.memref_squeeze %dma_start3A_137 : memref<1x128xi32, #tpu.memory_space<vmem>> -> memref<128xi32, #tpu.memory_space<vmem>>
          %dma_start3A_139 = arith.constant 0 : i32
          %dma_start3A_140 = arith.constant 0 : i32
          %dma_start3A_141 = tpu.memref_slice %arg26[%dma_start3A_139, %dma_start3A_140] : memref<10240x64xf32, #tpu.memory_space<vmem_shared>> -> memref<10240x64xf32, #tpu.memory_space<vmem_shared>>
          tpu.enqueue_indirect_dma source(%dma_start3A_135 : memref<128x64xf32, #tpu.memory_space<vmem>>) target(%dma_start3A_141 : memref<10240x64xf32, #tpu.memory_space<vmem_shared>>) offsets(%dma_start3A_138 : memref<128xi32, #tpu.memory_space<vmem>>) semaphore(%arg35 : memref<!tpu.dma_semaphore, #tpu.memory_space<semaphore_mem>>) {add = true}
          %dma_start3A_142 = arith.constant 3 : i32
          %dma_start3A_143 = arith.constant 384 : i32
          %dma_start3A_144 = arith.constant 0 : i32
          %dma_start3A_145 = tpu.memref_slice %arg18[%dma_start3A_143, %dma_start3A_144] : memref<640x64xf32, #tpu.memory_space<vmem>> -> memref<128x64xf32, #tpu.memory_space<vmem>>
          %dma_start3A_146 = arith.constant 0 : i32
          %dma_start3A_147 = tpu.memref_slice %arg16[%dma_start3A_142, %dma_start3A_146] : memref<8x128xi32, #tpu.memory_space<vmem>> -> memref<1x128xi32, #tpu.memory_space<vmem>>
          %dma_start3A_148 = tpu.memref_squeeze %dma_start3A_147 : memref<1x128xi32, #tpu.memory_space<vmem>> -> memref<128xi32, #tpu.memory_space<vmem>>
          %dma_start3A_149 = arith.constant 0 : i32
          %dma_start3A_150 = arith.constant 0 : i32
          %dma_start3A_151 = tpu.memref_slice %arg14[%dma_start3A_149, %dma_start3A_150] : memref<10240x64xf32, #tpu.memory_space<hbm>> -> memref<10240x64xf32, #tpu.memory_space<hbm>>
          tpu.enqueue_indirect_dma source(%dma_start3A_151 : memref<10240x64xf32, #tpu.memory_space<hbm>>) target(%dma_start3A_145 : memref<128x64xf32, #tpu.memory_space<vmem>>) offsets(%dma_start3A_148 : memref<128xi32, #tpu.memory_space<vmem>>) semaphore(%arg32 : memref<!tpu.dma_semaphore, #tpu.memory_space<semaphore_mem>>)
          %dma_wait3A_152 = arith.constant 2 : i32
          %dma_wait3A_153 = arith.constant 256 : i32
          %dma_wait3A_154 = arith.constant 0 : i32
          %dma_wait3A_155 = tpu.memref_slice %arg18[%dma_wait3A_153, %dma_wait3A_154] : memref<640x64xf32, #tpu.memory_space<vmem>> -> memref<128x64xf32, #tpu.memory_space<vmem>>
          %dma_wait3A_156 = arith.constant 0 : i32
          %dma_wait3A_157 = tpu.memref_slice %arg16[%dma_wait3A_152, %dma_wait3A_156] : memref<8x128xi32, #tpu.memory_space<vmem>> -> memref<1x128xi32, #tpu.memory_space<vmem>>
          %dma_wait3A_158 = tpu.memref_squeeze %dma_wait3A_157 : memref<1x128xi32, #tpu.memory_space<vmem>> -> memref<128xi32, #tpu.memory_space<vmem>>
          %dma_wait3A_159 = arith.constant 0 : i32
          %dma_wait3A_160 = arith.constant 0 : i32
          %dma_wait3A_161 = tpu.memref_slice %arg14[%dma_wait3A_159, %dma_wait3A_160] : memref<10240x64xf32, #tpu.memory_space<hbm>> -> memref<10240x64xf32, #tpu.memory_space<hbm>>
          tpu.wait_indirect_dma semaphore(%arg31 : memref<!tpu.dma_semaphore, #tpu.memory_space<semaphore_mem>>) src(%dma_wait3A_161 : memref<10240x64xf32, #tpu.memory_space<hbm>>) dst(%dma_wait3A_155 : memref<128x64xf32, #tpu.memory_space<vmem>>)
          %dma_start3A_162 = arith.constant 2 : i32
          %dma_start3A_163 = arith.constant 256 : i32
          %dma_start3A_164 = arith.constant 0 : i32
          %dma_start3A_165 = tpu.memref_slice %arg18[%dma_start3A_163, %dma_start3A_164] : memref<640x64xf32, #tpu.memory_space<vmem>> -> memref<128x64xf32, #tpu.memory_space<vmem>>
          %dma_start3A_166 = arith.constant 0 : i32
          %dma_start3A_167 = tpu.memref_slice %arg17[%dma_start3A_162, %dma_start3A_166] : memref<8x128xi32, #tpu.memory_space<vmem>> -> memref<1x128xi32, #tpu.memory_space<vmem>>
          %dma_start3A_168 = tpu.memref_squeeze %dma_start3A_167 : memref<1x128xi32, #tpu.memory_space<vmem>> -> memref<128xi32, #tpu.memory_space<vmem>>
          %dma_start3A_169 = arith.constant 0 : i32
          %dma_start3A_170 = arith.constant 0 : i32
          %dma_start3A_171 = tpu.memref_slice %arg26[%dma_start3A_169, %dma_start3A_170] : memref<10240x64xf32, #tpu.memory_space<vmem_shared>> -> memref<10240x64xf32, #tpu.memory_space<vmem_shared>>
          tpu.enqueue_indirect_dma source(%dma_start3A_165 : memref<128x64xf32, #tpu.memory_space<vmem>>) target(%dma_start3A_171 : memref<10240x64xf32, #tpu.memory_space<vmem_shared>>) offsets(%dma_start3A_168 : memref<128xi32, #tpu.memory_space<vmem>>) semaphore(%arg36 : memref<!tpu.dma_semaphore, #tpu.memory_space<semaphore_mem>>) {add = true}
          %dma_start3A_172 = arith.constant 4 : i32
          %dma_start3A_173 = arith.constant 512 : i32
          %dma_start3A_174 = arith.constant 0 : i32
          %dma_start3A_175 = tpu.memref_slice %arg18[%dma_start3A_173, %dma_start3A_174] : memref<640x64xf32, #tpu.memory_space<vmem>> -> memref<128x64xf32, #tpu.memory_space<vmem>>
          %dma_start3A_176 = arith.constant 0 : i32
          %dma_start3A_177 = tpu.memref_slice %arg16[%dma_start3A_172, %dma_start3A_176] : memref<8x128xi32, #tpu.memory_space<vmem>> -> memref<1x128xi32, #tpu.memory_space<vmem>>
          %dma_start3A_178 = tpu.memref_squeeze %dma_start3A_177 : memref<1x128xi32, #tpu.memory_space<vmem>> -> memref<128xi32, #tpu.memory_space<vmem>>
          %dma_start3A_179 = arith.constant 0 : i32
          %dma_start3A_180 = arith.constant 0 : i32
          %dma_start3A_181 = tpu.memref_slice %arg14[%dma_start3A_179, %dma_start3A_180] : memref<10240x64xf32, #tpu.memory_space<hbm>> -> memref<10240x64xf32, #tpu.memory_space<hbm>>
          tpu.enqueue_indirect_dma source(%dma_start3A_181 : memref<10240x64xf32, #tpu.memory_space<hbm>>) target(%dma_start3A_175 : memref<128x64xf32, #tpu.memory_space<vmem>>) offsets(%dma_start3A_178 : memref<128xi32, #tpu.memory_space<vmem>>) semaphore(%arg33 : memref<!tpu.dma_semaphore, #tpu.memory_space<semaphore_mem>>)
          %dma_wait3A_182 = arith.constant 3 : i32
          %dma_wait3A_183 = arith.constant 384 : i32
          %dma_wait3A_184 = arith.constant 0 : i32
          %dma_wait3A_185 = tpu.memref_slice %arg18[%dma_wait3A_183, %dma_wait3A_184] : memref<640x64xf32, #tpu.memory_space<vmem>> -> memref<128x64xf32, #tpu.memory_space<vmem>>
          %dma_wait3A_186 = arith.constant 0 : i32
          %dma_wait3A_187 = tpu.memref_slice %arg16[%dma_wait3A_182, %dma_wait3A_186] : memref<8x128xi32, #tpu.memory_space<vmem>> -> memref<1x128xi32, #tpu.memory_space<vmem>>
          %dma_wait3A_188 = tpu.memref_squeeze %dma_wait3A_187 : memref<1x128xi32, #tpu.memory_space<vmem>> -> memref<128xi32, #tpu.memory_space<vmem>>
          %dma_wait3A_189 = arith.constant 0 : i32
          %dma_wait3A_190 = arith.constant 0 : i32
          %dma_wait3A_191 = tpu.memref_slice %arg14[%dma_wait3A_189, %dma_wait3A_190] : memref<10240x64xf32, #tpu.memory_space<hbm>> -> memref<10240x64xf32, #tpu.memory_space<hbm>>
          tpu.wait_indirect_dma semaphore(%arg32 : memref<!tpu.dma_semaphore, #tpu.memory_space<semaphore_mem>>) src(%dma_wait3A_191 : memref<10240x64xf32, #tpu.memory_space<hbm>>) dst(%dma_wait3A_185 : memref<128x64xf32, #tpu.memory_space<vmem>>)
          %dma_start3A_192 = arith.constant 3 : i32
          %dma_start3A_193 = arith.constant 384 : i32
          %dma_start3A_194 = arith.constant 0 : i32
          %dma_start3A_195 = tpu.memref_slice %arg18[%dma_start3A_193, %dma_start3A_194] : memref<640x64xf32, #tpu.memory_space<vmem>> -> memref<128x64xf32, #tpu.memory_space<vmem>>
          %dma_start3A_196 = arith.constant 0 : i32
          %dma_start3A_197 = tpu.memref_slice %arg17[%dma_start3A_192, %dma_start3A_196] : memref<8x128xi32, #tpu.memory_space<vmem>> -> memref<1x128xi32, #tpu.memory_space<vmem>>
          %dma_start3A_198 = tpu.memref_squeeze %dma_start3A_197 : memref<1x128xi32, #tpu.memory_space<vmem>> -> memref<128xi32, #tpu.memory_space<vmem>>
          %dma_start3A_199 = arith.constant 0 : i32
          %dma_start3A_200 = arith.constant 0 : i32
          %dma_start3A_201 = tpu.memref_slice %arg26[%dma_start3A_199, %dma_start3A_200] : memref<10240x64xf32, #tpu.memory_space<vmem_shared>> -> memref<10240x64xf32, #tpu.memory_space<vmem_shared>>
          tpu.enqueue_indirect_dma source(%dma_start3A_195 : memref<128x64xf32, #tpu.memory_space<vmem>>) target(%dma_start3A_201 : memref<10240x64xf32, #tpu.memory_space<vmem_shared>>) offsets(%dma_start3A_198 : memref<128xi32, #tpu.memory_space<vmem>>) semaphore(%arg37 : memref<!tpu.dma_semaphore, #tpu.memory_space<semaphore_mem>>) {add = true}
          %dma_wait3A_202 = arith.constant 0 : i32
          %dma_wait3A_203 = arith.constant 0 : i32
          %dma_wait3A_204 = arith.constant 0 : i32
          %dma_wait3A_205 = tpu.memref_slice %arg18[%dma_wait3A_203, %dma_wait3A_204] : memref<640x64xf32, #tpu.memory_space<vmem>> -> memref<128x64xf32, #tpu.memory_space<vmem>>
          %dma_wait3A_206 = arith.constant 0 : i32
          %dma_wait3A_207 = tpu.memref_slice %arg17[%dma_wait3A_202, %dma_wait3A_206] : memref<8x128xi32, #tpu.memory_space<vmem>> -> memref<1x128xi32, #tpu.memory_space<vmem>>
          %dma_wait3A_208 = tpu.memref_squeeze %dma_wait3A_207 : memref<1x128xi32, #tpu.memory_space<vmem>> -> memref<128xi32, #tpu.memory_space<vmem>>
          %dma_wait3A_209 = arith.constant 0 : i32
          %dma_wait3A_210 = arith.constant 0 : i32
          %dma_wait3A_211 = tpu.memref_slice %arg26[%dma_wait3A_209, %dma_wait3A_210] : memref<10240x64xf32, #tpu.memory_space<vmem_shared>> -> memref<10240x64xf32, #tpu.memory_space<vmem_shared>>
          tpu.wait_indirect_dma semaphore(%arg34 : memref<!tpu.dma_semaphore, #tpu.memory_space<semaphore_mem>>) src(%dma_wait3A_205 : memref<128x64xf32, #tpu.memory_space<vmem>>) dst(%dma_wait3A_211 : memref<10240x64xf32, #tpu.memory_space<vmem_shared>>)
          %dma_start3A_212 = arith.constant 5 : i32
          %dma_start3A_213 = arith.constant 0 : i32
          %dma_start3A_214 = arith.constant 0 : i32
          %dma_start3A_215 = tpu.memref_slice %arg18[%dma_start3A_213, %dma_start3A_214] : memref<640x64xf32, #tpu.memory_space<vmem>> -> memref<128x64xf32, #tpu.memory_space<vmem>>
          %dma_start3A_216 = arith.constant 0 : i32
          %dma_start3A_217 = tpu.memref_slice %arg16[%dma_start3A_212, %dma_start3A_216] : memref<8x128xi32, #tpu.memory_space<vmem>> -> memref<1x128xi32, #tpu.memory_space<vmem>>
          %dma_start3A_218 = tpu.memref_squeeze %dma_start3A_217 : memref<1x128xi32, #tpu.memory_space<vmem>> -> memref<128xi32, #tpu.memory_space<vmem>>
          %dma_start3A_219 = arith.constant 0 : i32
          %dma_start3A_220 = arith.constant 0 : i32
          %dma_start3A_221 = tpu.memref_slice %arg14[%dma_start3A_219, %dma_start3A_220] : memref<10240x64xf32, #tpu.memory_space<hbm>> -> memref<10240x64xf32, #tpu.memory_space<hbm>>
          tpu.enqueue_indirect_dma source(%dma_start3A_221 : memref<10240x64xf32, #tpu.memory_space<hbm>>) target(%dma_start3A_215 : memref<128x64xf32, #tpu.memory_space<vmem>>) offsets(%dma_start3A_218 : memref<128xi32, #tpu.memory_space<vmem>>) semaphore(%arg29 : memref<!tpu.dma_semaphore, #tpu.memory_space<semaphore_mem>>)
          %dma_wait3A_222 = arith.constant 4 : i32
          %dma_wait3A_223 = arith.constant 512 : i32
          %dma_wait3A_224 = arith.constant 0 : i32
          %dma_wait3A_225 = tpu.memref_slice %arg18[%dma_wait3A_223, %dma_wait3A_224] : memref<640x64xf32, #tpu.memory_space<vmem>> -> memref<128x64xf32, #tpu.memory_space<vmem>>
          %dma_wait3A_226 = arith.constant 0 : i32
          %dma_wait3A_227 = tpu.memref_slice %arg16[%dma_wait3A_222, %dma_wait3A_226] : memref<8x128xi32, #tpu.memory_space<vmem>> -> memref<1x128xi32, #tpu.memory_space<vmem>>
          %dma_wait3A_228 = tpu.memref_squeeze %dma_wait3A_227 : memref<1x128xi32, #tpu.memory_space<vmem>> -> memref<128xi32, #tpu.memory_space<vmem>>
          %dma_wait3A_229 = arith.constant 0 : i32
          %dma_wait3A_230 = arith.constant 0 : i32
          %dma_wait3A_231 = tpu.memref_slice %arg14[%dma_wait3A_229, %dma_wait3A_230] : memref<10240x64xf32, #tpu.memory_space<hbm>> -> memref<10240x64xf32, #tpu.memory_space<hbm>>
          tpu.wait_indirect_dma semaphore(%arg33 : memref<!tpu.dma_semaphore, #tpu.memory_space<semaphore_mem>>) src(%dma_wait3A_231 : memref<10240x64xf32, #tpu.memory_space<hbm>>) dst(%dma_wait3A_225 : memref<128x64xf32, #tpu.memory_space<vmem>>)
          %dma_start3A_232 = arith.constant 4 : i32
          %dma_start3A_233 = arith.constant 512 : i32
          %dma_start3A_234 = arith.constant 0 : i32
          %dma_start3A_235 = tpu.memref_slice %arg18[%dma_start3A_233, %dma_start3A_234] : memref<640x64xf32, #tpu.memory_space<vmem>> -> memref<128x64xf32, #tpu.memory_space<vmem>>
          %dma_start3A_236 = arith.constant 0 : i32
          %dma_start3A_237 = tpu.memref_slice %arg17[%dma_start3A_232, %dma_start3A_236] : memref<8x128xi32, #tpu.memory_space<vmem>> -> memref<1x128xi32, #tpu.memory_space<vmem>>
          %dma_start3A_238 = tpu.memref_squeeze %dma_start3A_237 : memref<1x128xi32, #tpu.memory_space<vmem>> -> memref<128xi32, #tpu.memory_space<vmem>>
          %dma_start3A_239 = arith.constant 0 : i32
          %dma_start3A_240 = arith.constant 0 : i32
          %dma_start3A_241 = tpu.memref_slice %arg26[%dma_start3A_239, %dma_start3A_240] : memref<10240x64xf32, #tpu.memory_space<vmem_shared>> -> memref<10240x64xf32, #tpu.memory_space<vmem_shared>>
          tpu.enqueue_indirect_dma source(%dma_start3A_235 : memref<128x64xf32, #tpu.memory_space<vmem>>) target(%dma_start3A_241 : memref<10240x64xf32, #tpu.memory_space<vmem_shared>>) offsets(%dma_start3A_238 : memref<128xi32, #tpu.memory_space<vmem>>) semaphore(%arg38 : memref<!tpu.dma_semaphore, #tpu.memory_space<semaphore_mem>>) {add = true}
          %dma_wait3A_242 = arith.constant 1 : i32
          %dma_wait3A_243 = arith.constant 128 : i32
          %dma_wait3A_244 = arith.constant 0 : i32
          %dma_wait3A_245 = tpu.memref_slice %arg18[%dma_wait3A_243, %dma_wait3A_244] : memref<640x64xf32, #tpu.memory_space<vmem>> -> memref<128x64xf32, #tpu.memory_space<vmem>>
          %dma_wait3A_246 = arith.constant 0 : i32
          %dma_wait3A_247 = tpu.memref_slice %arg17[%dma_wait3A_242, %dma_wait3A_246] : memref<8x128xi32, #tpu.memory_space<vmem>> -> memref<1x128xi32, #tpu.memory_space<vmem>>
          %dma_wait3A_248 = tpu.memref_squeeze %dma_wait3A_247 : memref<1x128xi32, #tpu.memory_space<vmem>> -> memref<128xi32, #tpu.memory_space<vmem>>
          %dma_wait3A_249 = arith.constant 0 : i32
          %dma_wait3A_250 = arith.constant 0 : i32
          %dma_wait3A_251 = tpu.memref_slice %arg26[%dma_wait3A_249, %dma_wait3A_250] : memref<10240x64xf32, #tpu.memory_space<vmem_shared>> -> memref<10240x64xf32, #tpu.memory_space<vmem_shared>>
          tpu.wait_indirect_dma semaphore(%arg35 : memref<!tpu.dma_semaphore, #tpu.memory_space<semaphore_mem>>) src(%dma_wait3A_245 : memref<128x64xf32, #tpu.memory_space<vmem>>) dst(%dma_wait3A_251 : memref<10240x64xf32, #tpu.memory_space<vmem_shared>>)
          %dma_start3A_252 = arith.constant 6 : i32
          %dma_start3A_253 = arith.constant 128 : i32
          %dma_start3A_254 = arith.constant 0 : i32
          %dma_start3A_255 = tpu.memref_slice %arg18[%dma_start3A_253, %dma_start3A_254] : memref<640x64xf32, #tpu.memory_space<vmem>> -> memref<128x64xf32, #tpu.memory_space<vmem>>
          %dma_start3A_256 = arith.constant 0 : i32
          %dma_start3A_257 = tpu.memref_slice %arg16[%dma_start3A_252, %dma_start3A_256] : memref<8x128xi32, #tpu.memory_space<vmem>> -> memref<1x128xi32, #tpu.memory_space<vmem>>
          %dma_start3A_258 = tpu.memref_squeeze %dma_start3A_257 : memref<1x128xi32, #tpu.memory_space<vmem>> -> memref<128xi32, #tpu.memory_space<vmem>>
          %dma_start3A_259 = arith.constant 0 : i32
          %dma_start3A_260 = arith.constant 0 : i32
          %dma_start3A_261 = tpu.memref_slice %arg14[%dma_start3A_259, %dma_start3A_260] : memref<10240x64xf32, #tpu.memory_space<hbm>> -> memref<10240x64xf32, #tpu.memory_space<hbm>>
          tpu.enqueue_indirect_dma source(%dma_start3A_261 : memref<10240x64xf32, #tpu.memory_space<hbm>>) target(%dma_start3A_255 : memref<128x64xf32, #tpu.memory_space<vmem>>) offsets(%dma_start3A_258 : memref<128xi32, #tpu.memory_space<vmem>>) semaphore(%arg30 : memref<!tpu.dma_semaphore, #tpu.memory_space<semaphore_mem>>)
          %dma_wait3A_262 = arith.constant 5 : i32
          %dma_wait3A_263 = arith.constant 0 : i32
          %dma_wait3A_264 = arith.constant 0 : i32
          %dma_wait3A_265 = tpu.memref_slice %arg18[%dma_wait3A_263, %dma_wait3A_264] : memref<640x64xf32, #tpu.memory_space<vmem>> -> memref<128x64xf32, #tpu.memory_space<vmem>>
          %dma_wait3A_266 = arith.constant 0 : i32
          %dma_wait3A_267 = tpu.memref_slice %arg16[%dma_wait3A_262, %dma_wait3A_266] : memref<8x128xi32, #tpu.memory_space<vmem>> -> memref<1x128xi32, #tpu.memory_space<vmem>>
          %dma_wait3A_268 = tpu.memref_squeeze %dma_wait3A_267 : memref<1x128xi32, #tpu.memory_space<vmem>> -> memref<128xi32, #tpu.memory_space<vmem>>
          %dma_wait3A_269 = arith.constant 0 : i32
          %dma_wait3A_270 = arith.constant 0 : i32
          %dma_wait3A_271 = tpu.memref_slice %arg14[%dma_wait3A_269, %dma_wait3A_270] : memref<10240x64xf32, #tpu.memory_space<hbm>> -> memref<10240x64xf32, #tpu.memory_space<hbm>>
          tpu.wait_indirect_dma semaphore(%arg29 : memref<!tpu.dma_semaphore, #tpu.memory_space<semaphore_mem>>) src(%dma_wait3A_271 : memref<10240x64xf32, #tpu.memory_space<hbm>>) dst(%dma_wait3A_265 : memref<128x64xf32, #tpu.memory_space<vmem>>)
          %dma_start3A_272 = arith.constant 5 : i32
          %dma_start3A_273 = arith.constant 0 : i32
          %dma_start3A_274 = arith.constant 0 : i32
          %dma_start3A_275 = tpu.memref_slice %arg18[%dma_start3A_273, %dma_start3A_274] : memref<640x64xf32, #tpu.memory_space<vmem>> -> memref<128x64xf32, #tpu.memory_space<vmem>>
          %dma_start3A_276 = arith.constant 0 : i32
          %dma_start3A_277 = tpu.memref_slice %arg17[%dma_start3A_272, %dma_start3A_276] : memref<8x128xi32, #tpu.memory_space<vmem>> -> memref<1x128xi32, #tpu.memory_space<vmem>>
          %dma_start3A_278 = tpu.memref_squeeze %dma_start3A_277 : memref<1x128xi32, #tpu.memory_space<vmem>> -> memref<128xi32, #tpu.memory_space<vmem>>
          %dma_start3A_279 = arith.constant 0 : i32
          %dma_start3A_280 = arith.constant 0 : i32
          %dma_start3A_281 = tpu.memref_slice %arg26[%dma_start3A_279, %dma_start3A_280] : memref<10240x64xf32, #tpu.memory_space<vmem_shared>> -> memref<10240x64xf32, #tpu.memory_space<vmem_shared>>
          tpu.enqueue_indirect_dma source(%dma_start3A_275 : memref<128x64xf32, #tpu.memory_space<vmem>>) target(%dma_start3A_281 : memref<10240x64xf32, #tpu.memory_space<vmem_shared>>) offsets(%dma_start3A_278 : memref<128xi32, #tpu.memory_space<vmem>>) semaphore(%arg34 : memref<!tpu.dma_semaphore, #tpu.memory_space<semaphore_mem>>) {add = true}
          %dma_wait3A_282 = arith.constant 2 : i32
          %dma_wait3A_283 = arith.constant 256 : i32
          %dma_wait3A_284 = arith.constant 0 : i32
          %dma_wait3A_285 = tpu.memref_slice %arg18[%dma_wait3A_283, %dma_wait3A_284] : memref<640x64xf32, #tpu.memory_space<vmem>> -> memref<128x64xf32, #tpu.memory_space<vmem>>
          %dma_wait3A_286 = arith.constant 0 : i32
          %dma_wait3A_287 = tpu.memref_slice %arg17[%dma_wait3A_282, %dma_wait3A_286] : memref<8x128xi32, #tpu.memory_space<vmem>> -> memref<1x128xi32, #tpu.memory_space<vmem>>
          %dma_wait3A_288 = tpu.memref_squeeze %dma_wait3A_287 : memref<1x128xi32, #tpu.memory_space<vmem>> -> memref<128xi32, #tpu.memory_space<vmem>>
          %dma_wait3A_289 = arith.constant 0 : i32
          %dma_wait3A_290 = arith.constant 0 : i32
          %dma_wait3A_291 = tpu.memref_slice %arg26[%dma_wait3A_289, %dma_wait3A_290] : memref<10240x64xf32, #tpu.memory_space<vmem_shared>> -> memref<10240x64xf32, #tpu.memory_space<vmem_shared>>
          tpu.wait_indirect_dma semaphore(%arg36 : memref<!tpu.dma_semaphore, #tpu.memory_space<semaphore_mem>>) src(%dma_wait3A_285 : memref<128x64xf32, #tpu.memory_space<vmem>>) dst(%dma_wait3A_291 : memref<10240x64xf32, #tpu.memory_space<vmem_shared>>)
          %dma_start3A_292 = arith.constant 7 : i32
          %dma_start3A_293 = arith.constant 256 : i32
          %dma_start3A_294 = arith.constant 0 : i32
          %dma_start3A_295 = tpu.memref_slice %arg18[%dma_start3A_293, %dma_start3A_294] : memref<640x64xf32, #tpu.memory_space<vmem>> -> memref<128x64xf32, #tpu.memory_space<vmem>>
          %dma_start3A_296 = arith.constant 0 : i32
          %dma_start3A_297 = tpu.memref_slice %arg16[%dma_start3A_292, %dma_start3A_296] : memref<8x128xi32, #tpu.memory_space<vmem>> -> memref<1x128xi32, #tpu.memory_space<vmem>>
          %dma_start3A_298 = tpu.memref_squeeze %dma_start3A_297 : memref<1x128xi32, #tpu.memory_space<vmem>> -> memref<128xi32, #tpu.memory_space<vmem>>
          %dma_start3A_299 = arith.constant 0 : i32
          %dma_start3A_300 = arith.constant 0 : i32
          %dma_start3A_301 = tpu.memref_slice %arg14[%dma_start3A_299, %dma_start3A_300] : memref<10240x64xf32, #tpu.memory_space<hbm>> -> memref<10240x64xf32, #tpu.memory_space<hbm>>
          tpu.enqueue_indirect_dma source(%dma_start3A_301 : memref<10240x64xf32, #tpu.memory_space<hbm>>) target(%dma_start3A_295 : memref<128x64xf32, #tpu.memory_space<vmem>>) offsets(%dma_start3A_298 : memref<128xi32, #tpu.memory_space<vmem>>) semaphore(%arg31 : memref<!tpu.dma_semaphore, #tpu.memory_space<semaphore_mem>>)
          %dma_wait3A_302 = arith.constant 6 : i32
          %dma_wait3A_303 = arith.constant 128 : i32
          %dma_wait3A_304 = arith.constant 0 : i32
          %dma_wait3A_305 = tpu.memref_slice %arg18[%dma_wait3A_303, %dma_wait3A_304] : memref<640x64xf32, #tpu.memory_space<vmem>> -> memref<128x64xf32, #tpu.memory_space<vmem>>
          %dma_wait3A_306 = arith.constant 0 : i32
          %dma_wait3A_307 = tpu.memref_slice %arg16[%dma_wait3A_302, %dma_wait3A_306] : memref<8x128xi32, #tpu.memory_space<vmem>> -> memref<1x128xi32, #tpu.memory_space<vmem>>
          %dma_wait3A_308 = tpu.memref_squeeze %dma_wait3A_307 : memref<1x128xi32, #tpu.memory_space<vmem>> -> memref<128xi32, #tpu.memory_space<vmem>>
          %dma_wait3A_309 = arith.constant 0 : i32
          %dma_wait3A_310 = arith.constant 0 : i32
          %dma_wait3A_311 = tpu.memref_slice %arg14[%dma_wait3A_309, %dma_wait3A_310] : memref<10240x64xf32, #tpu.memory_space<hbm>> -> memref<10240x64xf32, #tpu.memory_space<hbm>>
          tpu.wait_indirect_dma semaphore(%arg30 : memref<!tpu.dma_semaphore, #tpu.memory_space<semaphore_mem>>) src(%dma_wait3A_311 : memref<10240x64xf32, #tpu.memory_space<hbm>>) dst(%dma_wait3A_305 : memref<128x64xf32, #tpu.memory_space<vmem>>)
          %dma_start3A_312 = arith.constant 6 : i32
          %dma_start3A_313 = arith.constant 128 : i32
          %dma_start3A_314 = arith.constant 0 : i32
          %dma_start3A_315 = tpu.memref_slice %arg18[%dma_start3A_313, %dma_start3A_314] : memref<640x64xf32, #tpu.memory_space<vmem>> -> memref<128x64xf32, #tpu.memory_space<vmem>>
          %dma_start3A_316 = arith.constant 0 : i32
          %dma_start3A_317 = tpu.memref_slice %arg17[%dma_start3A_312, %dma_start3A_316] : memref<8x128xi32, #tpu.memory_space<vmem>> -> memref<1x128xi32, #tpu.memory_space<vmem>>
          %dma_start3A_318 = tpu.memref_squeeze %dma_start3A_317 : memref<1x128xi32, #tpu.memory_space<vmem>> -> memref<128xi32, #tpu.memory_space<vmem>>
          %dma_start3A_319 = arith.constant 0 : i32
          %dma_start3A_320 = arith.constant 0 : i32
          %dma_start3A_321 = tpu.memref_slice %arg26[%dma_start3A_319, %dma_start3A_320] : memref<10240x64xf32, #tpu.memory_space<vmem_shared>> -> memref<10240x64xf32, #tpu.memory_space<vmem_shared>>
          tpu.enqueue_indirect_dma source(%dma_start3A_315 : memref<128x64xf32, #tpu.memory_space<vmem>>) target(%dma_start3A_321 : memref<10240x64xf32, #tpu.memory_space<vmem_shared>>) offsets(%dma_start3A_318 : memref<128xi32, #tpu.memory_space<vmem>>) semaphore(%arg35 : memref<!tpu.dma_semaphore, #tpu.memory_space<semaphore_mem>>) {add = true}
          %dma_wait3A_322 = arith.constant 7 : i32
          %dma_wait3A_323 = arith.constant 256 : i32
          %dma_wait3A_324 = arith.constant 0 : i32
          %dma_wait3A_325 = tpu.memref_slice %arg18[%dma_wait3A_323, %dma_wait3A_324] : memref<640x64xf32, #tpu.memory_space<vmem>> -> memref<128x64xf32, #tpu.memory_space<vmem>>
          %dma_wait3A_326 = arith.constant 0 : i32
          %dma_wait3A_327 = tpu.memref_slice %arg16[%dma_wait3A_322, %dma_wait3A_326] : memref<8x128xi32, #tpu.memory_space<vmem>> -> memref<1x128xi32, #tpu.memory_space<vmem>>
          %dma_wait3A_328 = tpu.memref_squeeze %dma_wait3A_327 : memref<1x128xi32, #tpu.memory_space<vmem>> -> memref<128xi32, #tpu.memory_space<vmem>>
          %dma_wait3A_329 = arith.constant 0 : i32
          %dma_wait3A_330 = arith.constant 0 : i32
          %dma_wait3A_331 = tpu.memref_slice %arg14[%dma_wait3A_329, %dma_wait3A_330] : memref<10240x64xf32, #tpu.memory_space<hbm>> -> memref<10240x64xf32, #tpu.memory_space<hbm>>
          tpu.wait_indirect_dma semaphore(%arg31 : memref<!tpu.dma_semaphore, #tpu.memory_space<semaphore_mem>>) src(%dma_wait3A_331 : memref<10240x64xf32, #tpu.memory_space<hbm>>) dst(%dma_wait3A_325 : memref<128x64xf32, #tpu.memory_space<vmem>>)
          %dma_start3A_332 = arith.constant 7 : i32
          %dma_start3A_333 = arith.constant 256 : i32
          %dma_start3A_334 = arith.constant 0 : i32
          %dma_start3A_335 = tpu.memref_slice %arg18[%dma_start3A_333, %dma_start3A_334] : memref<640x64xf32, #tpu.memory_space<vmem>> -> memref<128x64xf32, #tpu.memory_space<vmem>>
          %dma_start3A_336 = arith.constant 0 : i32
          %dma_start3A_337 = tpu.memref_slice %arg17[%dma_start3A_332, %dma_start3A_336] : memref<8x128xi32, #tpu.memory_space<vmem>> -> memref<1x128xi32, #tpu.memory_space<vmem>>
          %dma_start3A_338 = tpu.memref_squeeze %dma_start3A_337 : memref<1x128xi32, #tpu.memory_space<vmem>> -> memref<128xi32, #tpu.memory_space<vmem>>
          %dma_start3A_339 = arith.constant 0 : i32
          %dma_start3A_340 = arith.constant 0 : i32
          %dma_start3A_341 = tpu.memref_slice %arg26[%dma_start3A_339, %dma_start3A_340] : memref<10240x64xf32, #tpu.memory_space<vmem_shared>> -> memref<10240x64xf32, #tpu.memory_space<vmem_shared>>
          tpu.enqueue_indirect_dma source(%dma_start3A_335 : memref<128x64xf32, #tpu.memory_space<vmem>>) target(%dma_start3A_341 : memref<10240x64xf32, #tpu.memory_space<vmem_shared>>) offsets(%dma_start3A_338 : memref<128xi32, #tpu.memory_space<vmem>>) semaphore(%arg36 : memref<!tpu.dma_semaphore, #tpu.memory_space<semaphore_mem>>) {add = true}
          %dma_wait3A_342 = arith.constant 3 : i32
          %dma_wait3A_343 = arith.constant 384 : i32
          %dma_wait3A_344 = arith.constant 0 : i32
          %dma_wait3A_345 = tpu.memref_slice %arg18[%dma_wait3A_343, %dma_wait3A_344] : memref<640x64xf32, #tpu.memory_space<vmem>> -> memref<128x64xf32, #tpu.memory_space<vmem>>
          %dma_wait3A_346 = arith.constant 0 : i32
          %dma_wait3A_347 = tpu.memref_slice %arg17[%dma_wait3A_342, %dma_wait3A_346] : memref<8x128xi32, #tpu.memory_space<vmem>> -> memref<1x128xi32, #tpu.memory_space<vmem>>
          %dma_wait3A_348 = tpu.memref_squeeze %dma_wait3A_347 : memref<1x128xi32, #tpu.memory_space<vmem>> -> memref<128xi32, #tpu.memory_space<vmem>>
          %dma_wait3A_349 = arith.constant 0 : i32
          %dma_wait3A_350 = arith.constant 0 : i32
          %dma_wait3A_351 = tpu.memref_slice %arg26[%dma_wait3A_349, %dma_wait3A_350] : memref<10240x64xf32, #tpu.memory_space<vmem_shared>> -> memref<10240x64xf32, #tpu.memory_space<vmem_shared>>
          tpu.wait_indirect_dma semaphore(%arg37 : memref<!tpu.dma_semaphore, #tpu.memory_space<semaphore_mem>>) src(%dma_wait3A_345 : memref<128x64xf32, #tpu.memory_space<vmem>>) dst(%dma_wait3A_351 : memref<10240x64xf32, #tpu.memory_space<vmem_shared>>)
          %dma_wait3A_352 = arith.constant 4 : i32
          %dma_wait3A_353 = arith.constant 512 : i32
          %dma_wait3A_354 = arith.constant 0 : i32
          %dma_wait3A_355 = tpu.memref_slice %arg18[%dma_wait3A_353, %dma_wait3A_354] : memref<640x64xf32, #tpu.memory_space<vmem>> -> memref<128x64xf32, #tpu.memory_space<vmem>>
          %dma_wait3A_356 = arith.constant 0 : i32
          %dma_wait3A_357 = tpu.memref_slice %arg17[%dma_wait3A_352, %dma_wait3A_356] : memref<8x128xi32, #tpu.memory_space<vmem>> -> memref<1x128xi32, #tpu.memory_space<vmem>>
          %dma_wait3A_358 = tpu.memref_squeeze %dma_wait3A_357 : memref<1x128xi32, #tpu.memory_space<vmem>> -> memref<128xi32, #tpu.memory_space<vmem>>
          %dma_wait3A_359 = arith.constant 0 : i32
          %dma_wait3A_360 = arith.constant 0 : i32
          %dma_wait3A_361 = tpu.memref_slice %arg26[%dma_wait3A_359, %dma_wait3A_360] : memref<10240x64xf32, #tpu.memory_space<vmem_shared>> -> memref<10240x64xf32, #tpu.memory_space<vmem_shared>>
          tpu.wait_indirect_dma semaphore(%arg38 : memref<!tpu.dma_semaphore, #tpu.memory_space<semaphore_mem>>) src(%dma_wait3A_355 : memref<128x64xf32, #tpu.memory_space<vmem>>) dst(%dma_wait3A_361 : memref<10240x64xf32, #tpu.memory_space<vmem_shared>>)
          %dma_wait3A_362 = arith.constant 5 : i32
          %dma_wait3A_363 = arith.constant 0 : i32
          %dma_wait3A_364 = arith.constant 0 : i32
          %dma_wait3A_365 = tpu.memref_slice %arg18[%dma_wait3A_363, %dma_wait3A_364] : memref<640x64xf32, #tpu.memory_space<vmem>> -> memref<128x64xf32, #tpu.memory_space<vmem>>
          %dma_wait3A_366 = arith.constant 0 : i32
          %dma_wait3A_367 = tpu.memref_slice %arg17[%dma_wait3A_362, %dma_wait3A_366] : memref<8x128xi32, #tpu.memory_space<vmem>> -> memref<1x128xi32, #tpu.memory_space<vmem>>
          %dma_wait3A_368 = tpu.memref_squeeze %dma_wait3A_367 : memref<1x128xi32, #tpu.memory_space<vmem>> -> memref<128xi32, #tpu.memory_space<vmem>>
          %dma_wait3A_369 = arith.constant 0 : i32
          %dma_wait3A_370 = arith.constant 0 : i32
          %dma_wait3A_371 = tpu.memref_slice %arg26[%dma_wait3A_369, %dma_wait3A_370] : memref<10240x64xf32, #tpu.memory_space<vmem_shared>> -> memref<10240x64xf32, #tpu.memory_space<vmem_shared>>
          tpu.wait_indirect_dma semaphore(%arg34 : memref<!tpu.dma_semaphore, #tpu.memory_space<semaphore_mem>>) src(%dma_wait3A_365 : memref<128x64xf32, #tpu.memory_space<vmem>>) dst(%dma_wait3A_371 : memref<10240x64xf32, #tpu.memory_space<vmem_shared>>)
          %dma_wait3A_372 = arith.constant 6 : i32
          %dma_wait3A_373 = arith.constant 128 : i32
          %dma_wait3A_374 = arith.constant 0 : i32
          %dma_wait3A_375 = tpu.memref_slice %arg18[%dma_wait3A_373, %dma_wait3A_374] : memref<640x64xf32, #tpu.memory_space<vmem>> -> memref<128x64xf32, #tpu.memory_space<vmem>>
          %dma_wait3A_376 = arith.constant 0 : i32
          %dma_wait3A_377 = tpu.memref_slice %arg17[%dma_wait3A_372, %dma_wait3A_376] : memref<8x128xi32, #tpu.memory_space<vmem>> -> memref<1x128xi32, #tpu.memory_space<vmem>>
          %dma_wait3A_378 = tpu.memref_squeeze %dma_wait3A_377 : memref<1x128xi32, #tpu.memory_space<vmem>> -> memref<128xi32, #tpu.memory_space<vmem>>
          %dma_wait3A_379 = arith.constant 0 : i32
          %dma_wait3A_380 = arith.constant 0 : i32
          %dma_wait3A_381 = tpu.memref_slice %arg26[%dma_wait3A_379, %dma_wait3A_380] : memref<10240x64xf32, #tpu.memory_space<vmem_shared>> -> memref<10240x64xf32, #tpu.memory_space<vmem_shared>>
          tpu.wait_indirect_dma semaphore(%arg35 : memref<!tpu.dma_semaphore, #tpu.memory_space<semaphore_mem>>) src(%dma_wait3A_375 : memref<128x64xf32, #tpu.memory_space<vmem>>) dst(%dma_wait3A_381 : memref<10240x64xf32, #tpu.memory_space<vmem_shared>>)
          %dma_wait3A_382 = arith.constant 7 : i32
          %dma_wait3A_383 = arith.constant 256 : i32
          %dma_wait3A_384 = arith.constant 0 : i32
          %dma_wait3A_385 = tpu.memref_slice %arg18[%dma_wait3A_383, %dma_wait3A_384] : memref<640x64xf32, #tpu.memory_space<vmem>> -> memref<128x64xf32, #tpu.memory_space<vmem>>
          %dma_wait3A_386 = arith.constant 0 : i32
          %dma_wait3A_387 = tpu.memref_slice %arg17[%dma_wait3A_382, %dma_wait3A_386] : memref<8x128xi32, #tpu.memory_space<vmem>> -> memref<1x128xi32, #tpu.memory_space<vmem>>
          %dma_wait3A_388 = tpu.memref_squeeze %dma_wait3A_387 : memref<1x128xi32, #tpu.memory_space<vmem>> -> memref<128xi32, #tpu.memory_space<vmem>>
          %dma_wait3A_389 = arith.constant 0 : i32
          %dma_wait3A_390 = arith.constant 0 : i32
          %dma_wait3A_391 = tpu.memref_slice %arg26[%dma_wait3A_389, %dma_wait3A_390] : memref<10240x64xf32, #tpu.memory_space<vmem_shared>> -> memref<10240x64xf32, #tpu.memory_space<vmem_shared>>
          tpu.wait_indirect_dma semaphore(%arg36 : memref<!tpu.dma_semaphore, #tpu.memory_space<semaphore_mem>>) src(%dma_wait3A_385 : memref<128x64xf32, #tpu.memory_space<vmem>>) dst(%dma_wait3A_391 : memref<10240x64xf32, #tpu.memory_space<vmem_shared>>)
          %scan3A_392 = arith.constant 0 : i32
          scf.yield %scan3A_392 : i32
        }
        %scan3A_69 = arith.constant 20 : i32
      } else {
      }
      %eq3A_45 = arith.constant 1 : i32
      %eq3A_46 = arith.cmpi eq, %arg0, %eq3A_45 : i32
      %convert_element_type3A_47 = arith.extui %eq3A_46 : i1 to i32
      %cond3A_48 = arith.constant 0 : i32
      %cond3A_49 = arith.cmpi ne, %convert_element_type3A_47, %cond3A_48 : i32
      scf.if %cond3A_49 {
        %scan3A_63 = arith.constant 0 : i32
        %scan3A_64 = arith.constant 0 : i32
        %scan3A_65 = arith.constant 20 : i32
        %scan3A_66 = arith.addi %scan3A_64, %scan3A_65 : i32
        %scan3A_67 = arith.constant 1 : i32
        %scan3A_68 = scf.for %scan3A_70 = %scan3A_64 to %scan3A_66 step %scan3A_67 iter_args(%scan3A_71 = %scan3A_63) -> (i32)  : i32 {
          %mul3A_72 = arith.constant 8 : i32
          %mul3A_73 = arith.muli %scan3A_70, %mul3A_72 : i32
          %add3A = arith.addi %mul3A_0, %mul3A_73 : i32
          %multiple_of3A = tpu.assume_multiple %add3A, 8 : i32
          "tpu.region"() ({
            %run_scoped3A = tpu.sem_alloc : memref<!tpu.dma_semaphore, #tpu.memory_space<semaphore_mem>>
            %dma_start3A_393 = arith.constant 0 : i32
            %dma_start3A_394 = tpu.memref_slice %arg2[%multiple_of3A, %dma_start3A_393] : memref<2560x128xi32, #tpu.memory_space<hbm>> -> memref<8x128xi32, #tpu.memory_space<hbm>>
            %dma_start3A_395 = arith.constant 0 : i32
            %dma_start3A_396 = tpu.memref_slice %arg2[%multiple_of3A, %dma_start3A_395] : memref<2560x128xi32, #tpu.memory_space<hbm>> -> memref<8x128xi32, #tpu.memory_space<hbm>>
            tpu.enqueue_dma source(%dma_start3A_396 : memref<8x128xi32, #tpu.memory_space<hbm>>) target(%arg16 : memref<8x128xi32, #tpu.memory_space<vmem>>) target_semaphore(%run_scoped3A : memref<!tpu.dma_semaphore, #tpu.memory_space<semaphore_mem>>)
            %dma_wait3A_397 = arith.constant 0 : i32
            %dma_wait3A_398 = tpu.memref_slice %arg2[%multiple_of3A, %dma_wait3A_397] : memref<2560x128xi32, #tpu.memory_space<hbm>> -> memref<8x128xi32, #tpu.memory_space<hbm>>
            %dma_wait3A_399 = arith.constant 0 : i32
            %dma_wait3A_400 = tpu.memref_slice %arg2[%multiple_of3A, %dma_wait3A_399] : memref<2560x128xi32, #tpu.memory_space<hbm>> -> memref<8x128xi32, #tpu.memory_space<hbm>>
            tpu.wait_dma2 semaphore(%run_scoped3A : memref<!tpu.dma_semaphore, #tpu.memory_space<semaphore_mem>>) src(%dma_wait3A_400 : memref<8x128xi32, #tpu.memory_space<hbm>>) dst(%arg16 : memref<8x128xi32, #tpu.memory_space<vmem>>)
            tpu.yield
          }) : () -> ()
          "tpu.region"() ({
            %run_scoped3A = tpu.sem_alloc : memref<!tpu.dma_semaphore, #tpu.memory_space<semaphore_mem>>
            %dma_start3A_393 = arith.constant 0 : i32
            %dma_start3A_394 = tpu.memref_slice %arg3[%multiple_of3A, %dma_start3A_393] : memref<2560x128xi32, #tpu.memory_space<hbm>> -> memref<8x128xi32, #tpu.memory_space<hbm>>
            %dma_start3A_395 = arith.constant 0 : i32
            %dma_start3A_396 = tpu.memref_slice %arg3[%multiple_of3A, %dma_start3A_395] : memref<2560x128xi32, #tpu.memory_space<hbm>> -> memref<8x128xi32, #tpu.memory_space<hbm>>
            tpu.enqueue_dma source(%dma_start3A_396 : memref<8x128xi32, #tpu.memory_space<hbm>>) target(%arg17 : memref<8x128xi32, #tpu.memory_space<vmem>>) target_semaphore(%run_scoped3A : memref<!tpu.dma_semaphore, #tpu.memory_space<semaphore_mem>>)
            %dma_wait3A_397 = arith.constant 0 : i32
            %dma_wait3A_398 = tpu.memref_slice %arg3[%multiple_of3A, %dma_wait3A_397] : memref<2560x128xi32, #tpu.memory_space<hbm>> -> memref<8x128xi32, #tpu.memory_space<hbm>>
            %dma_wait3A_399 = arith.constant 0 : i32
            %dma_wait3A_400 = tpu.memref_slice %arg3[%multiple_of3A, %dma_wait3A_399] : memref<2560x128xi32, #tpu.memory_space<hbm>> -> memref<8x128xi32, #tpu.memory_space<hbm>>
            tpu.wait_dma2 semaphore(%run_scoped3A : memref<!tpu.dma_semaphore, #tpu.memory_space<semaphore_mem>>) src(%dma_wait3A_400 : memref<8x128xi32, #tpu.memory_space<hbm>>) dst(%arg17 : memref<8x128xi32, #tpu.memory_space<vmem>>)
            tpu.yield
          }) : () -> ()
          %dma_start3A = arith.constant 0 : i32
          %dma_start3A_74 = arith.constant 0 : i32
          %dma_start3A_75 = arith.constant 0 : i32
          %dma_start3A_76 = tpu.memref_slice %arg19[%dma_start3A_74, %dma_start3A_75] : memref<640x16xf32, #tpu.memory_space<vmem>> -> memref<128x16xf32, #tpu.memory_space<vmem>>
          %dma_start3A_77 = arith.constant 0 : i32
          %dma_start3A_78 = tpu.memref_slice %arg16[%dma_start3A, %dma_start3A_77] : memref<8x128xi32, #tpu.memory_space<vmem>> -> memref<1x128xi32, #tpu.memory_space<vmem>>
          %dma_start3A_79 = tpu.memref_squeeze %dma_start3A_78 : memref<1x128xi32, #tpu.memory_space<vmem>> -> memref<128xi32, #tpu.memory_space<vmem>>
          %dma_start3A_80 = arith.constant 0 : i32
          %dma_start3A_81 = arith.constant 0 : i32
          %dma_start3A_82 = tpu.memref_slice %arg15[%dma_start3A_80, %dma_start3A_81] : memref<10240x16xf32, #tpu.memory_space<hbm>> -> memref<10240x16xf32, #tpu.memory_space<hbm>>
          tpu.enqueue_indirect_dma source(%dma_start3A_82 : memref<10240x16xf32, #tpu.memory_space<hbm>>) target(%dma_start3A_76 : memref<128x16xf32, #tpu.memory_space<vmem>>) offsets(%dma_start3A_79 : memref<128xi32, #tpu.memory_space<vmem>>) semaphore(%arg29 : memref<!tpu.dma_semaphore, #tpu.memory_space<semaphore_mem>>)
          %dma_start3A_83 = arith.constant 1 : i32
          %dma_start3A_84 = arith.constant 128 : i32
          %dma_start3A_85 = arith.constant 0 : i32
          %dma_start3A_86 = tpu.memref_slice %arg19[%dma_start3A_84, %dma_start3A_85] : memref<640x16xf32, #tpu.memory_space<vmem>> -> memref<128x16xf32, #tpu.memory_space<vmem>>
          %dma_start3A_87 = arith.constant 0 : i32
          %dma_start3A_88 = tpu.memref_slice %arg16[%dma_start3A_83, %dma_start3A_87] : memref<8x128xi32, #tpu.memory_space<vmem>> -> memref<1x128xi32, #tpu.memory_space<vmem>>
          %dma_start3A_89 = tpu.memref_squeeze %dma_start3A_88 : memref<1x128xi32, #tpu.memory_space<vmem>> -> memref<128xi32, #tpu.memory_space<vmem>>
          %dma_start3A_90 = arith.constant 0 : i32
          %dma_start3A_91 = arith.constant 0 : i32
          %dma_start3A_92 = tpu.memref_slice %arg15[%dma_start3A_90, %dma_start3A_91] : memref<10240x16xf32, #tpu.memory_space<hbm>> -> memref<10240x16xf32, #tpu.memory_space<hbm>>
          tpu.enqueue_indirect_dma source(%dma_start3A_92 : memref<10240x16xf32, #tpu.memory_space<hbm>>) target(%dma_start3A_86 : memref<128x16xf32, #tpu.memory_space<vmem>>) offsets(%dma_start3A_89 : memref<128xi32, #tpu.memory_space<vmem>>) semaphore(%arg30 : memref<!tpu.dma_semaphore, #tpu.memory_space<semaphore_mem>>)
          %dma_wait3A = arith.constant 0 : i32
          %dma_wait3A_93 = arith.constant 0 : i32
          %dma_wait3A_94 = arith.constant 0 : i32
          %dma_wait3A_95 = tpu.memref_slice %arg19[%dma_wait3A_93, %dma_wait3A_94] : memref<640x16xf32, #tpu.memory_space<vmem>> -> memref<128x16xf32, #tpu.memory_space<vmem>>
          %dma_wait3A_96 = arith.constant 0 : i32
          %dma_wait3A_97 = tpu.memref_slice %arg16[%dma_wait3A, %dma_wait3A_96] : memref<8x128xi32, #tpu.memory_space<vmem>> -> memref<1x128xi32, #tpu.memory_space<vmem>>
          %dma_wait3A_98 = tpu.memref_squeeze %dma_wait3A_97 : memref<1x128xi32, #tpu.memory_space<vmem>> -> memref<128xi32, #tpu.memory_space<vmem>>
          %dma_wait3A_99 = arith.constant 0 : i32
          %dma_wait3A_100 = arith.constant 0 : i32
          %dma_wait3A_101 = tpu.memref_slice %arg15[%dma_wait3A_99, %dma_wait3A_100] : memref<10240x16xf32, #tpu.memory_space<hbm>> -> memref<10240x16xf32, #tpu.memory_space<hbm>>
          tpu.wait_indirect_dma semaphore(%arg29 : memref<!tpu.dma_semaphore, #tpu.memory_space<semaphore_mem>>) src(%dma_wait3A_101 : memref<10240x16xf32, #tpu.memory_space<hbm>>) dst(%dma_wait3A_95 : memref<128x16xf32, #tpu.memory_space<vmem>>)
          %dma_start3A_102 = arith.constant 0 : i32
          %dma_start3A_103 = arith.constant 0 : i32
          %dma_start3A_104 = arith.constant 0 : i32
          %dma_start3A_105 = tpu.memref_slice %arg19[%dma_start3A_103, %dma_start3A_104] : memref<640x16xf32, #tpu.memory_space<vmem>> -> memref<128x16xf32, #tpu.memory_space<vmem>>
          %dma_start3A_106 = arith.constant 0 : i32
          %dma_start3A_107 = tpu.memref_slice %arg17[%dma_start3A_102, %dma_start3A_106] : memref<8x128xi32, #tpu.memory_space<vmem>> -> memref<1x128xi32, #tpu.memory_space<vmem>>
          %dma_start3A_108 = tpu.memref_squeeze %dma_start3A_107 : memref<1x128xi32, #tpu.memory_space<vmem>> -> memref<128xi32, #tpu.memory_space<vmem>>
          %dma_start3A_109 = arith.constant 0 : i32
          %dma_start3A_110 = arith.constant 0 : i32
          %dma_start3A_111 = tpu.memref_slice %arg27[%dma_start3A_109, %dma_start3A_110] : memref<10240x16xf32, #tpu.memory_space<vmem_shared>> -> memref<10240x16xf32, #tpu.memory_space<vmem_shared>>
          tpu.enqueue_indirect_dma source(%dma_start3A_105 : memref<128x16xf32, #tpu.memory_space<vmem>>) target(%dma_start3A_111 : memref<10240x16xf32, #tpu.memory_space<vmem_shared>>) offsets(%dma_start3A_108 : memref<128xi32, #tpu.memory_space<vmem>>) semaphore(%arg34 : memref<!tpu.dma_semaphore, #tpu.memory_space<semaphore_mem>>) {add = true}
          %dma_start3A_112 = arith.constant 2 : i32
          %dma_start3A_113 = arith.constant 256 : i32
          %dma_start3A_114 = arith.constant 0 : i32
          %dma_start3A_115 = tpu.memref_slice %arg19[%dma_start3A_113, %dma_start3A_114] : memref<640x16xf32, #tpu.memory_space<vmem>> -> memref<128x16xf32, #tpu.memory_space<vmem>>
          %dma_start3A_116 = arith.constant 0 : i32
          %dma_start3A_117 = tpu.memref_slice %arg16[%dma_start3A_112, %dma_start3A_116] : memref<8x128xi32, #tpu.memory_space<vmem>> -> memref<1x128xi32, #tpu.memory_space<vmem>>
          %dma_start3A_118 = tpu.memref_squeeze %dma_start3A_117 : memref<1x128xi32, #tpu.memory_space<vmem>> -> memref<128xi32, #tpu.memory_space<vmem>>
          %dma_start3A_119 = arith.constant 0 : i32
          %dma_start3A_120 = arith.constant 0 : i32
          %dma_start3A_121 = tpu.memref_slice %arg15[%dma_start3A_119, %dma_start3A_120] : memref<10240x16xf32, #tpu.memory_space<hbm>> -> memref<10240x16xf32, #tpu.memory_space<hbm>>
          tpu.enqueue_indirect_dma source(%dma_start3A_121 : memref<10240x16xf32, #tpu.memory_space<hbm>>) target(%dma_start3A_115 : memref<128x16xf32, #tpu.memory_space<vmem>>) offsets(%dma_start3A_118 : memref<128xi32, #tpu.memory_space<vmem>>) semaphore(%arg31 : memref<!tpu.dma_semaphore, #tpu.memory_space<semaphore_mem>>)
          %dma_wait3A_122 = arith.constant 1 : i32
          %dma_wait3A_123 = arith.constant 128 : i32
          %dma_wait3A_124 = arith.constant 0 : i32
          %dma_wait3A_125 = tpu.memref_slice %arg19[%dma_wait3A_123, %dma_wait3A_124] : memref<640x16xf32, #tpu.memory_space<vmem>> -> memref<128x16xf32, #tpu.memory_space<vmem>>
          %dma_wait3A_126 = arith.constant 0 : i32
          %dma_wait3A_127 = tpu.memref_slice %arg16[%dma_wait3A_122, %dma_wait3A_126] : memref<8x128xi32, #tpu.memory_space<vmem>> -> memref<1x128xi32, #tpu.memory_space<vmem>>
          %dma_wait3A_128 = tpu.memref_squeeze %dma_wait3A_127 : memref<1x128xi32, #tpu.memory_space<vmem>> -> memref<128xi32, #tpu.memory_space<vmem>>
          %dma_wait3A_129 = arith.constant 0 : i32
          %dma_wait3A_130 = arith.constant 0 : i32
          %dma_wait3A_131 = tpu.memref_slice %arg15[%dma_wait3A_129, %dma_wait3A_130] : memref<10240x16xf32, #tpu.memory_space<hbm>> -> memref<10240x16xf32, #tpu.memory_space<hbm>>
          tpu.wait_indirect_dma semaphore(%arg30 : memref<!tpu.dma_semaphore, #tpu.memory_space<semaphore_mem>>) src(%dma_wait3A_131 : memref<10240x16xf32, #tpu.memory_space<hbm>>) dst(%dma_wait3A_125 : memref<128x16xf32, #tpu.memory_space<vmem>>)
          %dma_start3A_132 = arith.constant 1 : i32
          %dma_start3A_133 = arith.constant 128 : i32
          %dma_start3A_134 = arith.constant 0 : i32
          %dma_start3A_135 = tpu.memref_slice %arg19[%dma_start3A_133, %dma_start3A_134] : memref<640x16xf32, #tpu.memory_space<vmem>> -> memref<128x16xf32, #tpu.memory_space<vmem>>
          %dma_start3A_136 = arith.constant 0 : i32
          %dma_start3A_137 = tpu.memref_slice %arg17[%dma_start3A_132, %dma_start3A_136] : memref<8x128xi32, #tpu.memory_space<vmem>> -> memref<1x128xi32, #tpu.memory_space<vmem>>
          %dma_start3A_138 = tpu.memref_squeeze %dma_start3A_137 : memref<1x128xi32, #tpu.memory_space<vmem>> -> memref<128xi32, #tpu.memory_space<vmem>>
          %dma_start3A_139 = arith.constant 0 : i32
          %dma_start3A_140 = arith.constant 0 : i32
          %dma_start3A_141 = tpu.memref_slice %arg27[%dma_start3A_139, %dma_start3A_140] : memref<10240x16xf32, #tpu.memory_space<vmem_shared>> -> memref<10240x16xf32, #tpu.memory_space<vmem_shared>>
          tpu.enqueue_indirect_dma source(%dma_start3A_135 : memref<128x16xf32, #tpu.memory_space<vmem>>) target(%dma_start3A_141 : memref<10240x16xf32, #tpu.memory_space<vmem_shared>>) offsets(%dma_start3A_138 : memref<128xi32, #tpu.memory_space<vmem>>) semaphore(%arg35 : memref<!tpu.dma_semaphore, #tpu.memory_space<semaphore_mem>>) {add = true}
          %dma_start3A_142 = arith.constant 3 : i32
          %dma_start3A_143 = arith.constant 384 : i32
          %dma_start3A_144 = arith.constant 0 : i32
          %dma_start3A_145 = tpu.memref_slice %arg19[%dma_start3A_143, %dma_start3A_144] : memref<640x16xf32, #tpu.memory_space<vmem>> -> memref<128x16xf32, #tpu.memory_space<vmem>>
          %dma_start3A_146 = arith.constant 0 : i32
          %dma_start3A_147 = tpu.memref_slice %arg16[%dma_start3A_142, %dma_start3A_146] : memref<8x128xi32, #tpu.memory_space<vmem>> -> memref<1x128xi32, #tpu.memory_space<vmem>>
          %dma_start3A_148 = tpu.memref_squeeze %dma_start3A_147 : memref<1x128xi32, #tpu.memory_space<vmem>> -> memref<128xi32, #tpu.memory_space<vmem>>
          %dma_start3A_149 = arith.constant 0 : i32
          %dma_start3A_150 = arith.constant 0 : i32
          %dma_start3A_151 = tpu.memref_slice %arg15[%dma_start3A_149, %dma_start3A_150] : memref<10240x16xf32, #tpu.memory_space<hbm>> -> memref<10240x16xf32, #tpu.memory_space<hbm>>
          tpu.enqueue_indirect_dma source(%dma_start3A_151 : memref<10240x16xf32, #tpu.memory_space<hbm>>) target(%dma_start3A_145 : memref<128x16xf32, #tpu.memory_space<vmem>>) offsets(%dma_start3A_148 : memref<128xi32, #tpu.memory_space<vmem>>) semaphore(%arg32 : memref<!tpu.dma_semaphore, #tpu.memory_space<semaphore_mem>>)
          %dma_wait3A_152 = arith.constant 2 : i32
          %dma_wait3A_153 = arith.constant 256 : i32
          %dma_wait3A_154 = arith.constant 0 : i32
          %dma_wait3A_155 = tpu.memref_slice %arg19[%dma_wait3A_153, %dma_wait3A_154] : memref<640x16xf32, #tpu.memory_space<vmem>> -> memref<128x16xf32, #tpu.memory_space<vmem>>
          %dma_wait3A_156 = arith.constant 0 : i32
          %dma_wait3A_157 = tpu.memref_slice %arg16[%dma_wait3A_152, %dma_wait3A_156] : memref<8x128xi32, #tpu.memory_space<vmem>> -> memref<1x128xi32, #tpu.memory_space<vmem>>
          %dma_wait3A_158 = tpu.memref_squeeze %dma_wait3A_157 : memref<1x128xi32, #tpu.memory_space<vmem>> -> memref<128xi32, #tpu.memory_space<vmem>>
          %dma_wait3A_159 = arith.constant 0 : i32
          %dma_wait3A_160 = arith.constant 0 : i32
          %dma_wait3A_161 = tpu.memref_slice %arg15[%dma_wait3A_159, %dma_wait3A_160] : memref<10240x16xf32, #tpu.memory_space<hbm>> -> memref<10240x16xf32, #tpu.memory_space<hbm>>
          tpu.wait_indirect_dma semaphore(%arg31 : memref<!tpu.dma_semaphore, #tpu.memory_space<semaphore_mem>>) src(%dma_wait3A_161 : memref<10240x16xf32, #tpu.memory_space<hbm>>) dst(%dma_wait3A_155 : memref<128x16xf32, #tpu.memory_space<vmem>>)
          %dma_start3A_162 = arith.constant 2 : i32
          %dma_start3A_163 = arith.constant 256 : i32
          %dma_start3A_164 = arith.constant 0 : i32
          %dma_start3A_165 = tpu.memref_slice %arg19[%dma_start3A_163, %dma_start3A_164] : memref<640x16xf32, #tpu.memory_space<vmem>> -> memref<128x16xf32, #tpu.memory_space<vmem>>
          %dma_start3A_166 = arith.constant 0 : i32
          %dma_start3A_167 = tpu.memref_slice %arg17[%dma_start3A_162, %dma_start3A_166] : memref<8x128xi32, #tpu.memory_space<vmem>> -> memref<1x128xi32, #tpu.memory_space<vmem>>
          %dma_start3A_168 = tpu.memref_squeeze %dma_start3A_167 : memref<1x128xi32, #tpu.memory_space<vmem>> -> memref<128xi32, #tpu.memory_space<vmem>>
          %dma_start3A_169 = arith.constant 0 : i32
          %dma_start3A_170 = arith.constant 0 : i32
          %dma_start3A_171 = tpu.memref_slice %arg27[%dma_start3A_169, %dma_start3A_170] : memref<10240x16xf32, #tpu.memory_space<vmem_shared>> -> memref<10240x16xf32, #tpu.memory_space<vmem_shared>>
          tpu.enqueue_indirect_dma source(%dma_start3A_165 : memref<128x16xf32, #tpu.memory_space<vmem>>) target(%dma_start3A_171 : memref<10240x16xf32, #tpu.memory_space<vmem_shared>>) offsets(%dma_start3A_168 : memref<128xi32, #tpu.memory_space<vmem>>) semaphore(%arg36 : memref<!tpu.dma_semaphore, #tpu.memory_space<semaphore_mem>>) {add = true}
          %dma_start3A_172 = arith.constant 4 : i32
          %dma_start3A_173 = arith.constant 512 : i32
          %dma_start3A_174 = arith.constant 0 : i32
          %dma_start3A_175 = tpu.memref_slice %arg19[%dma_start3A_173, %dma_start3A_174] : memref<640x16xf32, #tpu.memory_space<vmem>> -> memref<128x16xf32, #tpu.memory_space<vmem>>
          %dma_start3A_176 = arith.constant 0 : i32
          %dma_start3A_177 = tpu.memref_slice %arg16[%dma_start3A_172, %dma_start3A_176] : memref<8x128xi32, #tpu.memory_space<vmem>> -> memref<1x128xi32, #tpu.memory_space<vmem>>
          %dma_start3A_178 = tpu.memref_squeeze %dma_start3A_177 : memref<1x128xi32, #tpu.memory_space<vmem>> -> memref<128xi32, #tpu.memory_space<vmem>>
          %dma_start3A_179 = arith.constant 0 : i32
          %dma_start3A_180 = arith.constant 0 : i32
          %dma_start3A_181 = tpu.memref_slice %arg15[%dma_start3A_179, %dma_start3A_180] : memref<10240x16xf32, #tpu.memory_space<hbm>> -> memref<10240x16xf32, #tpu.memory_space<hbm>>
          tpu.enqueue_indirect_dma source(%dma_start3A_181 : memref<10240x16xf32, #tpu.memory_space<hbm>>) target(%dma_start3A_175 : memref<128x16xf32, #tpu.memory_space<vmem>>) offsets(%dma_start3A_178 : memref<128xi32, #tpu.memory_space<vmem>>) semaphore(%arg33 : memref<!tpu.dma_semaphore, #tpu.memory_space<semaphore_mem>>)
          %dma_wait3A_182 = arith.constant 3 : i32
          %dma_wait3A_183 = arith.constant 384 : i32
          %dma_wait3A_184 = arith.constant 0 : i32
          %dma_wait3A_185 = tpu.memref_slice %arg19[%dma_wait3A_183, %dma_wait3A_184] : memref<640x16xf32, #tpu.memory_space<vmem>> -> memref<128x16xf32, #tpu.memory_space<vmem>>
          %dma_wait3A_186 = arith.constant 0 : i32
          %dma_wait3A_187 = tpu.memref_slice %arg16[%dma_wait3A_182, %dma_wait3A_186] : memref<8x128xi32, #tpu.memory_space<vmem>> -> memref<1x128xi32, #tpu.memory_space<vmem>>
          %dma_wait3A_188 = tpu.memref_squeeze %dma_wait3A_187 : memref<1x128xi32, #tpu.memory_space<vmem>> -> memref<128xi32, #tpu.memory_space<vmem>>
          %dma_wait3A_189 = arith.constant 0 : i32
          %dma_wait3A_190 = arith.constant 0 : i32
          %dma_wait3A_191 = tpu.memref_slice %arg15[%dma_wait3A_189, %dma_wait3A_190] : memref<10240x16xf32, #tpu.memory_space<hbm>> -> memref<10240x16xf32, #tpu.memory_space<hbm>>
          tpu.wait_indirect_dma semaphore(%arg32 : memref<!tpu.dma_semaphore, #tpu.memory_space<semaphore_mem>>) src(%dma_wait3A_191 : memref<10240x16xf32, #tpu.memory_space<hbm>>) dst(%dma_wait3A_185 : memref<128x16xf32, #tpu.memory_space<vmem>>)
          %dma_start3A_192 = arith.constant 3 : i32
          %dma_start3A_193 = arith.constant 384 : i32
          %dma_start3A_194 = arith.constant 0 : i32
          %dma_start3A_195 = tpu.memref_slice %arg19[%dma_start3A_193, %dma_start3A_194] : memref<640x16xf32, #tpu.memory_space<vmem>> -> memref<128x16xf32, #tpu.memory_space<vmem>>
          %dma_start3A_196 = arith.constant 0 : i32
          %dma_start3A_197 = tpu.memref_slice %arg17[%dma_start3A_192, %dma_start3A_196] : memref<8x128xi32, #tpu.memory_space<vmem>> -> memref<1x128xi32, #tpu.memory_space<vmem>>
          %dma_start3A_198 = tpu.memref_squeeze %dma_start3A_197 : memref<1x128xi32, #tpu.memory_space<vmem>> -> memref<128xi32, #tpu.memory_space<vmem>>
          %dma_start3A_199 = arith.constant 0 : i32
          %dma_start3A_200 = arith.constant 0 : i32
          %dma_start3A_201 = tpu.memref_slice %arg27[%dma_start3A_199, %dma_start3A_200] : memref<10240x16xf32, #tpu.memory_space<vmem_shared>> -> memref<10240x16xf32, #tpu.memory_space<vmem_shared>>
          tpu.enqueue_indirect_dma source(%dma_start3A_195 : memref<128x16xf32, #tpu.memory_space<vmem>>) target(%dma_start3A_201 : memref<10240x16xf32, #tpu.memory_space<vmem_shared>>) offsets(%dma_start3A_198 : memref<128xi32, #tpu.memory_space<vmem>>) semaphore(%arg37 : memref<!tpu.dma_semaphore, #tpu.memory_space<semaphore_mem>>) {add = true}
          %dma_wait3A_202 = arith.constant 0 : i32
          %dma_wait3A_203 = arith.constant 0 : i32
          %dma_wait3A_204 = arith.constant 0 : i32
          %dma_wait3A_205 = tpu.memref_slice %arg19[%dma_wait3A_203, %dma_wait3A_204] : memref<640x16xf32, #tpu.memory_space<vmem>> -> memref<128x16xf32, #tpu.memory_space<vmem>>
          %dma_wait3A_206 = arith.constant 0 : i32
          %dma_wait3A_207 = tpu.memref_slice %arg17[%dma_wait3A_202, %dma_wait3A_206] : memref<8x128xi32, #tpu.memory_space<vmem>> -> memref<1x128xi32, #tpu.memory_space<vmem>>
          %dma_wait3A_208 = tpu.memref_squeeze %dma_wait3A_207 : memref<1x128xi32, #tpu.memory_space<vmem>> -> memref<128xi32, #tpu.memory_space<vmem>>
          %dma_wait3A_209 = arith.constant 0 : i32
          %dma_wait3A_210 = arith.constant 0 : i32
          %dma_wait3A_211 = tpu.memref_slice %arg27[%dma_wait3A_209, %dma_wait3A_210] : memref<10240x16xf32, #tpu.memory_space<vmem_shared>> -> memref<10240x16xf32, #tpu.memory_space<vmem_shared>>
          tpu.wait_indirect_dma semaphore(%arg34 : memref<!tpu.dma_semaphore, #tpu.memory_space<semaphore_mem>>) src(%dma_wait3A_205 : memref<128x16xf32, #tpu.memory_space<vmem>>) dst(%dma_wait3A_211 : memref<10240x16xf32, #tpu.memory_space<vmem_shared>>)
          %dma_start3A_212 = arith.constant 5 : i32
          %dma_start3A_213 = arith.constant 0 : i32
          %dma_start3A_214 = arith.constant 0 : i32
          %dma_start3A_215 = tpu.memref_slice %arg19[%dma_start3A_213, %dma_start3A_214] : memref<640x16xf32, #tpu.memory_space<vmem>> -> memref<128x16xf32, #tpu.memory_space<vmem>>
          %dma_start3A_216 = arith.constant 0 : i32
          %dma_start3A_217 = tpu.memref_slice %arg16[%dma_start3A_212, %dma_start3A_216] : memref<8x128xi32, #tpu.memory_space<vmem>> -> memref<1x128xi32, #tpu.memory_space<vmem>>
          %dma_start3A_218 = tpu.memref_squeeze %dma_start3A_217 : memref<1x128xi32, #tpu.memory_space<vmem>> -> memref<128xi32, #tpu.memory_space<vmem>>
          %dma_start3A_219 = arith.constant 0 : i32
          %dma_start3A_220 = arith.constant 0 : i32
          %dma_start3A_221 = tpu.memref_slice %arg15[%dma_start3A_219, %dma_start3A_220] : memref<10240x16xf32, #tpu.memory_space<hbm>> -> memref<10240x16xf32, #tpu.memory_space<hbm>>
          tpu.enqueue_indirect_dma source(%dma_start3A_221 : memref<10240x16xf32, #tpu.memory_space<hbm>>) target(%dma_start3A_215 : memref<128x16xf32, #tpu.memory_space<vmem>>) offsets(%dma_start3A_218 : memref<128xi32, #tpu.memory_space<vmem>>) semaphore(%arg29 : memref<!tpu.dma_semaphore, #tpu.memory_space<semaphore_mem>>)
          %dma_wait3A_222 = arith.constant 4 : i32
          %dma_wait3A_223 = arith.constant 512 : i32
          %dma_wait3A_224 = arith.constant 0 : i32
          %dma_wait3A_225 = tpu.memref_slice %arg19[%dma_wait3A_223, %dma_wait3A_224] : memref<640x16xf32, #tpu.memory_space<vmem>> -> memref<128x16xf32, #tpu.memory_space<vmem>>
          %dma_wait3A_226 = arith.constant 0 : i32
          %dma_wait3A_227 = tpu.memref_slice %arg16[%dma_wait3A_222, %dma_wait3A_226] : memref<8x128xi32, #tpu.memory_space<vmem>> -> memref<1x128xi32, #tpu.memory_space<vmem>>
          %dma_wait3A_228 = tpu.memref_squeeze %dma_wait3A_227 : memref<1x128xi32, #tpu.memory_space<vmem>> -> memref<128xi32, #tpu.memory_space<vmem>>
          %dma_wait3A_229 = arith.constant 0 : i32
          %dma_wait3A_230 = arith.constant 0 : i32
          %dma_wait3A_231 = tpu.memref_slice %arg15[%dma_wait3A_229, %dma_wait3A_230] : memref<10240x16xf32, #tpu.memory_space<hbm>> -> memref<10240x16xf32, #tpu.memory_space<hbm>>
          tpu.wait_indirect_dma semaphore(%arg33 : memref<!tpu.dma_semaphore, #tpu.memory_space<semaphore_mem>>) src(%dma_wait3A_231 : memref<10240x16xf32, #tpu.memory_space<hbm>>) dst(%dma_wait3A_225 : memref<128x16xf32, #tpu.memory_space<vmem>>)
          %dma_start3A_232 = arith.constant 4 : i32
          %dma_start3A_233 = arith.constant 512 : i32
          %dma_start3A_234 = arith.constant 0 : i32
          %dma_start3A_235 = tpu.memref_slice %arg19[%dma_start3A_233, %dma_start3A_234] : memref<640x16xf32, #tpu.memory_space<vmem>> -> memref<128x16xf32, #tpu.memory_space<vmem>>
          %dma_start3A_236 = arith.constant 0 : i32
          %dma_start3A_237 = tpu.memref_slice %arg17[%dma_start3A_232, %dma_start3A_236] : memref<8x128xi32, #tpu.memory_space<vmem>> -> memref<1x128xi32, #tpu.memory_space<vmem>>
          %dma_start3A_238 = tpu.memref_squeeze %dma_start3A_237 : memref<1x128xi32, #tpu.memory_space<vmem>> -> memref<128xi32, #tpu.memory_space<vmem>>
          %dma_start3A_239 = arith.constant 0 : i32
          %dma_start3A_240 = arith.constant 0 : i32
          %dma_start3A_241 = tpu.memref_slice %arg27[%dma_start3A_239, %dma_start3A_240] : memref<10240x16xf32, #tpu.memory_space<vmem_shared>> -> memref<10240x16xf32, #tpu.memory_space<vmem_shared>>
          tpu.enqueue_indirect_dma source(%dma_start3A_235 : memref<128x16xf32, #tpu.memory_space<vmem>>) target(%dma_start3A_241 : memref<10240x16xf32, #tpu.memory_space<vmem_shared>>) offsets(%dma_start3A_238 : memref<128xi32, #tpu.memory_space<vmem>>) semaphore(%arg38 : memref<!tpu.dma_semaphore, #tpu.memory_space<semaphore_mem>>) {add = true}
          %dma_wait3A_242 = arith.constant 1 : i32
          %dma_wait3A_243 = arith.constant 128 : i32
          %dma_wait3A_244 = arith.constant 0 : i32
          %dma_wait3A_245 = tpu.memref_slice %arg19[%dma_wait3A_243, %dma_wait3A_244] : memref<640x16xf32, #tpu.memory_space<vmem>> -> memref<128x16xf32, #tpu.memory_space<vmem>>
          %dma_wait3A_246 = arith.constant 0 : i32
          %dma_wait3A_247 = tpu.memref_slice %arg17[%dma_wait3A_242, %dma_wait3A_246] : memref<8x128xi32, #tpu.memory_space<vmem>> -> memref<1x128xi32, #tpu.memory_space<vmem>>
          %dma_wait3A_248 = tpu.memref_squeeze %dma_wait3A_247 : memref<1x128xi32, #tpu.memory_space<vmem>> -> memref<128xi32, #tpu.memory_space<vmem>>
          %dma_wait3A_249 = arith.constant 0 : i32
          %dma_wait3A_250 = arith.constant 0 : i32
          %dma_wait3A_251 = tpu.memref_slice %arg27[%dma_wait3A_249, %dma_wait3A_250] : memref<10240x16xf32, #tpu.memory_space<vmem_shared>> -> memref<10240x16xf32, #tpu.memory_space<vmem_shared>>
          tpu.wait_indirect_dma semaphore(%arg35 : memref<!tpu.dma_semaphore, #tpu.memory_space<semaphore_mem>>) src(%dma_wait3A_245 : memref<128x16xf32, #tpu.memory_space<vmem>>) dst(%dma_wait3A_251 : memref<10240x16xf32, #tpu.memory_space<vmem_shared>>)
          %dma_start3A_252 = arith.constant 6 : i32
          %dma_start3A_253 = arith.constant 128 : i32
          %dma_start3A_254 = arith.constant 0 : i32
          %dma_start3A_255 = tpu.memref_slice %arg19[%dma_start3A_253, %dma_start3A_254] : memref<640x16xf32, #tpu.memory_space<vmem>> -> memref<128x16xf32, #tpu.memory_space<vmem>>
          %dma_start3A_256 = arith.constant 0 : i32
          %dma_start3A_257 = tpu.memref_slice %arg16[%dma_start3A_252, %dma_start3A_256] : memref<8x128xi32, #tpu.memory_space<vmem>> -> memref<1x128xi32, #tpu.memory_space<vmem>>
          %dma_start3A_258 = tpu.memref_squeeze %dma_start3A_257 : memref<1x128xi32, #tpu.memory_space<vmem>> -> memref<128xi32, #tpu.memory_space<vmem>>
          %dma_start3A_259 = arith.constant 0 : i32
          %dma_start3A_260 = arith.constant 0 : i32
          %dma_start3A_261 = tpu.memref_slice %arg15[%dma_start3A_259, %dma_start3A_260] : memref<10240x16xf32, #tpu.memory_space<hbm>> -> memref<10240x16xf32, #tpu.memory_space<hbm>>
          tpu.enqueue_indirect_dma source(%dma_start3A_261 : memref<10240x16xf32, #tpu.memory_space<hbm>>) target(%dma_start3A_255 : memref<128x16xf32, #tpu.memory_space<vmem>>) offsets(%dma_start3A_258 : memref<128xi32, #tpu.memory_space<vmem>>) semaphore(%arg30 : memref<!tpu.dma_semaphore, #tpu.memory_space<semaphore_mem>>)
          %dma_wait3A_262 = arith.constant 5 : i32
          %dma_wait3A_263 = arith.constant 0 : i32
          %dma_wait3A_264 = arith.constant 0 : i32
          %dma_wait3A_265 = tpu.memref_slice %arg19[%dma_wait3A_263, %dma_wait3A_264] : memref<640x16xf32, #tpu.memory_space<vmem>> -> memref<128x16xf32, #tpu.memory_space<vmem>>
          %dma_wait3A_266 = arith.constant 0 : i32
          %dma_wait3A_267 = tpu.memref_slice %arg16[%dma_wait3A_262, %dma_wait3A_266] : memref<8x128xi32, #tpu.memory_space<vmem>> -> memref<1x128xi32, #tpu.memory_space<vmem>>
          %dma_wait3A_268 = tpu.memref_squeeze %dma_wait3A_267 : memref<1x128xi32, #tpu.memory_space<vmem>> -> memref<128xi32, #tpu.memory_space<vmem>>
          %dma_wait3A_269 = arith.constant 0 : i32
          %dma_wait3A_270 = arith.constant 0 : i32
          %dma_wait3A_271 = tpu.memref_slice %arg15[%dma_wait3A_269, %dma_wait3A_270] : memref<10240x16xf32, #tpu.memory_space<hbm>> -> memref<10240x16xf32, #tpu.memory_space<hbm>>
          tpu.wait_indirect_dma semaphore(%arg29 : memref<!tpu.dma_semaphore, #tpu.memory_space<semaphore_mem>>) src(%dma_wait3A_271 : memref<10240x16xf32, #tpu.memory_space<hbm>>) dst(%dma_wait3A_265 : memref<128x16xf32, #tpu.memory_space<vmem>>)
          %dma_start3A_272 = arith.constant 5 : i32
          %dma_start3A_273 = arith.constant 0 : i32
          %dma_start3A_274 = arith.constant 0 : i32
          %dma_start3A_275 = tpu.memref_slice %arg19[%dma_start3A_273, %dma_start3A_274] : memref<640x16xf32, #tpu.memory_space<vmem>> -> memref<128x16xf32, #tpu.memory_space<vmem>>
          %dma_start3A_276 = arith.constant 0 : i32
          %dma_start3A_277 = tpu.memref_slice %arg17[%dma_start3A_272, %dma_start3A_276] : memref<8x128xi32, #tpu.memory_space<vmem>> -> memref<1x128xi32, #tpu.memory_space<vmem>>
          %dma_start3A_278 = tpu.memref_squeeze %dma_start3A_277 : memref<1x128xi32, #tpu.memory_space<vmem>> -> memref<128xi32, #tpu.memory_space<vmem>>
          %dma_start3A_279 = arith.constant 0 : i32
          %dma_start3A_280 = arith.constant 0 : i32
          %dma_start3A_281 = tpu.memref_slice %arg27[%dma_start3A_279, %dma_start3A_280] : memref<10240x16xf32, #tpu.memory_space<vmem_shared>> -> memref<10240x16xf32, #tpu.memory_space<vmem_shared>>
          tpu.enqueue_indirect_dma source(%dma_start3A_275 : memref<128x16xf32, #tpu.memory_space<vmem>>) target(%dma_start3A_281 : memref<10240x16xf32, #tpu.memory_space<vmem_shared>>) offsets(%dma_start3A_278 : memref<128xi32, #tpu.memory_space<vmem>>) semaphore(%arg34 : memref<!tpu.dma_semaphore, #tpu.memory_space<semaphore_mem>>) {add = true}
          %dma_wait3A_282 = arith.constant 2 : i32
          %dma_wait3A_283 = arith.constant 256 : i32
          %dma_wait3A_284 = arith.constant 0 : i32
          %dma_wait3A_285 = tpu.memref_slice %arg19[%dma_wait3A_283, %dma_wait3A_284] : memref<640x16xf32, #tpu.memory_space<vmem>> -> memref<128x16xf32, #tpu.memory_space<vmem>>
          %dma_wait3A_286 = arith.constant 0 : i32
          %dma_wait3A_287 = tpu.memref_slice %arg17[%dma_wait3A_282, %dma_wait3A_286] : memref<8x128xi32, #tpu.memory_space<vmem>> -> memref<1x128xi32, #tpu.memory_space<vmem>>
          %dma_wait3A_288 = tpu.memref_squeeze %dma_wait3A_287 : memref<1x128xi32, #tpu.memory_space<vmem>> -> memref<128xi32, #tpu.memory_space<vmem>>
          %dma_wait3A_289 = arith.constant 0 : i32
          %dma_wait3A_290 = arith.constant 0 : i32
          %dma_wait3A_291 = tpu.memref_slice %arg27[%dma_wait3A_289, %dma_wait3A_290] : memref<10240x16xf32, #tpu.memory_space<vmem_shared>> -> memref<10240x16xf32, #tpu.memory_space<vmem_shared>>
          tpu.wait_indirect_dma semaphore(%arg36 : memref<!tpu.dma_semaphore, #tpu.memory_space<semaphore_mem>>) src(%dma_wait3A_285 : memref<128x16xf32, #tpu.memory_space<vmem>>) dst(%dma_wait3A_291 : memref<10240x16xf32, #tpu.memory_space<vmem_shared>>)
          %dma_start3A_292 = arith.constant 7 : i32
          %dma_start3A_293 = arith.constant 256 : i32
          %dma_start3A_294 = arith.constant 0 : i32
          %dma_start3A_295 = tpu.memref_slice %arg19[%dma_start3A_293, %dma_start3A_294] : memref<640x16xf32, #tpu.memory_space<vmem>> -> memref<128x16xf32, #tpu.memory_space<vmem>>
          %dma_start3A_296 = arith.constant 0 : i32
          %dma_start3A_297 = tpu.memref_slice %arg16[%dma_start3A_292, %dma_start3A_296] : memref<8x128xi32, #tpu.memory_space<vmem>> -> memref<1x128xi32, #tpu.memory_space<vmem>>
          %dma_start3A_298 = tpu.memref_squeeze %dma_start3A_297 : memref<1x128xi32, #tpu.memory_space<vmem>> -> memref<128xi32, #tpu.memory_space<vmem>>
          %dma_start3A_299 = arith.constant 0 : i32
          %dma_start3A_300 = arith.constant 0 : i32
          %dma_start3A_301 = tpu.memref_slice %arg15[%dma_start3A_299, %dma_start3A_300] : memref<10240x16xf32, #tpu.memory_space<hbm>> -> memref<10240x16xf32, #tpu.memory_space<hbm>>
          tpu.enqueue_indirect_dma source(%dma_start3A_301 : memref<10240x16xf32, #tpu.memory_space<hbm>>) target(%dma_start3A_295 : memref<128x16xf32, #tpu.memory_space<vmem>>) offsets(%dma_start3A_298 : memref<128xi32, #tpu.memory_space<vmem>>) semaphore(%arg31 : memref<!tpu.dma_semaphore, #tpu.memory_space<semaphore_mem>>)
          %dma_wait3A_302 = arith.constant 6 : i32
          %dma_wait3A_303 = arith.constant 128 : i32
          %dma_wait3A_304 = arith.constant 0 : i32
          %dma_wait3A_305 = tpu.memref_slice %arg19[%dma_wait3A_303, %dma_wait3A_304] : memref<640x16xf32, #tpu.memory_space<vmem>> -> memref<128x16xf32, #tpu.memory_space<vmem>>
          %dma_wait3A_306 = arith.constant 0 : i32
          %dma_wait3A_307 = tpu.memref_slice %arg16[%dma_wait3A_302, %dma_wait3A_306] : memref<8x128xi32, #tpu.memory_space<vmem>> -> memref<1x128xi32, #tpu.memory_space<vmem>>
          %dma_wait3A_308 = tpu.memref_squeeze %dma_wait3A_307 : memref<1x128xi32, #tpu.memory_space<vmem>> -> memref<128xi32, #tpu.memory_space<vmem>>
          %dma_wait3A_309 = arith.constant 0 : i32
          %dma_wait3A_310 = arith.constant 0 : i32
          %dma_wait3A_311 = tpu.memref_slice %arg15[%dma_wait3A_309, %dma_wait3A_310] : memref<10240x16xf32, #tpu.memory_space<hbm>> -> memref<10240x16xf32, #tpu.memory_space<hbm>>
          tpu.wait_indirect_dma semaphore(%arg30 : memref<!tpu.dma_semaphore, #tpu.memory_space<semaphore_mem>>) src(%dma_wait3A_311 : memref<10240x16xf32, #tpu.memory_space<hbm>>) dst(%dma_wait3A_305 : memref<128x16xf32, #tpu.memory_space<vmem>>)
          %dma_start3A_312 = arith.constant 6 : i32
          %dma_start3A_313 = arith.constant 128 : i32
          %dma_start3A_314 = arith.constant 0 : i32
          %dma_start3A_315 = tpu.memref_slice %arg19[%dma_start3A_313, %dma_start3A_314] : memref<640x16xf32, #tpu.memory_space<vmem>> -> memref<128x16xf32, #tpu.memory_space<vmem>>
          %dma_start3A_316 = arith.constant 0 : i32
          %dma_start3A_317 = tpu.memref_slice %arg17[%dma_start3A_312, %dma_start3A_316] : memref<8x128xi32, #tpu.memory_space<vmem>> -> memref<1x128xi32, #tpu.memory_space<vmem>>
          %dma_start3A_318 = tpu.memref_squeeze %dma_start3A_317 : memref<1x128xi32, #tpu.memory_space<vmem>> -> memref<128xi32, #tpu.memory_space<vmem>>
          %dma_start3A_319 = arith.constant 0 : i32
          %dma_start3A_320 = arith.constant 0 : i32
          %dma_start3A_321 = tpu.memref_slice %arg27[%dma_start3A_319, %dma_start3A_320] : memref<10240x16xf32, #tpu.memory_space<vmem_shared>> -> memref<10240x16xf32, #tpu.memory_space<vmem_shared>>
          tpu.enqueue_indirect_dma source(%dma_start3A_315 : memref<128x16xf32, #tpu.memory_space<vmem>>) target(%dma_start3A_321 : memref<10240x16xf32, #tpu.memory_space<vmem_shared>>) offsets(%dma_start3A_318 : memref<128xi32, #tpu.memory_space<vmem>>) semaphore(%arg35 : memref<!tpu.dma_semaphore, #tpu.memory_space<semaphore_mem>>) {add = true}
          %dma_wait3A_322 = arith.constant 7 : i32
          %dma_wait3A_323 = arith.constant 256 : i32
          %dma_wait3A_324 = arith.constant 0 : i32
          %dma_wait3A_325 = tpu.memref_slice %arg19[%dma_wait3A_323, %dma_wait3A_324] : memref<640x16xf32, #tpu.memory_space<vmem>> -> memref<128x16xf32, #tpu.memory_space<vmem>>
          %dma_wait3A_326 = arith.constant 0 : i32
          %dma_wait3A_327 = tpu.memref_slice %arg16[%dma_wait3A_322, %dma_wait3A_326] : memref<8x128xi32, #tpu.memory_space<vmem>> -> memref<1x128xi32, #tpu.memory_space<vmem>>
          %dma_wait3A_328 = tpu.memref_squeeze %dma_wait3A_327 : memref<1x128xi32, #tpu.memory_space<vmem>> -> memref<128xi32, #tpu.memory_space<vmem>>
          %dma_wait3A_329 = arith.constant 0 : i32
          %dma_wait3A_330 = arith.constant 0 : i32
          %dma_wait3A_331 = tpu.memref_slice %arg15[%dma_wait3A_329, %dma_wait3A_330] : memref<10240x16xf32, #tpu.memory_space<hbm>> -> memref<10240x16xf32, #tpu.memory_space<hbm>>
          tpu.wait_indirect_dma semaphore(%arg31 : memref<!tpu.dma_semaphore, #tpu.memory_space<semaphore_mem>>) src(%dma_wait3A_331 : memref<10240x16xf32, #tpu.memory_space<hbm>>) dst(%dma_wait3A_325 : memref<128x16xf32, #tpu.memory_space<vmem>>)
          %dma_start3A_332 = arith.constant 7 : i32
          %dma_start3A_333 = arith.constant 256 : i32
          %dma_start3A_334 = arith.constant 0 : i32
          %dma_start3A_335 = tpu.memref_slice %arg19[%dma_start3A_333, %dma_start3A_334] : memref<640x16xf32, #tpu.memory_space<vmem>> -> memref<128x16xf32, #tpu.memory_space<vmem>>
          %dma_start3A_336 = arith.constant 0 : i32
          %dma_start3A_337 = tpu.memref_slice %arg17[%dma_start3A_332, %dma_start3A_336] : memref<8x128xi32, #tpu.memory_space<vmem>> -> memref<1x128xi32, #tpu.memory_space<vmem>>
          %dma_start3A_338 = tpu.memref_squeeze %dma_start3A_337 : memref<1x128xi32, #tpu.memory_space<vmem>> -> memref<128xi32, #tpu.memory_space<vmem>>
          %dma_start3A_339 = arith.constant 0 : i32
          %dma_start3A_340 = arith.constant 0 : i32
          %dma_start3A_341 = tpu.memref_slice %arg27[%dma_start3A_339, %dma_start3A_340] : memref<10240x16xf32, #tpu.memory_space<vmem_shared>> -> memref<10240x16xf32, #tpu.memory_space<vmem_shared>>
          tpu.enqueue_indirect_dma source(%dma_start3A_335 : memref<128x16xf32, #tpu.memory_space<vmem>>) target(%dma_start3A_341 : memref<10240x16xf32, #tpu.memory_space<vmem_shared>>) offsets(%dma_start3A_338 : memref<128xi32, #tpu.memory_space<vmem>>) semaphore(%arg36 : memref<!tpu.dma_semaphore, #tpu.memory_space<semaphore_mem>>) {add = true}
          %dma_wait3A_342 = arith.constant 3 : i32
          %dma_wait3A_343 = arith.constant 384 : i32
          %dma_wait3A_344 = arith.constant 0 : i32
          %dma_wait3A_345 = tpu.memref_slice %arg19[%dma_wait3A_343, %dma_wait3A_344] : memref<640x16xf32, #tpu.memory_space<vmem>> -> memref<128x16xf32, #tpu.memory_space<vmem>>
          %dma_wait3A_346 = arith.constant 0 : i32
          %dma_wait3A_347 = tpu.memref_slice %arg17[%dma_wait3A_342, %dma_wait3A_346] : memref<8x128xi32, #tpu.memory_space<vmem>> -> memref<1x128xi32, #tpu.memory_space<vmem>>
          %dma_wait3A_348 = tpu.memref_squeeze %dma_wait3A_347 : memref<1x128xi32, #tpu.memory_space<vmem>> -> memref<128xi32, #tpu.memory_space<vmem>>
          %dma_wait3A_349 = arith.constant 0 : i32
          %dma_wait3A_350 = arith.constant 0 : i32
          %dma_wait3A_351 = tpu.memref_slice %arg27[%dma_wait3A_349, %dma_wait3A_350] : memref<10240x16xf32, #tpu.memory_space<vmem_shared>> -> memref<10240x16xf32, #tpu.memory_space<vmem_shared>>
          tpu.wait_indirect_dma semaphore(%arg37 : memref<!tpu.dma_semaphore, #tpu.memory_space<semaphore_mem>>) src(%dma_wait3A_345 : memref<128x16xf32, #tpu.memory_space<vmem>>) dst(%dma_wait3A_351 : memref<10240x16xf32, #tpu.memory_space<vmem_shared>>)
          %dma_wait3A_352 = arith.constant 4 : i32
          %dma_wait3A_353 = arith.constant 512 : i32
          %dma_wait3A_354 = arith.constant 0 : i32
          %dma_wait3A_355 = tpu.memref_slice %arg19[%dma_wait3A_353, %dma_wait3A_354] : memref<640x16xf32, #tpu.memory_space<vmem>> -> memref<128x16xf32, #tpu.memory_space<vmem>>
          %dma_wait3A_356 = arith.constant 0 : i32
          %dma_wait3A_357 = tpu.memref_slice %arg17[%dma_wait3A_352, %dma_wait3A_356] : memref<8x128xi32, #tpu.memory_space<vmem>> -> memref<1x128xi32, #tpu.memory_space<vmem>>
          %dma_wait3A_358 = tpu.memref_squeeze %dma_wait3A_357 : memref<1x128xi32, #tpu.memory_space<vmem>> -> memref<128xi32, #tpu.memory_space<vmem>>
          %dma_wait3A_359 = arith.constant 0 : i32
          %dma_wait3A_360 = arith.constant 0 : i32
          %dma_wait3A_361 = tpu.memref_slice %arg27[%dma_wait3A_359, %dma_wait3A_360] : memref<10240x16xf32, #tpu.memory_space<vmem_shared>> -> memref<10240x16xf32, #tpu.memory_space<vmem_shared>>
          tpu.wait_indirect_dma semaphore(%arg38 : memref<!tpu.dma_semaphore, #tpu.memory_space<semaphore_mem>>) src(%dma_wait3A_355 : memref<128x16xf32, #tpu.memory_space<vmem>>) dst(%dma_wait3A_361 : memref<10240x16xf32, #tpu.memory_space<vmem_shared>>)
          %dma_wait3A_362 = arith.constant 5 : i32
          %dma_wait3A_363 = arith.constant 0 : i32
          %dma_wait3A_364 = arith.constant 0 : i32
          %dma_wait3A_365 = tpu.memref_slice %arg19[%dma_wait3A_363, %dma_wait3A_364] : memref<640x16xf32, #tpu.memory_space<vmem>> -> memref<128x16xf32, #tpu.memory_space<vmem>>
          %dma_wait3A_366 = arith.constant 0 : i32
          %dma_wait3A_367 = tpu.memref_slice %arg17[%dma_wait3A_362, %dma_wait3A_366] : memref<8x128xi32, #tpu.memory_space<vmem>> -> memref<1x128xi32, #tpu.memory_space<vmem>>
          %dma_wait3A_368 = tpu.memref_squeeze %dma_wait3A_367 : memref<1x128xi32, #tpu.memory_space<vmem>> -> memref<128xi32, #tpu.memory_space<vmem>>
          %dma_wait3A_369 = arith.constant 0 : i32
          %dma_wait3A_370 = arith.constant 0 : i32
          %dma_wait3A_371 = tpu.memref_slice %arg27[%dma_wait3A_369, %dma_wait3A_370] : memref<10240x16xf32, #tpu.memory_space<vmem_shared>> -> memref<10240x16xf32, #tpu.memory_space<vmem_shared>>
          tpu.wait_indirect_dma semaphore(%arg34 : memref<!tpu.dma_semaphore, #tpu.memory_space<semaphore_mem>>) src(%dma_wait3A_365 : memref<128x16xf32, #tpu.memory_space<vmem>>) dst(%dma_wait3A_371 : memref<10240x16xf32, #tpu.memory_space<vmem_shared>>)
          %dma_wait3A_372 = arith.constant 6 : i32
          %dma_wait3A_373 = arith.constant 128 : i32
          %dma_wait3A_374 = arith.constant 0 : i32
          %dma_wait3A_375 = tpu.memref_slice %arg19[%dma_wait3A_373, %dma_wait3A_374] : memref<640x16xf32, #tpu.memory_space<vmem>> -> memref<128x16xf32, #tpu.memory_space<vmem>>
          %dma_wait3A_376 = arith.constant 0 : i32
          %dma_wait3A_377 = tpu.memref_slice %arg17[%dma_wait3A_372, %dma_wait3A_376] : memref<8x128xi32, #tpu.memory_space<vmem>> -> memref<1x128xi32, #tpu.memory_space<vmem>>
          %dma_wait3A_378 = tpu.memref_squeeze %dma_wait3A_377 : memref<1x128xi32, #tpu.memory_space<vmem>> -> memref<128xi32, #tpu.memory_space<vmem>>
          %dma_wait3A_379 = arith.constant 0 : i32
          %dma_wait3A_380 = arith.constant 0 : i32
          %dma_wait3A_381 = tpu.memref_slice %arg27[%dma_wait3A_379, %dma_wait3A_380] : memref<10240x16xf32, #tpu.memory_space<vmem_shared>> -> memref<10240x16xf32, #tpu.memory_space<vmem_shared>>
          tpu.wait_indirect_dma semaphore(%arg35 : memref<!tpu.dma_semaphore, #tpu.memory_space<semaphore_mem>>) src(%dma_wait3A_375 : memref<128x16xf32, #tpu.memory_space<vmem>>) dst(%dma_wait3A_381 : memref<10240x16xf32, #tpu.memory_space<vmem_shared>>)
          %dma_wait3A_382 = arith.constant 7 : i32
          %dma_wait3A_383 = arith.constant 256 : i32
          %dma_wait3A_384 = arith.constant 0 : i32
          %dma_wait3A_385 = tpu.memref_slice %arg19[%dma_wait3A_383, %dma_wait3A_384] : memref<640x16xf32, #tpu.memory_space<vmem>> -> memref<128x16xf32, #tpu.memory_space<vmem>>
          %dma_wait3A_386 = arith.constant 0 : i32
          %dma_wait3A_387 = tpu.memref_slice %arg17[%dma_wait3A_382, %dma_wait3A_386] : memref<8x128xi32, #tpu.memory_space<vmem>> -> memref<1x128xi32, #tpu.memory_space<vmem>>
          %dma_wait3A_388 = tpu.memref_squeeze %dma_wait3A_387 : memref<1x128xi32, #tpu.memory_space<vmem>> -> memref<128xi32, #tpu.memory_space<vmem>>
          %dma_wait3A_389 = arith.constant 0 : i32
          %dma_wait3A_390 = arith.constant 0 : i32
          %dma_wait3A_391 = tpu.memref_slice %arg27[%dma_wait3A_389, %dma_wait3A_390] : memref<10240x16xf32, #tpu.memory_space<vmem_shared>> -> memref<10240x16xf32, #tpu.memory_space<vmem_shared>>
          tpu.wait_indirect_dma semaphore(%arg36 : memref<!tpu.dma_semaphore, #tpu.memory_space<semaphore_mem>>) src(%dma_wait3A_385 : memref<128x16xf32, #tpu.memory_space<vmem>>) dst(%dma_wait3A_391 : memref<10240x16xf32, #tpu.memory_space<vmem_shared>>)
          %scan3A_392 = arith.constant 0 : i32
          scf.yield %scan3A_392 : i32
        }
        %scan3A_69 = arith.constant 20 : i32
      } else {
      }
      %barrier3A_50 = arith.constant 0 : index
      tpu.barrier barrier_id(%barrier3A_50)
      %eq3A_51 = arith.constant 0 : i32
      %eq3A_52 = arith.cmpi eq, %arg0, %eq3A_51 : i32
      %convert_element_type3A_53 = arith.extui %eq3A_52 : i1 to i32
      %cond3A_54 = arith.constant 0 : i32
      %cond3A_55 = arith.cmpi ne, %convert_element_type3A_53, %cond3A_54 : i32
      scf.if %cond3A_55 {
        %scan3A_63 = arith.constant 0 : i32
        %scan3A_64 = arith.constant 0 : i32
        %scan3A_65 = arith.constant 8 : i32
        %scan3A_66 = arith.addi %scan3A_64, %scan3A_65 : i32
        %scan3A_67 = arith.constant 1 : i32
        %scan3A_68 = scf.for %scan3A_70 = %scan3A_64 to %scan3A_66 step %scan3A_67 iter_args(%scan3A_71 = %scan3A_63) -> (i32)  : i32 {
          %mul3A_72 = arith.constant 80 : i32
          %mul3A_73 = arith.muli %scan3A_70, %mul3A_72 : i32
          %add3A = arith.addi %mul3A_2, %mul3A_73 : i32
          %multiple_of3A = tpu.assume_multiple %add3A, 8 : i32
          "tpu.region"() ({
            %run_scoped3A = tpu.sem_alloc : memref<!tpu.dma_semaphore, #tpu.memory_space<semaphore_mem>>
            %dma_start3A = arith.constant 0 : i32
            %dma_start3A_82 = tpu.memref_slice %arg26[%multiple_of3A, %dma_start3A] : memref<10240x64xf32, #tpu.memory_space<vmem_shared>> -> memref<80x64xf32, #tpu.memory_space<vmem_shared>>
            %dma_start3A_83 = arith.constant 0 : i32
            %dma_start3A_84 = tpu.memref_slice %arg26[%multiple_of3A, %dma_start3A_83] : memref<10240x64xf32, #tpu.memory_space<vmem_shared>> -> memref<80x64xf32, #tpu.memory_space<vmem_shared>>
            tpu.enqueue_dma source(%dma_start3A_84 : memref<80x64xf32, #tpu.memory_space<vmem_shared>>) target(%arg20 : memref<80x64xf32, #tpu.memory_space<vmem>>) target_semaphore(%run_scoped3A : memref<!tpu.dma_semaphore, #tpu.memory_space<semaphore_mem>>)
            %dma_wait3A = arith.constant 0 : i32
            %dma_wait3A_85 = tpu.memref_slice %arg26[%multiple_of3A, %dma_wait3A] : memref<10240x64xf32, #tpu.memory_space<vmem_shared>> -> memref<80x64xf32, #tpu.memory_space<vmem_shared>>
            %dma_wait3A_86 = arith.constant 0 : i32
            %dma_wait3A_87 = tpu.memref_slice %arg26[%multiple_of3A, %dma_wait3A_86] : memref<10240x64xf32, #tpu.memory_space<vmem_shared>> -> memref<80x64xf32, #tpu.memory_space<vmem_shared>>
            tpu.wait_dma2 semaphore(%run_scoped3A : memref<!tpu.dma_semaphore, #tpu.memory_space<semaphore_mem>>) src(%dma_wait3A_87 : memref<80x64xf32, #tpu.memory_space<vmem_shared>>) dst(%arg20 : memref<80x64xf32, #tpu.memory_space<vmem>>)
            tpu.yield
          }) : () -> ()
          "tpu.region"() ({
            %run_scoped3A = tpu.sem_alloc : memref<!tpu.dma_semaphore, #tpu.memory_space<semaphore_mem>>
            %dma_start3A = arith.constant 0 : i32
            %dma_start3A_82 = tpu.memref_slice %arg5[%multiple_of3A, %dma_start3A] : memref<10240x64xf32, #tpu.memory_space<hbm>> -> memref<80x64xf32, #tpu.memory_space<hbm>>
            %dma_start3A_83 = arith.constant 0 : i32
            %dma_start3A_84 = tpu.memref_slice %arg5[%multiple_of3A, %dma_start3A_83] : memref<10240x64xf32, #tpu.memory_space<hbm>> -> memref<80x64xf32, #tpu.memory_space<hbm>>
            tpu.enqueue_dma source(%dma_start3A_84 : memref<80x64xf32, #tpu.memory_space<hbm>>) target(%arg21 : memref<80x64xf32, #tpu.memory_space<vmem>>) target_semaphore(%run_scoped3A : memref<!tpu.dma_semaphore, #tpu.memory_space<semaphore_mem>>)
            %dma_wait3A = arith.constant 0 : i32
            %dma_wait3A_85 = tpu.memref_slice %arg5[%multiple_of3A, %dma_wait3A] : memref<10240x64xf32, #tpu.memory_space<hbm>> -> memref<80x64xf32, #tpu.memory_space<hbm>>
            %dma_wait3A_86 = arith.constant 0 : i32
            %dma_wait3A_87 = tpu.memref_slice %arg5[%multiple_of3A, %dma_wait3A_86] : memref<10240x64xf32, #tpu.memory_space<hbm>> -> memref<80x64xf32, #tpu.memory_space<hbm>>
            tpu.wait_dma2 semaphore(%run_scoped3A : memref<!tpu.dma_semaphore, #tpu.memory_space<semaphore_mem>>) src(%dma_wait3A_87 : memref<80x64xf32, #tpu.memory_space<hbm>>) dst(%arg21 : memref<80x64xf32, #tpu.memory_space<vmem>>)
            tpu.yield
          }) : () -> ()
          "tpu.region"() ({
            %run_scoped3A = tpu.sem_alloc : memref<!tpu.dma_semaphore, #tpu.memory_space<semaphore_mem>>
            %dma_start3A = arith.constant 0 : i32
            %dma_start3A_82 = tpu.memref_slice %arg6[%multiple_of3A, %dma_start3A] : memref<10240x64xf32, #tpu.memory_space<hbm>> -> memref<80x64xf32, #tpu.memory_space<hbm>>
            %dma_start3A_83 = arith.constant 0 : i32
            %dma_start3A_84 = tpu.memref_slice %arg6[%multiple_of3A, %dma_start3A_83] : memref<10240x64xf32, #tpu.memory_space<hbm>> -> memref<80x64xf32, #tpu.memory_space<hbm>>
            tpu.enqueue_dma source(%dma_start3A_84 : memref<80x64xf32, #tpu.memory_space<hbm>>) target(%arg22 : memref<80x64xf32, #tpu.memory_space<vmem>>) target_semaphore(%run_scoped3A : memref<!tpu.dma_semaphore, #tpu.memory_space<semaphore_mem>>)
            %dma_wait3A = arith.constant 0 : i32
            %dma_wait3A_85 = tpu.memref_slice %arg6[%multiple_of3A, %dma_wait3A] : memref<10240x64xf32, #tpu.memory_space<hbm>> -> memref<80x64xf32, #tpu.memory_space<hbm>>
            %dma_wait3A_86 = arith.constant 0 : i32
            %dma_wait3A_87 = tpu.memref_slice %arg6[%multiple_of3A, %dma_wait3A_86] : memref<10240x64xf32, #tpu.memory_space<hbm>> -> memref<80x64xf32, #tpu.memory_space<hbm>>
            tpu.wait_dma2 semaphore(%run_scoped3A : memref<!tpu.dma_semaphore, #tpu.memory_space<semaphore_mem>>) src(%dma_wait3A_87 : memref<80x64xf32, #tpu.memory_space<hbm>>) dst(%arg22 : memref<80x64xf32, #tpu.memory_space<vmem>>)
            tpu.yield
          }) : () -> ()
          %scan3A_74 = arith.constant 0 : i32
          %scan3A_75 = arith.constant 0 : i32
          %scan3A_76 = arith.constant 80 : i32
          %scan3A_77 = arith.addi %scan3A_75, %scan3A_76 : i32
          %scan3A_78 = arith.constant 1 : i32
          %scan3A_79 = scf.for %scan3A_82 = %scan3A_75 to %scan3A_77 step %scan3A_78 iter_args(%scan3A_83 = %scan3A_74) -> (i32)  : i32 {
            %get3A = arith.index_cast %scan3A_82 : i32 to index
            %get3A_84 = arith.constant 0 : index
            %get3A_85 = tpu.vector_load %arg20[%get3A, %get3A_84] {strides = array<i32>} : memref<80x64xf32, #tpu.memory_space<vmem>>, vector<1x16xf32>,
            %get3A_86 = vector.shape_cast %get3A_85 : vector<1x16xf32> to vector<16xf32>
            %get3A_87 = arith.index_cast %scan3A_82 : i32 to index
            %get3A_88 = arith.constant 0 : index
            %get3A_89 = tpu.vector_load %arg21[%get3A_87, %get3A_88] {strides = array<i32>} : memref<80x64xf32, #tpu.memory_space<vmem>>, vector<1x16xf32>,
            %get3A_90 = vector.shape_cast %get3A_89 : vector<1x16xf32> to vector<16xf32>
            %mul3A_91 = arith.mulf %get3A_86, %get3A_90 : vector<16xf32>
            %get3A_92 = arith.index_cast %scan3A_82 : i32 to index
            %get3A_93 = arith.constant 0 : index
            %get3A_94 = tpu.vector_load %arg22[%get3A_92, %get3A_93] {strides = array<i32>} : memref<80x64xf32, #tpu.memory_space<vmem>>, vector<1x16xf32>,
            %get3A_95 = vector.shape_cast %get3A_94 : vector<1x16xf32> to vector<16xf32>
            %add3A_96 = arith.addf %mul3A_91, %get3A_95 : vector<16xf32>
            %swap3A = arith.index_cast %scan3A_82 : i32 to index
            %swap3A_97 = arith.constant 0 : index
            %swap3A_98 = tpu.vector_load %arg20[%swap3A, %swap3A_97] {strides = array<i32>} : memref<80x64xf32, #tpu.memory_space<vmem>>, vector<1x16xf32>,
            %swap3A_99 = vector.shape_cast %swap3A_98 : vector<1x16xf32> to vector<16xf32>
            %swap3A_100 = vector.shape_cast %add3A_96 : vector<16xf32> to vector<1x16xf32>
            tpu.vector_store %arg20[%swap3A, %swap3A_97], %swap3A_100 {strides = array<i32>} : memref<80x64xf32, #tpu.memory_space<vmem>>, vector<1x16xf32>,
            %get3A_101 = arith.index_cast %scan3A_82 : i32 to index
            %get3A_102 = arith.constant 16 : index
            %get3A_103 = tpu.vector_load %arg20[%get3A_101, %get3A_102] {strides = array<i32>} : memref<80x64xf32, #tpu.memory_space<vmem>>, vector<1x16xf32>,
            %get3A_104 = vector.shape_cast %get3A_103 : vector<1x16xf32> to vector<16xf32>
            %get3A_105 = arith.index_cast %scan3A_82 : i32 to index
            %get3A_106 = arith.constant 16 : index
            %get3A_107 = tpu.vector_load %arg21[%get3A_105, %get3A_106] {strides = array<i32>} : memref<80x64xf32, #tpu.memory_space<vmem>>, vector<1x16xf32>,
            %get3A_108 = vector.shape_cast %get3A_107 : vector<1x16xf32> to vector<16xf32>
            %mul3A_109 = arith.mulf %get3A_104, %get3A_108 : vector<16xf32>
            %get3A_110 = arith.index_cast %scan3A_82 : i32 to index
            %get3A_111 = arith.constant 16 : index
            %get3A_112 = tpu.vector_load %arg22[%get3A_110, %get3A_111] {strides = array<i32>} : memref<80x64xf32, #tpu.memory_space<vmem>>, vector<1x16xf32>,
            %get3A_113 = vector.shape_cast %get3A_112 : vector<1x16xf32> to vector<16xf32>
            %add3A_114 = arith.addf %mul3A_109, %get3A_113 : vector<16xf32>
            %swap3A_115 = arith.index_cast %scan3A_82 : i32 to index
            %swap3A_116 = arith.constant 16 : index
            %swap3A_117 = tpu.vector_load %arg20[%swap3A_115, %swap3A_116] {strides = array<i32>} : memref<80x64xf32, #tpu.memory_space<vmem>>, vector<1x16xf32>,
            %swap3A_118 = vector.shape_cast %swap3A_117 : vector<1x16xf32> to vector<16xf32>
            %swap3A_119 = vector.shape_cast %add3A_114 : vector<16xf32> to vector<1x16xf32>
            tpu.vector_store %arg20[%swap3A_115, %swap3A_116], %swap3A_119 {strides = array<i32>} : memref<80x64xf32, #tpu.memory_space<vmem>>, vector<1x16xf32>,
            %get3A_120 = arith.index_cast %scan3A_82 : i32 to index
            %get3A_121 = arith.constant 32 : index
            %get3A_122 = tpu.vector_load %arg20[%get3A_120, %get3A_121] {strides = array<i32>} : memref<80x64xf32, #tpu.memory_space<vmem>>, vector<1x16xf32>,
            %get3A_123 = vector.shape_cast %get3A_122 : vector<1x16xf32> to vector<16xf32>
            %get3A_124 = arith.index_cast %scan3A_82 : i32 to index
            %get3A_125 = arith.constant 32 : index
            %get3A_126 = tpu.vector_load %arg21[%get3A_124, %get3A_125] {strides = array<i32>} : memref<80x64xf32, #tpu.memory_space<vmem>>, vector<1x16xf32>,
            %get3A_127 = vector.shape_cast %get3A_126 : vector<1x16xf32> to vector<16xf32>
            %mul3A_128 = arith.mulf %get3A_123, %get3A_127 : vector<16xf32>
            %get3A_129 = arith.index_cast %scan3A_82 : i32 to index
            %get3A_130 = arith.constant 32 : index
            %get3A_131 = tpu.vector_load %arg22[%get3A_129, %get3A_130] {strides = array<i32>} : memref<80x64xf32, #tpu.memory_space<vmem>>, vector<1x16xf32>,
            %get3A_132 = vector.shape_cast %get3A_131 : vector<1x16xf32> to vector<16xf32>
            %add3A_133 = arith.addf %mul3A_128, %get3A_132 : vector<16xf32>
            %swap3A_134 = arith.index_cast %scan3A_82 : i32 to index
            %swap3A_135 = arith.constant 32 : index
            %swap3A_136 = tpu.vector_load %arg20[%swap3A_134, %swap3A_135] {strides = array<i32>} : memref<80x64xf32, #tpu.memory_space<vmem>>, vector<1x16xf32>,
            %swap3A_137 = vector.shape_cast %swap3A_136 : vector<1x16xf32> to vector<16xf32>
            %swap3A_138 = vector.shape_cast %add3A_133 : vector<16xf32> to vector<1x16xf32>
            tpu.vector_store %arg20[%swap3A_134, %swap3A_135], %swap3A_138 {strides = array<i32>} : memref<80x64xf32, #tpu.memory_space<vmem>>, vector<1x16xf32>,
            %get3A_139 = arith.index_cast %scan3A_82 : i32 to index
            %get3A_140 = arith.constant 48 : index
            %get3A_141 = tpu.vector_load %arg20[%get3A_139, %get3A_140] {strides = array<i32>} : memref<80x64xf32, #tpu.memory_space<vmem>>, vector<1x16xf32>,
            %get3A_142 = vector.shape_cast %get3A_141 : vector<1x16xf32> to vector<16xf32>
            %get3A_143 = arith.index_cast %scan3A_82 : i32 to index
            %get3A_144 = arith.constant 48 : index
            %get3A_145 = tpu.vector_load %arg21[%get3A_143, %get3A_144] {strides = array<i32>} : memref<80x64xf32, #tpu.memory_space<vmem>>, vector<1x16xf32>,
            %get3A_146 = vector.shape_cast %get3A_145 : vector<1x16xf32> to vector<16xf32>
            %mul3A_147 = arith.mulf %get3A_142, %get3A_146 : vector<16xf32>
            %get3A_148 = arith.index_cast %scan3A_82 : i32 to index
            %get3A_149 = arith.constant 48 : index
            %get3A_150 = tpu.vector_load %arg22[%get3A_148, %get3A_149] {strides = array<i32>} : memref<80x64xf32, #tpu.memory_space<vmem>>, vector<1x16xf32>,
            %get3A_151 = vector.shape_cast %get3A_150 : vector<1x16xf32> to vector<16xf32>
            %add3A_152 = arith.addf %mul3A_147, %get3A_151 : vector<16xf32>
            %swap3A_153 = arith.index_cast %scan3A_82 : i32 to index
            %swap3A_154 = arith.constant 48 : index
            %swap3A_155 = tpu.vector_load %arg20[%swap3A_153, %swap3A_154] {strides = array<i32>} : memref<80x64xf32, #tpu.memory_space<vmem>>, vector<1x16xf32>,
            %swap3A_156 = vector.shape_cast %swap3A_155 : vector<1x16xf32> to vector<16xf32>
            %swap3A_157 = vector.shape_cast %add3A_152 : vector<16xf32> to vector<1x16xf32>
            tpu.vector_store %arg20[%swap3A_153, %swap3A_154], %swap3A_157 {strides = array<i32>} : memref<80x64xf32, #tpu.memory_space<vmem>>, vector<1x16xf32>,
            %scan3A_158 = arith.constant 0 : i32
            scf.yield %scan3A_158 : i32
          }
          %scan3A_80 = arith.constant 80 : i32
          "tpu.region"() ({
            %run_scoped3A = tpu.sem_alloc : memref<!tpu.dma_semaphore, #tpu.memory_space<semaphore_mem>>
            %dma_start3A = arith.constant 0 : i32
            %dma_start3A_82 = tpu.memref_slice %arg14[%multiple_of3A, %dma_start3A] : memref<10240x64xf32, #tpu.memory_space<hbm>> -> memref<80x64xf32, #tpu.memory_space<hbm>>
            %dma_start3A_83 = arith.constant 0 : i32
            %dma_start3A_84 = tpu.memref_slice %arg14[%multiple_of3A, %dma_start3A_83] : memref<10240x64xf32, #tpu.memory_space<hbm>> -> memref<80x64xf32, #tpu.memory_space<hbm>>
            tpu.enqueue_dma source(%arg20 : memref<80x64xf32, #tpu.memory_space<vmem>>) target(%dma_start3A_84 : memref<80x64xf32, #tpu.memory_space<hbm>>) target_semaphore(%run_scoped3A : memref<!tpu.dma_semaphore, #tpu.memory_space<semaphore_mem>>)
            %dma_wait3A = arith.constant 0 : i32
            %dma_wait3A_85 = tpu.memref_slice %arg14[%multiple_of3A, %dma_wait3A] : memref<10240x64xf32, #tpu.memory_space<hbm>> -> memref<80x64xf32, #tpu.memory_space<hbm>>
            %dma_wait3A_86 = arith.constant 0 : i32
            %dma_wait3A_87 = tpu.memref_slice %arg14[%multiple_of3A, %dma_wait3A_86] : memref<10240x64xf32, #tpu.memory_space<hbm>> -> memref<80x64xf32, #tpu.memory_space<hbm>>
            tpu.wait_dma2 semaphore(%run_scoped3A : memref<!tpu.dma_semaphore, #tpu.memory_space<semaphore_mem>>) src(%arg20 : memref<80x64xf32, #tpu.memory_space<vmem>>) dst(%dma_wait3A_87 : memref<80x64xf32, #tpu.memory_space<hbm>>)
            tpu.yield
          }) : () -> ()
          "tpu.region"() ({
            %run_scoped3A = tpu.sem_alloc : memref<!tpu.dma_semaphore, #tpu.memory_space<semaphore_mem>>
            %dma_start3A = arith.constant 0 : i32
            %dma_start3A_82 = tpu.memref_slice %arg26[%multiple_of3A, %dma_start3A] : memref<10240x64xf32, #tpu.memory_space<vmem_shared>> -> memref<80x64xf32, #tpu.memory_space<vmem_shared>>
            %dma_start3A_83 = arith.constant 0 : i32
            %dma_start3A_84 = tpu.memref_slice %arg26[%multiple_of3A, %dma_start3A_83] : memref<10240x64xf32, #tpu.memory_space<vmem_shared>> -> memref<80x64xf32, #tpu.memory_space<vmem_shared>>
            tpu.enqueue_dma source(%arg20 : memref<80x64xf32, #tpu.memory_space<vmem>>) target(%dma_start3A_84 : memref<80x64xf32, #tpu.memory_space<vmem_shared>>) target_semaphore(%run_scoped3A : memref<!tpu.dma_semaphore, #tpu.memory_space<semaphore_mem>>)
            %dma_wait3A = arith.constant 0 : i32
            %dma_wait3A_85 = tpu.memref_slice %arg26[%multiple_of3A, %dma_wait3A] : memref<10240x64xf32, #tpu.memory_space<vmem_shared>> -> memref<80x64xf32, #tpu.memory_space<vmem_shared>>
            %dma_wait3A_86 = arith.constant 0 : i32
            %dma_wait3A_87 = tpu.memref_slice %arg26[%multiple_of3A, %dma_wait3A_86] : memref<10240x64xf32, #tpu.memory_space<vmem_shared>> -> memref<80x64xf32, #tpu.memory_space<vmem_shared>>
            tpu.wait_dma2 semaphore(%run_scoped3A : memref<!tpu.dma_semaphore, #tpu.memory_space<semaphore_mem>>) src(%arg20 : memref<80x64xf32, #tpu.memory_space<vmem>>) dst(%dma_wait3A_87 : memref<80x64xf32, #tpu.memory_space<vmem_shared>>)
            tpu.yield
          }) : () -> ()
          %scan3A_81 = arith.constant 0 : i32
          scf.yield %scan3A_81 : i32
        }
        %scan3A_69 = arith.constant 8 : i32
      } else {
      }
      %eq3A_56 = arith.constant 1 : i32
      %eq3A_57 = arith.cmpi eq, %arg0, %eq3A_56 : i32
      %convert_element_type3A_58 = arith.extui %eq3A_57 : i1 to i32
      %cond3A_59 = arith.constant 0 : i32
      %cond3A_60 = arith.cmpi ne, %convert_element_type3A_58, %cond3A_59 : i32
      scf.if %cond3A_60 {
        %scan3A_63 = arith.constant 0 : i32
        %scan3A_64 = arith.constant 0 : i32
        %scan3A_65 = arith.constant 8 : i32
        %scan3A_66 = arith.addi %scan3A_64, %scan3A_65 : i32
        %scan3A_67 = arith.constant 1 : i32
        %scan3A_68 = scf.for %scan3A_70 = %scan3A_64 to %scan3A_66 step %scan3A_67 iter_args(%scan3A_71 = %scan3A_63) -> (i32)  : i32 {
          %mul3A_72 = arith.constant 80 : i32
          %mul3A_73 = arith.muli %scan3A_70, %mul3A_72 : i32
          %add3A = arith.addi %mul3A_2, %mul3A_73 : i32
          %multiple_of3A = tpu.assume_multiple %add3A, 8 : i32
          "tpu.region"() ({
            %run_scoped3A = tpu.sem_alloc : memref<!tpu.dma_semaphore, #tpu.memory_space<semaphore_mem>>
            %dma_start3A = arith.constant 0 : i32
            %dma_start3A_82 = tpu.memref_slice %arg27[%multiple_of3A, %dma_start3A] : memref<10240x16xf32, #tpu.memory_space<vmem_shared>> -> memref<80x16xf32, #tpu.memory_space<vmem_shared>>
            %dma_start3A_83 = arith.constant 0 : i32
            %dma_start3A_84 = tpu.memref_slice %arg27[%multiple_of3A, %dma_start3A_83] : memref<10240x16xf32, #tpu.memory_space<vmem_shared>> -> memref<80x16xf32, #tpu.memory_space<vmem_shared>>
            tpu.enqueue_dma source(%dma_start3A_84 : memref<80x16xf32, #tpu.memory_space<vmem_shared>>) target(%arg23 : memref<80x16xf32, #tpu.memory_space<vmem>>) target_semaphore(%run_scoped3A : memref<!tpu.dma_semaphore, #tpu.memory_space<semaphore_mem>>)
            %dma_wait3A = arith.constant 0 : i32
            %dma_wait3A_85 = tpu.memref_slice %arg27[%multiple_of3A, %dma_wait3A] : memref<10240x16xf32, #tpu.memory_space<vmem_shared>> -> memref<80x16xf32, #tpu.memory_space<vmem_shared>>
            %dma_wait3A_86 = arith.constant 0 : i32
            %dma_wait3A_87 = tpu.memref_slice %arg27[%multiple_of3A, %dma_wait3A_86] : memref<10240x16xf32, #tpu.memory_space<vmem_shared>> -> memref<80x16xf32, #tpu.memory_space<vmem_shared>>
            tpu.wait_dma2 semaphore(%run_scoped3A : memref<!tpu.dma_semaphore, #tpu.memory_space<semaphore_mem>>) src(%dma_wait3A_87 : memref<80x16xf32, #tpu.memory_space<vmem_shared>>) dst(%arg23 : memref<80x16xf32, #tpu.memory_space<vmem>>)
            tpu.yield
          }) : () -> ()
          "tpu.region"() ({
            %run_scoped3A = tpu.sem_alloc : memref<!tpu.dma_semaphore, #tpu.memory_space<semaphore_mem>>
            %dma_start3A = arith.constant 0 : i32
            %dma_start3A_82 = tpu.memref_slice %arg10[%multiple_of3A, %dma_start3A] : memref<10240x16xf32, #tpu.memory_space<hbm>> -> memref<80x16xf32, #tpu.memory_space<hbm>>
            %dma_start3A_83 = arith.constant 0 : i32
            %dma_start3A_84 = tpu.memref_slice %arg10[%multiple_of3A, %dma_start3A_83] : memref<10240x16xf32, #tpu.memory_space<hbm>> -> memref<80x16xf32, #tpu.memory_space<hbm>>
            tpu.enqueue_dma source(%dma_start3A_84 : memref<80x16xf32, #tpu.memory_space<hbm>>) target(%arg24 : memref<80x16xf32, #tpu.memory_space<vmem>>) target_semaphore(%run_scoped3A : memref<!tpu.dma_semaphore, #tpu.memory_space<semaphore_mem>>)
            %dma_wait3A = arith.constant 0 : i32
            %dma_wait3A_85 = tpu.memref_slice %arg10[%multiple_of3A, %dma_wait3A] : memref<10240x16xf32, #tpu.memory_space<hbm>> -> memref<80x16xf32, #tpu.memory_space<hbm>>
            %dma_wait3A_86 = arith.constant 0 : i32
            %dma_wait3A_87 = tpu.memref_slice %arg10[%multiple_of3A, %dma_wait3A_86] : memref<10240x16xf32, #tpu.memory_space<hbm>> -> memref<80x16xf32, #tpu.memory_space<hbm>>
            tpu.wait_dma2 semaphore(%run_scoped3A : memref<!tpu.dma_semaphore, #tpu.memory_space<semaphore_mem>>) src(%dma_wait3A_87 : memref<80x16xf32, #tpu.memory_space<hbm>>) dst(%arg24 : memref<80x16xf32, #tpu.memory_space<vmem>>)
            tpu.yield
          }) : () -> ()
          "tpu.region"() ({
            %run_scoped3A = tpu.sem_alloc : memref<!tpu.dma_semaphore, #tpu.memory_space<semaphore_mem>>
            %dma_start3A = arith.constant 0 : i32
            %dma_start3A_82 = tpu.memref_slice %arg11[%multiple_of3A, %dma_start3A] : memref<10240x16xf32, #tpu.memory_space<hbm>> -> memref<80x16xf32, #tpu.memory_space<hbm>>
            %dma_start3A_83 = arith.constant 0 : i32
            %dma_start3A_84 = tpu.memref_slice %arg11[%multiple_of3A, %dma_start3A_83] : memref<10240x16xf32, #tpu.memory_space<hbm>> -> memref<80x16xf32, #tpu.memory_space<hbm>>
            tpu.enqueue_dma source(%dma_start3A_84 : memref<80x16xf32, #tpu.memory_space<hbm>>) target(%arg25 : memref<80x16xf32, #tpu.memory_space<vmem>>) target_semaphore(%run_scoped3A : memref<!tpu.dma_semaphore, #tpu.memory_space<semaphore_mem>>)
            %dma_wait3A = arith.constant 0 : i32
            %dma_wait3A_85 = tpu.memref_slice %arg11[%multiple_of3A, %dma_wait3A] : memref<10240x16xf32, #tpu.memory_space<hbm>> -> memref<80x16xf32, #tpu.memory_space<hbm>>
            %dma_wait3A_86 = arith.constant 0 : i32
            %dma_wait3A_87 = tpu.memref_slice %arg11[%multiple_of3A, %dma_wait3A_86] : memref<10240x16xf32, #tpu.memory_space<hbm>> -> memref<80x16xf32, #tpu.memory_space<hbm>>
            tpu.wait_dma2 semaphore(%run_scoped3A : memref<!tpu.dma_semaphore, #tpu.memory_space<semaphore_mem>>) src(%dma_wait3A_87 : memref<80x16xf32, #tpu.memory_space<hbm>>) dst(%arg25 : memref<80x16xf32, #tpu.memory_space<vmem>>)
            tpu.yield
          }) : () -> ()
          %scan3A_74 = arith.constant 0 : i32
          %scan3A_75 = arith.constant 0 : i32
          %scan3A_76 = arith.constant 80 : i32
          %scan3A_77 = arith.addi %scan3A_75, %scan3A_76 : i32
          %scan3A_78 = arith.constant 1 : i32
          %scan3A_79 = scf.for %scan3A_82 = %scan3A_75 to %scan3A_77 step %scan3A_78 iter_args(%scan3A_83 = %scan3A_74) -> (i32)  : i32 {
            %get3A = arith.index_cast %scan3A_82 : i32 to index
            %get3A_84 = arith.constant 0 : index
            %get3A_85 = tpu.vector_load %arg23[%get3A, %get3A_84] {strides = array<i32>} : memref<80x16xf32, #tpu.memory_space<vmem>>, vector<1x16xf32>,
            %get3A_86 = vector.shape_cast %get3A_85 : vector<1x16xf32> to vector<16xf32>
            %get3A_87 = arith.index_cast %scan3A_82 : i32 to index
            %get3A_88 = arith.constant 0 : index
            %get3A_89 = tpu.vector_load %arg24[%get3A_87, %get3A_88] {strides = array<i32>} : memref<80x16xf32, #tpu.memory_space<vmem>>, vector<1x16xf32>,
            %get3A_90 = vector.shape_cast %get3A_89 : vector<1x16xf32> to vector<16xf32>
            %mul3A_91 = arith.mulf %get3A_86, %get3A_90 : vector<16xf32>
            %get3A_92 = arith.index_cast %scan3A_82 : i32 to index
            %get3A_93 = arith.constant 0 : index
            %get3A_94 = tpu.vector_load %arg25[%get3A_92, %get3A_93] {strides = array<i32>} : memref<80x16xf32, #tpu.memory_space<vmem>>, vector<1x16xf32>,
            %get3A_95 = vector.shape_cast %get3A_94 : vector<1x16xf32> to vector<16xf32>
            %add3A_96 = arith.addf %mul3A_91, %get3A_95 : vector<16xf32>
            %swap3A = arith.index_cast %scan3A_82 : i32 to index
            %swap3A_97 = arith.constant 0 : index
            %swap3A_98 = tpu.vector_load %arg23[%swap3A, %swap3A_97] {strides = array<i32>} : memref<80x16xf32, #tpu.memory_space<vmem>>, vector<1x16xf32>,
            %swap3A_99 = vector.shape_cast %swap3A_98 : vector<1x16xf32> to vector<16xf32>
            %swap3A_100 = vector.shape_cast %add3A_96 : vector<16xf32> to vector<1x16xf32>
            tpu.vector_store %arg23[%swap3A, %swap3A_97], %swap3A_100 {strides = array<i32>} : memref<80x16xf32, #tpu.memory_space<vmem>>, vector<1x16xf32>,
            %scan3A_101 = arith.constant 0 : i32
            scf.yield %scan3A_101 : i32
          }
          %scan3A_80 = arith.constant 80 : i32
          "tpu.region"() ({
            %run_scoped3A = tpu.sem_alloc : memref<!tpu.dma_semaphore, #tpu.memory_space<semaphore_mem>>
            %dma_start3A = arith.constant 0 : i32
            %dma_start3A_82 = tpu.memref_slice %arg15[%multiple_of3A, %dma_start3A] : memref<10240x16xf32, #tpu.memory_space<hbm>> -> memref<80x16xf32, #tpu.memory_space<hbm>>
            %dma_start3A_83 = arith.constant 0 : i32
            %dma_start3A_84 = tpu.memref_slice %arg15[%multiple_of3A, %dma_start3A_83] : memref<10240x16xf32, #tpu.memory_space<hbm>> -> memref<80x16xf32, #tpu.memory_space<hbm>>
            tpu.enqueue_dma source(%arg23 : memref<80x16xf32, #tpu.memory_space<vmem>>) target(%dma_start3A_84 : memref<80x16xf32, #tpu.memory_space<hbm>>) target_semaphore(%run_scoped3A : memref<!tpu.dma_semaphore, #tpu.memory_space<semaphore_mem>>)
            %dma_wait3A = arith.constant 0 : i32
            %dma_wait3A_85 = tpu.memref_slice %arg15[%multiple_of3A, %dma_wait3A] : memref<10240x16xf32, #tpu.memory_space<hbm>> -> memref<80x16xf32, #tpu.memory_space<hbm>>
            %dma_wait3A_86 = arith.constant 0 : i32
            %dma_wait3A_87 = tpu.memref_slice %arg15[%multiple_of3A, %dma_wait3A_86] : memref<10240x16xf32, #tpu.memory_space<hbm>> -> memref<80x16xf32, #tpu.memory_space<hbm>>
            tpu.wait_dma2 semaphore(%run_scoped3A : memref<!tpu.dma_semaphore, #tpu.memory_space<semaphore_mem>>) src(%arg23 : memref<80x16xf32, #tpu.memory_space<vmem>>) dst(%dma_wait3A_87 : memref<80x16xf32, #tpu.memory_space<hbm>>)
            tpu.yield
          }) : () -> ()
          "tpu.region"() ({
            %run_scoped3A = tpu.sem_alloc : memref<!tpu.dma_semaphore, #tpu.memory_space<semaphore_mem>>
            %dma_start3A = arith.constant 0 : i32
            %dma_start3A_82 = tpu.memref_slice %arg27[%multiple_of3A, %dma_start3A] : memref<10240x16xf32, #tpu.memory_space<vmem_shared>> -> memref<80x16xf32, #tpu.memory_space<vmem_shared>>
            %dma_start3A_83 = arith.constant 0 : i32
            %dma_start3A_84 = tpu.memref_slice %arg27[%multiple_of3A, %dma_start3A_83] : memref<10240x16xf32, #tpu.memory_space<vmem_shared>> -> memref<80x16xf32, #tpu.memory_space<vmem_shared>>
            tpu.enqueue_dma source(%arg23 : memref<80x16xf32, #tpu.memory_space<vmem>>) target(%dma_start3A_84 : memref<80x16xf32, #tpu.memory_space<vmem_shared>>) target_semaphore(%run_scoped3A : memref<!tpu.dma_semaphore, #tpu.memory_space<semaphore_mem>>)
            %dma_wait3A = arith.constant 0 : i32
            %dma_wait3A_85 = tpu.memref_slice %arg27[%multiple_of3A, %dma_wait3A] : memref<10240x16xf32, #tpu.memory_space<vmem_shared>> -> memref<80x16xf32, #tpu.memory_space<vmem_shared>>
            %dma_wait3A_86 = arith.constant 0 : i32
            %dma_wait3A_87 = tpu.memref_slice %arg27[%multiple_of3A, %dma_wait3A_86] : memref<10240x16xf32, #tpu.memory_space<vmem_shared>> -> memref<80x16xf32, #tpu.memory_space<vmem_shared>>
            tpu.wait_dma2 semaphore(%run_scoped3A : memref<!tpu.dma_semaphore, #tpu.memory_space<semaphore_mem>>) src(%arg23 : memref<80x16xf32, #tpu.memory_space<vmem>>) dst(%dma_wait3A_87 : memref<80x16xf32, #tpu.memory_space<vmem_shared>>)
            tpu.yield
          }) : () -> ()
          %scan3A_81 = arith.constant 0 : i32
          scf.yield %scan3A_81 : i32
        }
        %scan3A_69 = arith.constant 8 : i32
      } else {
      }
      %barrier3A_61 = arith.constant 0 : index
      tpu.barrier barrier_id(%barrier3A_61)
      %scan3A_62 = arith.constant 0 : i32
      scf.yield %scan3A_62 : i32
    }
    %scan3A_15 = arith.constant 9 : i32
    %eq3A_16 = arith.constant 0 : i32
    %eq3A_17 = arith.cmpi eq, %arg0, %eq3A_16 : i32
    %convert_element_type3A_18 = arith.extui %eq3A_17 : i1 to i32
    %cond3A_19 = arith.constant 0 : i32
    %cond3A_20 = arith.cmpi ne, %convert_element_type3A_18, %cond3A_19 : i32
    scf.if %cond3A_20 {
      %scan3A_38 = arith.constant 0 : i32
      %scan3A_39 = arith.constant 0 : i32
      %scan3A_40 = arith.constant 20 : i32
      %scan3A_41 = arith.addi %scan3A_39, %scan3A_40 : i32
      %scan3A_42 = arith.constant 1 : i32
      %scan3A_43 = scf.for %scan3A_45 = %scan3A_39 to %scan3A_41 step %scan3A_42 iter_args(%scan3A_46 = %scan3A_38) -> (i32)  : i32 {
        %mul3A_47 = arith.constant 8 : i32
        %mul3A_48 = arith.muli %scan3A_45, %mul3A_47 : i32
        %add3A = arith.addi %mul3A_0, %mul3A_48 : i32
        %multiple_of3A = tpu.assume_multiple %add3A, 8 : i32
        "tpu.region"() ({
          %run_scoped3A = tpu.sem_alloc : memref<!tpu.dma_semaphore, #tpu.memory_space<semaphore_mem>>
          %dma_start3A_368 = arith.constant 0 : i32
          %dma_start3A_369 = tpu.memref_slice %arg2[%multiple_of3A, %dma_start3A_368] : memref<2560x128xi32, #tpu.memory_space<hbm>> -> memref<8x128xi32, #tpu.memory_space<hbm>>
          %dma_start3A_370 = arith.constant 0 : i32
          %dma_start3A_371 = tpu.memref_slice %arg2[%multiple_of3A, %dma_start3A_370] : memref<2560x128xi32, #tpu.memory_space<hbm>> -> memref<8x128xi32, #tpu.memory_space<hbm>>
          tpu.enqueue_dma source(%dma_start3A_371 : memref<8x128xi32, #tpu.memory_space<hbm>>) target(%arg16 : memref<8x128xi32, #tpu.memory_space<vmem>>) target_semaphore(%run_scoped3A : memref<!tpu.dma_semaphore, #tpu.memory_space<semaphore_mem>>)
          %dma_wait3A_372 = arith.constant 0 : i32
          %dma_wait3A_373 = tpu.memref_slice %arg2[%multiple_of3A, %dma_wait3A_372] : memref<2560x128xi32, #tpu.memory_space<hbm>> -> memref<8x128xi32, #tpu.memory_space<hbm>>
          %dma_wait3A_374 = arith.constant 0 : i32
          %dma_wait3A_375 = tpu.memref_slice %arg2[%multiple_of3A, %dma_wait3A_374] : memref<2560x128xi32, #tpu.memory_space<hbm>> -> memref<8x128xi32, #tpu.memory_space<hbm>>
          tpu.wait_dma2 semaphore(%run_scoped3A : memref<!tpu.dma_semaphore, #tpu.memory_space<semaphore_mem>>) src(%dma_wait3A_375 : memref<8x128xi32, #tpu.memory_space<hbm>>) dst(%arg16 : memref<8x128xi32, #tpu.memory_space<vmem>>)
          tpu.yield
        }) : () -> ()
        "tpu.region"() ({
          %run_scoped3A = tpu.sem_alloc : memref<!tpu.dma_semaphore, #tpu.memory_space<semaphore_mem>>
          %dma_start3A_368 = arith.constant 0 : i32
          %dma_start3A_369 = tpu.memref_slice %arg3[%multiple_of3A, %dma_start3A_368] : memref<2560x128xi32, #tpu.memory_space<hbm>> -> memref<8x128xi32, #tpu.memory_space<hbm>>
          %dma_start3A_370 = arith.constant 0 : i32
          %dma_start3A_371 = tpu.memref_slice %arg3[%multiple_of3A, %dma_start3A_370] : memref<2560x128xi32, #tpu.memory_space<hbm>> -> memref<8x128xi32, #tpu.memory_space<hbm>>
          tpu.enqueue_dma source(%dma_start3A_371 : memref<8x128xi32, #tpu.memory_space<hbm>>) target(%arg17 : memref<8x128xi32, #tpu.memory_space<vmem>>) target_semaphore(%run_scoped3A : memref<!tpu.dma_semaphore, #tpu.memory_space<semaphore_mem>>)
          %dma_wait3A_372 = arith.constant 0 : i32
          %dma_wait3A_373 = tpu.memref_slice %arg3[%multiple_of3A, %dma_wait3A_372] : memref<2560x128xi32, #tpu.memory_space<hbm>> -> memref<8x128xi32, #tpu.memory_space<hbm>>
          %dma_wait3A_374 = arith.constant 0 : i32
          %dma_wait3A_375 = tpu.memref_slice %arg3[%multiple_of3A, %dma_wait3A_374] : memref<2560x128xi32, #tpu.memory_space<hbm>> -> memref<8x128xi32, #tpu.memory_space<hbm>>
          tpu.wait_dma2 semaphore(%run_scoped3A : memref<!tpu.dma_semaphore, #tpu.memory_space<semaphore_mem>>) src(%dma_wait3A_375 : memref<8x128xi32, #tpu.memory_space<hbm>>) dst(%arg17 : memref<8x128xi32, #tpu.memory_space<vmem>>)
          tpu.yield
        }) : () -> ()
        %dma_start3A = arith.constant 0 : i32
        %dma_start3A_49 = arith.constant 0 : i32
        %dma_start3A_50 = arith.constant 0 : i32
        %dma_start3A_51 = tpu.memref_slice %arg18[%dma_start3A_49, %dma_start3A_50] : memref<640x64xf32, #tpu.memory_space<vmem>> -> memref<128x64xf32, #tpu.memory_space<vmem>>
        %dma_start3A_52 = arith.constant 0 : i32
        %dma_start3A_53 = tpu.memref_slice %arg16[%dma_start3A, %dma_start3A_52] : memref<8x128xi32, #tpu.memory_space<vmem>> -> memref<1x128xi32, #tpu.memory_space<vmem>>
        %dma_start3A_54 = tpu.memref_squeeze %dma_start3A_53 : memref<1x128xi32, #tpu.memory_space<vmem>> -> memref<128xi32, #tpu.memory_space<vmem>>
        %dma_start3A_55 = arith.constant 0 : i32
        %dma_start3A_56 = arith.constant 0 : i32
        %dma_start3A_57 = tpu.memref_slice %arg14[%dma_start3A_55, %dma_start3A_56] : memref<10240x64xf32, #tpu.memory_space<hbm>> -> memref<10240x64xf32, #tpu.memory_space<hbm>>
        tpu.enqueue_indirect_dma source(%dma_start3A_57 : memref<10240x64xf32, #tpu.memory_space<hbm>>) target(%dma_start3A_51 : memref<128x64xf32, #tpu.memory_space<vmem>>) offsets(%dma_start3A_54 : memref<128xi32, #tpu.memory_space<vmem>>) semaphore(%arg29 : memref<!tpu.dma_semaphore, #tpu.memory_space<semaphore_mem>>)
        %dma_start3A_58 = arith.constant 1 : i32
        %dma_start3A_59 = arith.constant 128 : i32
        %dma_start3A_60 = arith.constant 0 : i32
        %dma_start3A_61 = tpu.memref_slice %arg18[%dma_start3A_59, %dma_start3A_60] : memref<640x64xf32, #tpu.memory_space<vmem>> -> memref<128x64xf32, #tpu.memory_space<vmem>>
        %dma_start3A_62 = arith.constant 0 : i32
        %dma_start3A_63 = tpu.memref_slice %arg16[%dma_start3A_58, %dma_start3A_62] : memref<8x128xi32, #tpu.memory_space<vmem>> -> memref<1x128xi32, #tpu.memory_space<vmem>>
        %dma_start3A_64 = tpu.memref_squeeze %dma_start3A_63 : memref<1x128xi32, #tpu.memory_space<vmem>> -> memref<128xi32, #tpu.memory_space<vmem>>
        %dma_start3A_65 = arith.constant 0 : i32
        %dma_start3A_66 = arith.constant 0 : i32
        %dma_start3A_67 = tpu.memref_slice %arg14[%dma_start3A_65, %dma_start3A_66] : memref<10240x64xf32, #tpu.memory_space<hbm>> -> memref<10240x64xf32, #tpu.memory_space<hbm>>
        tpu.enqueue_indirect_dma source(%dma_start3A_67 : memref<10240x64xf32, #tpu.memory_space<hbm>>) target(%dma_start3A_61 : memref<128x64xf32, #tpu.memory_space<vmem>>) offsets(%dma_start3A_64 : memref<128xi32, #tpu.memory_space<vmem>>) semaphore(%arg30 : memref<!tpu.dma_semaphore, #tpu.memory_space<semaphore_mem>>)
        %dma_wait3A = arith.constant 0 : i32
        %dma_wait3A_68 = arith.constant 0 : i32
        %dma_wait3A_69 = arith.constant 0 : i32
        %dma_wait3A_70 = tpu.memref_slice %arg18[%dma_wait3A_68, %dma_wait3A_69] : memref<640x64xf32, #tpu.memory_space<vmem>> -> memref<128x64xf32, #tpu.memory_space<vmem>>
        %dma_wait3A_71 = arith.constant 0 : i32
        %dma_wait3A_72 = tpu.memref_slice %arg16[%dma_wait3A, %dma_wait3A_71] : memref<8x128xi32, #tpu.memory_space<vmem>> -> memref<1x128xi32, #tpu.memory_space<vmem>>
        %dma_wait3A_73 = tpu.memref_squeeze %dma_wait3A_72 : memref<1x128xi32, #tpu.memory_space<vmem>> -> memref<128xi32, #tpu.memory_space<vmem>>
        %dma_wait3A_74 = arith.constant 0 : i32
        %dma_wait3A_75 = arith.constant 0 : i32
        %dma_wait3A_76 = tpu.memref_slice %arg14[%dma_wait3A_74, %dma_wait3A_75] : memref<10240x64xf32, #tpu.memory_space<hbm>> -> memref<10240x64xf32, #tpu.memory_space<hbm>>
        tpu.wait_indirect_dma semaphore(%arg29 : memref<!tpu.dma_semaphore, #tpu.memory_space<semaphore_mem>>) src(%dma_wait3A_76 : memref<10240x64xf32, #tpu.memory_space<hbm>>) dst(%dma_wait3A_70 : memref<128x64xf32, #tpu.memory_space<vmem>>)
        %dma_start3A_77 = arith.constant 0 : i32
        %dma_start3A_78 = arith.constant 0 : i32
        %dma_start3A_79 = arith.constant 0 : i32
        %dma_start3A_80 = tpu.memref_slice %arg18[%dma_start3A_78, %dma_start3A_79] : memref<640x64xf32, #tpu.memory_space<vmem>> -> memref<128x64xf32, #tpu.memory_space<vmem>>
        %dma_start3A_81 = arith.constant 0 : i32
        %dma_start3A_82 = tpu.memref_slice %arg17[%dma_start3A_77, %dma_start3A_81] : memref<8x128xi32, #tpu.memory_space<vmem>> -> memref<1x128xi32, #tpu.memory_space<vmem>>
        %dma_start3A_83 = tpu.memref_squeeze %dma_start3A_82 : memref<1x128xi32, #tpu.memory_space<vmem>> -> memref<128xi32, #tpu.memory_space<vmem>>
        %dma_start3A_84 = arith.constant 0 : i32
        %dma_start3A_85 = arith.constant 0 : i32
        %dma_start3A_86 = tpu.memref_slice %arg26[%dma_start3A_84, %dma_start3A_85] : memref<10240x64xf32, #tpu.memory_space<vmem_shared>> -> memref<10240x64xf32, #tpu.memory_space<vmem_shared>>
        tpu.enqueue_indirect_dma source(%dma_start3A_80 : memref<128x64xf32, #tpu.memory_space<vmem>>) target(%dma_start3A_86 : memref<10240x64xf32, #tpu.memory_space<vmem_shared>>) offsets(%dma_start3A_83 : memref<128xi32, #tpu.memory_space<vmem>>) semaphore(%arg34 : memref<!tpu.dma_semaphore, #tpu.memory_space<semaphore_mem>>) {add = true}
        %dma_start3A_87 = arith.constant 2 : i32
        %dma_start3A_88 = arith.constant 256 : i32
        %dma_start3A_89 = arith.constant 0 : i32
        %dma_start3A_90 = tpu.memref_slice %arg18[%dma_start3A_88, %dma_start3A_89] : memref<640x64xf32, #tpu.memory_space<vmem>> -> memref<128x64xf32, #tpu.memory_space<vmem>>
        %dma_start3A_91 = arith.constant 0 : i32
        %dma_start3A_92 = tpu.memref_slice %arg16[%dma_start3A_87, %dma_start3A_91] : memref<8x128xi32, #tpu.memory_space<vmem>> -> memref<1x128xi32, #tpu.memory_space<vmem>>
        %dma_start3A_93 = tpu.memref_squeeze %dma_start3A_92 : memref<1x128xi32, #tpu.memory_space<vmem>> -> memref<128xi32, #tpu.memory_space<vmem>>
        %dma_start3A_94 = arith.constant 0 : i32
        %dma_start3A_95 = arith.constant 0 : i32
        %dma_start3A_96 = tpu.memref_slice %arg14[%dma_start3A_94, %dma_start3A_95] : memref<10240x64xf32, #tpu.memory_space<hbm>> -> memref<10240x64xf32, #tpu.memory_space<hbm>>
        tpu.enqueue_indirect_dma source(%dma_start3A_96 : memref<10240x64xf32, #tpu.memory_space<hbm>>) target(%dma_start3A_90 : memref<128x64xf32, #tpu.memory_space<vmem>>) offsets(%dma_start3A_93 : memref<128xi32, #tpu.memory_space<vmem>>) semaphore(%arg31 : memref<!tpu.dma_semaphore, #tpu.memory_space<semaphore_mem>>)
        %dma_wait3A_97 = arith.constant 1 : i32
        %dma_wait3A_98 = arith.constant 128 : i32
        %dma_wait3A_99 = arith.constant 0 : i32
        %dma_wait3A_100 = tpu.memref_slice %arg18[%dma_wait3A_98, %dma_wait3A_99] : memref<640x64xf32, #tpu.memory_space<vmem>> -> memref<128x64xf32, #tpu.memory_space<vmem>>
        %dma_wait3A_101 = arith.constant 0 : i32
        %dma_wait3A_102 = tpu.memref_slice %arg16[%dma_wait3A_97, %dma_wait3A_101] : memref<8x128xi32, #tpu.memory_space<vmem>> -> memref<1x128xi32, #tpu.memory_space<vmem>>
        %dma_wait3A_103 = tpu.memref_squeeze %dma_wait3A_102 : memref<1x128xi32, #tpu.memory_space<vmem>> -> memref<128xi32, #tpu.memory_space<vmem>>
        %dma_wait3A_104 = arith.constant 0 : i32
        %dma_wait3A_105 = arith.constant 0 : i32
        %dma_wait3A_106 = tpu.memref_slice %arg14[%dma_wait3A_104, %dma_wait3A_105] : memref<10240x64xf32, #tpu.memory_space<hbm>> -> memref<10240x64xf32, #tpu.memory_space<hbm>>
        tpu.wait_indirect_dma semaphore(%arg30 : memref<!tpu.dma_semaphore, #tpu.memory_space<semaphore_mem>>) src(%dma_wait3A_106 : memref<10240x64xf32, #tpu.memory_space<hbm>>) dst(%dma_wait3A_100 : memref<128x64xf32, #tpu.memory_space<vmem>>)
        %dma_start3A_107 = arith.constant 1 : i32
        %dma_start3A_108 = arith.constant 128 : i32
        %dma_start3A_109 = arith.constant 0 : i32
        %dma_start3A_110 = tpu.memref_slice %arg18[%dma_start3A_108, %dma_start3A_109] : memref<640x64xf32, #tpu.memory_space<vmem>> -> memref<128x64xf32, #tpu.memory_space<vmem>>
        %dma_start3A_111 = arith.constant 0 : i32
        %dma_start3A_112 = tpu.memref_slice %arg17[%dma_start3A_107, %dma_start3A_111] : memref<8x128xi32, #tpu.memory_space<vmem>> -> memref<1x128xi32, #tpu.memory_space<vmem>>
        %dma_start3A_113 = tpu.memref_squeeze %dma_start3A_112 : memref<1x128xi32, #tpu.memory_space<vmem>> -> memref<128xi32, #tpu.memory_space<vmem>>
        %dma_start3A_114 = arith.constant 0 : i32
        %dma_start3A_115 = arith.constant 0 : i32
        %dma_start3A_116 = tpu.memref_slice %arg26[%dma_start3A_114, %dma_start3A_115] : memref<10240x64xf32, #tpu.memory_space<vmem_shared>> -> memref<10240x64xf32, #tpu.memory_space<vmem_shared>>
        tpu.enqueue_indirect_dma source(%dma_start3A_110 : memref<128x64xf32, #tpu.memory_space<vmem>>) target(%dma_start3A_116 : memref<10240x64xf32, #tpu.memory_space<vmem_shared>>) offsets(%dma_start3A_113 : memref<128xi32, #tpu.memory_space<vmem>>) semaphore(%arg35 : memref<!tpu.dma_semaphore, #tpu.memory_space<semaphore_mem>>) {add = true}
        %dma_start3A_117 = arith.constant 3 : i32
        %dma_start3A_118 = arith.constant 384 : i32
        %dma_start3A_119 = arith.constant 0 : i32
        %dma_start3A_120 = tpu.memref_slice %arg18[%dma_start3A_118, %dma_start3A_119] : memref<640x64xf32, #tpu.memory_space<vmem>> -> memref<128x64xf32, #tpu.memory_space<vmem>>
        %dma_start3A_121 = arith.constant 0 : i32
        %dma_start3A_122 = tpu.memref_slice %arg16[%dma_start3A_117, %dma_start3A_121] : memref<8x128xi32, #tpu.memory_space<vmem>> -> memref<1x128xi32, #tpu.memory_space<vmem>>
        %dma_start3A_123 = tpu.memref_squeeze %dma_start3A_122 : memref<1x128xi32, #tpu.memory_space<vmem>> -> memref<128xi32, #tpu.memory_space<vmem>>
        %dma_start3A_124 = arith.constant 0 : i32
        %dma_start3A_125 = arith.constant 0 : i32
        %dma_start3A_126 = tpu.memref_slice %arg14[%dma_start3A_124, %dma_start3A_125] : memref<10240x64xf32, #tpu.memory_space<hbm>> -> memref<10240x64xf32, #tpu.memory_space<hbm>>
        tpu.enqueue_indirect_dma source(%dma_start3A_126 : memref<10240x64xf32, #tpu.memory_space<hbm>>) target(%dma_start3A_120 : memref<128x64xf32, #tpu.memory_space<vmem>>) offsets(%dma_start3A_123 : memref<128xi32, #tpu.memory_space<vmem>>) semaphore(%arg32 : memref<!tpu.dma_semaphore, #tpu.memory_space<semaphore_mem>>)
        %dma_wait3A_127 = arith.constant 2 : i32
        %dma_wait3A_128 = arith.constant 256 : i32
        %dma_wait3A_129 = arith.constant 0 : i32
        %dma_wait3A_130 = tpu.memref_slice %arg18[%dma_wait3A_128, %dma_wait3A_129] : memref<640x64xf32, #tpu.memory_space<vmem>> -> memref<128x64xf32, #tpu.memory_space<vmem>>
        %dma_wait3A_131 = arith.constant 0 : i32
        %dma_wait3A_132 = tpu.memref_slice %arg16[%dma_wait3A_127, %dma_wait3A_131] : memref<8x128xi32, #tpu.memory_space<vmem>> -> memref<1x128xi32, #tpu.memory_space<vmem>>
        %dma_wait3A_133 = tpu.memref_squeeze %dma_wait3A_132 : memref<1x128xi32, #tpu.memory_space<vmem>> -> memref<128xi32, #tpu.memory_space<vmem>>
        %dma_wait3A_134 = arith.constant 0 : i32
        %dma_wait3A_135 = arith.constant 0 : i32
        %dma_wait3A_136 = tpu.memref_slice %arg14[%dma_wait3A_134, %dma_wait3A_135] : memref<10240x64xf32, #tpu.memory_space<hbm>> -> memref<10240x64xf32, #tpu.memory_space<hbm>>
        tpu.wait_indirect_dma semaphore(%arg31 : memref<!tpu.dma_semaphore, #tpu.memory_space<semaphore_mem>>) src(%dma_wait3A_136 : memref<10240x64xf32, #tpu.memory_space<hbm>>) dst(%dma_wait3A_130 : memref<128x64xf32, #tpu.memory_space<vmem>>)
        %dma_start3A_137 = arith.constant 2 : i32
        %dma_start3A_138 = arith.constant 256 : i32
        %dma_start3A_139 = arith.constant 0 : i32
        %dma_start3A_140 = tpu.memref_slice %arg18[%dma_start3A_138, %dma_start3A_139] : memref<640x64xf32, #tpu.memory_space<vmem>> -> memref<128x64xf32, #tpu.memory_space<vmem>>
        %dma_start3A_141 = arith.constant 0 : i32
        %dma_start3A_142 = tpu.memref_slice %arg17[%dma_start3A_137, %dma_start3A_141] : memref<8x128xi32, #tpu.memory_space<vmem>> -> memref<1x128xi32, #tpu.memory_space<vmem>>
        %dma_start3A_143 = tpu.memref_squeeze %dma_start3A_142 : memref<1x128xi32, #tpu.memory_space<vmem>> -> memref<128xi32, #tpu.memory_space<vmem>>
        %dma_start3A_144 = arith.constant 0 : i32
        %dma_start3A_145 = arith.constant 0 : i32
        %dma_start3A_146 = tpu.memref_slice %arg26[%dma_start3A_144, %dma_start3A_145] : memref<10240x64xf32, #tpu.memory_space<vmem_shared>> -> memref<10240x64xf32, #tpu.memory_space<vmem_shared>>
        tpu.enqueue_indirect_dma source(%dma_start3A_140 : memref<128x64xf32, #tpu.memory_space<vmem>>) target(%dma_start3A_146 : memref<10240x64xf32, #tpu.memory_space<vmem_shared>>) offsets(%dma_start3A_143 : memref<128xi32, #tpu.memory_space<vmem>>) semaphore(%arg36 : memref<!tpu.dma_semaphore, #tpu.memory_space<semaphore_mem>>) {add = true}
        %dma_start3A_147 = arith.constant 4 : i32
        %dma_start3A_148 = arith.constant 512 : i32
        %dma_start3A_149 = arith.constant 0 : i32
        %dma_start3A_150 = tpu.memref_slice %arg18[%dma_start3A_148, %dma_start3A_149] : memref<640x64xf32, #tpu.memory_space<vmem>> -> memref<128x64xf32, #tpu.memory_space<vmem>>
        %dma_start3A_151 = arith.constant 0 : i32
        %dma_start3A_152 = tpu.memref_slice %arg16[%dma_start3A_147, %dma_start3A_151] : memref<8x128xi32, #tpu.memory_space<vmem>> -> memref<1x128xi32, #tpu.memory_space<vmem>>
        %dma_start3A_153 = tpu.memref_squeeze %dma_start3A_152 : memref<1x128xi32, #tpu.memory_space<vmem>> -> memref<128xi32, #tpu.memory_space<vmem>>
        %dma_start3A_154 = arith.constant 0 : i32
        %dma_start3A_155 = arith.constant 0 : i32
        %dma_start3A_156 = tpu.memref_slice %arg14[%dma_start3A_154, %dma_start3A_155] : memref<10240x64xf32, #tpu.memory_space<hbm>> -> memref<10240x64xf32, #tpu.memory_space<hbm>>
        tpu.enqueue_indirect_dma source(%dma_start3A_156 : memref<10240x64xf32, #tpu.memory_space<hbm>>) target(%dma_start3A_150 : memref<128x64xf32, #tpu.memory_space<vmem>>) offsets(%dma_start3A_153 : memref<128xi32, #tpu.memory_space<vmem>>) semaphore(%arg33 : memref<!tpu.dma_semaphore, #tpu.memory_space<semaphore_mem>>)
        %dma_wait3A_157 = arith.constant 3 : i32
        %dma_wait3A_158 = arith.constant 384 : i32
        %dma_wait3A_159 = arith.constant 0 : i32
        %dma_wait3A_160 = tpu.memref_slice %arg18[%dma_wait3A_158, %dma_wait3A_159] : memref<640x64xf32, #tpu.memory_space<vmem>> -> memref<128x64xf32, #tpu.memory_space<vmem>>
        %dma_wait3A_161 = arith.constant 0 : i32
        %dma_wait3A_162 = tpu.memref_slice %arg16[%dma_wait3A_157, %dma_wait3A_161] : memref<8x128xi32, #tpu.memory_space<vmem>> -> memref<1x128xi32, #tpu.memory_space<vmem>>
        %dma_wait3A_163 = tpu.memref_squeeze %dma_wait3A_162 : memref<1x128xi32, #tpu.memory_space<vmem>> -> memref<128xi32, #tpu.memory_space<vmem>>
        %dma_wait3A_164 = arith.constant 0 : i32
        %dma_wait3A_165 = arith.constant 0 : i32
        %dma_wait3A_166 = tpu.memref_slice %arg14[%dma_wait3A_164, %dma_wait3A_165] : memref<10240x64xf32, #tpu.memory_space<hbm>> -> memref<10240x64xf32, #tpu.memory_space<hbm>>
        tpu.wait_indirect_dma semaphore(%arg32 : memref<!tpu.dma_semaphore, #tpu.memory_space<semaphore_mem>>) src(%dma_wait3A_166 : memref<10240x64xf32, #tpu.memory_space<hbm>>) dst(%dma_wait3A_160 : memref<128x64xf32, #tpu.memory_space<vmem>>)
        %dma_start3A_167 = arith.constant 3 : i32
        %dma_start3A_168 = arith.constant 384 : i32
        %dma_start3A_169 = arith.constant 0 : i32
        %dma_start3A_170 = tpu.memref_slice %arg18[%dma_start3A_168, %dma_start3A_169] : memref<640x64xf32, #tpu.memory_space<vmem>> -> memref<128x64xf32, #tpu.memory_space<vmem>>
        %dma_start3A_171 = arith.constant 0 : i32
        %dma_start3A_172 = tpu.memref_slice %arg17[%dma_start3A_167, %dma_start3A_171] : memref<8x128xi32, #tpu.memory_space<vmem>> -> memref<1x128xi32, #tpu.memory_space<vmem>>
        %dma_start3A_173 = tpu.memref_squeeze %dma_start3A_172 : memref<1x128xi32, #tpu.memory_space<vmem>> -> memref<128xi32, #tpu.memory_space<vmem>>
        %dma_start3A_174 = arith.constant 0 : i32
        %dma_start3A_175 = arith.constant 0 : i32
        %dma_start3A_176 = tpu.memref_slice %arg26[%dma_start3A_174, %dma_start3A_175] : memref<10240x64xf32, #tpu.memory_space<vmem_shared>> -> memref<10240x64xf32, #tpu.memory_space<vmem_shared>>
        tpu.enqueue_indirect_dma source(%dma_start3A_170 : memref<128x64xf32, #tpu.memory_space<vmem>>) target(%dma_start3A_176 : memref<10240x64xf32, #tpu.memory_space<vmem_shared>>) offsets(%dma_start3A_173 : memref<128xi32, #tpu.memory_space<vmem>>) semaphore(%arg37 : memref<!tpu.dma_semaphore, #tpu.memory_space<semaphore_mem>>) {add = true}
        %dma_wait3A_177 = arith.constant 0 : i32
        %dma_wait3A_178 = arith.constant 0 : i32
        %dma_wait3A_179 = arith.constant 0 : i32
        %dma_wait3A_180 = tpu.memref_slice %arg18[%dma_wait3A_178, %dma_wait3A_179] : memref<640x64xf32, #tpu.memory_space<vmem>> -> memref<128x64xf32, #tpu.memory_space<vmem>>
        %dma_wait3A_181 = arith.constant 0 : i32
        %dma_wait3A_182 = tpu.memref_slice %arg17[%dma_wait3A_177, %dma_wait3A_181] : memref<8x128xi32, #tpu.memory_space<vmem>> -> memref<1x128xi32, #tpu.memory_space<vmem>>
        %dma_wait3A_183 = tpu.memref_squeeze %dma_wait3A_182 : memref<1x128xi32, #tpu.memory_space<vmem>> -> memref<128xi32, #tpu.memory_space<vmem>>
        %dma_wait3A_184 = arith.constant 0 : i32
        %dma_wait3A_185 = arith.constant 0 : i32
        %dma_wait3A_186 = tpu.memref_slice %arg26[%dma_wait3A_184, %dma_wait3A_185] : memref<10240x64xf32, #tpu.memory_space<vmem_shared>> -> memref<10240x64xf32, #tpu.memory_space<vmem_shared>>
        tpu.wait_indirect_dma semaphore(%arg34 : memref<!tpu.dma_semaphore, #tpu.memory_space<semaphore_mem>>) src(%dma_wait3A_180 : memref<128x64xf32, #tpu.memory_space<vmem>>) dst(%dma_wait3A_186 : memref<10240x64xf32, #tpu.memory_space<vmem_shared>>)
        %dma_start3A_187 = arith.constant 5 : i32
        %dma_start3A_188 = arith.constant 0 : i32
        %dma_start3A_189 = arith.constant 0 : i32
        %dma_start3A_190 = tpu.memref_slice %arg18[%dma_start3A_188, %dma_start3A_189] : memref<640x64xf32, #tpu.memory_space<vmem>> -> memref<128x64xf32, #tpu.memory_space<vmem>>
        %dma_start3A_191 = arith.constant 0 : i32
        %dma_start3A_192 = tpu.memref_slice %arg16[%dma_start3A_187, %dma_start3A_191] : memref<8x128xi32, #tpu.memory_space<vmem>> -> memref<1x128xi32, #tpu.memory_space<vmem>>
        %dma_start3A_193 = tpu.memref_squeeze %dma_start3A_192 : memref<1x128xi32, #tpu.memory_space<vmem>> -> memref<128xi32, #tpu.memory_space<vmem>>
        %dma_start3A_194 = arith.constant 0 : i32
        %dma_start3A_195 = arith.constant 0 : i32
        %dma_start3A_196 = tpu.memref_slice %arg14[%dma_start3A_194, %dma_start3A_195] : memref<10240x64xf32, #tpu.memory_space<hbm>> -> memref<10240x64xf32, #tpu.memory_space<hbm>>
        tpu.enqueue_indirect_dma source(%dma_start3A_196 : memref<10240x64xf32, #tpu.memory_space<hbm>>) target(%dma_start3A_190 : memref<128x64xf32, #tpu.memory_space<vmem>>) offsets(%dma_start3A_193 : memref<128xi32, #tpu.memory_space<vmem>>) semaphore(%arg29 : memref<!tpu.dma_semaphore, #tpu.memory_space<semaphore_mem>>)
        %dma_wait3A_197 = arith.constant 4 : i32
        %dma_wait3A_198 = arith.constant 512 : i32
        %dma_wait3A_199 = arith.constant 0 : i32
        %dma_wait3A_200 = tpu.memref_slice %arg18[%dma_wait3A_198, %dma_wait3A_199] : memref<640x64xf32, #tpu.memory_space<vmem>> -> memref<128x64xf32, #tpu.memory_space<vmem>>
        %dma_wait3A_201 = arith.constant 0 : i32
        %dma_wait3A_202 = tpu.memref_slice %arg16[%dma_wait3A_197, %dma_wait3A_201] : memref<8x128xi32, #tpu.memory_space<vmem>> -> memref<1x128xi32, #tpu.memory_space<vmem>>
        %dma_wait3A_203 = tpu.memref_squeeze %dma_wait3A_202 : memref<1x128xi32, #tpu.memory_space<vmem>> -> memref<128xi32, #tpu.memory_space<vmem>>
        %dma_wait3A_204 = arith.constant 0 : i32
        %dma_wait3A_205 = arith.constant 0 : i32
        %dma_wait3A_206 = tpu.memref_slice %arg14[%dma_wait3A_204, %dma_wait3A_205] : memref<10240x64xf32, #tpu.memory_space<hbm>> -> memref<10240x64xf32, #tpu.memory_space<hbm>>
        tpu.wait_indirect_dma semaphore(%arg33 : memref<!tpu.dma_semaphore, #tpu.memory_space<semaphore_mem>>) src(%dma_wait3A_206 : memref<10240x64xf32, #tpu.memory_space<hbm>>) dst(%dma_wait3A_200 : memref<128x64xf32, #tpu.memory_space<vmem>>)
        %dma_start3A_207 = arith.constant 4 : i32
        %dma_start3A_208 = arith.constant 512 : i32
        %dma_start3A_209 = arith.constant 0 : i32
        %dma_start3A_210 = tpu.memref_slice %arg18[%dma_start3A_208, %dma_start3A_209] : memref<640x64xf32, #tpu.memory_space<vmem>> -> memref<128x64xf32, #tpu.memory_space<vmem>>
        %dma_start3A_211 = arith.constant 0 : i32
        %dma_start3A_212 = tpu.memref_slice %arg17[%dma_start3A_207, %dma_start3A_211] : memref<8x128xi32, #tpu.memory_space<vmem>> -> memref<1x128xi32, #tpu.memory_space<vmem>>
        %dma_start3A_213 = tpu.memref_squeeze %dma_start3A_212 : memref<1x128xi32, #tpu.memory_space<vmem>> -> memref<128xi32, #tpu.memory_space<vmem>>
        %dma_start3A_214 = arith.constant 0 : i32
        %dma_start3A_215 = arith.constant 0 : i32
        %dma_start3A_216 = tpu.memref_slice %arg26[%dma_start3A_214, %dma_start3A_215] : memref<10240x64xf32, #tpu.memory_space<vmem_shared>> -> memref<10240x64xf32, #tpu.memory_space<vmem_shared>>
        tpu.enqueue_indirect_dma source(%dma_start3A_210 : memref<128x64xf32, #tpu.memory_space<vmem>>) target(%dma_start3A_216 : memref<10240x64xf32, #tpu.memory_space<vmem_shared>>) offsets(%dma_start3A_213 : memref<128xi32, #tpu.memory_space<vmem>>) semaphore(%arg38 : memref<!tpu.dma_semaphore, #tpu.memory_space<semaphore_mem>>) {add = true}
        %dma_wait3A_217 = arith.constant 1 : i32
        %dma_wait3A_218 = arith.constant 128 : i32
        %dma_wait3A_219 = arith.constant 0 : i32
        %dma_wait3A_220 = tpu.memref_slice %arg18[%dma_wait3A_218, %dma_wait3A_219] : memref<640x64xf32, #tpu.memory_space<vmem>> -> memref<128x64xf32, #tpu.memory_space<vmem>>
        %dma_wait3A_221 = arith.constant 0 : i32
        %dma_wait3A_222 = tpu.memref_slice %arg17[%dma_wait3A_217, %dma_wait3A_221] : memref<8x128xi32, #tpu.memory_space<vmem>> -> memref<1x128xi32, #tpu.memory_space<vmem>>
        %dma_wait3A_223 = tpu.memref_squeeze %dma_wait3A_222 : memref<1x128xi32, #tpu.memory_space<vmem>> -> memref<128xi32, #tpu.memory_space<vmem>>
        %dma_wait3A_224 = arith.constant 0 : i32
        %dma_wait3A_225 = arith.constant 0 : i32
        %dma_wait3A_226 = tpu.memref_slice %arg26[%dma_wait3A_224, %dma_wait3A_225] : memref<10240x64xf32, #tpu.memory_space<vmem_shared>> -> memref<10240x64xf32, #tpu.memory_space<vmem_shared>>
        tpu.wait_indirect_dma semaphore(%arg35 : memref<!tpu.dma_semaphore, #tpu.memory_space<semaphore_mem>>) src(%dma_wait3A_220 : memref<128x64xf32, #tpu.memory_space<vmem>>) dst(%dma_wait3A_226 : memref<10240x64xf32, #tpu.memory_space<vmem_shared>>)
        %dma_start3A_227 = arith.constant 6 : i32
        %dma_start3A_228 = arith.constant 128 : i32
        %dma_start3A_229 = arith.constant 0 : i32
        %dma_start3A_230 = tpu.memref_slice %arg18[%dma_start3A_228, %dma_start3A_229] : memref<640x64xf32, #tpu.memory_space<vmem>> -> memref<128x64xf32, #tpu.memory_space<vmem>>
        %dma_start3A_231 = arith.constant 0 : i32
        %dma_start3A_232 = tpu.memref_slice %arg16[%dma_start3A_227, %dma_start3A_231] : memref<8x128xi32, #tpu.memory_space<vmem>> -> memref<1x128xi32, #tpu.memory_space<vmem>>
        %dma_start3A_233 = tpu.memref_squeeze %dma_start3A_232 : memref<1x128xi32, #tpu.memory_space<vmem>> -> memref<128xi32, #tpu.memory_space<vmem>>
        %dma_start3A_234 = arith.constant 0 : i32
        %dma_start3A_235 = arith.constant 0 : i32
        %dma_start3A_236 = tpu.memref_slice %arg14[%dma_start3A_234, %dma_start3A_235] : memref<10240x64xf32, #tpu.memory_space<hbm>> -> memref<10240x64xf32, #tpu.memory_space<hbm>>
        tpu.enqueue_indirect_dma source(%dma_start3A_236 : memref<10240x64xf32, #tpu.memory_space<hbm>>) target(%dma_start3A_230 : memref<128x64xf32, #tpu.memory_space<vmem>>) offsets(%dma_start3A_233 : memref<128xi32, #tpu.memory_space<vmem>>) semaphore(%arg30 : memref<!tpu.dma_semaphore, #tpu.memory_space<semaphore_mem>>)
        %dma_wait3A_237 = arith.constant 5 : i32
        %dma_wait3A_238 = arith.constant 0 : i32
        %dma_wait3A_239 = arith.constant 0 : i32
        %dma_wait3A_240 = tpu.memref_slice %arg18[%dma_wait3A_238, %dma_wait3A_239] : memref<640x64xf32, #tpu.memory_space<vmem>> -> memref<128x64xf32, #tpu.memory_space<vmem>>
        %dma_wait3A_241 = arith.constant 0 : i32
        %dma_wait3A_242 = tpu.memref_slice %arg16[%dma_wait3A_237, %dma_wait3A_241] : memref<8x128xi32, #tpu.memory_space<vmem>> -> memref<1x128xi32, #tpu.memory_space<vmem>>
        %dma_wait3A_243 = tpu.memref_squeeze %dma_wait3A_242 : memref<1x128xi32, #tpu.memory_space<vmem>> -> memref<128xi32, #tpu.memory_space<vmem>>
        %dma_wait3A_244 = arith.constant 0 : i32
        %dma_wait3A_245 = arith.constant 0 : i32
        %dma_wait3A_246 = tpu.memref_slice %arg14[%dma_wait3A_244, %dma_wait3A_245] : memref<10240x64xf32, #tpu.memory_space<hbm>> -> memref<10240x64xf32, #tpu.memory_space<hbm>>
        tpu.wait_indirect_dma semaphore(%arg29 : memref<!tpu.dma_semaphore, #tpu.memory_space<semaphore_mem>>) src(%dma_wait3A_246 : memref<10240x64xf32, #tpu.memory_space<hbm>>) dst(%dma_wait3A_240 : memref<128x64xf32, #tpu.memory_space<vmem>>)
        %dma_start3A_247 = arith.constant 5 : i32
        %dma_start3A_248 = arith.constant 0 : i32
        %dma_start3A_249 = arith.constant 0 : i32
        %dma_start3A_250 = tpu.memref_slice %arg18[%dma_start3A_248, %dma_start3A_249] : memref<640x64xf32, #tpu.memory_space<vmem>> -> memref<128x64xf32, #tpu.memory_space<vmem>>
        %dma_start3A_251 = arith.constant 0 : i32
        %dma_start3A_252 = tpu.memref_slice %arg17[%dma_start3A_247, %dma_start3A_251] : memref<8x128xi32, #tpu.memory_space<vmem>> -> memref<1x128xi32, #tpu.memory_space<vmem>>
        %dma_start3A_253 = tpu.memref_squeeze %dma_start3A_252 : memref<1x128xi32, #tpu.memory_space<vmem>> -> memref<128xi32, #tpu.memory_space<vmem>>
        %dma_start3A_254 = arith.constant 0 : i32
        %dma_start3A_255 = arith.constant 0 : i32
        %dma_start3A_256 = tpu.memref_slice %arg26[%dma_start3A_254, %dma_start3A_255] : memref<10240x64xf32, #tpu.memory_space<vmem_shared>> -> memref<10240x64xf32, #tpu.memory_space<vmem_shared>>
        tpu.enqueue_indirect_dma source(%dma_start3A_250 : memref<128x64xf32, #tpu.memory_space<vmem>>) target(%dma_start3A_256 : memref<10240x64xf32, #tpu.memory_space<vmem_shared>>) offsets(%dma_start3A_253 : memref<128xi32, #tpu.memory_space<vmem>>) semaphore(%arg34 : memref<!tpu.dma_semaphore, #tpu.memory_space<semaphore_mem>>) {add = true}
        %dma_wait3A_257 = arith.constant 2 : i32
        %dma_wait3A_258 = arith.constant 256 : i32
        %dma_wait3A_259 = arith.constant 0 : i32
        %dma_wait3A_260 = tpu.memref_slice %arg18[%dma_wait3A_258, %dma_wait3A_259] : memref<640x64xf32, #tpu.memory_space<vmem>> -> memref<128x64xf32, #tpu.memory_space<vmem>>
        %dma_wait3A_261 = arith.constant 0 : i32
        %dma_wait3A_262 = tpu.memref_slice %arg17[%dma_wait3A_257, %dma_wait3A_261] : memref<8x128xi32, #tpu.memory_space<vmem>> -> memref<1x128xi32, #tpu.memory_space<vmem>>
        %dma_wait3A_263 = tpu.memref_squeeze %dma_wait3A_262 : memref<1x128xi32, #tpu.memory_space<vmem>> -> memref<128xi32, #tpu.memory_space<vmem>>
        %dma_wait3A_264 = arith.constant 0 : i32
        %dma_wait3A_265 = arith.constant 0 : i32
        %dma_wait3A_266 = tpu.memref_slice %arg26[%dma_wait3A_264, %dma_wait3A_265] : memref<10240x64xf32, #tpu.memory_space<vmem_shared>> -> memref<10240x64xf32, #tpu.memory_space<vmem_shared>>
        tpu.wait_indirect_dma semaphore(%arg36 : memref<!tpu.dma_semaphore, #tpu.memory_space<semaphore_mem>>) src(%dma_wait3A_260 : memref<128x64xf32, #tpu.memory_space<vmem>>) dst(%dma_wait3A_266 : memref<10240x64xf32, #tpu.memory_space<vmem_shared>>)
        %dma_start3A_267 = arith.constant 7 : i32
        %dma_start3A_268 = arith.constant 256 : i32
        %dma_start3A_269 = arith.constant 0 : i32
        %dma_start3A_270 = tpu.memref_slice %arg18[%dma_start3A_268, %dma_start3A_269] : memref<640x64xf32, #tpu.memory_space<vmem>> -> memref<128x64xf32, #tpu.memory_space<vmem>>
        %dma_start3A_271 = arith.constant 0 : i32
        %dma_start3A_272 = tpu.memref_slice %arg16[%dma_start3A_267, %dma_start3A_271] : memref<8x128xi32, #tpu.memory_space<vmem>> -> memref<1x128xi32, #tpu.memory_space<vmem>>
        %dma_start3A_273 = tpu.memref_squeeze %dma_start3A_272 : memref<1x128xi32, #tpu.memory_space<vmem>> -> memref<128xi32, #tpu.memory_space<vmem>>
        %dma_start3A_274 = arith.constant 0 : i32
        %dma_start3A_275 = arith.constant 0 : i32
        %dma_start3A_276 = tpu.memref_slice %arg14[%dma_start3A_274, %dma_start3A_275] : memref<10240x64xf32, #tpu.memory_space<hbm>> -> memref<10240x64xf32, #tpu.memory_space<hbm>>
        tpu.enqueue_indirect_dma source(%dma_start3A_276 : memref<10240x64xf32, #tpu.memory_space<hbm>>) target(%dma_start3A_270 : memref<128x64xf32, #tpu.memory_space<vmem>>) offsets(%dma_start3A_273 : memref<128xi32, #tpu.memory_space<vmem>>) semaphore(%arg31 : memref<!tpu.dma_semaphore, #tpu.memory_space<semaphore_mem>>)
        %dma_wait3A_277 = arith.constant 6 : i32
        %dma_wait3A_278 = arith.constant 128 : i32
        %dma_wait3A_279 = arith.constant 0 : i32
        %dma_wait3A_280 = tpu.memref_slice %arg18[%dma_wait3A_278, %dma_wait3A_279] : memref<640x64xf32, #tpu.memory_space<vmem>> -> memref<128x64xf32, #tpu.memory_space<vmem>>
        %dma_wait3A_281 = arith.constant 0 : i32
        %dma_wait3A_282 = tpu.memref_slice %arg16[%dma_wait3A_277, %dma_wait3A_281] : memref<8x128xi32, #tpu.memory_space<vmem>> -> memref<1x128xi32, #tpu.memory_space<vmem>>
        %dma_wait3A_283 = tpu.memref_squeeze %dma_wait3A_282 : memref<1x128xi32, #tpu.memory_space<vmem>> -> memref<128xi32, #tpu.memory_space<vmem>>
        %dma_wait3A_284 = arith.constant 0 : i32
        %dma_wait3A_285 = arith.constant 0 : i32
        %dma_wait3A_286 = tpu.memref_slice %arg14[%dma_wait3A_284, %dma_wait3A_285] : memref<10240x64xf32, #tpu.memory_space<hbm>> -> memref<10240x64xf32, #tpu.memory_space<hbm>>
        tpu.wait_indirect_dma semaphore(%arg30 : memref<!tpu.dma_semaphore, #tpu.memory_space<semaphore_mem>>) src(%dma_wait3A_286 : memref<10240x64xf32, #tpu.memory_space<hbm>>) dst(%dma_wait3A_280 : memref<128x64xf32, #tpu.memory_space<vmem>>)
        %dma_start3A_287 = arith.constant 6 : i32
        %dma_start3A_288 = arith.constant 128 : i32
        %dma_start3A_289 = arith.constant 0 : i32
        %dma_start3A_290 = tpu.memref_slice %arg18[%dma_start3A_288, %dma_start3A_289] : memref<640x64xf32, #tpu.memory_space<vmem>> -> memref<128x64xf32, #tpu.memory_space<vmem>>
        %dma_start3A_291 = arith.constant 0 : i32
        %dma_start3A_292 = tpu.memref_slice %arg17[%dma_start3A_287, %dma_start3A_291] : memref<8x128xi32, #tpu.memory_space<vmem>> -> memref<1x128xi32, #tpu.memory_space<vmem>>
        %dma_start3A_293 = tpu.memref_squeeze %dma_start3A_292 : memref<1x128xi32, #tpu.memory_space<vmem>> -> memref<128xi32, #tpu.memory_space<vmem>>
        %dma_start3A_294 = arith.constant 0 : i32
        %dma_start3A_295 = arith.constant 0 : i32
        %dma_start3A_296 = tpu.memref_slice %arg26[%dma_start3A_294, %dma_start3A_295] : memref<10240x64xf32, #tpu.memory_space<vmem_shared>> -> memref<10240x64xf32, #tpu.memory_space<vmem_shared>>
        tpu.enqueue_indirect_dma source(%dma_start3A_290 : memref<128x64xf32, #tpu.memory_space<vmem>>) target(%dma_start3A_296 : memref<10240x64xf32, #tpu.memory_space<vmem_shared>>) offsets(%dma_start3A_293 : memref<128xi32, #tpu.memory_space<vmem>>) semaphore(%arg35 : memref<!tpu.dma_semaphore, #tpu.memory_space<semaphore_mem>>) {add = true}
        %dma_wait3A_297 = arith.constant 7 : i32
        %dma_wait3A_298 = arith.constant 256 : i32
        %dma_wait3A_299 = arith.constant 0 : i32
        %dma_wait3A_300 = tpu.memref_slice %arg18[%dma_wait3A_298, %dma_wait3A_299] : memref<640x64xf32, #tpu.memory_space<vmem>> -> memref<128x64xf32, #tpu.memory_space<vmem>>
        %dma_wait3A_301 = arith.constant 0 : i32
        %dma_wait3A_302 = tpu.memref_slice %arg16[%dma_wait3A_297, %dma_wait3A_301] : memref<8x128xi32, #tpu.memory_space<vmem>> -> memref<1x128xi32, #tpu.memory_space<vmem>>
        %dma_wait3A_303 = tpu.memref_squeeze %dma_wait3A_302 : memref<1x128xi32, #tpu.memory_space<vmem>> -> memref<128xi32, #tpu.memory_space<vmem>>
        %dma_wait3A_304 = arith.constant 0 : i32
        %dma_wait3A_305 = arith.constant 0 : i32
        %dma_wait3A_306 = tpu.memref_slice %arg14[%dma_wait3A_304, %dma_wait3A_305] : memref<10240x64xf32, #tpu.memory_space<hbm>> -> memref<10240x64xf32, #tpu.memory_space<hbm>>
        tpu.wait_indirect_dma semaphore(%arg31 : memref<!tpu.dma_semaphore, #tpu.memory_space<semaphore_mem>>) src(%dma_wait3A_306 : memref<10240x64xf32, #tpu.memory_space<hbm>>) dst(%dma_wait3A_300 : memref<128x64xf32, #tpu.memory_space<vmem>>)
        %dma_start3A_307 = arith.constant 7 : i32
        %dma_start3A_308 = arith.constant 256 : i32
        %dma_start3A_309 = arith.constant 0 : i32
        %dma_start3A_310 = tpu.memref_slice %arg18[%dma_start3A_308, %dma_start3A_309] : memref<640x64xf32, #tpu.memory_space<vmem>> -> memref<128x64xf32, #tpu.memory_space<vmem>>
        %dma_start3A_311 = arith.constant 0 : i32
        %dma_start3A_312 = tpu.memref_slice %arg17[%dma_start3A_307, %dma_start3A_311] : memref<8x128xi32, #tpu.memory_space<vmem>> -> memref<1x128xi32, #tpu.memory_space<vmem>>
        %dma_start3A_313 = tpu.memref_squeeze %dma_start3A_312 : memref<1x128xi32, #tpu.memory_space<vmem>> -> memref<128xi32, #tpu.memory_space<vmem>>
        %dma_start3A_314 = arith.constant 0 : i32
        %dma_start3A_315 = arith.constant 0 : i32
        %dma_start3A_316 = tpu.memref_slice %arg26[%dma_start3A_314, %dma_start3A_315] : memref<10240x64xf32, #tpu.memory_space<vmem_shared>> -> memref<10240x64xf32, #tpu.memory_space<vmem_shared>>
        tpu.enqueue_indirect_dma source(%dma_start3A_310 : memref<128x64xf32, #tpu.memory_space<vmem>>) target(%dma_start3A_316 : memref<10240x64xf32, #tpu.memory_space<vmem_shared>>) offsets(%dma_start3A_313 : memref<128xi32, #tpu.memory_space<vmem>>) semaphore(%arg36 : memref<!tpu.dma_semaphore, #tpu.memory_space<semaphore_mem>>) {add = true}
        %dma_wait3A_317 = arith.constant 3 : i32
        %dma_wait3A_318 = arith.constant 384 : i32
        %dma_wait3A_319 = arith.constant 0 : i32
        %dma_wait3A_320 = tpu.memref_slice %arg18[%dma_wait3A_318, %dma_wait3A_319] : memref<640x64xf32, #tpu.memory_space<vmem>> -> memref<128x64xf32, #tpu.memory_space<vmem>>
        %dma_wait3A_321 = arith.constant 0 : i32
        %dma_wait3A_322 = tpu.memref_slice %arg17[%dma_wait3A_317, %dma_wait3A_321] : memref<8x128xi32, #tpu.memory_space<vmem>> -> memref<1x128xi32, #tpu.memory_space<vmem>>
        %dma_wait3A_323 = tpu.memref_squeeze %dma_wait3A_322 : memref<1x128xi32, #tpu.memory_space<vmem>> -> memref<128xi32, #tpu.memory_space<vmem>>
        %dma_wait3A_324 = arith.constant 0 : i32
        %dma_wait3A_325 = arith.constant 0 : i32
        %dma_wait3A_326 = tpu.memref_slice %arg26[%dma_wait3A_324, %dma_wait3A_325] : memref<10240x64xf32, #tpu.memory_space<vmem_shared>> -> memref<10240x64xf32, #tpu.memory_space<vmem_shared>>
        tpu.wait_indirect_dma semaphore(%arg37 : memref<!tpu.dma_semaphore, #tpu.memory_space<semaphore_mem>>) src(%dma_wait3A_320 : memref<128x64xf32, #tpu.memory_space<vmem>>) dst(%dma_wait3A_326 : memref<10240x64xf32, #tpu.memory_space<vmem_shared>>)
        %dma_wait3A_327 = arith.constant 4 : i32
        %dma_wait3A_328 = arith.constant 512 : i32
        %dma_wait3A_329 = arith.constant 0 : i32
        %dma_wait3A_330 = tpu.memref_slice %arg18[%dma_wait3A_328, %dma_wait3A_329] : memref<640x64xf32, #tpu.memory_space<vmem>> -> memref<128x64xf32, #tpu.memory_space<vmem>>
        %dma_wait3A_331 = arith.constant 0 : i32
        %dma_wait3A_332 = tpu.memref_slice %arg17[%dma_wait3A_327, %dma_wait3A_331] : memref<8x128xi32, #tpu.memory_space<vmem>> -> memref<1x128xi32, #tpu.memory_space<vmem>>
        %dma_wait3A_333 = tpu.memref_squeeze %dma_wait3A_332 : memref<1x128xi32, #tpu.memory_space<vmem>> -> memref<128xi32, #tpu.memory_space<vmem>>
        %dma_wait3A_334 = arith.constant 0 : i32
        %dma_wait3A_335 = arith.constant 0 : i32
        %dma_wait3A_336 = tpu.memref_slice %arg26[%dma_wait3A_334, %dma_wait3A_335] : memref<10240x64xf32, #tpu.memory_space<vmem_shared>> -> memref<10240x64xf32, #tpu.memory_space<vmem_shared>>
        tpu.wait_indirect_dma semaphore(%arg38 : memref<!tpu.dma_semaphore, #tpu.memory_space<semaphore_mem>>) src(%dma_wait3A_330 : memref<128x64xf32, #tpu.memory_space<vmem>>) dst(%dma_wait3A_336 : memref<10240x64xf32, #tpu.memory_space<vmem_shared>>)
        %dma_wait3A_337 = arith.constant 5 : i32
        %dma_wait3A_338 = arith.constant 0 : i32
        %dma_wait3A_339 = arith.constant 0 : i32
        %dma_wait3A_340 = tpu.memref_slice %arg18[%dma_wait3A_338, %dma_wait3A_339] : memref<640x64xf32, #tpu.memory_space<vmem>> -> memref<128x64xf32, #tpu.memory_space<vmem>>
        %dma_wait3A_341 = arith.constant 0 : i32
        %dma_wait3A_342 = tpu.memref_slice %arg17[%dma_wait3A_337, %dma_wait3A_341] : memref<8x128xi32, #tpu.memory_space<vmem>> -> memref<1x128xi32, #tpu.memory_space<vmem>>
        %dma_wait3A_343 = tpu.memref_squeeze %dma_wait3A_342 : memref<1x128xi32, #tpu.memory_space<vmem>> -> memref<128xi32, #tpu.memory_space<vmem>>
        %dma_wait3A_344 = arith.constant 0 : i32
        %dma_wait3A_345 = arith.constant 0 : i32
        %dma_wait3A_346 = tpu.memref_slice %arg26[%dma_wait3A_344, %dma_wait3A_345] : memref<10240x64xf32, #tpu.memory_space<vmem_shared>> -> memref<10240x64xf32, #tpu.memory_space<vmem_shared>>
        tpu.wait_indirect_dma semaphore(%arg34 : memref<!tpu.dma_semaphore, #tpu.memory_space<semaphore_mem>>) src(%dma_wait3A_340 : memref<128x64xf32, #tpu.memory_space<vmem>>) dst(%dma_wait3A_346 : memref<10240x64xf32, #tpu.memory_space<vmem_shared>>)
        %dma_wait3A_347 = arith.constant 6 : i32
        %dma_wait3A_348 = arith.constant 128 : i32
        %dma_wait3A_349 = arith.constant 0 : i32
        %dma_wait3A_350 = tpu.memref_slice %arg18[%dma_wait3A_348, %dma_wait3A_349] : memref<640x64xf32, #tpu.memory_space<vmem>> -> memref<128x64xf32, #tpu.memory_space<vmem>>
        %dma_wait3A_351 = arith.constant 0 : i32
        %dma_wait3A_352 = tpu.memref_slice %arg17[%dma_wait3A_347, %dma_wait3A_351] : memref<8x128xi32, #tpu.memory_space<vmem>> -> memref<1x128xi32, #tpu.memory_space<vmem>>
        %dma_wait3A_353 = tpu.memref_squeeze %dma_wait3A_352 : memref<1x128xi32, #tpu.memory_space<vmem>> -> memref<128xi32, #tpu.memory_space<vmem>>
        %dma_wait3A_354 = arith.constant 0 : i32
        %dma_wait3A_355 = arith.constant 0 : i32
        %dma_wait3A_356 = tpu.memref_slice %arg26[%dma_wait3A_354, %dma_wait3A_355] : memref<10240x64xf32, #tpu.memory_space<vmem_shared>> -> memref<10240x64xf32, #tpu.memory_space<vmem_shared>>
        tpu.wait_indirect_dma semaphore(%arg35 : memref<!tpu.dma_semaphore, #tpu.memory_space<semaphore_mem>>) src(%dma_wait3A_350 : memref<128x64xf32, #tpu.memory_space<vmem>>) dst(%dma_wait3A_356 : memref<10240x64xf32, #tpu.memory_space<vmem_shared>>)
        %dma_wait3A_357 = arith.constant 7 : i32
        %dma_wait3A_358 = arith.constant 256 : i32
        %dma_wait3A_359 = arith.constant 0 : i32
        %dma_wait3A_360 = tpu.memref_slice %arg18[%dma_wait3A_358, %dma_wait3A_359] : memref<640x64xf32, #tpu.memory_space<vmem>> -> memref<128x64xf32, #tpu.memory_space<vmem>>
        %dma_wait3A_361 = arith.constant 0 : i32
        %dma_wait3A_362 = tpu.memref_slice %arg17[%dma_wait3A_357, %dma_wait3A_361] : memref<8x128xi32, #tpu.memory_space<vmem>> -> memref<1x128xi32, #tpu.memory_space<vmem>>
        %dma_wait3A_363 = tpu.memref_squeeze %dma_wait3A_362 : memref<1x128xi32, #tpu.memory_space<vmem>> -> memref<128xi32, #tpu.memory_space<vmem>>
        %dma_wait3A_364 = arith.constant 0 : i32
        %dma_wait3A_365 = arith.constant 0 : i32
        %dma_wait3A_366 = tpu.memref_slice %arg26[%dma_wait3A_364, %dma_wait3A_365] : memref<10240x64xf32, #tpu.memory_space<vmem_shared>> -> memref<10240x64xf32, #tpu.memory_space<vmem_shared>>
        tpu.wait_indirect_dma semaphore(%arg36 : memref<!tpu.dma_semaphore, #tpu.memory_space<semaphore_mem>>) src(%dma_wait3A_360 : memref<128x64xf32, #tpu.memory_space<vmem>>) dst(%dma_wait3A_366 : memref<10240x64xf32, #tpu.memory_space<vmem_shared>>)
        %scan3A_367 = arith.constant 0 : i32
        scf.yield %scan3A_367 : i32
      }
      %scan3A_44 = arith.constant 20 : i32
    } else {
    }
    %eq3A_21 = arith.constant 1 : i32
    %eq3A_22 = arith.cmpi eq, %arg0, %eq3A_21 : i32
    %convert_element_type3A_23 = arith.extui %eq3A_22 : i1 to i32
    %cond3A_24 = arith.constant 0 : i32
    %cond3A_25 = arith.cmpi ne, %convert_element_type3A_23, %cond3A_24 : i32
    scf.if %cond3A_25 {
      %scan3A_38 = arith.constant 0 : i32
      %scan3A_39 = arith.constant 0 : i32
      %scan3A_40 = arith.constant 20 : i32
      %scan3A_41 = arith.addi %scan3A_39, %scan3A_40 : i32
      %scan3A_42 = arith.constant 1 : i32
      %scan3A_43 = scf.for %scan3A_45 = %scan3A_39 to %scan3A_41 step %scan3A_42 iter_args(%scan3A_46 = %scan3A_38) -> (i32)  : i32 {
        %mul3A_47 = arith.constant 8 : i32
        %mul3A_48 = arith.muli %scan3A_45, %mul3A_47 : i32
        %add3A = arith.addi %mul3A_0, %mul3A_48 : i32
        %multiple_of3A = tpu.assume_multiple %add3A, 8 : i32
        "tpu.region"() ({
          %run_scoped3A = tpu.sem_alloc : memref<!tpu.dma_semaphore, #tpu.memory_space<semaphore_mem>>
          %dma_start3A_368 = arith.constant 0 : i32
          %dma_start3A_369 = tpu.memref_slice %arg2[%multiple_of3A, %dma_start3A_368] : memref<2560x128xi32, #tpu.memory_space<hbm>> -> memref<8x128xi32, #tpu.memory_space<hbm>>
          %dma_start3A_370 = arith.constant 0 : i32
          %dma_start3A_371 = tpu.memref_slice %arg2[%multiple_of3A, %dma_start3A_370] : memref<2560x128xi32, #tpu.memory_space<hbm>> -> memref<8x128xi32, #tpu.memory_space<hbm>>
          tpu.enqueue_dma source(%dma_start3A_371 : memref<8x128xi32, #tpu.memory_space<hbm>>) target(%arg16 : memref<8x128xi32, #tpu.memory_space<vmem>>) target_semaphore(%run_scoped3A : memref<!tpu.dma_semaphore, #tpu.memory_space<semaphore_mem>>)
          %dma_wait3A_372 = arith.constant 0 : i32
          %dma_wait3A_373 = tpu.memref_slice %arg2[%multiple_of3A, %dma_wait3A_372] : memref<2560x128xi32, #tpu.memory_space<hbm>> -> memref<8x128xi32, #tpu.memory_space<hbm>>
          %dma_wait3A_374 = arith.constant 0 : i32
          %dma_wait3A_375 = tpu.memref_slice %arg2[%multiple_of3A, %dma_wait3A_374] : memref<2560x128xi32, #tpu.memory_space<hbm>> -> memref<8x128xi32, #tpu.memory_space<hbm>>
          tpu.wait_dma2 semaphore(%run_scoped3A : memref<!tpu.dma_semaphore, #tpu.memory_space<semaphore_mem>>) src(%dma_wait3A_375 : memref<8x128xi32, #tpu.memory_space<hbm>>) dst(%arg16 : memref<8x128xi32, #tpu.memory_space<vmem>>)
          tpu.yield
        }) : () -> ()
        "tpu.region"() ({
          %run_scoped3A = tpu.sem_alloc : memref<!tpu.dma_semaphore, #tpu.memory_space<semaphore_mem>>
          %dma_start3A_368 = arith.constant 0 : i32
          %dma_start3A_369 = tpu.memref_slice %arg3[%multiple_of3A, %dma_start3A_368] : memref<2560x128xi32, #tpu.memory_space<hbm>> -> memref<8x128xi32, #tpu.memory_space<hbm>>
          %dma_start3A_370 = arith.constant 0 : i32
          %dma_start3A_371 = tpu.memref_slice %arg3[%multiple_of3A, %dma_start3A_370] : memref<2560x128xi32, #tpu.memory_space<hbm>> -> memref<8x128xi32, #tpu.memory_space<hbm>>
          tpu.enqueue_dma source(%dma_start3A_371 : memref<8x128xi32, #tpu.memory_space<hbm>>) target(%arg17 : memref<8x128xi32, #tpu.memory_space<vmem>>) target_semaphore(%run_scoped3A : memref<!tpu.dma_semaphore, #tpu.memory_space<semaphore_mem>>)
          %dma_wait3A_372 = arith.constant 0 : i32
          %dma_wait3A_373 = tpu.memref_slice %arg3[%multiple_of3A, %dma_wait3A_372] : memref<2560x128xi32, #tpu.memory_space<hbm>> -> memref<8x128xi32, #tpu.memory_space<hbm>>
          %dma_wait3A_374 = arith.constant 0 : i32
          %dma_wait3A_375 = tpu.memref_slice %arg3[%multiple_of3A, %dma_wait3A_374] : memref<2560x128xi32, #tpu.memory_space<hbm>> -> memref<8x128xi32, #tpu.memory_space<hbm>>
          tpu.wait_dma2 semaphore(%run_scoped3A : memref<!tpu.dma_semaphore, #tpu.memory_space<semaphore_mem>>) src(%dma_wait3A_375 : memref<8x128xi32, #tpu.memory_space<hbm>>) dst(%arg17 : memref<8x128xi32, #tpu.memory_space<vmem>>)
          tpu.yield
        }) : () -> ()
        %dma_start3A = arith.constant 0 : i32
        %dma_start3A_49 = arith.constant 0 : i32
        %dma_start3A_50 = arith.constant 0 : i32
        %dma_start3A_51 = tpu.memref_slice %arg19[%dma_start3A_49, %dma_start3A_50] : memref<640x16xf32, #tpu.memory_space<vmem>> -> memref<128x16xf32, #tpu.memory_space<vmem>>
        %dma_start3A_52 = arith.constant 0 : i32
        %dma_start3A_53 = tpu.memref_slice %arg16[%dma_start3A, %dma_start3A_52] : memref<8x128xi32, #tpu.memory_space<vmem>> -> memref<1x128xi32, #tpu.memory_space<vmem>>
        %dma_start3A_54 = tpu.memref_squeeze %dma_start3A_53 : memref<1x128xi32, #tpu.memory_space<vmem>> -> memref<128xi32, #tpu.memory_space<vmem>>
        %dma_start3A_55 = arith.constant 0 : i32
        %dma_start3A_56 = arith.constant 0 : i32
        %dma_start3A_57 = tpu.memref_slice %arg15[%dma_start3A_55, %dma_start3A_56] : memref<10240x16xf32, #tpu.memory_space<hbm>> -> memref<10240x16xf32, #tpu.memory_space<hbm>>
        tpu.enqueue_indirect_dma source(%dma_start3A_57 : memref<10240x16xf32, #tpu.memory_space<hbm>>) target(%dma_start3A_51 : memref<128x16xf32, #tpu.memory_space<vmem>>) offsets(%dma_start3A_54 : memref<128xi32, #tpu.memory_space<vmem>>) semaphore(%arg29 : memref<!tpu.dma_semaphore, #tpu.memory_space<semaphore_mem>>)
        %dma_start3A_58 = arith.constant 1 : i32
        %dma_start3A_59 = arith.constant 128 : i32
        %dma_start3A_60 = arith.constant 0 : i32
        %dma_start3A_61 = tpu.memref_slice %arg19[%dma_start3A_59, %dma_start3A_60] : memref<640x16xf32, #tpu.memory_space<vmem>> -> memref<128x16xf32, #tpu.memory_space<vmem>>
        %dma_start3A_62 = arith.constant 0 : i32
        %dma_start3A_63 = tpu.memref_slice %arg16[%dma_start3A_58, %dma_start3A_62] : memref<8x128xi32, #tpu.memory_space<vmem>> -> memref<1x128xi32, #tpu.memory_space<vmem>>
        %dma_start3A_64 = tpu.memref_squeeze %dma_start3A_63 : memref<1x128xi32, #tpu.memory_space<vmem>> -> memref<128xi32, #tpu.memory_space<vmem>>
        %dma_start3A_65 = arith.constant 0 : i32
        %dma_start3A_66 = arith.constant 0 : i32
        %dma_start3A_67 = tpu.memref_slice %arg15[%dma_start3A_65, %dma_start3A_66] : memref<10240x16xf32, #tpu.memory_space<hbm>> -> memref<10240x16xf32, #tpu.memory_space<hbm>>
        tpu.enqueue_indirect_dma source(%dma_start3A_67 : memref<10240x16xf32, #tpu.memory_space<hbm>>) target(%dma_start3A_61 : memref<128x16xf32, #tpu.memory_space<vmem>>) offsets(%dma_start3A_64 : memref<128xi32, #tpu.memory_space<vmem>>) semaphore(%arg30 : memref<!tpu.dma_semaphore, #tpu.memory_space<semaphore_mem>>)
        %dma_wait3A = arith.constant 0 : i32
        %dma_wait3A_68 = arith.constant 0 : i32
        %dma_wait3A_69 = arith.constant 0 : i32
        %dma_wait3A_70 = tpu.memref_slice %arg19[%dma_wait3A_68, %dma_wait3A_69] : memref<640x16xf32, #tpu.memory_space<vmem>> -> memref<128x16xf32, #tpu.memory_space<vmem>>
        %dma_wait3A_71 = arith.constant 0 : i32
        %dma_wait3A_72 = tpu.memref_slice %arg16[%dma_wait3A, %dma_wait3A_71] : memref<8x128xi32, #tpu.memory_space<vmem>> -> memref<1x128xi32, #tpu.memory_space<vmem>>
        %dma_wait3A_73 = tpu.memref_squeeze %dma_wait3A_72 : memref<1x128xi32, #tpu.memory_space<vmem>> -> memref<128xi32, #tpu.memory_space<vmem>>
        %dma_wait3A_74 = arith.constant 0 : i32
        %dma_wait3A_75 = arith.constant 0 : i32
        %dma_wait3A_76 = tpu.memref_slice %arg15[%dma_wait3A_74, %dma_wait3A_75] : memref<10240x16xf32, #tpu.memory_space<hbm>> -> memref<10240x16xf32, #tpu.memory_space<hbm>>
        tpu.wait_indirect_dma semaphore(%arg29 : memref<!tpu.dma_semaphore, #tpu.memory_space<semaphore_mem>>) src(%dma_wait3A_76 : memref<10240x16xf32, #tpu.memory_space<hbm>>) dst(%dma_wait3A_70 : memref<128x16xf32, #tpu.memory_space<vmem>>)
        %dma_start3A_77 = arith.constant 0 : i32
        %dma_start3A_78 = arith.constant 0 : i32
        %dma_start3A_79 = arith.constant 0 : i32
        %dma_start3A_80 = tpu.memref_slice %arg19[%dma_start3A_78, %dma_start3A_79] : memref<640x16xf32, #tpu.memory_space<vmem>> -> memref<128x16xf32, #tpu.memory_space<vmem>>
        %dma_start3A_81 = arith.constant 0 : i32
        %dma_start3A_82 = tpu.memref_slice %arg17[%dma_start3A_77, %dma_start3A_81] : memref<8x128xi32, #tpu.memory_space<vmem>> -> memref<1x128xi32, #tpu.memory_space<vmem>>
        %dma_start3A_83 = tpu.memref_squeeze %dma_start3A_82 : memref<1x128xi32, #tpu.memory_space<vmem>> -> memref<128xi32, #tpu.memory_space<vmem>>
        %dma_start3A_84 = arith.constant 0 : i32
        %dma_start3A_85 = arith.constant 0 : i32
        %dma_start3A_86 = tpu.memref_slice %arg27[%dma_start3A_84, %dma_start3A_85] : memref<10240x16xf32, #tpu.memory_space<vmem_shared>> -> memref<10240x16xf32, #tpu.memory_space<vmem_shared>>
        tpu.enqueue_indirect_dma source(%dma_start3A_80 : memref<128x16xf32, #tpu.memory_space<vmem>>) target(%dma_start3A_86 : memref<10240x16xf32, #tpu.memory_space<vmem_shared>>) offsets(%dma_start3A_83 : memref<128xi32, #tpu.memory_space<vmem>>) semaphore(%arg34 : memref<!tpu.dma_semaphore, #tpu.memory_space<semaphore_mem>>) {add = true}
        %dma_start3A_87 = arith.constant 2 : i32
        %dma_start3A_88 = arith.constant 256 : i32
        %dma_start3A_89 = arith.constant 0 : i32
        %dma_start3A_90 = tpu.memref_slice %arg19[%dma_start3A_88, %dma_start3A_89] : memref<640x16xf32, #tpu.memory_space<vmem>> -> memref<128x16xf32, #tpu.memory_space<vmem>>
        %dma_start3A_91 = arith.constant 0 : i32
        %dma_start3A_92 = tpu.memref_slice %arg16[%dma_start3A_87, %dma_start3A_91] : memref<8x128xi32, #tpu.memory_space<vmem>> -> memref<1x128xi32, #tpu.memory_space<vmem>>
        %dma_start3A_93 = tpu.memref_squeeze %dma_start3A_92 : memref<1x128xi32, #tpu.memory_space<vmem>> -> memref<128xi32, #tpu.memory_space<vmem>>
        %dma_start3A_94 = arith.constant 0 : i32
        %dma_start3A_95 = arith.constant 0 : i32
        %dma_start3A_96 = tpu.memref_slice %arg15[%dma_start3A_94, %dma_start3A_95] : memref<10240x16xf32, #tpu.memory_space<hbm>> -> memref<10240x16xf32, #tpu.memory_space<hbm>>
        tpu.enqueue_indirect_dma source(%dma_start3A_96 : memref<10240x16xf32, #tpu.memory_space<hbm>>) target(%dma_start3A_90 : memref<128x16xf32, #tpu.memory_space<vmem>>) offsets(%dma_start3A_93 : memref<128xi32, #tpu.memory_space<vmem>>) semaphore(%arg31 : memref<!tpu.dma_semaphore, #tpu.memory_space<semaphore_mem>>)
        %dma_wait3A_97 = arith.constant 1 : i32
        %dma_wait3A_98 = arith.constant 128 : i32
        %dma_wait3A_99 = arith.constant 0 : i32
        %dma_wait3A_100 = tpu.memref_slice %arg19[%dma_wait3A_98, %dma_wait3A_99] : memref<640x16xf32, #tpu.memory_space<vmem>> -> memref<128x16xf32, #tpu.memory_space<vmem>>
        %dma_wait3A_101 = arith.constant 0 : i32
        %dma_wait3A_102 = tpu.memref_slice %arg16[%dma_wait3A_97, %dma_wait3A_101] : memref<8x128xi32, #tpu.memory_space<vmem>> -> memref<1x128xi32, #tpu.memory_space<vmem>>
        %dma_wait3A_103 = tpu.memref_squeeze %dma_wait3A_102 : memref<1x128xi32, #tpu.memory_space<vmem>> -> memref<128xi32, #tpu.memory_space<vmem>>
        %dma_wait3A_104 = arith.constant 0 : i32
        %dma_wait3A_105 = arith.constant 0 : i32
        %dma_wait3A_106 = tpu.memref_slice %arg15[%dma_wait3A_104, %dma_wait3A_105] : memref<10240x16xf32, #tpu.memory_space<hbm>> -> memref<10240x16xf32, #tpu.memory_space<hbm>>
        tpu.wait_indirect_dma semaphore(%arg30 : memref<!tpu.dma_semaphore, #tpu.memory_space<semaphore_mem>>) src(%dma_wait3A_106 : memref<10240x16xf32, #tpu.memory_space<hbm>>) dst(%dma_wait3A_100 : memref<128x16xf32, #tpu.memory_space<vmem>>)
        %dma_start3A_107 = arith.constant 1 : i32
        %dma_start3A_108 = arith.constant 128 : i32
        %dma_start3A_109 = arith.constant 0 : i32
        %dma_start3A_110 = tpu.memref_slice %arg19[%dma_start3A_108, %dma_start3A_109] : memref<640x16xf32, #tpu.memory_space<vmem>> -> memref<128x16xf32, #tpu.memory_space<vmem>>
        %dma_start3A_111 = arith.constant 0 : i32
        %dma_start3A_112 = tpu.memref_slice %arg17[%dma_start3A_107, %dma_start3A_111] : memref<8x128xi32, #tpu.memory_space<vmem>> -> memref<1x128xi32, #tpu.memory_space<vmem>>
        %dma_start3A_113 = tpu.memref_squeeze %dma_start3A_112 : memref<1x128xi32, #tpu.memory_space<vmem>> -> memref<128xi32, #tpu.memory_space<vmem>>
        %dma_start3A_114 = arith.constant 0 : i32
        %dma_start3A_115 = arith.constant 0 : i32
        %dma_start3A_116 = tpu.memref_slice %arg27[%dma_start3A_114, %dma_start3A_115] : memref<10240x16xf32, #tpu.memory_space<vmem_shared>> -> memref<10240x16xf32, #tpu.memory_space<vmem_shared>>
        tpu.enqueue_indirect_dma source(%dma_start3A_110 : memref<128x16xf32, #tpu.memory_space<vmem>>) target(%dma_start3A_116 : memref<10240x16xf32, #tpu.memory_space<vmem_shared>>) offsets(%dma_start3A_113 : memref<128xi32, #tpu.memory_space<vmem>>) semaphore(%arg35 : memref<!tpu.dma_semaphore, #tpu.memory_space<semaphore_mem>>) {add = true}
        %dma_start3A_117 = arith.constant 3 : i32
        %dma_start3A_118 = arith.constant 384 : i32
        %dma_start3A_119 = arith.constant 0 : i32
        %dma_start3A_120 = tpu.memref_slice %arg19[%dma_start3A_118, %dma_start3A_119] : memref<640x16xf32, #tpu.memory_space<vmem>> -> memref<128x16xf32, #tpu.memory_space<vmem>>
        %dma_start3A_121 = arith.constant 0 : i32
        %dma_start3A_122 = tpu.memref_slice %arg16[%dma_start3A_117, %dma_start3A_121] : memref<8x128xi32, #tpu.memory_space<vmem>> -> memref<1x128xi32, #tpu.memory_space<vmem>>
        %dma_start3A_123 = tpu.memref_squeeze %dma_start3A_122 : memref<1x128xi32, #tpu.memory_space<vmem>> -> memref<128xi32, #tpu.memory_space<vmem>>
        %dma_start3A_124 = arith.constant 0 : i32
        %dma_start3A_125 = arith.constant 0 : i32
        %dma_start3A_126 = tpu.memref_slice %arg15[%dma_start3A_124, %dma_start3A_125] : memref<10240x16xf32, #tpu.memory_space<hbm>> -> memref<10240x16xf32, #tpu.memory_space<hbm>>
        tpu.enqueue_indirect_dma source(%dma_start3A_126 : memref<10240x16xf32, #tpu.memory_space<hbm>>) target(%dma_start3A_120 : memref<128x16xf32, #tpu.memory_space<vmem>>) offsets(%dma_start3A_123 : memref<128xi32, #tpu.memory_space<vmem>>) semaphore(%arg32 : memref<!tpu.dma_semaphore, #tpu.memory_space<semaphore_mem>>)
        %dma_wait3A_127 = arith.constant 2 : i32
        %dma_wait3A_128 = arith.constant 256 : i32
        %dma_wait3A_129 = arith.constant 0 : i32
        %dma_wait3A_130 = tpu.memref_slice %arg19[%dma_wait3A_128, %dma_wait3A_129] : memref<640x16xf32, #tpu.memory_space<vmem>> -> memref<128x16xf32, #tpu.memory_space<vmem>>
        %dma_wait3A_131 = arith.constant 0 : i32
        %dma_wait3A_132 = tpu.memref_slice %arg16[%dma_wait3A_127, %dma_wait3A_131] : memref<8x128xi32, #tpu.memory_space<vmem>> -> memref<1x128xi32, #tpu.memory_space<vmem>>
        %dma_wait3A_133 = tpu.memref_squeeze %dma_wait3A_132 : memref<1x128xi32, #tpu.memory_space<vmem>> -> memref<128xi32, #tpu.memory_space<vmem>>
        %dma_wait3A_134 = arith.constant 0 : i32
        %dma_wait3A_135 = arith.constant 0 : i32
        %dma_wait3A_136 = tpu.memref_slice %arg15[%dma_wait3A_134, %dma_wait3A_135] : memref<10240x16xf32, #tpu.memory_space<hbm>> -> memref<10240x16xf32, #tpu.memory_space<hbm>>
        tpu.wait_indirect_dma semaphore(%arg31 : memref<!tpu.dma_semaphore, #tpu.memory_space<semaphore_mem>>) src(%dma_wait3A_136 : memref<10240x16xf32, #tpu.memory_space<hbm>>) dst(%dma_wait3A_130 : memref<128x16xf32, #tpu.memory_space<vmem>>)
        %dma_start3A_137 = arith.constant 2 : i32
        %dma_start3A_138 = arith.constant 256 : i32
        %dma_start3A_139 = arith.constant 0 : i32
        %dma_start3A_140 = tpu.memref_slice %arg19[%dma_start3A_138, %dma_start3A_139] : memref<640x16xf32, #tpu.memory_space<vmem>> -> memref<128x16xf32, #tpu.memory_space<vmem>>
        %dma_start3A_141 = arith.constant 0 : i32
        %dma_start3A_142 = tpu.memref_slice %arg17[%dma_start3A_137, %dma_start3A_141] : memref<8x128xi32, #tpu.memory_space<vmem>> -> memref<1x128xi32, #tpu.memory_space<vmem>>
        %dma_start3A_143 = tpu.memref_squeeze %dma_start3A_142 : memref<1x128xi32, #tpu.memory_space<vmem>> -> memref<128xi32, #tpu.memory_space<vmem>>
        %dma_start3A_144 = arith.constant 0 : i32
        %dma_start3A_145 = arith.constant 0 : i32
        %dma_start3A_146 = tpu.memref_slice %arg27[%dma_start3A_144, %dma_start3A_145] : memref<10240x16xf32, #tpu.memory_space<vmem_shared>> -> memref<10240x16xf32, #tpu.memory_space<vmem_shared>>
        tpu.enqueue_indirect_dma source(%dma_start3A_140 : memref<128x16xf32, #tpu.memory_space<vmem>>) target(%dma_start3A_146 : memref<10240x16xf32, #tpu.memory_space<vmem_shared>>) offsets(%dma_start3A_143 : memref<128xi32, #tpu.memory_space<vmem>>) semaphore(%arg36 : memref<!tpu.dma_semaphore, #tpu.memory_space<semaphore_mem>>) {add = true}
        %dma_start3A_147 = arith.constant 4 : i32
        %dma_start3A_148 = arith.constant 512 : i32
        %dma_start3A_149 = arith.constant 0 : i32
        %dma_start3A_150 = tpu.memref_slice %arg19[%dma_start3A_148, %dma_start3A_149] : memref<640x16xf32, #tpu.memory_space<vmem>> -> memref<128x16xf32, #tpu.memory_space<vmem>>
        %dma_start3A_151 = arith.constant 0 : i32
        %dma_start3A_152 = tpu.memref_slice %arg16[%dma_start3A_147, %dma_start3A_151] : memref<8x128xi32, #tpu.memory_space<vmem>> -> memref<1x128xi32, #tpu.memory_space<vmem>>
        %dma_start3A_153 = tpu.memref_squeeze %dma_start3A_152 : memref<1x128xi32, #tpu.memory_space<vmem>> -> memref<128xi32, #tpu.memory_space<vmem>>
        %dma_start3A_154 = arith.constant 0 : i32
        %dma_start3A_155 = arith.constant 0 : i32
        %dma_start3A_156 = tpu.memref_slice %arg15[%dma_start3A_154, %dma_start3A_155] : memref<10240x16xf32, #tpu.memory_space<hbm>> -> memref<10240x16xf32, #tpu.memory_space<hbm>>
        tpu.enqueue_indirect_dma source(%dma_start3A_156 : memref<10240x16xf32, #tpu.memory_space<hbm>>) target(%dma_start3A_150 : memref<128x16xf32, #tpu.memory_space<vmem>>) offsets(%dma_start3A_153 : memref<128xi32, #tpu.memory_space<vmem>>) semaphore(%arg33 : memref<!tpu.dma_semaphore, #tpu.memory_space<semaphore_mem>>)
        %dma_wait3A_157 = arith.constant 3 : i32
        %dma_wait3A_158 = arith.constant 384 : i32
        %dma_wait3A_159 = arith.constant 0 : i32
        %dma_wait3A_160 = tpu.memref_slice %arg19[%dma_wait3A_158, %dma_wait3A_159] : memref<640x16xf32, #tpu.memory_space<vmem>> -> memref<128x16xf32, #tpu.memory_space<vmem>>
        %dma_wait3A_161 = arith.constant 0 : i32
        %dma_wait3A_162 = tpu.memref_slice %arg16[%dma_wait3A_157, %dma_wait3A_161] : memref<8x128xi32, #tpu.memory_space<vmem>> -> memref<1x128xi32, #tpu.memory_space<vmem>>
        %dma_wait3A_163 = tpu.memref_squeeze %dma_wait3A_162 : memref<1x128xi32, #tpu.memory_space<vmem>> -> memref<128xi32, #tpu.memory_space<vmem>>
        %dma_wait3A_164 = arith.constant 0 : i32
        %dma_wait3A_165 = arith.constant 0 : i32
        %dma_wait3A_166 = tpu.memref_slice %arg15[%dma_wait3A_164, %dma_wait3A_165] : memref<10240x16xf32, #tpu.memory_space<hbm>> -> memref<10240x16xf32, #tpu.memory_space<hbm>>
        tpu.wait_indirect_dma semaphore(%arg32 : memref<!tpu.dma_semaphore, #tpu.memory_space<semaphore_mem>>) src(%dma_wait3A_166 : memref<10240x16xf32, #tpu.memory_space<hbm>>) dst(%dma_wait3A_160 : memref<128x16xf32, #tpu.memory_space<vmem>>)
        %dma_start3A_167 = arith.constant 3 : i32
        %dma_start3A_168 = arith.constant 384 : i32
        %dma_start3A_169 = arith.constant 0 : i32
        %dma_start3A_170 = tpu.memref_slice %arg19[%dma_start3A_168, %dma_start3A_169] : memref<640x16xf32, #tpu.memory_space<vmem>> -> memref<128x16xf32, #tpu.memory_space<vmem>>
        %dma_start3A_171 = arith.constant 0 : i32
        %dma_start3A_172 = tpu.memref_slice %arg17[%dma_start3A_167, %dma_start3A_171] : memref<8x128xi32, #tpu.memory_space<vmem>> -> memref<1x128xi32, #tpu.memory_space<vmem>>
        %dma_start3A_173 = tpu.memref_squeeze %dma_start3A_172 : memref<1x128xi32, #tpu.memory_space<vmem>> -> memref<128xi32, #tpu.memory_space<vmem>>
        %dma_start3A_174 = arith.constant 0 : i32
        %dma_start3A_175 = arith.constant 0 : i32
        %dma_start3A_176 = tpu.memref_slice %arg27[%dma_start3A_174, %dma_start3A_175] : memref<10240x16xf32, #tpu.memory_space<vmem_shared>> -> memref<10240x16xf32, #tpu.memory_space<vmem_shared>>
        tpu.enqueue_indirect_dma source(%dma_start3A_170 : memref<128x16xf32, #tpu.memory_space<vmem>>) target(%dma_start3A_176 : memref<10240x16xf32, #tpu.memory_space<vmem_shared>>) offsets(%dma_start3A_173 : memref<128xi32, #tpu.memory_space<vmem>>) semaphore(%arg37 : memref<!tpu.dma_semaphore, #tpu.memory_space<semaphore_mem>>) {add = true}
        %dma_wait3A_177 = arith.constant 0 : i32
        %dma_wait3A_178 = arith.constant 0 : i32
        %dma_wait3A_179 = arith.constant 0 : i32
        %dma_wait3A_180 = tpu.memref_slice %arg19[%dma_wait3A_178, %dma_wait3A_179] : memref<640x16xf32, #tpu.memory_space<vmem>> -> memref<128x16xf32, #tpu.memory_space<vmem>>
        %dma_wait3A_181 = arith.constant 0 : i32
        %dma_wait3A_182 = tpu.memref_slice %arg17[%dma_wait3A_177, %dma_wait3A_181] : memref<8x128xi32, #tpu.memory_space<vmem>> -> memref<1x128xi32, #tpu.memory_space<vmem>>
        %dma_wait3A_183 = tpu.memref_squeeze %dma_wait3A_182 : memref<1x128xi32, #tpu.memory_space<vmem>> -> memref<128xi32, #tpu.memory_space<vmem>>
        %dma_wait3A_184 = arith.constant 0 : i32
        %dma_wait3A_185 = arith.constant 0 : i32
        %dma_wait3A_186 = tpu.memref_slice %arg27[%dma_wait3A_184, %dma_wait3A_185] : memref<10240x16xf32, #tpu.memory_space<vmem_shared>> -> memref<10240x16xf32, #tpu.memory_space<vmem_shared>>
        tpu.wait_indirect_dma semaphore(%arg34 : memref<!tpu.dma_semaphore, #tpu.memory_space<semaphore_mem>>) src(%dma_wait3A_180 : memref<128x16xf32, #tpu.memory_space<vmem>>) dst(%dma_wait3A_186 : memref<10240x16xf32, #tpu.memory_space<vmem_shared>>)
        %dma_start3A_187 = arith.constant 5 : i32
        %dma_start3A_188 = arith.constant 0 : i32
        %dma_start3A_189 = arith.constant 0 : i32
        %dma_start3A_190 = tpu.memref_slice %arg19[%dma_start3A_188, %dma_start3A_189] : memref<640x16xf32, #tpu.memory_space<vmem>> -> memref<128x16xf32, #tpu.memory_space<vmem>>
        %dma_start3A_191 = arith.constant 0 : i32
        %dma_start3A_192 = tpu.memref_slice %arg16[%dma_start3A_187, %dma_start3A_191] : memref<8x128xi32, #tpu.memory_space<vmem>> -> memref<1x128xi32, #tpu.memory_space<vmem>>
        %dma_start3A_193 = tpu.memref_squeeze %dma_start3A_192 : memref<1x128xi32, #tpu.memory_space<vmem>> -> memref<128xi32, #tpu.memory_space<vmem>>
        %dma_start3A_194 = arith.constant 0 : i32
        %dma_start3A_195 = arith.constant 0 : i32
        %dma_start3A_196 = tpu.memref_slice %arg15[%dma_start3A_194, %dma_start3A_195] : memref<10240x16xf32, #tpu.memory_space<hbm>> -> memref<10240x16xf32, #tpu.memory_space<hbm>>
        tpu.enqueue_indirect_dma source(%dma_start3A_196 : memref<10240x16xf32, #tpu.memory_space<hbm>>) target(%dma_start3A_190 : memref<128x16xf32, #tpu.memory_space<vmem>>) offsets(%dma_start3A_193 : memref<128xi32, #tpu.memory_space<vmem>>) semaphore(%arg29 : memref<!tpu.dma_semaphore, #tpu.memory_space<semaphore_mem>>)
        %dma_wait3A_197 = arith.constant 4 : i32
        %dma_wait3A_198 = arith.constant 512 : i32
        %dma_wait3A_199 = arith.constant 0 : i32
        %dma_wait3A_200 = tpu.memref_slice %arg19[%dma_wait3A_198, %dma_wait3A_199] : memref<640x16xf32, #tpu.memory_space<vmem>> -> memref<128x16xf32, #tpu.memory_space<vmem>>
        %dma_wait3A_201 = arith.constant 0 : i32
        %dma_wait3A_202 = tpu.memref_slice %arg16[%dma_wait3A_197, %dma_wait3A_201] : memref<8x128xi32, #tpu.memory_space<vmem>> -> memref<1x128xi32, #tpu.memory_space<vmem>>
        %dma_wait3A_203 = tpu.memref_squeeze %dma_wait3A_202 : memref<1x128xi32, #tpu.memory_space<vmem>> -> memref<128xi32, #tpu.memory_space<vmem>>
        %dma_wait3A_204 = arith.constant 0 : i32
        %dma_wait3A_205 = arith.constant 0 : i32
        %dma_wait3A_206 = tpu.memref_slice %arg15[%dma_wait3A_204, %dma_wait3A_205] : memref<10240x16xf32, #tpu.memory_space<hbm>> -> memref<10240x16xf32, #tpu.memory_space<hbm>>
        tpu.wait_indirect_dma semaphore(%arg33 : memref<!tpu.dma_semaphore, #tpu.memory_space<semaphore_mem>>) src(%dma_wait3A_206 : memref<10240x16xf32, #tpu.memory_space<hbm>>) dst(%dma_wait3A_200 : memref<128x16xf32, #tpu.memory_space<vmem>>)
        %dma_start3A_207 = arith.constant 4 : i32
        %dma_start3A_208 = arith.constant 512 : i32
        %dma_start3A_209 = arith.constant 0 : i32
        %dma_start3A_210 = tpu.memref_slice %arg19[%dma_start3A_208, %dma_start3A_209] : memref<640x16xf32, #tpu.memory_space<vmem>> -> memref<128x16xf32, #tpu.memory_space<vmem>>
        %dma_start3A_211 = arith.constant 0 : i32
        %dma_start3A_212 = tpu.memref_slice %arg17[%dma_start3A_207, %dma_start3A_211] : memref<8x128xi32, #tpu.memory_space<vmem>> -> memref<1x128xi32, #tpu.memory_space<vmem>>
        %dma_start3A_213 = tpu.memref_squeeze %dma_start3A_212 : memref<1x128xi32, #tpu.memory_space<vmem>> -> memref<128xi32, #tpu.memory_space<vmem>>
        %dma_start3A_214 = arith.constant 0 : i32
        %dma_start3A_215 = arith.constant 0 : i32
        %dma_start3A_216 = tpu.memref_slice %arg27[%dma_start3A_214, %dma_start3A_215] : memref<10240x16xf32, #tpu.memory_space<vmem_shared>> -> memref<10240x16xf32, #tpu.memory_space<vmem_shared>>
        tpu.enqueue_indirect_dma source(%dma_start3A_210 : memref<128x16xf32, #tpu.memory_space<vmem>>) target(%dma_start3A_216 : memref<10240x16xf32, #tpu.memory_space<vmem_shared>>) offsets(%dma_start3A_213 : memref<128xi32, #tpu.memory_space<vmem>>) semaphore(%arg38 : memref<!tpu.dma_semaphore, #tpu.memory_space<semaphore_mem>>) {add = true}
        %dma_wait3A_217 = arith.constant 1 : i32
        %dma_wait3A_218 = arith.constant 128 : i32
        %dma_wait3A_219 = arith.constant 0 : i32
        %dma_wait3A_220 = tpu.memref_slice %arg19[%dma_wait3A_218, %dma_wait3A_219] : memref<640x16xf32, #tpu.memory_space<vmem>> -> memref<128x16xf32, #tpu.memory_space<vmem>>
        %dma_wait3A_221 = arith.constant 0 : i32
        %dma_wait3A_222 = tpu.memref_slice %arg17[%dma_wait3A_217, %dma_wait3A_221] : memref<8x128xi32, #tpu.memory_space<vmem>> -> memref<1x128xi32, #tpu.memory_space<vmem>>
        %dma_wait3A_223 = tpu.memref_squeeze %dma_wait3A_222 : memref<1x128xi32, #tpu.memory_space<vmem>> -> memref<128xi32, #tpu.memory_space<vmem>>
        %dma_wait3A_224 = arith.constant 0 : i32
        %dma_wait3A_225 = arith.constant 0 : i32
        %dma_wait3A_226 = tpu.memref_slice %arg27[%dma_wait3A_224, %dma_wait3A_225] : memref<10240x16xf32, #tpu.memory_space<vmem_shared>> -> memref<10240x16xf32, #tpu.memory_space<vmem_shared>>
        tpu.wait_indirect_dma semaphore(%arg35 : memref<!tpu.dma_semaphore, #tpu.memory_space<semaphore_mem>>) src(%dma_wait3A_220 : memref<128x16xf32, #tpu.memory_space<vmem>>) dst(%dma_wait3A_226 : memref<10240x16xf32, #tpu.memory_space<vmem_shared>>)
        %dma_start3A_227 = arith.constant 6 : i32
        %dma_start3A_228 = arith.constant 128 : i32
        %dma_start3A_229 = arith.constant 0 : i32
        %dma_start3A_230 = tpu.memref_slice %arg19[%dma_start3A_228, %dma_start3A_229] : memref<640x16xf32, #tpu.memory_space<vmem>> -> memref<128x16xf32, #tpu.memory_space<vmem>>
        %dma_start3A_231 = arith.constant 0 : i32
        %dma_start3A_232 = tpu.memref_slice %arg16[%dma_start3A_227, %dma_start3A_231] : memref<8x128xi32, #tpu.memory_space<vmem>> -> memref<1x128xi32, #tpu.memory_space<vmem>>
        %dma_start3A_233 = tpu.memref_squeeze %dma_start3A_232 : memref<1x128xi32, #tpu.memory_space<vmem>> -> memref<128xi32, #tpu.memory_space<vmem>>
        %dma_start3A_234 = arith.constant 0 : i32
        %dma_start3A_235 = arith.constant 0 : i32
        %dma_start3A_236 = tpu.memref_slice %arg15[%dma_start3A_234, %dma_start3A_235] : memref<10240x16xf32, #tpu.memory_space<hbm>> -> memref<10240x16xf32, #tpu.memory_space<hbm>>
        tpu.enqueue_indirect_dma source(%dma_start3A_236 : memref<10240x16xf32, #tpu.memory_space<hbm>>) target(%dma_start3A_230 : memref<128x16xf32, #tpu.memory_space<vmem>>) offsets(%dma_start3A_233 : memref<128xi32, #tpu.memory_space<vmem>>) semaphore(%arg30 : memref<!tpu.dma_semaphore, #tpu.memory_space<semaphore_mem>>)
        %dma_wait3A_237 = arith.constant 5 : i32
        %dma_wait3A_238 = arith.constant 0 : i32
        %dma_wait3A_239 = arith.constant 0 : i32
        %dma_wait3A_240 = tpu.memref_slice %arg19[%dma_wait3A_238, %dma_wait3A_239] : memref<640x16xf32, #tpu.memory_space<vmem>> -> memref<128x16xf32, #tpu.memory_space<vmem>>
        %dma_wait3A_241 = arith.constant 0 : i32
        %dma_wait3A_242 = tpu.memref_slice %arg16[%dma_wait3A_237, %dma_wait3A_241] : memref<8x128xi32, #tpu.memory_space<vmem>> -> memref<1x128xi32, #tpu.memory_space<vmem>>
        %dma_wait3A_243 = tpu.memref_squeeze %dma_wait3A_242 : memref<1x128xi32, #tpu.memory_space<vmem>> -> memref<128xi32, #tpu.memory_space<vmem>>
        %dma_wait3A_244 = arith.constant 0 : i32
        %dma_wait3A_245 = arith.constant 0 : i32
        %dma_wait3A_246 = tpu.memref_slice %arg15[%dma_wait3A_244, %dma_wait3A_245] : memref<10240x16xf32, #tpu.memory_space<hbm>> -> memref<10240x16xf32, #tpu.memory_space<hbm>>
        tpu.wait_indirect_dma semaphore(%arg29 : memref<!tpu.dma_semaphore, #tpu.memory_space<semaphore_mem>>) src(%dma_wait3A_246 : memref<10240x16xf32, #tpu.memory_space<hbm>>) dst(%dma_wait3A_240 : memref<128x16xf32, #tpu.memory_space<vmem>>)
        %dma_start3A_247 = arith.constant 5 : i32
        %dma_start3A_248 = arith.constant 0 : i32
        %dma_start3A_249 = arith.constant 0 : i32
        %dma_start3A_250 = tpu.memref_slice %arg19[%dma_start3A_248, %dma_start3A_249] : memref<640x16xf32, #tpu.memory_space<vmem>> -> memref<128x16xf32, #tpu.memory_space<vmem>>
        %dma_start3A_251 = arith.constant 0 : i32
        %dma_start3A_252 = tpu.memref_slice %arg17[%dma_start3A_247, %dma_start3A_251] : memref<8x128xi32, #tpu.memory_space<vmem>> -> memref<1x128xi32, #tpu.memory_space<vmem>>
        %dma_start3A_253 = tpu.memref_squeeze %dma_start3A_252 : memref<1x128xi32, #tpu.memory_space<vmem>> -> memref<128xi32, #tpu.memory_space<vmem>>
        %dma_start3A_254 = arith.constant 0 : i32
        %dma_start3A_255 = arith.constant 0 : i32
        %dma_start3A_256 = tpu.memref_slice %arg27[%dma_start3A_254, %dma_start3A_255] : memref<10240x16xf32, #tpu.memory_space<vmem_shared>> -> memref<10240x16xf32, #tpu.memory_space<vmem_shared>>
        tpu.enqueue_indirect_dma source(%dma_start3A_250 : memref<128x16xf32, #tpu.memory_space<vmem>>) target(%dma_start3A_256 : memref<10240x16xf32, #tpu.memory_space<vmem_shared>>) offsets(%dma_start3A_253 : memref<128xi32, #tpu.memory_space<vmem>>) semaphore(%arg34 : memref<!tpu.dma_semaphore, #tpu.memory_space<semaphore_mem>>) {add = true}
        %dma_wait3A_257 = arith.constant 2 : i32
        %dma_wait3A_258 = arith.constant 256 : i32
        %dma_wait3A_259 = arith.constant 0 : i32
        %dma_wait3A_260 = tpu.memref_slice %arg19[%dma_wait3A_258, %dma_wait3A_259] : memref<640x16xf32, #tpu.memory_space<vmem>> -> memref<128x16xf32, #tpu.memory_space<vmem>>
        %dma_wait3A_261 = arith.constant 0 : i32
        %dma_wait3A_262 = tpu.memref_slice %arg17[%dma_wait3A_257, %dma_wait3A_261] : memref<8x128xi32, #tpu.memory_space<vmem>> -> memref<1x128xi32, #tpu.memory_space<vmem>>
        %dma_wait3A_263 = tpu.memref_squeeze %dma_wait3A_262 : memref<1x128xi32, #tpu.memory_space<vmem>> -> memref<128xi32, #tpu.memory_space<vmem>>
        %dma_wait3A_264 = arith.constant 0 : i32
        %dma_wait3A_265 = arith.constant 0 : i32
        %dma_wait3A_266 = tpu.memref_slice %arg27[%dma_wait3A_264, %dma_wait3A_265] : memref<10240x16xf32, #tpu.memory_space<vmem_shared>> -> memref<10240x16xf32, #tpu.memory_space<vmem_shared>>
        tpu.wait_indirect_dma semaphore(%arg36 : memref<!tpu.dma_semaphore, #tpu.memory_space<semaphore_mem>>) src(%dma_wait3A_260 : memref<128x16xf32, #tpu.memory_space<vmem>>) dst(%dma_wait3A_266 : memref<10240x16xf32, #tpu.memory_space<vmem_shared>>)
        %dma_start3A_267 = arith.constant 7 : i32
        %dma_start3A_268 = arith.constant 256 : i32
        %dma_start3A_269 = arith.constant 0 : i32
        %dma_start3A_270 = tpu.memref_slice %arg19[%dma_start3A_268, %dma_start3A_269] : memref<640x16xf32, #tpu.memory_space<vmem>> -> memref<128x16xf32, #tpu.memory_space<vmem>>
        %dma_start3A_271 = arith.constant 0 : i32
        %dma_start3A_272 = tpu.memref_slice %arg16[%dma_start3A_267, %dma_start3A_271] : memref<8x128xi32, #tpu.memory_space<vmem>> -> memref<1x128xi32, #tpu.memory_space<vmem>>
        %dma_start3A_273 = tpu.memref_squeeze %dma_start3A_272 : memref<1x128xi32, #tpu.memory_space<vmem>> -> memref<128xi32, #tpu.memory_space<vmem>>
        %dma_start3A_274 = arith.constant 0 : i32
        %dma_start3A_275 = arith.constant 0 : i32
        %dma_start3A_276 = tpu.memref_slice %arg15[%dma_start3A_274, %dma_start3A_275] : memref<10240x16xf32, #tpu.memory_space<hbm>> -> memref<10240x16xf32, #tpu.memory_space<hbm>>
        tpu.enqueue_indirect_dma source(%dma_start3A_276 : memref<10240x16xf32, #tpu.memory_space<hbm>>) target(%dma_start3A_270 : memref<128x16xf32, #tpu.memory_space<vmem>>) offsets(%dma_start3A_273 : memref<128xi32, #tpu.memory_space<vmem>>) semaphore(%arg31 : memref<!tpu.dma_semaphore, #tpu.memory_space<semaphore_mem>>)
        %dma_wait3A_277 = arith.constant 6 : i32
        %dma_wait3A_278 = arith.constant 128 : i32
        %dma_wait3A_279 = arith.constant 0 : i32
        %dma_wait3A_280 = tpu.memref_slice %arg19[%dma_wait3A_278, %dma_wait3A_279] : memref<640x16xf32, #tpu.memory_space<vmem>> -> memref<128x16xf32, #tpu.memory_space<vmem>>
        %dma_wait3A_281 = arith.constant 0 : i32
        %dma_wait3A_282 = tpu.memref_slice %arg16[%dma_wait3A_277, %dma_wait3A_281] : memref<8x128xi32, #tpu.memory_space<vmem>> -> memref<1x128xi32, #tpu.memory_space<vmem>>
        %dma_wait3A_283 = tpu.memref_squeeze %dma_wait3A_282 : memref<1x128xi32, #tpu.memory_space<vmem>> -> memref<128xi32, #tpu.memory_space<vmem>>
        %dma_wait3A_284 = arith.constant 0 : i32
        %dma_wait3A_285 = arith.constant 0 : i32
        %dma_wait3A_286 = tpu.memref_slice %arg15[%dma_wait3A_284, %dma_wait3A_285] : memref<10240x16xf32, #tpu.memory_space<hbm>> -> memref<10240x16xf32, #tpu.memory_space<hbm>>
        tpu.wait_indirect_dma semaphore(%arg30 : memref<!tpu.dma_semaphore, #tpu.memory_space<semaphore_mem>>) src(%dma_wait3A_286 : memref<10240x16xf32, #tpu.memory_space<hbm>>) dst(%dma_wait3A_280 : memref<128x16xf32, #tpu.memory_space<vmem>>)
        %dma_start3A_287 = arith.constant 6 : i32
        %dma_start3A_288 = arith.constant 128 : i32
        %dma_start3A_289 = arith.constant 0 : i32
        %dma_start3A_290 = tpu.memref_slice %arg19[%dma_start3A_288, %dma_start3A_289] : memref<640x16xf32, #tpu.memory_space<vmem>> -> memref<128x16xf32, #tpu.memory_space<vmem>>
        %dma_start3A_291 = arith.constant 0 : i32
        %dma_start3A_292 = tpu.memref_slice %arg17[%dma_start3A_287, %dma_start3A_291] : memref<8x128xi32, #tpu.memory_space<vmem>> -> memref<1x128xi32, #tpu.memory_space<vmem>>
        %dma_start3A_293 = tpu.memref_squeeze %dma_start3A_292 : memref<1x128xi32, #tpu.memory_space<vmem>> -> memref<128xi32, #tpu.memory_space<vmem>>
        %dma_start3A_294 = arith.constant 0 : i32
        %dma_start3A_295 = arith.constant 0 : i32
        %dma_start3A_296 = tpu.memref_slice %arg27[%dma_start3A_294, %dma_start3A_295] : memref<10240x16xf32, #tpu.memory_space<vmem_shared>> -> memref<10240x16xf32, #tpu.memory_space<vmem_shared>>
        tpu.enqueue_indirect_dma source(%dma_start3A_290 : memref<128x16xf32, #tpu.memory_space<vmem>>) target(%dma_start3A_296 : memref<10240x16xf32, #tpu.memory_space<vmem_shared>>) offsets(%dma_start3A_293 : memref<128xi32, #tpu.memory_space<vmem>>) semaphore(%arg35 : memref<!tpu.dma_semaphore, #tpu.memory_space<semaphore_mem>>) {add = true}
        %dma_wait3A_297 = arith.constant 7 : i32
        %dma_wait3A_298 = arith.constant 256 : i32
        %dma_wait3A_299 = arith.constant 0 : i32
        %dma_wait3A_300 = tpu.memref_slice %arg19[%dma_wait3A_298, %dma_wait3A_299] : memref<640x16xf32, #tpu.memory_space<vmem>> -> memref<128x16xf32, #tpu.memory_space<vmem>>
        %dma_wait3A_301 = arith.constant 0 : i32
        %dma_wait3A_302 = tpu.memref_slice %arg16[%dma_wait3A_297, %dma_wait3A_301] : memref<8x128xi32, #tpu.memory_space<vmem>> -> memref<1x128xi32, #tpu.memory_space<vmem>>
        %dma_wait3A_303 = tpu.memref_squeeze %dma_wait3A_302 : memref<1x128xi32, #tpu.memory_space<vmem>> -> memref<128xi32, #tpu.memory_space<vmem>>
        %dma_wait3A_304 = arith.constant 0 : i32
        %dma_wait3A_305 = arith.constant 0 : i32
        %dma_wait3A_306 = tpu.memref_slice %arg15[%dma_wait3A_304, %dma_wait3A_305] : memref<10240x16xf32, #tpu.memory_space<hbm>> -> memref<10240x16xf32, #tpu.memory_space<hbm>>
        tpu.wait_indirect_dma semaphore(%arg31 : memref<!tpu.dma_semaphore, #tpu.memory_space<semaphore_mem>>) src(%dma_wait3A_306 : memref<10240x16xf32, #tpu.memory_space<hbm>>) dst(%dma_wait3A_300 : memref<128x16xf32, #tpu.memory_space<vmem>>)
        %dma_start3A_307 = arith.constant 7 : i32
        %dma_start3A_308 = arith.constant 256 : i32
        %dma_start3A_309 = arith.constant 0 : i32
        %dma_start3A_310 = tpu.memref_slice %arg19[%dma_start3A_308, %dma_start3A_309] : memref<640x16xf32, #tpu.memory_space<vmem>> -> memref<128x16xf32, #tpu.memory_space<vmem>>
        %dma_start3A_311 = arith.constant 0 : i32
        %dma_start3A_312 = tpu.memref_slice %arg17[%dma_start3A_307, %dma_start3A_311] : memref<8x128xi32, #tpu.memory_space<vmem>> -> memref<1x128xi32, #tpu.memory_space<vmem>>
        %dma_start3A_313 = tpu.memref_squeeze %dma_start3A_312 : memref<1x128xi32, #tpu.memory_space<vmem>> -> memref<128xi32, #tpu.memory_space<vmem>>
        %dma_start3A_314 = arith.constant 0 : i32
        %dma_start3A_315 = arith.constant 0 : i32
        %dma_start3A_316 = tpu.memref_slice %arg27[%dma_start3A_314, %dma_start3A_315] : memref<10240x16xf32, #tpu.memory_space<vmem_shared>> -> memref<10240x16xf32, #tpu.memory_space<vmem_shared>>
        tpu.enqueue_indirect_dma source(%dma_start3A_310 : memref<128x16xf32, #tpu.memory_space<vmem>>) target(%dma_start3A_316 : memref<10240x16xf32, #tpu.memory_space<vmem_shared>>) offsets(%dma_start3A_313 : memref<128xi32, #tpu.memory_space<vmem>>) semaphore(%arg36 : memref<!tpu.dma_semaphore, #tpu.memory_space<semaphore_mem>>) {add = true}
        %dma_wait3A_317 = arith.constant 3 : i32
        %dma_wait3A_318 = arith.constant 384 : i32
        %dma_wait3A_319 = arith.constant 0 : i32
        %dma_wait3A_320 = tpu.memref_slice %arg19[%dma_wait3A_318, %dma_wait3A_319] : memref<640x16xf32, #tpu.memory_space<vmem>> -> memref<128x16xf32, #tpu.memory_space<vmem>>
        %dma_wait3A_321 = arith.constant 0 : i32
        %dma_wait3A_322 = tpu.memref_slice %arg17[%dma_wait3A_317, %dma_wait3A_321] : memref<8x128xi32, #tpu.memory_space<vmem>> -> memref<1x128xi32, #tpu.memory_space<vmem>>
        %dma_wait3A_323 = tpu.memref_squeeze %dma_wait3A_322 : memref<1x128xi32, #tpu.memory_space<vmem>> -> memref<128xi32, #tpu.memory_space<vmem>>
        %dma_wait3A_324 = arith.constant 0 : i32
        %dma_wait3A_325 = arith.constant 0 : i32
        %dma_wait3A_326 = tpu.memref_slice %arg27[%dma_wait3A_324, %dma_wait3A_325] : memref<10240x16xf32, #tpu.memory_space<vmem_shared>> -> memref<10240x16xf32, #tpu.memory_space<vmem_shared>>
        tpu.wait_indirect_dma semaphore(%arg37 : memref<!tpu.dma_semaphore, #tpu.memory_space<semaphore_mem>>) src(%dma_wait3A_320 : memref<128x16xf32, #tpu.memory_space<vmem>>) dst(%dma_wait3A_326 : memref<10240x16xf32, #tpu.memory_space<vmem_shared>>)
        %dma_wait3A_327 = arith.constant 4 : i32
        %dma_wait3A_328 = arith.constant 512 : i32
        %dma_wait3A_329 = arith.constant 0 : i32
        %dma_wait3A_330 = tpu.memref_slice %arg19[%dma_wait3A_328, %dma_wait3A_329] : memref<640x16xf32, #tpu.memory_space<vmem>> -> memref<128x16xf32, #tpu.memory_space<vmem>>
        %dma_wait3A_331 = arith.constant 0 : i32
        %dma_wait3A_332 = tpu.memref_slice %arg17[%dma_wait3A_327, %dma_wait3A_331] : memref<8x128xi32, #tpu.memory_space<vmem>> -> memref<1x128xi32, #tpu.memory_space<vmem>>
        %dma_wait3A_333 = tpu.memref_squeeze %dma_wait3A_332 : memref<1x128xi32, #tpu.memory_space<vmem>> -> memref<128xi32, #tpu.memory_space<vmem>>
        %dma_wait3A_334 = arith.constant 0 : i32
        %dma_wait3A_335 = arith.constant 0 : i32
        %dma_wait3A_336 = tpu.memref_slice %arg27[%dma_wait3A_334, %dma_wait3A_335] : memref<10240x16xf32, #tpu.memory_space<vmem_shared>> -> memref<10240x16xf32, #tpu.memory_space<vmem_shared>>
        tpu.wait_indirect_dma semaphore(%arg38 : memref<!tpu.dma_semaphore, #tpu.memory_space<semaphore_mem>>) src(%dma_wait3A_330 : memref<128x16xf32, #tpu.memory_space<vmem>>) dst(%dma_wait3A_336 : memref<10240x16xf32, #tpu.memory_space<vmem_shared>>)
        %dma_wait3A_337 = arith.constant 5 : i32
        %dma_wait3A_338 = arith.constant 0 : i32
        %dma_wait3A_339 = arith.constant 0 : i32
        %dma_wait3A_340 = tpu.memref_slice %arg19[%dma_wait3A_338, %dma_wait3A_339] : memref<640x16xf32, #tpu.memory_space<vmem>> -> memref<128x16xf32, #tpu.memory_space<vmem>>
        %dma_wait3A_341 = arith.constant 0 : i32
        %dma_wait3A_342 = tpu.memref_slice %arg17[%dma_wait3A_337, %dma_wait3A_341] : memref<8x128xi32, #tpu.memory_space<vmem>> -> memref<1x128xi32, #tpu.memory_space<vmem>>
        %dma_wait3A_343 = tpu.memref_squeeze %dma_wait3A_342 : memref<1x128xi32, #tpu.memory_space<vmem>> -> memref<128xi32, #tpu.memory_space<vmem>>
        %dma_wait3A_344 = arith.constant 0 : i32
        %dma_wait3A_345 = arith.constant 0 : i32
        %dma_wait3A_346 = tpu.memref_slice %arg27[%dma_wait3A_344, %dma_wait3A_345] : memref<10240x16xf32, #tpu.memory_space<vmem_shared>> -> memref<10240x16xf32, #tpu.memory_space<vmem_shared>>
        tpu.wait_indirect_dma semaphore(%arg34 : memref<!tpu.dma_semaphore, #tpu.memory_space<semaphore_mem>>) src(%dma_wait3A_340 : memref<128x16xf32, #tpu.memory_space<vmem>>) dst(%dma_wait3A_346 : memref<10240x16xf32, #tpu.memory_space<vmem_shared>>)
        %dma_wait3A_347 = arith.constant 6 : i32
        %dma_wait3A_348 = arith.constant 128 : i32
        %dma_wait3A_349 = arith.constant 0 : i32
        %dma_wait3A_350 = tpu.memref_slice %arg19[%dma_wait3A_348, %dma_wait3A_349] : memref<640x16xf32, #tpu.memory_space<vmem>> -> memref<128x16xf32, #tpu.memory_space<vmem>>
        %dma_wait3A_351 = arith.constant 0 : i32
        %dma_wait3A_352 = tpu.memref_slice %arg17[%dma_wait3A_347, %dma_wait3A_351] : memref<8x128xi32, #tpu.memory_space<vmem>> -> memref<1x128xi32, #tpu.memory_space<vmem>>
        %dma_wait3A_353 = tpu.memref_squeeze %dma_wait3A_352 : memref<1x128xi32, #tpu.memory_space<vmem>> -> memref<128xi32, #tpu.memory_space<vmem>>
        %dma_wait3A_354 = arith.constant 0 : i32
        %dma_wait3A_355 = arith.constant 0 : i32
        %dma_wait3A_356 = tpu.memref_slice %arg27[%dma_wait3A_354, %dma_wait3A_355] : memref<10240x16xf32, #tpu.memory_space<vmem_shared>> -> memref<10240x16xf32, #tpu.memory_space<vmem_shared>>
        tpu.wait_indirect_dma semaphore(%arg35 : memref<!tpu.dma_semaphore, #tpu.memory_space<semaphore_mem>>) src(%dma_wait3A_350 : memref<128x16xf32, #tpu.memory_space<vmem>>) dst(%dma_wait3A_356 : memref<10240x16xf32, #tpu.memory_space<vmem_shared>>)
        %dma_wait3A_357 = arith.constant 7 : i32
        %dma_wait3A_358 = arith.constant 256 : i32
        %dma_wait3A_359 = arith.constant 0 : i32
        %dma_wait3A_360 = tpu.memref_slice %arg19[%dma_wait3A_358, %dma_wait3A_359] : memref<640x16xf32, #tpu.memory_space<vmem>> -> memref<128x16xf32, #tpu.memory_space<vmem>>
        %dma_wait3A_361 = arith.constant 0 : i32
        %dma_wait3A_362 = tpu.memref_slice %arg17[%dma_wait3A_357, %dma_wait3A_361] : memref<8x128xi32, #tpu.memory_space<vmem>> -> memref<1x128xi32, #tpu.memory_space<vmem>>
        %dma_wait3A_363 = tpu.memref_squeeze %dma_wait3A_362 : memref<1x128xi32, #tpu.memory_space<vmem>> -> memref<128xi32, #tpu.memory_space<vmem>>
        %dma_wait3A_364 = arith.constant 0 : i32
        %dma_wait3A_365 = arith.constant 0 : i32
        %dma_wait3A_366 = tpu.memref_slice %arg27[%dma_wait3A_364, %dma_wait3A_365] : memref<10240x16xf32, #tpu.memory_space<vmem_shared>> -> memref<10240x16xf32, #tpu.memory_space<vmem_shared>>
        tpu.wait_indirect_dma semaphore(%arg36 : memref<!tpu.dma_semaphore, #tpu.memory_space<semaphore_mem>>) src(%dma_wait3A_360 : memref<128x16xf32, #tpu.memory_space<vmem>>) dst(%dma_wait3A_366 : memref<10240x16xf32, #tpu.memory_space<vmem_shared>>)
        %scan3A_367 = arith.constant 0 : i32
        scf.yield %scan3A_367 : i32
      }
      %scan3A_44 = arith.constant 20 : i32
    } else {
    }
    %barrier3A_26 = arith.constant 0 : index
    tpu.barrier barrier_id(%barrier3A_26)
    %eq3A_27 = arith.constant 0 : i32
    %eq3A_28 = arith.cmpi eq, %arg0, %eq3A_27 : i32
    %convert_element_type3A_29 = arith.extui %eq3A_28 : i1 to i32
    %cond3A_30 = arith.constant 0 : i32
    %cond3A_31 = arith.cmpi ne, %convert_element_type3A_29, %cond3A_30 : i32
    scf.if %cond3A_31 {
      %scan3A_38 = arith.constant 0 : i32
      %scan3A_39 = arith.constant 0 : i32
      %scan3A_40 = arith.constant 8 : i32
      %scan3A_41 = arith.addi %scan3A_39, %scan3A_40 : i32
      %scan3A_42 = arith.constant 1 : i32
      %scan3A_43 = scf.for %scan3A_45 = %scan3A_39 to %scan3A_41 step %scan3A_42 iter_args(%scan3A_46 = %scan3A_38) -> (i32)  : i32 {
        %mul3A_47 = arith.constant 80 : i32
        %mul3A_48 = arith.muli %scan3A_45, %mul3A_47 : i32
        %add3A = arith.addi %mul3A_2, %mul3A_48 : i32
        %multiple_of3A = tpu.assume_multiple %add3A, 8 : i32
        "tpu.region"() ({
          %run_scoped3A = tpu.sem_alloc : memref<!tpu.dma_semaphore, #tpu.memory_space<semaphore_mem>>
          %dma_start3A = arith.constant 0 : i32
          %dma_start3A_57 = tpu.memref_slice %arg26[%multiple_of3A, %dma_start3A] : memref<10240x64xf32, #tpu.memory_space<vmem_shared>> -> memref<80x64xf32, #tpu.memory_space<vmem_shared>>
          %dma_start3A_58 = arith.constant 0 : i32
          %dma_start3A_59 = tpu.memref_slice %arg26[%multiple_of3A, %dma_start3A_58] : memref<10240x64xf32, #tpu.memory_space<vmem_shared>> -> memref<80x64xf32, #tpu.memory_space<vmem_shared>>
          tpu.enqueue_dma source(%dma_start3A_59 : memref<80x64xf32, #tpu.memory_space<vmem_shared>>) target(%arg20 : memref<80x64xf32, #tpu.memory_space<vmem>>) target_semaphore(%run_scoped3A : memref<!tpu.dma_semaphore, #tpu.memory_space<semaphore_mem>>)
          %dma_wait3A = arith.constant 0 : i32
          %dma_wait3A_60 = tpu.memref_slice %arg26[%multiple_of3A, %dma_wait3A] : memref<10240x64xf32, #tpu.memory_space<vmem_shared>> -> memref<80x64xf32, #tpu.memory_space<vmem_shared>>
          %dma_wait3A_61 = arith.constant 0 : i32
          %dma_wait3A_62 = tpu.memref_slice %arg26[%multiple_of3A, %dma_wait3A_61] : memref<10240x64xf32, #tpu.memory_space<vmem_shared>> -> memref<80x64xf32, #tpu.memory_space<vmem_shared>>
          tpu.wait_dma2 semaphore(%run_scoped3A : memref<!tpu.dma_semaphore, #tpu.memory_space<semaphore_mem>>) src(%dma_wait3A_62 : memref<80x64xf32, #tpu.memory_space<vmem_shared>>) dst(%arg20 : memref<80x64xf32, #tpu.memory_space<vmem>>)
          tpu.yield
        }) : () -> ()
        "tpu.region"() ({
          %run_scoped3A = tpu.sem_alloc : memref<!tpu.dma_semaphore, #tpu.memory_space<semaphore_mem>>
          %dma_start3A = arith.constant 0 : i32
          %dma_start3A_57 = tpu.memref_slice %arg7[%multiple_of3A, %dma_start3A] : memref<10240x64xf32, #tpu.memory_space<hbm>> -> memref<80x64xf32, #tpu.memory_space<hbm>>
          %dma_start3A_58 = arith.constant 0 : i32
          %dma_start3A_59 = tpu.memref_slice %arg7[%multiple_of3A, %dma_start3A_58] : memref<10240x64xf32, #tpu.memory_space<hbm>> -> memref<80x64xf32, #tpu.memory_space<hbm>>
          tpu.enqueue_dma source(%dma_start3A_59 : memref<80x64xf32, #tpu.memory_space<hbm>>) target(%arg21 : memref<80x64xf32, #tpu.memory_space<vmem>>) target_semaphore(%run_scoped3A : memref<!tpu.dma_semaphore, #tpu.memory_space<semaphore_mem>>)
          %dma_wait3A = arith.constant 0 : i32
          %dma_wait3A_60 = tpu.memref_slice %arg7[%multiple_of3A, %dma_wait3A] : memref<10240x64xf32, #tpu.memory_space<hbm>> -> memref<80x64xf32, #tpu.memory_space<hbm>>
          %dma_wait3A_61 = arith.constant 0 : i32
          %dma_wait3A_62 = tpu.memref_slice %arg7[%multiple_of3A, %dma_wait3A_61] : memref<10240x64xf32, #tpu.memory_space<hbm>> -> memref<80x64xf32, #tpu.memory_space<hbm>>
          tpu.wait_dma2 semaphore(%run_scoped3A : memref<!tpu.dma_semaphore, #tpu.memory_space<semaphore_mem>>) src(%dma_wait3A_62 : memref<80x64xf32, #tpu.memory_space<hbm>>) dst(%arg21 : memref<80x64xf32, #tpu.memory_space<vmem>>)
          tpu.yield
        }) : () -> ()
        "tpu.region"() ({
          %run_scoped3A = tpu.sem_alloc : memref<!tpu.dma_semaphore, #tpu.memory_space<semaphore_mem>>
          %dma_start3A = arith.constant 0 : i32
          %dma_start3A_57 = tpu.memref_slice %arg8[%multiple_of3A, %dma_start3A] : memref<10240x64xf32, #tpu.memory_space<hbm>> -> memref<80x64xf32, #tpu.memory_space<hbm>>
          %dma_start3A_58 = arith.constant 0 : i32
          %dma_start3A_59 = tpu.memref_slice %arg8[%multiple_of3A, %dma_start3A_58] : memref<10240x64xf32, #tpu.memory_space<hbm>> -> memref<80x64xf32, #tpu.memory_space<hbm>>
          tpu.enqueue_dma source(%dma_start3A_59 : memref<80x64xf32, #tpu.memory_space<hbm>>) target(%arg22 : memref<80x64xf32, #tpu.memory_space<vmem>>) target_semaphore(%run_scoped3A : memref<!tpu.dma_semaphore, #tpu.memory_space<semaphore_mem>>)
          %dma_wait3A = arith.constant 0 : i32
          %dma_wait3A_60 = tpu.memref_slice %arg8[%multiple_of3A, %dma_wait3A] : memref<10240x64xf32, #tpu.memory_space<hbm>> -> memref<80x64xf32, #tpu.memory_space<hbm>>
          %dma_wait3A_61 = arith.constant 0 : i32
          %dma_wait3A_62 = tpu.memref_slice %arg8[%multiple_of3A, %dma_wait3A_61] : memref<10240x64xf32, #tpu.memory_space<hbm>> -> memref<80x64xf32, #tpu.memory_space<hbm>>
          tpu.wait_dma2 semaphore(%run_scoped3A : memref<!tpu.dma_semaphore, #tpu.memory_space<semaphore_mem>>) src(%dma_wait3A_62 : memref<80x64xf32, #tpu.memory_space<hbm>>) dst(%arg22 : memref<80x64xf32, #tpu.memory_space<vmem>>)
          tpu.yield
        }) : () -> ()
        %scan3A_49 = arith.constant 0 : i32
        %scan3A_50 = arith.constant 0 : i32
        %scan3A_51 = arith.constant 80 : i32
        %scan3A_52 = arith.addi %scan3A_50, %scan3A_51 : i32
        %scan3A_53 = arith.constant 1 : i32
        %scan3A_54 = scf.for %scan3A_57 = %scan3A_50 to %scan3A_52 step %scan3A_53 iter_args(%scan3A_58 = %scan3A_49) -> (i32)  : i32 {
          %get3A = arith.index_cast %scan3A_57 : i32 to index
          %get3A_59 = arith.constant 0 : index
          %get3A_60 = tpu.vector_load %arg20[%get3A, %get3A_59] {strides = array<i32>} : memref<80x64xf32, #tpu.memory_space<vmem>>, vector<1x16xf32>,
          %get3A_61 = vector.shape_cast %get3A_60 : vector<1x16xf32> to vector<16xf32>
          %get3A_62 = arith.index_cast %scan3A_57 : i32 to index
          %get3A_63 = arith.constant 0 : index
          %get3A_64 = tpu.vector_load %arg21[%get3A_62, %get3A_63] {strides = array<i32>} : memref<80x64xf32, #tpu.memory_space<vmem>>, vector<1x16xf32>,
          %get3A_65 = vector.shape_cast %get3A_64 : vector<1x16xf32> to vector<16xf32>
          %mul3A_66 = arith.mulf %get3A_61, %get3A_65 : vector<16xf32>
          %get3A_67 = arith.index_cast %scan3A_57 : i32 to index
          %get3A_68 = arith.constant 0 : index
          %get3A_69 = tpu.vector_load %arg22[%get3A_67, %get3A_68] {strides = array<i32>} : memref<80x64xf32, #tpu.memory_space<vmem>>, vector<1x16xf32>,
          %get3A_70 = vector.shape_cast %get3A_69 : vector<1x16xf32> to vector<16xf32>
          %add3A_71 = arith.addf %mul3A_66, %get3A_70 : vector<16xf32>
          %swap3A = arith.index_cast %scan3A_57 : i32 to index
          %swap3A_72 = arith.constant 0 : index
          %swap3A_73 = tpu.vector_load %arg20[%swap3A, %swap3A_72] {strides = array<i32>} : memref<80x64xf32, #tpu.memory_space<vmem>>, vector<1x16xf32>,
          %swap3A_74 = vector.shape_cast %swap3A_73 : vector<1x16xf32> to vector<16xf32>
          %swap3A_75 = vector.shape_cast %add3A_71 : vector<16xf32> to vector<1x16xf32>
          tpu.vector_store %arg20[%swap3A, %swap3A_72], %swap3A_75 {strides = array<i32>} : memref<80x64xf32, #tpu.memory_space<vmem>>, vector<1x16xf32>,
          %get3A_76 = arith.index_cast %scan3A_57 : i32 to index
          %get3A_77 = arith.constant 16 : index
          %get3A_78 = tpu.vector_load %arg20[%get3A_76, %get3A_77] {strides = array<i32>} : memref<80x64xf32, #tpu.memory_space<vmem>>, vector<1x16xf32>,
          %get3A_79 = vector.shape_cast %get3A_78 : vector<1x16xf32> to vector<16xf32>
          %get3A_80 = arith.index_cast %scan3A_57 : i32 to index
          %get3A_81 = arith.constant 16 : index
          %get3A_82 = tpu.vector_load %arg21[%get3A_80, %get3A_81] {strides = array<i32>} : memref<80x64xf32, #tpu.memory_space<vmem>>, vector<1x16xf32>,
          %get3A_83 = vector.shape_cast %get3A_82 : vector<1x16xf32> to vector<16xf32>
          %mul3A_84 = arith.mulf %get3A_79, %get3A_83 : vector<16xf32>
          %get3A_85 = arith.index_cast %scan3A_57 : i32 to index
          %get3A_86 = arith.constant 16 : index
          %get3A_87 = tpu.vector_load %arg22[%get3A_85, %get3A_86] {strides = array<i32>} : memref<80x64xf32, #tpu.memory_space<vmem>>, vector<1x16xf32>,
          %get3A_88 = vector.shape_cast %get3A_87 : vector<1x16xf32> to vector<16xf32>
          %add3A_89 = arith.addf %mul3A_84, %get3A_88 : vector<16xf32>
          %swap3A_90 = arith.index_cast %scan3A_57 : i32 to index
          %swap3A_91 = arith.constant 16 : index
          %swap3A_92 = tpu.vector_load %arg20[%swap3A_90, %swap3A_91] {strides = array<i32>} : memref<80x64xf32, #tpu.memory_space<vmem>>, vector<1x16xf32>,
          %swap3A_93 = vector.shape_cast %swap3A_92 : vector<1x16xf32> to vector<16xf32>
          %swap3A_94 = vector.shape_cast %add3A_89 : vector<16xf32> to vector<1x16xf32>
          tpu.vector_store %arg20[%swap3A_90, %swap3A_91], %swap3A_94 {strides = array<i32>} : memref<80x64xf32, #tpu.memory_space<vmem>>, vector<1x16xf32>,
          %get3A_95 = arith.index_cast %scan3A_57 : i32 to index
          %get3A_96 = arith.constant 32 : index
          %get3A_97 = tpu.vector_load %arg20[%get3A_95, %get3A_96] {strides = array<i32>} : memref<80x64xf32, #tpu.memory_space<vmem>>, vector<1x16xf32>,
          %get3A_98 = vector.shape_cast %get3A_97 : vector<1x16xf32> to vector<16xf32>
          %get3A_99 = arith.index_cast %scan3A_57 : i32 to index
          %get3A_100 = arith.constant 32 : index
          %get3A_101 = tpu.vector_load %arg21[%get3A_99, %get3A_100] {strides = array<i32>} : memref<80x64xf32, #tpu.memory_space<vmem>>, vector<1x16xf32>,
          %get3A_102 = vector.shape_cast %get3A_101 : vector<1x16xf32> to vector<16xf32>
          %mul3A_103 = arith.mulf %get3A_98, %get3A_102 : vector<16xf32>
          %get3A_104 = arith.index_cast %scan3A_57 : i32 to index
          %get3A_105 = arith.constant 32 : index
          %get3A_106 = tpu.vector_load %arg22[%get3A_104, %get3A_105] {strides = array<i32>} : memref<80x64xf32, #tpu.memory_space<vmem>>, vector<1x16xf32>,
          %get3A_107 = vector.shape_cast %get3A_106 : vector<1x16xf32> to vector<16xf32>
          %add3A_108 = arith.addf %mul3A_103, %get3A_107 : vector<16xf32>
          %swap3A_109 = arith.index_cast %scan3A_57 : i32 to index
          %swap3A_110 = arith.constant 32 : index
          %swap3A_111 = tpu.vector_load %arg20[%swap3A_109, %swap3A_110] {strides = array<i32>} : memref<80x64xf32, #tpu.memory_space<vmem>>, vector<1x16xf32>,
          %swap3A_112 = vector.shape_cast %swap3A_111 : vector<1x16xf32> to vector<16xf32>
          %swap3A_113 = vector.shape_cast %add3A_108 : vector<16xf32> to vector<1x16xf32>
          tpu.vector_store %arg20[%swap3A_109, %swap3A_110], %swap3A_113 {strides = array<i32>} : memref<80x64xf32, #tpu.memory_space<vmem>>, vector<1x16xf32>,
          %get3A_114 = arith.index_cast %scan3A_57 : i32 to index
          %get3A_115 = arith.constant 48 : index
          %get3A_116 = tpu.vector_load %arg20[%get3A_114, %get3A_115] {strides = array<i32>} : memref<80x64xf32, #tpu.memory_space<vmem>>, vector<1x16xf32>,
          %get3A_117 = vector.shape_cast %get3A_116 : vector<1x16xf32> to vector<16xf32>
          %get3A_118 = arith.index_cast %scan3A_57 : i32 to index
          %get3A_119 = arith.constant 48 : index
          %get3A_120 = tpu.vector_load %arg21[%get3A_118, %get3A_119] {strides = array<i32>} : memref<80x64xf32, #tpu.memory_space<vmem>>, vector<1x16xf32>,
          %get3A_121 = vector.shape_cast %get3A_120 : vector<1x16xf32> to vector<16xf32>
          %mul3A_122 = arith.mulf %get3A_117, %get3A_121 : vector<16xf32>
          %get3A_123 = arith.index_cast %scan3A_57 : i32 to index
          %get3A_124 = arith.constant 48 : index
          %get3A_125 = tpu.vector_load %arg22[%get3A_123, %get3A_124] {strides = array<i32>} : memref<80x64xf32, #tpu.memory_space<vmem>>, vector<1x16xf32>,
          %get3A_126 = vector.shape_cast %get3A_125 : vector<1x16xf32> to vector<16xf32>
          %add3A_127 = arith.addf %mul3A_122, %get3A_126 : vector<16xf32>
          %swap3A_128 = arith.index_cast %scan3A_57 : i32 to index
          %swap3A_129 = arith.constant 48 : index
          %swap3A_130 = tpu.vector_load %arg20[%swap3A_128, %swap3A_129] {strides = array<i32>} : memref<80x64xf32, #tpu.memory_space<vmem>>, vector<1x16xf32>,
          %swap3A_131 = vector.shape_cast %swap3A_130 : vector<1x16xf32> to vector<16xf32>
          %swap3A_132 = vector.shape_cast %add3A_127 : vector<16xf32> to vector<1x16xf32>
          tpu.vector_store %arg20[%swap3A_128, %swap3A_129], %swap3A_132 {strides = array<i32>} : memref<80x64xf32, #tpu.memory_space<vmem>>, vector<1x16xf32>,
          %scan3A_133 = arith.constant 0 : i32
          scf.yield %scan3A_133 : i32
        }
        %scan3A_55 = arith.constant 80 : i32
        "tpu.region"() ({
          %run_scoped3A = tpu.sem_alloc : memref<!tpu.dma_semaphore, #tpu.memory_space<semaphore_mem>>
          %dma_start3A = arith.constant 0 : i32
          %dma_start3A_57 = tpu.memref_slice %arg14[%multiple_of3A, %dma_start3A] : memref<10240x64xf32, #tpu.memory_space<hbm>> -> memref<80x64xf32, #tpu.memory_space<hbm>>
          %dma_start3A_58 = arith.constant 0 : i32
          %dma_start3A_59 = tpu.memref_slice %arg14[%multiple_of3A, %dma_start3A_58] : memref<10240x64xf32, #tpu.memory_space<hbm>> -> memref<80x64xf32, #tpu.memory_space<hbm>>
          tpu.enqueue_dma source(%arg20 : memref<80x64xf32, #tpu.memory_space<vmem>>) target(%dma_start3A_59 : memref<80x64xf32, #tpu.memory_space<hbm>>) target_semaphore(%run_scoped3A : memref<!tpu.dma_semaphore, #tpu.memory_space<semaphore_mem>>)
          %dma_wait3A = arith.constant 0 : i32
          %dma_wait3A_60 = tpu.memref_slice %arg14[%multiple_of3A, %dma_wait3A] : memref<10240x64xf32, #tpu.memory_space<hbm>> -> memref<80x64xf32, #tpu.memory_space<hbm>>
          %dma_wait3A_61 = arith.constant 0 : i32
          %dma_wait3A_62 = tpu.memref_slice %arg14[%multiple_of3A, %dma_wait3A_61] : memref<10240x64xf32, #tpu.memory_space<hbm>> -> memref<80x64xf32, #tpu.memory_space<hbm>>
          tpu.wait_dma2 semaphore(%run_scoped3A : memref<!tpu.dma_semaphore, #tpu.memory_space<semaphore_mem>>) src(%arg20 : memref<80x64xf32, #tpu.memory_space<vmem>>) dst(%dma_wait3A_62 : memref<80x64xf32, #tpu.memory_space<hbm>>)
          tpu.yield
        }) : () -> ()
        "tpu.region"() ({
          %run_scoped3A = tpu.sem_alloc : memref<!tpu.dma_semaphore, #tpu.memory_space<semaphore_mem>>
          %dma_start3A = arith.constant 0 : i32
          %dma_start3A_57 = tpu.memref_slice %arg26[%multiple_of3A, %dma_start3A] : memref<10240x64xf32, #tpu.memory_space<vmem_shared>> -> memref<80x64xf32, #tpu.memory_space<vmem_shared>>
          %dma_start3A_58 = arith.constant 0 : i32
          %dma_start3A_59 = tpu.memref_slice %arg26[%multiple_of3A, %dma_start3A_58] : memref<10240x64xf32, #tpu.memory_space<vmem_shared>> -> memref<80x64xf32, #tpu.memory_space<vmem_shared>>
          tpu.enqueue_dma source(%arg20 : memref<80x64xf32, #tpu.memory_space<vmem>>) target(%dma_start3A_59 : memref<80x64xf32, #tpu.memory_space<vmem_shared>>) target_semaphore(%run_scoped3A : memref<!tpu.dma_semaphore, #tpu.memory_space<semaphore_mem>>)
          %dma_wait3A = arith.constant 0 : i32
          %dma_wait3A_60 = tpu.memref_slice %arg26[%multiple_of3A, %dma_wait3A] : memref<10240x64xf32, #tpu.memory_space<vmem_shared>> -> memref<80x64xf32, #tpu.memory_space<vmem_shared>>
          %dma_wait3A_61 = arith.constant 0 : i32
          %dma_wait3A_62 = tpu.memref_slice %arg26[%multiple_of3A, %dma_wait3A_61] : memref<10240x64xf32, #tpu.memory_space<vmem_shared>> -> memref<80x64xf32, #tpu.memory_space<vmem_shared>>
          tpu.wait_dma2 semaphore(%run_scoped3A : memref<!tpu.dma_semaphore, #tpu.memory_space<semaphore_mem>>) src(%arg20 : memref<80x64xf32, #tpu.memory_space<vmem>>) dst(%dma_wait3A_62 : memref<80x64xf32, #tpu.memory_space<vmem_shared>>)
          tpu.yield
        }) : () -> ()
        %scan3A_56 = arith.constant 0 : i32
        scf.yield %scan3A_56 : i32
      }
      %scan3A_44 = arith.constant 8 : i32
    } else {
    }
    %eq3A_32 = arith.constant 1 : i32
    %eq3A_33 = arith.cmpi eq, %arg0, %eq3A_32 : i32
    %convert_element_type3A_34 = arith.extui %eq3A_33 : i1 to i32
    %cond3A_35 = arith.constant 0 : i32
    %cond3A_36 = arith.cmpi ne, %convert_element_type3A_34, %cond3A_35 : i32
    scf.if %cond3A_36 {
      %scan3A_38 = arith.constant 0 : i32
      %scan3A_39 = arith.constant 0 : i32
      %scan3A_40 = arith.constant 8 : i32
      %scan3A_41 = arith.addi %scan3A_39, %scan3A_40 : i32
      %scan3A_42 = arith.constant 1 : i32
      %scan3A_43 = scf.for %scan3A_45 = %scan3A_39 to %scan3A_41 step %scan3A_42 iter_args(%scan3A_46 = %scan3A_38) -> (i32)  : i32 {
        %mul3A_47 = arith.constant 80 : i32
        %mul3A_48 = arith.muli %scan3A_45, %mul3A_47 : i32
        %add3A = arith.addi %mul3A_2, %mul3A_48 : i32
        %multiple_of3A = tpu.assume_multiple %add3A, 8 : i32
        "tpu.region"() ({
          %run_scoped3A = tpu.sem_alloc : memref<!tpu.dma_semaphore, #tpu.memory_space<semaphore_mem>>
          %dma_start3A = arith.constant 0 : i32
          %dma_start3A_57 = tpu.memref_slice %arg27[%multiple_of3A, %dma_start3A] : memref<10240x16xf32, #tpu.memory_space<vmem_shared>> -> memref<80x16xf32, #tpu.memory_space<vmem_shared>>
          %dma_start3A_58 = arith.constant 0 : i32
          %dma_start3A_59 = tpu.memref_slice %arg27[%multiple_of3A, %dma_start3A_58] : memref<10240x16xf32, #tpu.memory_space<vmem_shared>> -> memref<80x16xf32, #tpu.memory_space<vmem_shared>>
          tpu.enqueue_dma source(%dma_start3A_59 : memref<80x16xf32, #tpu.memory_space<vmem_shared>>) target(%arg23 : memref<80x16xf32, #tpu.memory_space<vmem>>) target_semaphore(%run_scoped3A : memref<!tpu.dma_semaphore, #tpu.memory_space<semaphore_mem>>)
          %dma_wait3A = arith.constant 0 : i32
          %dma_wait3A_60 = tpu.memref_slice %arg27[%multiple_of3A, %dma_wait3A] : memref<10240x16xf32, #tpu.memory_space<vmem_shared>> -> memref<80x16xf32, #tpu.memory_space<vmem_shared>>
          %dma_wait3A_61 = arith.constant 0 : i32
          %dma_wait3A_62 = tpu.memref_slice %arg27[%multiple_of3A, %dma_wait3A_61] : memref<10240x16xf32, #tpu.memory_space<vmem_shared>> -> memref<80x16xf32, #tpu.memory_space<vmem_shared>>
          tpu.wait_dma2 semaphore(%run_scoped3A : memref<!tpu.dma_semaphore, #tpu.memory_space<semaphore_mem>>) src(%dma_wait3A_62 : memref<80x16xf32, #tpu.memory_space<vmem_shared>>) dst(%arg23 : memref<80x16xf32, #tpu.memory_space<vmem>>)
          tpu.yield
        }) : () -> ()
        "tpu.region"() ({
          %run_scoped3A = tpu.sem_alloc : memref<!tpu.dma_semaphore, #tpu.memory_space<semaphore_mem>>
          %dma_start3A = arith.constant 0 : i32
          %dma_start3A_57 = tpu.memref_slice %arg12[%multiple_of3A, %dma_start3A] : memref<10240x16xf32, #tpu.memory_space<hbm>> -> memref<80x16xf32, #tpu.memory_space<hbm>>
          %dma_start3A_58 = arith.constant 0 : i32
          %dma_start3A_59 = tpu.memref_slice %arg12[%multiple_of3A, %dma_start3A_58] : memref<10240x16xf32, #tpu.memory_space<hbm>> -> memref<80x16xf32, #tpu.memory_space<hbm>>
          tpu.enqueue_dma source(%dma_start3A_59 : memref<80x16xf32, #tpu.memory_space<hbm>>) target(%arg24 : memref<80x16xf32, #tpu.memory_space<vmem>>) target_semaphore(%run_scoped3A : memref<!tpu.dma_semaphore, #tpu.memory_space<semaphore_mem>>)
          %dma_wait3A = arith.constant 0 : i32
          %dma_wait3A_60 = tpu.memref_slice %arg12[%multiple_of3A, %dma_wait3A] : memref<10240x16xf32, #tpu.memory_space<hbm>> -> memref<80x16xf32, #tpu.memory_space<hbm>>
          %dma_wait3A_61 = arith.constant 0 : i32
          %dma_wait3A_62 = tpu.memref_slice %arg12[%multiple_of3A, %dma_wait3A_61] : memref<10240x16xf32, #tpu.memory_space<hbm>> -> memref<80x16xf32, #tpu.memory_space<hbm>>
          tpu.wait_dma2 semaphore(%run_scoped3A : memref<!tpu.dma_semaphore, #tpu.memory_space<semaphore_mem>>) src(%dma_wait3A_62 : memref<80x16xf32, #tpu.memory_space<hbm>>) dst(%arg24 : memref<80x16xf32, #tpu.memory_space<vmem>>)
          tpu.yield
        }) : () -> ()
        "tpu.region"() ({
          %run_scoped3A = tpu.sem_alloc : memref<!tpu.dma_semaphore, #tpu.memory_space<semaphore_mem>>
          %dma_start3A = arith.constant 0 : i32
          %dma_start3A_57 = tpu.memref_slice %arg13[%multiple_of3A, %dma_start3A] : memref<10240x16xf32, #tpu.memory_space<hbm>> -> memref<80x16xf32, #tpu.memory_space<hbm>>
          %dma_start3A_58 = arith.constant 0 : i32
          %dma_start3A_59 = tpu.memref_slice %arg13[%multiple_of3A, %dma_start3A_58] : memref<10240x16xf32, #tpu.memory_space<hbm>> -> memref<80x16xf32, #tpu.memory_space<hbm>>
          tpu.enqueue_dma source(%dma_start3A_59 : memref<80x16xf32, #tpu.memory_space<hbm>>) target(%arg25 : memref<80x16xf32, #tpu.memory_space<vmem>>) target_semaphore(%run_scoped3A : memref<!tpu.dma_semaphore, #tpu.memory_space<semaphore_mem>>)
          %dma_wait3A = arith.constant 0 : i32
          %dma_wait3A_60 = tpu.memref_slice %arg13[%multiple_of3A, %dma_wait3A] : memref<10240x16xf32, #tpu.memory_space<hbm>> -> memref<80x16xf32, #tpu.memory_space<hbm>>
          %dma_wait3A_61 = arith.constant 0 : i32
          %dma_wait3A_62 = tpu.memref_slice %arg13[%multiple_of3A, %dma_wait3A_61] : memref<10240x16xf32, #tpu.memory_space<hbm>> -> memref<80x16xf32, #tpu.memory_space<hbm>>
          tpu.wait_dma2 semaphore(%run_scoped3A : memref<!tpu.dma_semaphore, #tpu.memory_space<semaphore_mem>>) src(%dma_wait3A_62 : memref<80x16xf32, #tpu.memory_space<hbm>>) dst(%arg25 : memref<80x16xf32, #tpu.memory_space<vmem>>)
          tpu.yield
        }) : () -> ()
        %scan3A_49 = arith.constant 0 : i32
        %scan3A_50 = arith.constant 0 : i32
        %scan3A_51 = arith.constant 80 : i32
        %scan3A_52 = arith.addi %scan3A_50, %scan3A_51 : i32
        %scan3A_53 = arith.constant 1 : i32
        %scan3A_54 = scf.for %scan3A_57 = %scan3A_50 to %scan3A_52 step %scan3A_53 iter_args(%scan3A_58 = %scan3A_49) -> (i32)  : i32 {
          %get3A = arith.index_cast %scan3A_57 : i32 to index
          %get3A_59 = arith.constant 0 : index
          %get3A_60 = tpu.vector_load %arg23[%get3A, %get3A_59] {strides = array<i32>} : memref<80x16xf32, #tpu.memory_space<vmem>>, vector<1x16xf32>,
          %get3A_61 = vector.shape_cast %get3A_60 : vector<1x16xf32> to vector<16xf32>
          %get3A_62 = arith.index_cast %scan3A_57 : i32 to index
          %get3A_63 = arith.constant 0 : index
          %get3A_64 = tpu.vector_load %arg24[%get3A_62, %get3A_63] {strides = array<i32>} : memref<80x16xf32, #tpu.memory_space<vmem>>, vector<1x16xf32>,
          %get3A_65 = vector.shape_cast %get3A_64 : vector<1x16xf32> to vector<16xf32>
          %mul3A_66 = arith.mulf %get3A_61, %get3A_65 : vector<16xf32>
          %get3A_67 = arith.index_cast %scan3A_57 : i32 to index
          %get3A_68 = arith.constant 0 : index
          %get3A_69 = tpu.vector_load %arg25[%get3A_67, %get3A_68] {strides = array<i32>} : memref<80x16xf32, #tpu.memory_space<vmem>>, vector<1x16xf32>,
          %get3A_70 = vector.shape_cast %get3A_69 : vector<1x16xf32> to vector<16xf32>
          %add3A_71 = arith.addf %mul3A_66, %get3A_70 : vector<16xf32>
          %swap3A = arith.index_cast %scan3A_57 : i32 to index
          %swap3A_72 = arith.constant 0 : index
          %swap3A_73 = tpu.vector_load %arg23[%swap3A, %swap3A_72] {strides = array<i32>} : memref<80x16xf32, #tpu.memory_space<vmem>>, vector<1x16xf32>,
          %swap3A_74 = vector.shape_cast %swap3A_73 : vector<1x16xf32> to vector<16xf32>
          %swap3A_75 = vector.shape_cast %add3A_71 : vector<16xf32> to vector<1x16xf32>
          tpu.vector_store %arg23[%swap3A, %swap3A_72], %swap3A_75 {strides = array<i32>} : memref<80x16xf32, #tpu.memory_space<vmem>>, vector<1x16xf32>,
          %scan3A_76 = arith.constant 0 : i32
          scf.yield %scan3A_76 : i32
        }
        %scan3A_55 = arith.constant 80 : i32
        "tpu.region"() ({
          %run_scoped3A = tpu.sem_alloc : memref<!tpu.dma_semaphore, #tpu.memory_space<semaphore_mem>>
          %dma_start3A = arith.constant 0 : i32
          %dma_start3A_57 = tpu.memref_slice %arg15[%multiple_of3A, %dma_start3A] : memref<10240x16xf32, #tpu.memory_space<hbm>> -> memref<80x16xf32, #tpu.memory_space<hbm>>
          %dma_start3A_58 = arith.constant 0 : i32
          %dma_start3A_59 = tpu.memref_slice %arg15[%multiple_of3A, %dma_start3A_58] : memref<10240x16xf32, #tpu.memory_space<hbm>> -> memref<80x16xf32, #tpu.memory_space<hbm>>
          tpu.enqueue_dma source(%arg23 : memref<80x16xf32, #tpu.memory_space<vmem>>) target(%dma_start3A_59 : memref<80x16xf32, #tpu.memory_space<hbm>>) target_semaphore(%run_scoped3A : memref<!tpu.dma_semaphore, #tpu.memory_space<semaphore_mem>>)
          %dma_wait3A = arith.constant 0 : i32
          %dma_wait3A_60 = tpu.memref_slice %arg15[%multiple_of3A, %dma_wait3A] : memref<10240x16xf32, #tpu.memory_space<hbm>> -> memref<80x16xf32, #tpu.memory_space<hbm>>
          %dma_wait3A_61 = arith.constant 0 : i32
          %dma_wait3A_62 = tpu.memref_slice %arg15[%multiple_of3A, %dma_wait3A_61] : memref<10240x16xf32, #tpu.memory_space<hbm>> -> memref<80x16xf32, #tpu.memory_space<hbm>>
          tpu.wait_dma2 semaphore(%run_scoped3A : memref<!tpu.dma_semaphore, #tpu.memory_space<semaphore_mem>>) src(%arg23 : memref<80x16xf32, #tpu.memory_space<vmem>>) dst(%dma_wait3A_62 : memref<80x16xf32, #tpu.memory_space<hbm>>)
          tpu.yield
        }) : () -> ()
        "tpu.region"() ({
          %run_scoped3A = tpu.sem_alloc : memref<!tpu.dma_semaphore, #tpu.memory_space<semaphore_mem>>
          %dma_start3A = arith.constant 0 : i32
          %dma_start3A_57 = tpu.memref_slice %arg27[%multiple_of3A, %dma_start3A] : memref<10240x16xf32, #tpu.memory_space<vmem_shared>> -> memref<80x16xf32, #tpu.memory_space<vmem_shared>>
          %dma_start3A_58 = arith.constant 0 : i32
          %dma_start3A_59 = tpu.memref_slice %arg27[%multiple_of3A, %dma_start3A_58] : memref<10240x16xf32, #tpu.memory_space<vmem_shared>> -> memref<80x16xf32, #tpu.memory_space<vmem_shared>>
          tpu.enqueue_dma source(%arg23 : memref<80x16xf32, #tpu.memory_space<vmem>>) target(%dma_start3A_59 : memref<80x16xf32, #tpu.memory_space<vmem_shared>>) target_semaphore(%run_scoped3A : memref<!tpu.dma_semaphore, #tpu.memory_space<semaphore_mem>>)
          %dma_wait3A = arith.constant 0 : i32
          %dma_wait3A_60 = tpu.memref_slice %arg27[%multiple_of3A, %dma_wait3A] : memref<10240x16xf32, #tpu.memory_space<vmem_shared>> -> memref<80x16xf32, #tpu.memory_space<vmem_shared>>
          %dma_wait3A_61 = arith.constant 0 : i32
          %dma_wait3A_62 = tpu.memref_slice %arg27[%multiple_of3A, %dma_wait3A_61] : memref<10240x16xf32, #tpu.memory_space<vmem_shared>> -> memref<80x16xf32, #tpu.memory_space<vmem_shared>>
          tpu.wait_dma2 semaphore(%run_scoped3A : memref<!tpu.dma_semaphore, #tpu.memory_space<semaphore_mem>>) src(%arg23 : memref<80x16xf32, #tpu.memory_space<vmem>>) dst(%dma_wait3A_62 : memref<80x16xf32, #tpu.memory_space<vmem_shared>>)
          tpu.yield
        }) : () -> ()
        %scan3A_56 = arith.constant 0 : i32
        scf.yield %scan3A_56 : i32
      }
      %scan3A_44 = arith.constant 8 : i32
    } else {
    }
    %barrier3A_37 = arith.constant 0 : index
    tpu.barrier barrier_id(%barrier3A_37)
    return
  }
}

#map = affine_map<(d0, d1) -> (0, 0)>
#map1 = affine_map<(d0, d1) -> (0)>
module attributes {stable_mosaic.version = 14 : i64} {
  func.func @_deg_kernel(%arg0: i32, %arg1: i32, %arg2: memref<2560x128xi32, #tpu.memory_space<hbm>>, %arg3: memref<20480xf32, #tpu.memory_space<hbm>>, %arg4: memref<8x128xi32, #tpu.memory_space<vmem>>, %arg5: memref<128xf32, #tpu.memory_space<vmem>>, %arg6: memref<640xf32, #tpu.memory_space<vmem>>, %arg7: memref<10240xf32, #tpu.memory_space<vmem_shared>>, %arg8: memref<!tpu.dma_semaphore, #tpu.memory_space<semaphore_mem>>) attributes {dimension_semantics = [#tpu.dimension_semantics<core_parallel>, #tpu.dimension_semantics<subcore_parallel>], iteration_bounds = array<i64: 2, 16>, scalar_prefetch = 0 : i64, scratch_operands = 5 : i64, tpu.core_type = #tpu.core_type<sc_vector_subcore>, window_params = [{transform_indices = #map}, {transform_indices = #map1}]} {
    %broadcast_in_dim3A = arith.constant 1.000000e+00 : f32
    %broadcast_in_dim3A_0 = vector.broadcast %broadcast_in_dim3A : f32 to vector<16xf32>
    %broadcast_in_dim3A_1 = arith.constant 0.000000e+00 : f32
    %broadcast_in_dim3A_2 = vector.broadcast %broadcast_in_dim3A_1 : f32 to vector<16xf32>
    %swap3A = arith.constant 0 : index
    %swap3A_3 = tpu.vector_load %arg5[%swap3A] {strides = array<i32>} : memref<128xf32, #tpu.memory_space<vmem>>, vector<16xf32>,
    %swap3A_4 = vector.shape_cast %swap3A_3 : vector<16xf32> to vector<16xf32>
    %swap3A_5 = vector.shape_cast %broadcast_in_dim3A_0 : vector<16xf32> to vector<16xf32>
    tpu.vector_store %arg5[%swap3A], %swap3A_5 {strides = array<i32>} : memref<128xf32, #tpu.memory_space<vmem>>, vector<16xf32>,
    %swap3A_6 = arith.constant 16 : index
    %swap3A_7 = tpu.vector_load %arg5[%swap3A_6] {strides = array<i32>} : memref<128xf32, #tpu.memory_space<vmem>>, vector<16xf32>,
    %swap3A_8 = vector.shape_cast %swap3A_7 : vector<16xf32> to vector<16xf32>
    %swap3A_9 = vector.shape_cast %broadcast_in_dim3A_0 : vector<16xf32> to vector<16xf32>
    tpu.vector_store %arg5[%swap3A_6], %swap3A_9 {strides = array<i32>} : memref<128xf32, #tpu.memory_space<vmem>>, vector<16xf32>,
    %swap3A_10 = arith.constant 32 : index
    %swap3A_11 = tpu.vector_load %arg5[%swap3A_10] {strides = array<i32>} : memref<128xf32, #tpu.memory_space<vmem>>, vector<16xf32>,
    %swap3A_12 = vector.shape_cast %swap3A_11 : vector<16xf32> to vector<16xf32>
    %swap3A_13 = vector.shape_cast %broadcast_in_dim3A_0 : vector<16xf32> to vector<16xf32>
    tpu.vector_store %arg5[%swap3A_10], %swap3A_13 {strides = array<i32>} : memref<128xf32, #tpu.memory_space<vmem>>, vector<16xf32>,
    %swap3A_14 = arith.constant 48 : index
    %swap3A_15 = tpu.vector_load %arg5[%swap3A_14] {strides = array<i32>} : memref<128xf32, #tpu.memory_space<vmem>>, vector<16xf32>,
    %swap3A_16 = vector.shape_cast %swap3A_15 : vector<16xf32> to vector<16xf32>
    %swap3A_17 = vector.shape_cast %broadcast_in_dim3A_0 : vector<16xf32> to vector<16xf32>
    tpu.vector_store %arg5[%swap3A_14], %swap3A_17 {strides = array<i32>} : memref<128xf32, #tpu.memory_space<vmem>>, vector<16xf32>,
    %swap3A_18 = arith.constant 64 : index
    %swap3A_19 = tpu.vector_load %arg5[%swap3A_18] {strides = array<i32>} : memref<128xf32, #tpu.memory_space<vmem>>, vector<16xf32>,
    %swap3A_20 = vector.shape_cast %swap3A_19 : vector<16xf32> to vector<16xf32>
    %swap3A_21 = vector.shape_cast %broadcast_in_dim3A_0 : vector<16xf32> to vector<16xf32>
    tpu.vector_store %arg5[%swap3A_18], %swap3A_21 {strides = array<i32>} : memref<128xf32, #tpu.memory_space<vmem>>, vector<16xf32>,
    %swap3A_22 = arith.constant 80 : index
    %swap3A_23 = tpu.vector_load %arg5[%swap3A_22] {strides = array<i32>} : memref<128xf32, #tpu.memory_space<vmem>>, vector<16xf32>,
    %swap3A_24 = vector.shape_cast %swap3A_23 : vector<16xf32> to vector<16xf32>
    %swap3A_25 = vector.shape_cast %broadcast_in_dim3A_0 : vector<16xf32> to vector<16xf32>
    tpu.vector_store %arg5[%swap3A_22], %swap3A_25 {strides = array<i32>} : memref<128xf32, #tpu.memory_space<vmem>>, vector<16xf32>,
    %swap3A_26 = arith.constant 96 : index
    %swap3A_27 = tpu.vector_load %arg5[%swap3A_26] {strides = array<i32>} : memref<128xf32, #tpu.memory_space<vmem>>, vector<16xf32>,
    %swap3A_28 = vector.shape_cast %swap3A_27 : vector<16xf32> to vector<16xf32>
    %swap3A_29 = vector.shape_cast %broadcast_in_dim3A_0 : vector<16xf32> to vector<16xf32>
    tpu.vector_store %arg5[%swap3A_26], %swap3A_29 {strides = array<i32>} : memref<128xf32, #tpu.memory_space<vmem>>, vector<16xf32>,
    %swap3A_30 = arith.constant 112 : index
    %swap3A_31 = tpu.vector_load %arg5[%swap3A_30] {strides = array<i32>} : memref<128xf32, #tpu.memory_space<vmem>>, vector<16xf32>,
    %swap3A_32 = vector.shape_cast %swap3A_31 : vector<16xf32> to vector<16xf32>
    %swap3A_33 = vector.shape_cast %broadcast_in_dim3A_0 : vector<16xf32> to vector<16xf32>
    tpu.vector_store %arg5[%swap3A_30], %swap3A_33 {strides = array<i32>} : memref<128xf32, #tpu.memory_space<vmem>>, vector<16xf32>,
    %scan3A = arith.constant 0 : i32
    %scan3A_34 = arith.constant 0 : i32
    %scan3A_35 = arith.constant 40 : i32
    %scan3A_36 = arith.addi %scan3A_34, %scan3A_35 : i32
    %scan3A_37 = arith.constant 1 : i32
    %scan3A_38 = scf.for %scan3A_60 = %scan3A_34 to %scan3A_36 step %scan3A_37 iter_args(%scan3A_61 = %scan3A) -> (i32)  : i32 {
      %mul3A_62 = arith.constant 16 : i32
      %mul3A_63 = arith.muli %scan3A_60, %mul3A_62 : i32
      %swap3A_64 = arith.index_cast %mul3A_63 : i32 to index
      %swap3A_65 = tpu.vector_load %arg6[%swap3A_64] {strides = array<i32>} : memref<640xf32, #tpu.memory_space<vmem>>, vector<16xf32>,
      %swap3A_66 = vector.shape_cast %swap3A_65 : vector<16xf32> to vector<16xf32>
      %swap3A_67 = vector.shape_cast %broadcast_in_dim3A_2 : vector<16xf32> to vector<16xf32>
      tpu.vector_store %arg6[%swap3A_64], %swap3A_67 {strides = array<i32>} : memref<640xf32, #tpu.memory_space<vmem>>, vector<16xf32>,
      %scan3A_68 = arith.constant 0 : i32
      scf.yield %scan3A_68 : i32
    }
    %scan3A_39 = arith.constant 40 : i32
    %mul3A = arith.constant 640 : i32
    %mul3A_40 = arith.muli %arg1, %mul3A : i32
    "tpu.region"() ({
      %run_scoped3A = tpu.sem_alloc : memref<!tpu.dma_semaphore, #tpu.memory_space<semaphore_mem>>
      %dma_start3A = tpu.memref_slice %arg7[%mul3A_40] : memref<10240xf32, #tpu.memory_space<vmem_shared>> -> memref<640xf32, #tpu.memory_space<vmem_shared>>
      %dma_start3A_60 = tpu.memref_slice %arg7[%mul3A_40] : memref<10240xf32, #tpu.memory_space<vmem_shared>> -> memref<640xf32, #tpu.memory_space<vmem_shared>>
      tpu.enqueue_dma source(%arg6 : memref<640xf32, #tpu.memory_space<vmem>>) target(%dma_start3A_60 : memref<640xf32, #tpu.memory_space<vmem_shared>>) target_semaphore(%run_scoped3A : memref<!tpu.dma_semaphore, #tpu.memory_space<semaphore_mem>>)
      %dma_wait3A = tpu.memref_slice %arg7[%mul3A_40] : memref<10240xf32, #tpu.memory_space<vmem_shared>> -> memref<640xf32, #tpu.memory_space<vmem_shared>>
      %dma_wait3A_61 = tpu.memref_slice %arg7[%mul3A_40] : memref<10240xf32, #tpu.memory_space<vmem_shared>> -> memref<640xf32, #tpu.memory_space<vmem_shared>>
      tpu.wait_dma2 semaphore(%run_scoped3A : memref<!tpu.dma_semaphore, #tpu.memory_space<semaphore_mem>>) src(%arg6 : memref<640xf32, #tpu.memory_space<vmem>>) dst(%dma_wait3A_61 : memref<640xf32, #tpu.memory_space<vmem_shared>>)
      tpu.yield
    }) : () -> ()
    %barrier3A = arith.constant 0 : index
    tpu.barrier barrier_id(%barrier3A)
    %mul3A_41 = arith.constant 16 : i32
    %mul3A_42 = arith.muli %arg0, %mul3A_41 : i32
    %add3A = arith.addi %mul3A_42, %arg1 : i32
    %mul3A_43 = arith.constant 80 : i32
    %mul3A_44 = arith.muli %add3A, %mul3A_43 : i32
    %scan3A_45 = arith.constant 0 : i32
    %scan3A_46 = arith.constant 0 : i32
    %scan3A_47 = arith.constant 10 : i32
    %scan3A_48 = arith.addi %scan3A_46, %scan3A_47 : i32
    %scan3A_49 = arith.constant 1 : i32
    %scan3A_50 = scf.for %scan3A_60 = %scan3A_46 to %scan3A_48 step %scan3A_49 iter_args(%scan3A_61 = %scan3A_45) -> (i32)  : i32 {
      %mul3A_62 = arith.constant 8 : i32
      %mul3A_63 = arith.muli %scan3A_60, %mul3A_62 : i32
      %add3A_64 = arith.addi %mul3A_44, %mul3A_63 : i32
      %multiple_of3A = tpu.assume_multiple %add3A_64, 8 : i32
      "tpu.region"() ({
        %run_scoped3A_73 = tpu.sem_alloc : memref<!tpu.dma_semaphore, #tpu.memory_space<semaphore_mem>>
        %dma_start3A = arith.constant 0 : i32
        %dma_start3A_74 = tpu.memref_slice %arg2[%multiple_of3A, %dma_start3A] : memref<2560x128xi32, #tpu.memory_space<hbm>> -> memref<8x128xi32, #tpu.memory_space<hbm>>
        %dma_start3A_75 = arith.constant 0 : i32
        %dma_start3A_76 = tpu.memref_slice %arg2[%multiple_of3A, %dma_start3A_75] : memref<2560x128xi32, #tpu.memory_space<hbm>> -> memref<8x128xi32, #tpu.memory_space<hbm>>
        tpu.enqueue_dma source(%dma_start3A_76 : memref<8x128xi32, #tpu.memory_space<hbm>>) target(%arg4 : memref<8x128xi32, #tpu.memory_space<vmem>>) target_semaphore(%run_scoped3A_73 : memref<!tpu.dma_semaphore, #tpu.memory_space<semaphore_mem>>)
        %dma_wait3A = arith.constant 0 : i32
        %dma_wait3A_77 = tpu.memref_slice %arg2[%multiple_of3A, %dma_wait3A] : memref<2560x128xi32, #tpu.memory_space<hbm>> -> memref<8x128xi32, #tpu.memory_space<hbm>>
        %dma_wait3A_78 = arith.constant 0 : i32
        %dma_wait3A_79 = tpu.memref_slice %arg2[%multiple_of3A, %dma_wait3A_78] : memref<2560x128xi32, #tpu.memory_space<hbm>> -> memref<8x128xi32, #tpu.memory_space<hbm>>
        tpu.wait_dma2 semaphore(%run_scoped3A_73 : memref<!tpu.dma_semaphore, #tpu.memory_space<semaphore_mem>>) src(%dma_wait3A_79 : memref<8x128xi32, #tpu.memory_space<hbm>>) dst(%arg4 : memref<8x128xi32, #tpu.memory_space<vmem>>)
        tpu.yield
      }) : () -> ()
      %run_scoped3A = arith.constant 0 : i32
      "tpu.region"() ({
        %run_scoped3A_73 = tpu.sem_alloc : memref<!tpu.dma_semaphore, #tpu.memory_space<semaphore_mem>>
        %dma_start3A = arith.constant 0 : i32
        %dma_start3A_74 = tpu.memref_slice %arg5[%dma_start3A] : memref<128xf32, #tpu.memory_space<vmem>> -> memref<128xf32, #tpu.memory_space<vmem>>
        %dma_start3A_75 = arith.constant 0 : i32
        %dma_start3A_76 = tpu.memref_slice %arg4[%run_scoped3A, %dma_start3A_75] : memref<8x128xi32, #tpu.memory_space<vmem>> -> memref<1x128xi32, #tpu.memory_space<vmem>>
        %dma_start3A_77 = tpu.memref_squeeze %dma_start3A_76 : memref<1x128xi32, #tpu.memory_space<vmem>> -> memref<128xi32, #tpu.memory_space<vmem>>
        %dma_start3A_78 = arith.constant 0 : i32
        %dma_start3A_79 = tpu.memref_slice %arg7[%dma_start3A_78] : memref<10240xf32, #tpu.memory_space<vmem_shared>> -> memref<10240xf32, #tpu.memory_space<vmem_shared>>
        tpu.enqueue_indirect_dma source(%dma_start3A_74 : memref<128xf32, #tpu.memory_space<vmem>>) target(%dma_start3A_79 : memref<10240xf32, #tpu.memory_space<vmem_shared>>) offsets(%dma_start3A_77 : memref<128xi32, #tpu.memory_space<vmem>>) semaphore(%run_scoped3A_73 : memref<!tpu.dma_semaphore, #tpu.memory_space<semaphore_mem>>) {add = true}
        %dma_wait3A = arith.constant 0 : i32
        %dma_wait3A_80 = tpu.memref_slice %arg5[%dma_wait3A] : memref<128xf32, #tpu.memory_space<vmem>> -> memref<128xf32, #tpu.memory_space<vmem>>
        %dma_wait3A_81 = arith.constant 0 : i32
        %dma_wait3A_82 = tpu.memref_slice %arg4[%run_scoped3A, %dma_wait3A_81] : memref<8x128xi32, #tpu.memory_space<vmem>> -> memref<1x128xi32, #tpu.memory_space<vmem>>
        %dma_wait3A_83 = tpu.memref_squeeze %dma_wait3A_82 : memref<1x128xi32, #tpu.memory_space<vmem>> -> memref<128xi32, #tpu.memory_space<vmem>>
        %dma_wait3A_84 = arith.constant 0 : i32
        %dma_wait3A_85 = tpu.memref_slice %arg7[%dma_wait3A_84] : memref<10240xf32, #tpu.memory_space<vmem_shared>> -> memref<10240xf32, #tpu.memory_space<vmem_shared>>
        tpu.wait_indirect_dma semaphore(%run_scoped3A_73 : memref<!tpu.dma_semaphore, #tpu.memory_space<semaphore_mem>>) src(%dma_wait3A_80 : memref<128xf32, #tpu.memory_space<vmem>>) dst(%dma_wait3A_85 : memref<10240xf32, #tpu.memory_space<vmem_shared>>)
        tpu.yield
      }) : () -> ()
      %run_scoped3A_65 = arith.constant 1 : i32
      "tpu.region"() ({
        %run_scoped3A_73 = tpu.sem_alloc : memref<!tpu.dma_semaphore, #tpu.memory_space<semaphore_mem>>
        %dma_start3A = arith.constant 0 : i32
        %dma_start3A_74 = tpu.memref_slice %arg5[%dma_start3A] : memref<128xf32, #tpu.memory_space<vmem>> -> memref<128xf32, #tpu.memory_space<vmem>>
        %dma_start3A_75 = arith.constant 0 : i32
        %dma_start3A_76 = tpu.memref_slice %arg4[%run_scoped3A_65, %dma_start3A_75] : memref<8x128xi32, #tpu.memory_space<vmem>> -> memref<1x128xi32, #tpu.memory_space<vmem>>
        %dma_start3A_77 = tpu.memref_squeeze %dma_start3A_76 : memref<1x128xi32, #tpu.memory_space<vmem>> -> memref<128xi32, #tpu.memory_space<vmem>>
        %dma_start3A_78 = arith.constant 0 : i32
        %dma_start3A_79 = tpu.memref_slice %arg7[%dma_start3A_78] : memref<10240xf32, #tpu.memory_space<vmem_shared>> -> memref<10240xf32, #tpu.memory_space<vmem_shared>>
        tpu.enqueue_indirect_dma source(%dma_start3A_74 : memref<128xf32, #tpu.memory_space<vmem>>) target(%dma_start3A_79 : memref<10240xf32, #tpu.memory_space<vmem_shared>>) offsets(%dma_start3A_77 : memref<128xi32, #tpu.memory_space<vmem>>) semaphore(%run_scoped3A_73 : memref<!tpu.dma_semaphore, #tpu.memory_space<semaphore_mem>>) {add = true}
        %dma_wait3A = arith.constant 0 : i32
        %dma_wait3A_80 = tpu.memref_slice %arg5[%dma_wait3A] : memref<128xf32, #tpu.memory_space<vmem>> -> memref<128xf32, #tpu.memory_space<vmem>>
        %dma_wait3A_81 = arith.constant 0 : i32
        %dma_wait3A_82 = tpu.memref_slice %arg4[%run_scoped3A_65, %dma_wait3A_81] : memref<8x128xi32, #tpu.memory_space<vmem>> -> memref<1x128xi32, #tpu.memory_space<vmem>>
        %dma_wait3A_83 = tpu.memref_squeeze %dma_wait3A_82 : memref<1x128xi32, #tpu.memory_space<vmem>> -> memref<128xi32, #tpu.memory_space<vmem>>
        %dma_wait3A_84 = arith.constant 0 : i32
        %dma_wait3A_85 = tpu.memref_slice %arg7[%dma_wait3A_84] : memref<10240xf32, #tpu.memory_space<vmem_shared>> -> memref<10240xf32, #tpu.memory_space<vmem_shared>>
        tpu.wait_indirect_dma semaphore(%run_scoped3A_73 : memref<!tpu.dma_semaphore, #tpu.memory_space<semaphore_mem>>) src(%dma_wait3A_80 : memref<128xf32, #tpu.memory_space<vmem>>) dst(%dma_wait3A_85 : memref<10240xf32, #tpu.memory_space<vmem_shared>>)
        tpu.yield
      }) : () -> ()
      %run_scoped3A_66 = arith.constant 2 : i32
      "tpu.region"() ({
        %run_scoped3A_73 = tpu.sem_alloc : memref<!tpu.dma_semaphore, #tpu.memory_space<semaphore_mem>>
        %dma_start3A = arith.constant 0 : i32
        %dma_start3A_74 = tpu.memref_slice %arg5[%dma_start3A] : memref<128xf32, #tpu.memory_space<vmem>> -> memref<128xf32, #tpu.memory_space<vmem>>
        %dma_start3A_75 = arith.constant 0 : i32
        %dma_start3A_76 = tpu.memref_slice %arg4[%run_scoped3A_66, %dma_start3A_75] : memref<8x128xi32, #tpu.memory_space<vmem>> -> memref<1x128xi32, #tpu.memory_space<vmem>>
        %dma_start3A_77 = tpu.memref_squeeze %dma_start3A_76 : memref<1x128xi32, #tpu.memory_space<vmem>> -> memref<128xi32, #tpu.memory_space<vmem>>
        %dma_start3A_78 = arith.constant 0 : i32
        %dma_start3A_79 = tpu.memref_slice %arg7[%dma_start3A_78] : memref<10240xf32, #tpu.memory_space<vmem_shared>> -> memref<10240xf32, #tpu.memory_space<vmem_shared>>
        tpu.enqueue_indirect_dma source(%dma_start3A_74 : memref<128xf32, #tpu.memory_space<vmem>>) target(%dma_start3A_79 : memref<10240xf32, #tpu.memory_space<vmem_shared>>) offsets(%dma_start3A_77 : memref<128xi32, #tpu.memory_space<vmem>>) semaphore(%run_scoped3A_73 : memref<!tpu.dma_semaphore, #tpu.memory_space<semaphore_mem>>) {add = true}
        %dma_wait3A = arith.constant 0 : i32
        %dma_wait3A_80 = tpu.memref_slice %arg5[%dma_wait3A] : memref<128xf32, #tpu.memory_space<vmem>> -> memref<128xf32, #tpu.memory_space<vmem>>
        %dma_wait3A_81 = arith.constant 0 : i32
        %dma_wait3A_82 = tpu.memref_slice %arg4[%run_scoped3A_66, %dma_wait3A_81] : memref<8x128xi32, #tpu.memory_space<vmem>> -> memref<1x128xi32, #tpu.memory_space<vmem>>
        %dma_wait3A_83 = tpu.memref_squeeze %dma_wait3A_82 : memref<1x128xi32, #tpu.memory_space<vmem>> -> memref<128xi32, #tpu.memory_space<vmem>>
        %dma_wait3A_84 = arith.constant 0 : i32
        %dma_wait3A_85 = tpu.memref_slice %arg7[%dma_wait3A_84] : memref<10240xf32, #tpu.memory_space<vmem_shared>> -> memref<10240xf32, #tpu.memory_space<vmem_shared>>
        tpu.wait_indirect_dma semaphore(%run_scoped3A_73 : memref<!tpu.dma_semaphore, #tpu.memory_space<semaphore_mem>>) src(%dma_wait3A_80 : memref<128xf32, #tpu.memory_space<vmem>>) dst(%dma_wait3A_85 : memref<10240xf32, #tpu.memory_space<vmem_shared>>)
        tpu.yield
      }) : () -> ()
      %run_scoped3A_67 = arith.constant 3 : i32
      "tpu.region"() ({
        %run_scoped3A_73 = tpu.sem_alloc : memref<!tpu.dma_semaphore, #tpu.memory_space<semaphore_mem>>
        %dma_start3A = arith.constant 0 : i32
        %dma_start3A_74 = tpu.memref_slice %arg5[%dma_start3A] : memref<128xf32, #tpu.memory_space<vmem>> -> memref<128xf32, #tpu.memory_space<vmem>>
        %dma_start3A_75 = arith.constant 0 : i32
        %dma_start3A_76 = tpu.memref_slice %arg4[%run_scoped3A_67, %dma_start3A_75] : memref<8x128xi32, #tpu.memory_space<vmem>> -> memref<1x128xi32, #tpu.memory_space<vmem>>
        %dma_start3A_77 = tpu.memref_squeeze %dma_start3A_76 : memref<1x128xi32, #tpu.memory_space<vmem>> -> memref<128xi32, #tpu.memory_space<vmem>>
        %dma_start3A_78 = arith.constant 0 : i32
        %dma_start3A_79 = tpu.memref_slice %arg7[%dma_start3A_78] : memref<10240xf32, #tpu.memory_space<vmem_shared>> -> memref<10240xf32, #tpu.memory_space<vmem_shared>>
        tpu.enqueue_indirect_dma source(%dma_start3A_74 : memref<128xf32, #tpu.memory_space<vmem>>) target(%dma_start3A_79 : memref<10240xf32, #tpu.memory_space<vmem_shared>>) offsets(%dma_start3A_77 : memref<128xi32, #tpu.memory_space<vmem>>) semaphore(%run_scoped3A_73 : memref<!tpu.dma_semaphore, #tpu.memory_space<semaphore_mem>>) {add = true}
        %dma_wait3A = arith.constant 0 : i32
        %dma_wait3A_80 = tpu.memref_slice %arg5[%dma_wait3A] : memref<128xf32, #tpu.memory_space<vmem>> -> memref<128xf32, #tpu.memory_space<vmem>>
        %dma_wait3A_81 = arith.constant 0 : i32
        %dma_wait3A_82 = tpu.memref_slice %arg4[%run_scoped3A_67, %dma_wait3A_81] : memref<8x128xi32, #tpu.memory_space<vmem>> -> memref<1x128xi32, #tpu.memory_space<vmem>>
        %dma_wait3A_83 = tpu.memref_squeeze %dma_wait3A_82 : memref<1x128xi32, #tpu.memory_space<vmem>> -> memref<128xi32, #tpu.memory_space<vmem>>
        %dma_wait3A_84 = arith.constant 0 : i32
        %dma_wait3A_85 = tpu.memref_slice %arg7[%dma_wait3A_84] : memref<10240xf32, #tpu.memory_space<vmem_shared>> -> memref<10240xf32, #tpu.memory_space<vmem_shared>>
        tpu.wait_indirect_dma semaphore(%run_scoped3A_73 : memref<!tpu.dma_semaphore, #tpu.memory_space<semaphore_mem>>) src(%dma_wait3A_80 : memref<128xf32, #tpu.memory_space<vmem>>) dst(%dma_wait3A_85 : memref<10240xf32, #tpu.memory_space<vmem_shared>>)
        tpu.yield
      }) : () -> ()
      %run_scoped3A_68 = arith.constant 4 : i32
      "tpu.region"() ({
        %run_scoped3A_73 = tpu.sem_alloc : memref<!tpu.dma_semaphore, #tpu.memory_space<semaphore_mem>>
        %dma_start3A = arith.constant 0 : i32
        %dma_start3A_74 = tpu.memref_slice %arg5[%dma_start3A] : memref<128xf32, #tpu.memory_space<vmem>> -> memref<128xf32, #tpu.memory_space<vmem>>
        %dma_start3A_75 = arith.constant 0 : i32
        %dma_start3A_76 = tpu.memref_slice %arg4[%run_scoped3A_68, %dma_start3A_75] : memref<8x128xi32, #tpu.memory_space<vmem>> -> memref<1x128xi32, #tpu.memory_space<vmem>>
        %dma_start3A_77 = tpu.memref_squeeze %dma_start3A_76 : memref<1x128xi32, #tpu.memory_space<vmem>> -> memref<128xi32, #tpu.memory_space<vmem>>
        %dma_start3A_78 = arith.constant 0 : i32
        %dma_start3A_79 = tpu.memref_slice %arg7[%dma_start3A_78] : memref<10240xf32, #tpu.memory_space<vmem_shared>> -> memref<10240xf32, #tpu.memory_space<vmem_shared>>
        tpu.enqueue_indirect_dma source(%dma_start3A_74 : memref<128xf32, #tpu.memory_space<vmem>>) target(%dma_start3A_79 : memref<10240xf32, #tpu.memory_space<vmem_shared>>) offsets(%dma_start3A_77 : memref<128xi32, #tpu.memory_space<vmem>>) semaphore(%run_scoped3A_73 : memref<!tpu.dma_semaphore, #tpu.memory_space<semaphore_mem>>) {add = true}
        %dma_wait3A = arith.constant 0 : i32
        %dma_wait3A_80 = tpu.memref_slice %arg5[%dma_wait3A] : memref<128xf32, #tpu.memory_space<vmem>> -> memref<128xf32, #tpu.memory_space<vmem>>
        %dma_wait3A_81 = arith.constant 0 : i32
        %dma_wait3A_82 = tpu.memref_slice %arg4[%run_scoped3A_68, %dma_wait3A_81] : memref<8x128xi32, #tpu.memory_space<vmem>> -> memref<1x128xi32, #tpu.memory_space<vmem>>
        %dma_wait3A_83 = tpu.memref_squeeze %dma_wait3A_82 : memref<1x128xi32, #tpu.memory_space<vmem>> -> memref<128xi32, #tpu.memory_space<vmem>>
        %dma_wait3A_84 = arith.constant 0 : i32
        %dma_wait3A_85 = tpu.memref_slice %arg7[%dma_wait3A_84] : memref<10240xf32, #tpu.memory_space<vmem_shared>> -> memref<10240xf32, #tpu.memory_space<vmem_shared>>
        tpu.wait_indirect_dma semaphore(%run_scoped3A_73 : memref<!tpu.dma_semaphore, #tpu.memory_space<semaphore_mem>>) src(%dma_wait3A_80 : memref<128xf32, #tpu.memory_space<vmem>>) dst(%dma_wait3A_85 : memref<10240xf32, #tpu.memory_space<vmem_shared>>)
        tpu.yield
      }) : () -> ()
      %run_scoped3A_69 = arith.constant 5 : i32
      "tpu.region"() ({
        %run_scoped3A_73 = tpu.sem_alloc : memref<!tpu.dma_semaphore, #tpu.memory_space<semaphore_mem>>
        %dma_start3A = arith.constant 0 : i32
        %dma_start3A_74 = tpu.memref_slice %arg5[%dma_start3A] : memref<128xf32, #tpu.memory_space<vmem>> -> memref<128xf32, #tpu.memory_space<vmem>>
        %dma_start3A_75 = arith.constant 0 : i32
        %dma_start3A_76 = tpu.memref_slice %arg4[%run_scoped3A_69, %dma_start3A_75] : memref<8x128xi32, #tpu.memory_space<vmem>> -> memref<1x128xi32, #tpu.memory_space<vmem>>
        %dma_start3A_77 = tpu.memref_squeeze %dma_start3A_76 : memref<1x128xi32, #tpu.memory_space<vmem>> -> memref<128xi32, #tpu.memory_space<vmem>>
        %dma_start3A_78 = arith.constant 0 : i32
        %dma_start3A_79 = tpu.memref_slice %arg7[%dma_start3A_78] : memref<10240xf32, #tpu.memory_space<vmem_shared>> -> memref<10240xf32, #tpu.memory_space<vmem_shared>>
        tpu.enqueue_indirect_dma source(%dma_start3A_74 : memref<128xf32, #tpu.memory_space<vmem>>) target(%dma_start3A_79 : memref<10240xf32, #tpu.memory_space<vmem_shared>>) offsets(%dma_start3A_77 : memref<128xi32, #tpu.memory_space<vmem>>) semaphore(%run_scoped3A_73 : memref<!tpu.dma_semaphore, #tpu.memory_space<semaphore_mem>>) {add = true}
        %dma_wait3A = arith.constant 0 : i32
        %dma_wait3A_80 = tpu.memref_slice %arg5[%dma_wait3A] : memref<128xf32, #tpu.memory_space<vmem>> -> memref<128xf32, #tpu.memory_space<vmem>>
        %dma_wait3A_81 = arith.constant 0 : i32
        %dma_wait3A_82 = tpu.memref_slice %arg4[%run_scoped3A_69, %dma_wait3A_81] : memref<8x128xi32, #tpu.memory_space<vmem>> -> memref<1x128xi32, #tpu.memory_space<vmem>>
        %dma_wait3A_83 = tpu.memref_squeeze %dma_wait3A_82 : memref<1x128xi32, #tpu.memory_space<vmem>> -> memref<128xi32, #tpu.memory_space<vmem>>
        %dma_wait3A_84 = arith.constant 0 : i32
        %dma_wait3A_85 = tpu.memref_slice %arg7[%dma_wait3A_84] : memref<10240xf32, #tpu.memory_space<vmem_shared>> -> memref<10240xf32, #tpu.memory_space<vmem_shared>>
        tpu.wait_indirect_dma semaphore(%run_scoped3A_73 : memref<!tpu.dma_semaphore, #tpu.memory_space<semaphore_mem>>) src(%dma_wait3A_80 : memref<128xf32, #tpu.memory_space<vmem>>) dst(%dma_wait3A_85 : memref<10240xf32, #tpu.memory_space<vmem_shared>>)
        tpu.yield
      }) : () -> ()
      %run_scoped3A_70 = arith.constant 6 : i32
      "tpu.region"() ({
        %run_scoped3A_73 = tpu.sem_alloc : memref<!tpu.dma_semaphore, #tpu.memory_space<semaphore_mem>>
        %dma_start3A = arith.constant 0 : i32
        %dma_start3A_74 = tpu.memref_slice %arg5[%dma_start3A] : memref<128xf32, #tpu.memory_space<vmem>> -> memref<128xf32, #tpu.memory_space<vmem>>
        %dma_start3A_75 = arith.constant 0 : i32
        %dma_start3A_76 = tpu.memref_slice %arg4[%run_scoped3A_70, %dma_start3A_75] : memref<8x128xi32, #tpu.memory_space<vmem>> -> memref<1x128xi32, #tpu.memory_space<vmem>>
        %dma_start3A_77 = tpu.memref_squeeze %dma_start3A_76 : memref<1x128xi32, #tpu.memory_space<vmem>> -> memref<128xi32, #tpu.memory_space<vmem>>
        %dma_start3A_78 = arith.constant 0 : i32
        %dma_start3A_79 = tpu.memref_slice %arg7[%dma_start3A_78] : memref<10240xf32, #tpu.memory_space<vmem_shared>> -> memref<10240xf32, #tpu.memory_space<vmem_shared>>
        tpu.enqueue_indirect_dma source(%dma_start3A_74 : memref<128xf32, #tpu.memory_space<vmem>>) target(%dma_start3A_79 : memref<10240xf32, #tpu.memory_space<vmem_shared>>) offsets(%dma_start3A_77 : memref<128xi32, #tpu.memory_space<vmem>>) semaphore(%run_scoped3A_73 : memref<!tpu.dma_semaphore, #tpu.memory_space<semaphore_mem>>) {add = true}
        %dma_wait3A = arith.constant 0 : i32
        %dma_wait3A_80 = tpu.memref_slice %arg5[%dma_wait3A] : memref<128xf32, #tpu.memory_space<vmem>> -> memref<128xf32, #tpu.memory_space<vmem>>
        %dma_wait3A_81 = arith.constant 0 : i32
        %dma_wait3A_82 = tpu.memref_slice %arg4[%run_scoped3A_70, %dma_wait3A_81] : memref<8x128xi32, #tpu.memory_space<vmem>> -> memref<1x128xi32, #tpu.memory_space<vmem>>
        %dma_wait3A_83 = tpu.memref_squeeze %dma_wait3A_82 : memref<1x128xi32, #tpu.memory_space<vmem>> -> memref<128xi32, #tpu.memory_space<vmem>>
        %dma_wait3A_84 = arith.constant 0 : i32
        %dma_wait3A_85 = tpu.memref_slice %arg7[%dma_wait3A_84] : memref<10240xf32, #tpu.memory_space<vmem_shared>> -> memref<10240xf32, #tpu.memory_space<vmem_shared>>
        tpu.wait_indirect_dma semaphore(%run_scoped3A_73 : memref<!tpu.dma_semaphore, #tpu.memory_space<semaphore_mem>>) src(%dma_wait3A_80 : memref<128xf32, #tpu.memory_space<vmem>>) dst(%dma_wait3A_85 : memref<10240xf32, #tpu.memory_space<vmem_shared>>)
        tpu.yield
      }) : () -> ()
      %run_scoped3A_71 = arith.constant 7 : i32
      "tpu.region"() ({
        %run_scoped3A_73 = tpu.sem_alloc : memref<!tpu.dma_semaphore, #tpu.memory_space<semaphore_mem>>
        %dma_start3A = arith.constant 0 : i32
        %dma_start3A_74 = tpu.memref_slice %arg5[%dma_start3A] : memref<128xf32, #tpu.memory_space<vmem>> -> memref<128xf32, #tpu.memory_space<vmem>>
        %dma_start3A_75 = arith.constant 0 : i32
        %dma_start3A_76 = tpu.memref_slice %arg4[%run_scoped3A_71, %dma_start3A_75] : memref<8x128xi32, #tpu.memory_space<vmem>> -> memref<1x128xi32, #tpu.memory_space<vmem>>
        %dma_start3A_77 = tpu.memref_squeeze %dma_start3A_76 : memref<1x128xi32, #tpu.memory_space<vmem>> -> memref<128xi32, #tpu.memory_space<vmem>>
        %dma_start3A_78 = arith.constant 0 : i32
        %dma_start3A_79 = tpu.memref_slice %arg7[%dma_start3A_78] : memref<10240xf32, #tpu.memory_space<vmem_shared>> -> memref<10240xf32, #tpu.memory_space<vmem_shared>>
        tpu.enqueue_indirect_dma source(%dma_start3A_74 : memref<128xf32, #tpu.memory_space<vmem>>) target(%dma_start3A_79 : memref<10240xf32, #tpu.memory_space<vmem_shared>>) offsets(%dma_start3A_77 : memref<128xi32, #tpu.memory_space<vmem>>) semaphore(%run_scoped3A_73 : memref<!tpu.dma_semaphore, #tpu.memory_space<semaphore_mem>>) {add = true}
        %dma_wait3A = arith.constant 0 : i32
        %dma_wait3A_80 = tpu.memref_slice %arg5[%dma_wait3A] : memref<128xf32, #tpu.memory_space<vmem>> -> memref<128xf32, #tpu.memory_space<vmem>>
        %dma_wait3A_81 = arith.constant 0 : i32
        %dma_wait3A_82 = tpu.memref_slice %arg4[%run_scoped3A_71, %dma_wait3A_81] : memref<8x128xi32, #tpu.memory_space<vmem>> -> memref<1x128xi32, #tpu.memory_space<vmem>>
        %dma_wait3A_83 = tpu.memref_squeeze %dma_wait3A_82 : memref<1x128xi32, #tpu.memory_space<vmem>> -> memref<128xi32, #tpu.memory_space<vmem>>
        %dma_wait3A_84 = arith.constant 0 : i32
        %dma_wait3A_85 = tpu.memref_slice %arg7[%dma_wait3A_84] : memref<10240xf32, #tpu.memory_space<vmem_shared>> -> memref<10240xf32, #tpu.memory_space<vmem_shared>>
        tpu.wait_indirect_dma semaphore(%run_scoped3A_73 : memref<!tpu.dma_semaphore, #tpu.memory_space<semaphore_mem>>) src(%dma_wait3A_80 : memref<128xf32, #tpu.memory_space<vmem>>) dst(%dma_wait3A_85 : memref<10240xf32, #tpu.memory_space<vmem_shared>>)
        tpu.yield
      }) : () -> ()
      %scan3A_72 = arith.constant 0 : i32
      scf.yield %scan3A_72 : i32
    }
    %scan3A_51 = arith.constant 10 : i32
    %barrier3A_52 = arith.constant 0 : index
    tpu.barrier barrier_id(%barrier3A_52)
    %mul3A_53 = arith.constant 640 : i32
    %mul3A_54 = arith.muli %arg1, %mul3A_53 : i32
    "tpu.region"() ({
      %run_scoped3A = tpu.sem_alloc : memref<!tpu.dma_semaphore, #tpu.memory_space<semaphore_mem>>
      %dma_start3A = tpu.memref_slice %arg7[%mul3A_54] : memref<10240xf32, #tpu.memory_space<vmem_shared>> -> memref<640xf32, #tpu.memory_space<vmem_shared>>
      %dma_start3A_60 = tpu.memref_slice %arg7[%mul3A_54] : memref<10240xf32, #tpu.memory_space<vmem_shared>> -> memref<640xf32, #tpu.memory_space<vmem_shared>>
      tpu.enqueue_dma source(%dma_start3A_60 : memref<640xf32, #tpu.memory_space<vmem_shared>>) target(%arg6 : memref<640xf32, #tpu.memory_space<vmem>>) target_semaphore(%run_scoped3A : memref<!tpu.dma_semaphore, #tpu.memory_space<semaphore_mem>>)
      %dma_wait3A = tpu.memref_slice %arg7[%mul3A_54] : memref<10240xf32, #tpu.memory_space<vmem_shared>> -> memref<640xf32, #tpu.memory_space<vmem_shared>>
      %dma_wait3A_61 = tpu.memref_slice %arg7[%mul3A_54] : memref<10240xf32, #tpu.memory_space<vmem_shared>> -> memref<640xf32, #tpu.memory_space<vmem_shared>>
      tpu.wait_dma2 semaphore(%run_scoped3A : memref<!tpu.dma_semaphore, #tpu.memory_space<semaphore_mem>>) src(%dma_wait3A_61 : memref<640xf32, #tpu.memory_space<vmem_shared>>) dst(%arg6 : memref<640xf32, #tpu.memory_space<vmem>>)
      tpu.yield
    }) : () -> ()
    %mul3A_55 = arith.constant 10240 : i32
    %mul3A_56 = arith.muli %arg0, %mul3A_55 : i32
    %mul3A_57 = arith.constant 640 : i32
    %mul3A_58 = arith.muli %arg1, %mul3A_57 : i32
    %add3A_59 = arith.addi %mul3A_56, %mul3A_58 : i32
    "tpu.region"() ({
      %run_scoped3A = tpu.sem_alloc : memref<!tpu.dma_semaphore, #tpu.memory_space<semaphore_mem>>
      %dma_start3A = tpu.memref_slice %arg3[%add3A_59] : memref<20480xf32, #tpu.memory_space<hbm>> -> memref<640xf32, #tpu.memory_space<hbm>>
      %dma_start3A_60 = tpu.memref_slice %arg3[%add3A_59] : memref<20480xf32, #tpu.memory_space<hbm>> -> memref<640xf32, #tpu.memory_space<hbm>>
      tpu.enqueue_dma source(%arg6 : memref<640xf32, #tpu.memory_space<vmem>>) target(%dma_start3A_60 : memref<640xf32, #tpu.memory_space<hbm>>) target_semaphore(%run_scoped3A : memref<!tpu.dma_semaphore, #tpu.memory_space<semaphore_mem>>)
      %dma_wait3A = tpu.memref_slice %arg3[%add3A_59] : memref<20480xf32, #tpu.memory_space<hbm>> -> memref<640xf32, #tpu.memory_space<hbm>>
      %dma_wait3A_61 = tpu.memref_slice %arg3[%add3A_59] : memref<20480xf32, #tpu.memory_space<hbm>> -> memref<640xf32, #tpu.memory_space<hbm>>
      tpu.wait_dma2 semaphore(%run_scoped3A : memref<!tpu.dma_semaphore, #tpu.memory_space<semaphore_mem>>) src(%arg6 : memref<640xf32, #tpu.memory_space<vmem>>) dst(%dma_wait3A_61 : memref<640xf32, #tpu.memory_space<hbm>>)
      tpu.yield
    }) : () -> ()
    return
  }
}

module attributes {stable_mosaic.version = 14 : i64} {
  func.func @_prep_body(%arg0: i32, %arg1: memref<1024x128xf32, #tpu.memory_space<vmem>>, %arg2: memref<64x128xf32, #tpu.memory_space<vmem>>, %arg3: memref<1x64xf32, #tpu.memory_space<vmem>>, %arg4: memref<16x64xf32, #tpu.memory_space<vmem>>, %arg5: memref<1x16xf32, #tpu.memory_space<vmem>>, %arg6: memref<1024x1xf32, #tpu.memory_space<vmem>>, %arg7: memref<1024x1xf32, #tpu.memory_space<vmem>>, %arg8: memref<1024x64xf32, #tpu.memory_space<vmem>>, %arg9: memref<1024x64xf32, #tpu.memory_space<vmem>>, %arg10: memref<1024x64xf32, #tpu.memory_space<vmem>>, %arg11: memref<1024x64xf32, #tpu.memory_space<vmem>>, %arg12: memref<1024x64xf32, #tpu.memory_space<vmem>>, %arg13: memref<1024x16xf32, #tpu.memory_space<vmem>>, %arg14: memref<1024x16xf32, #tpu.memory_space<vmem>>, %arg15: memref<1024x16xf32, #tpu.memory_space<vmem>>, %arg16: memref<1024x16xf32, #tpu.memory_space<vmem>>, %arg17: memref<1024x16xf32, #tpu.memory_space<vmem>>) attributes {dimension_semantics = [#tpu.dimension_semantics<arbitrary>], iteration_bounds = array<i64: 10>, scalar_prefetch = 0 : i64, scratch_operands = 0 : i64, tpu.core_type = #tpu.core_type<tc>, window_params = [{transform_indices = @transform_0, window_bounds = array<i64: 1024, 128>}, {pipeline_mode = #tpu.pipeline_mode<synchronous>, transform_indices = @transform_1, window_bounds = array<i64: 64, 128>}, {pipeline_mode = #tpu.pipeline_mode<synchronous>, transform_indices = @transform_2, window_bounds = array<i64: 1, 64>}, {pipeline_mode = #tpu.pipeline_mode<synchronous>, transform_indices = @transform_3, window_bounds = array<i64: 16, 64>}, {pipeline_mode = #tpu.pipeline_mode<synchronous>, transform_indices = @transform_4, window_bounds = array<i64: 1, 16>}, {transform_indices = @transform_5, window_bounds = array<i64: 1024, 1>}, {transform_indices = @transform_6, window_bounds = array<i64: 1024, 1>}, {transform_indices = @transform_7, window_bounds = array<i64: 1024, 64>}, {transform_indices = @transform_8, window_bounds = array<i64: 1024, 64>}, {transform_indices = @transform_9, window_bounds = array<i64: 1024, 64>}, {transform_indices = @transform_10, window_bounds = array<i64: 1024, 64>}, {transform_indices = @transform_11, window_bounds = array<i64: 1024, 64>}, {transform_indices = @transform_12, window_bounds = array<i64: 1024, 16>}, {transform_indices = @transform_13, window_bounds = array<i64: 1024, 16>}, {transform_indices = @transform_14, window_bounds = array<i64: 1024, 16>}, {transform_indices = @transform_15, window_bounds = array<i64: 1024, 16>}, {transform_indices = @transform_16, window_bounds = array<i64: 1024, 16>}]} {
    %get3A = arith.constant 0 : index
    %get3A_0 = arith.constant 0 : index
    %get3A_1 = vector.load %arg1[%get3A, %get3A_0] : memref<1024x128xf32, #tpu.memory_space<vmem>>, vector<1024x128xf32>
    %get3A_2 = arith.constant 0 : index
    %get3A_3 = arith.constant 0 : index
    %get3A_4 = vector.load %arg2[%get3A_2, %get3A_3] : memref<64x128xf32, #tpu.memory_space<vmem>>, vector<64x128xf32>
    %dot_general3A = arith.constant dense<0.000000e+00> : vector<1024x64xf32>
    %dot_general3A_5 = tpu.matmul %get3A_1, %get3A_4, %dot_general3A {dimension_numbers = #tpu.dot_dimension_numbers<[1], [1], [0], [0], [0, 0, 1, 0], [], []>, transpose_lhs_hint = false} : vector<1024x128xf32>, vector<64x128xf32>, vector<1024x64xf32> -> vector<1024x64xf32>
    %get3A_6 = arith.constant 0 : index
    %get3A_7 = arith.constant 0 : index
    %get3A_8 = vector.load %arg3[%get3A_6, %get3A_7] : memref<1x64xf32, #tpu.memory_space<vmem>>, vector<1x64xf32>
    %add3A = vector.broadcast %get3A_8 : vector<1x64xf32> to vector<1024x64xf32>
    %add3A_9 = arith.addf %dot_general3A_5, %add3A : vector<1024x64xf32>
    %max3A = arith.constant 0.000000e+00 : f32
    %max3A_10 = vector.broadcast %max3A : f32 to vector<1024x64xf32>
    %max3A_11 = arith.maximumf %add3A_9, %max3A_10 : vector<1024x64xf32>
    %get3A_12 = arith.constant 0 : index
    %get3A_13 = arith.constant 0 : index
    %get3A_14 = vector.load %arg4[%get3A_12, %get3A_13] : memref<16x64xf32, #tpu.memory_space<vmem>>, vector<16x64xf32>
    %dot_general3A_15 = arith.constant dense<0.000000e+00> : vector<1024x16xf32>
    %dot_general3A_16 = tpu.matmul %max3A_11, %get3A_14, %dot_general3A_15 {dimension_numbers = #tpu.dot_dimension_numbers<[1], [1], [0], [0], [0, 0, 1, 0], [], []>, transpose_lhs_hint = false} : vector<1024x64xf32>, vector<16x64xf32>, vector<1024x16xf32> -> vector<1024x16xf32>
    %get3A_17 = arith.constant 0 : index
    %get3A_18 = arith.constant 0 : index
    %get3A_19 = vector.load %arg5[%get3A_17, %get3A_18] : memref<1x16xf32, #tpu.memory_space<vmem>>, vector<1x16xf32>
    %add3A_20 = vector.broadcast %get3A_19 : vector<1x16xf32> to vector<1024x16xf32>
    %add3A_21 = arith.addf %dot_general3A_16, %add3A_20 : vector<1024x16xf32>
    %get3A_22 = arith.constant 0 : index
    %get3A_23 = arith.constant 0 : index
    %get3A_24 = vector.load %arg6[%get3A_22, %get3A_23] : memref<1024x1xf32, #tpu.memory_space<vmem>>, vector<1024x1xf32>
    %get3A_25 = arith.constant 0 : index
    %get3A_26 = arith.constant 0 : index
    %get3A_27 = vector.load %arg7[%get3A_25, %get3A_26] : memref<1024x1xf32, #tpu.memory_space<vmem>>, vector<1024x1xf32>
    %add3A_28 = arith.addf %get3A_24, %get3A_27 : vector<1024x1xf32>
    %add3A_29 = arith.constant 1.000000e+00 : f32
    %add3A_30 = vector.broadcast %add3A_29 : f32 to vector<1024x1xf32>
    %add3A_31 = arith.addf %add3A_28, %add3A_30 : vector<1024x1xf32>
    %rsqrt3A = math.rsqrt %add3A_31 : vector<1024x1xf32>
    %broadcast_in_dim3A = arith.constant 1.000000e+00 : f32
    %broadcast_in_dim3A_32 = vector.broadcast %broadcast_in_dim3A : f32 to vector<1024x64xf32>
    %broadcast_in_dim3A_33 = arith.constant 1.000000e+00 : f32
    %broadcast_in_dim3A_34 = vector.broadcast %broadcast_in_dim3A_33 : f32 to vector<1024x16xf32>
    %mul3A = vector.broadcast %rsqrt3A : vector<1024x1xf32> to vector<1024x64xf32>
    %mul3A_35 = arith.mulf %mul3A, %max3A_11 : vector<1024x64xf32>
    %swap3A = arith.constant 0 : index
    %swap3A_36 = arith.constant 0 : index
    %swap3A_37 = vector.load %arg8[%swap3A, %swap3A_36] : memref<1024x64xf32, #tpu.memory_space<vmem>>, vector<1024x64xf32>
    tpu.vector_store %arg8[%swap3A, %swap3A_36], %mul3A_35 {strides = array<i32>} : memref<1024x64xf32, #tpu.memory_space<vmem>>, vector<1024x64xf32>,
    %mul3A_38 = arith.constant 0.899999976 : f32
    %mul3A_39 = vector.broadcast %mul3A_38 : f32 to vector<1024x1xf32>
    %mul3A_40 = arith.mulf %mul3A_39, %rsqrt3A : vector<1024x1xf32>
    %mul3A_41 = arith.mulf %mul3A_40, %rsqrt3A : vector<1024x1xf32>
    %mul3A_42 = vector.broadcast %mul3A_41 : vector<1024x1xf32> to vector<1024x64xf32>
    %mul3A_43 = arith.mulf %mul3A_42, %broadcast_in_dim3A_32 : vector<1024x64xf32>
    %swap3A_44 = arith.constant 0 : index
    %swap3A_45 = arith.constant 0 : index
    %swap3A_46 = vector.load %arg9[%swap3A_44, %swap3A_45] : memref<1024x64xf32, #tpu.memory_space<vmem>>, vector<1024x64xf32>
    tpu.vector_store %arg9[%swap3A_44, %swap3A_45], %mul3A_43 {strides = array<i32>} : memref<1024x64xf32, #tpu.memory_space<vmem>>, vector<1024x64xf32>,
    %mul3A_47 = arith.constant 1.000000e-01 : f32
    %mul3A_48 = vector.broadcast %mul3A_47 : f32 to vector<1024x1xf32>
    %mul3A_49 = arith.mulf %mul3A_48, %rsqrt3A : vector<1024x1xf32>
    %mul3A_50 = vector.broadcast %mul3A_49 : vector<1024x1xf32> to vector<1024x64xf32>
    %mul3A_51 = arith.mulf %mul3A_50, %max3A_11 : vector<1024x64xf32>
    %swap3A_52 = arith.constant 0 : index
    %swap3A_53 = arith.constant 0 : index
    %swap3A_54 = vector.load %arg10[%swap3A_52, %swap3A_53] : memref<1024x64xf32, #tpu.memory_space<vmem>>, vector<1024x64xf32>
    tpu.vector_store %arg10[%swap3A_52, %swap3A_53], %mul3A_51 {strides = array<i32>} : memref<1024x64xf32, #tpu.memory_space<vmem>>, vector<1024x64xf32>,
    %mul3A_55 = arith.constant 0.899999976 : f32
    %mul3A_56 = vector.broadcast %mul3A_55 : f32 to vector<1024x1xf32>
    %mul3A_57 = arith.mulf %mul3A_56, %rsqrt3A : vector<1024x1xf32>
    %mul3A_58 = vector.broadcast %mul3A_57 : vector<1024x1xf32> to vector<1024x64xf32>
    %mul3A_59 = arith.mulf %mul3A_58, %broadcast_in_dim3A_32 : vector<1024x64xf32>
    %swap3A_60 = arith.constant 0 : index
    %swap3A_61 = arith.constant 0 : index
    %swap3A_62 = vector.load %arg11[%swap3A_60, %swap3A_61] : memref<1024x64xf32, #tpu.memory_space<vmem>>, vector<1024x64xf32>
    tpu.vector_store %arg11[%swap3A_60, %swap3A_61], %mul3A_59 {strides = array<i32>} : memref<1024x64xf32, #tpu.memory_space<vmem>>, vector<1024x64xf32>,
    %mul3A_63 = arith.constant 1.000000e-01 : f32
    %mul3A_64 = vector.broadcast %mul3A_63 : f32 to vector<1024x64xf32>
    %mul3A_65 = arith.mulf %mul3A_64, %max3A_11 : vector<1024x64xf32>
    %swap3A_66 = arith.constant 0 : index
    %swap3A_67 = arith.constant 0 : index
    %swap3A_68 = vector.load %arg12[%swap3A_66, %swap3A_67] : memref<1024x64xf32, #tpu.memory_space<vmem>>, vector<1024x64xf32>
    tpu.vector_store %arg12[%swap3A_66, %swap3A_67], %mul3A_65 {strides = array<i32>} : memref<1024x64xf32, #tpu.memory_space<vmem>>, vector<1024x64xf32>,
    %mul3A_69 = vector.broadcast %rsqrt3A : vector<1024x1xf32> to vector<1024x16xf32>
    %mul3A_70 = arith.mulf %mul3A_69, %add3A_21 : vector<1024x16xf32>
    %swap3A_71 = arith.constant 0 : index
    %swap3A_72 = arith.constant 0 : index
    %swap3A_73 = vector.load %arg13[%swap3A_71, %swap3A_72] : memref<1024x16xf32, #tpu.memory_space<vmem>>, vector<1024x16xf32>
    tpu.vector_store %arg13[%swap3A_71, %swap3A_72], %mul3A_70 {strides = array<i32>} : memref<1024x16xf32, #tpu.memory_space<vmem>>, vector<1024x16xf32>,
    %mul3A_74 = arith.constant 0.899999976 : f32
    %mul3A_75 = vector.broadcast %mul3A_74 : f32 to vector<1024x1xf32>
    %mul3A_76 = arith.mulf %mul3A_75, %rsqrt3A : vector<1024x1xf32>
    %mul3A_77 = arith.mulf %mul3A_76, %rsqrt3A : vector<1024x1xf32>
    %mul3A_78 = vector.broadcast %mul3A_77 : vector<1024x1xf32> to vector<1024x16xf32>
    %mul3A_79 = arith.mulf %mul3A_78, %broadcast_in_dim3A_34 : vector<1024x16xf32>
    %swap3A_80 = arith.constant 0 : index
    %swap3A_81 = arith.constant 0 : index
    %swap3A_82 = vector.load %arg14[%swap3A_80, %swap3A_81] : memref<1024x16xf32, #tpu.memory_space<vmem>>, vector<1024x16xf32>
    tpu.vector_store %arg14[%swap3A_80, %swap3A_81], %mul3A_79 {strides = array<i32>} : memref<1024x16xf32, #tpu.memory_space<vmem>>, vector<1024x16xf32>,
    %mul3A_83 = arith.constant 1.000000e-01 : f32
    %mul3A_84 = vector.broadcast %mul3A_83 : f32 to vector<1024x1xf32>
    %mul3A_85 = arith.mulf %mul3A_84, %rsqrt3A : vector<1024x1xf32>
    %mul3A_86 = vector.broadcast %mul3A_85 : vector<1024x1xf32> to vector<1024x16xf32>
    %mul3A_87 = arith.mulf %mul3A_86, %add3A_21 : vector<1024x16xf32>
    %swap3A_88 = arith.constant 0 : index
    %swap3A_89 = arith.constant 0 : index
    %swap3A_90 = vector.load %arg15[%swap3A_88, %swap3A_89] : memref<1024x16xf32, #tpu.memory_space<vmem>>, vector<1024x16xf32>
    tpu.vector_store %arg15[%swap3A_88, %swap3A_89], %mul3A_87 {strides = array<i32>} : memref<1024x16xf32, #tpu.memory_space<vmem>>, vector<1024x16xf32>,
    %mul3A_91 = arith.constant 0.899999976 : f32
    %mul3A_92 = vector.broadcast %mul3A_91 : f32 to vector<1024x1xf32>
    %mul3A_93 = arith.mulf %mul3A_92, %rsqrt3A : vector<1024x1xf32>
    %mul3A_94 = vector.broadcast %mul3A_93 : vector<1024x1xf32> to vector<1024x16xf32>
    %mul3A_95 = arith.mulf %mul3A_94, %broadcast_in_dim3A_34 : vector<1024x16xf32>
    %swap3A_96 = arith.constant 0 : index
    %swap3A_97 = arith.constant 0 : index
    %swap3A_98 = vector.load %arg16[%swap3A_96, %swap3A_97] : memref<1024x16xf32, #tpu.memory_space<vmem>>, vector<1024x16xf32>
    tpu.vector_store %arg16[%swap3A_96, %swap3A_97], %mul3A_95 {strides = array<i32>} : memref<1024x16xf32, #tpu.memory_space<vmem>>, vector<1024x16xf32>,
    %mul3A_99 = arith.constant 1.000000e-01 : f32
    %mul3A_100 = vector.broadcast %mul3A_99 : f32 to vector<1024x16xf32>
    %mul3A_101 = arith.mulf %mul3A_100, %add3A_21 : vector<1024x16xf32>
    %swap3A_102 = arith.constant 0 : index
    %swap3A_103 = arith.constant 0 : index
    %swap3A_104 = vector.load %arg17[%swap3A_102, %swap3A_103] : memref<1024x16xf32, #tpu.memory_space<vmem>>, vector<1024x16xf32>
    tpu.vector_store %arg17[%swap3A_102, %swap3A_103], %mul3A_101 {strides = array<i32>} : memref<1024x16xf32, #tpu.memory_space<vmem>>, vector<1024x16xf32>,
    return
  }
  func.func @transform_0(%arg0: i32) -> (i32, i32) {
    %c0_i32 = arith.constant 0 : i32
    %c0_i32_0 = arith.constant 0 : i32
    return %arg0, %c0_i32 : i32, i32
  }
  func.func @transform_1(%arg0: i32) -> (i32, i32) {
    %c0_i32 = arith.constant 0 : i32
    %c0_i32_0 = arith.constant 0 : i32
    %c0_i32_1 = arith.constant 0 : i32
    return %c0_i32, %c0_i32_0 : i32, i32
  }
  func.func @transform_2(%arg0: i32) -> (i32, i32) {
    %c0_i32 = arith.constant 0 : i32
    %c0_i32_0 = arith.constant 0 : i32
    %c0_i32_1 = arith.constant 0 : i32
    return %c0_i32, %c0_i32_0 : i32, i32
  }
  func.func @transform_3(%arg0: i32) -> (i32, i32) {
    %c0_i32 = arith.constant 0 : i32
    %c0_i32_0 = arith.constant 0 : i32
    %c0_i32_1 = arith.constant 0 : i32
    return %c0_i32, %c0_i32_0 : i32, i32
  }
  func.func @transform_4(%arg0: i32) -> (i32, i32) {
    %c0_i32 = arith.constant 0 : i32
    %c0_i32_0 = arith.constant 0 : i32
    %c0_i32_1 = arith.constant 0 : i32
    return %c0_i32, %c0_i32_0 : i32, i32
  }
  func.func @transform_5(%arg0: i32) -> (i32, i32) {
    %c0_i32 = arith.constant 0 : i32
    %c0_i32_0 = arith.constant 0 : i32
    return %arg0, %c0_i32 : i32, i32
  }
  func.func @transform_6(%arg0: i32) -> (i32, i32) {
    %c0_i32 = arith.constant 0 : i32
    %c0_i32_0 = arith.constant 0 : i32
    return %arg0, %c0_i32 : i32, i32
  }
  func.func @transform_7(%arg0: i32) -> (i32, i32) {
    %c0_i32 = arith.constant 0 : i32
    %c0_i32_0 = arith.constant 0 : i32
    return %arg0, %c0_i32 : i32, i32
  }
  func.func @transform_8(%arg0: i32) -> (i32, i32) {
    %c0_i32 = arith.constant 0 : i32
    %c0_i32_0 = arith.constant 0 : i32
    return %arg0, %c0_i32 : i32, i32
  }
  func.func @transform_9(%arg0: i32) -> (i32, i32) {
    %c0_i32 = arith.constant 0 : i32
    %c0_i32_0 = arith.constant 0 : i32
    return %arg0, %c0_i32 : i32, i32
  }
  func.func @transform_10(%arg0: i32) -> (i32, i32) {
    %c0_i32 = arith.constant 0 : i32
    %c0_i32_0 = arith.constant 0 : i32
    return %arg0, %c0_i32 : i32, i32
  }
  func.func @transform_11(%arg0: i32) -> (i32, i32) {
    %c0_i32 = arith.constant 0 : i32
    %c0_i32_0 = arith.constant 0 : i32
    return %arg0, %c0_i32 : i32, i32
  }
  func.func @transform_12(%arg0: i32) -> (i32, i32) {
    %c0_i32 = arith.constant 0 : i32
    %c0_i32_0 = arith.constant 0 : i32
    return %arg0, %c0_i32 : i32, i32
  }
  func.func @transform_13(%arg0: i32) -> (i32, i32) {
    %c0_i32 = arith.constant 0 : i32
    %c0_i32_0 = arith.constant 0 : i32
    return %arg0, %c0_i32 : i32, i32
  }
  func.func @transform_14(%arg0: i32) -> (i32, i32) {
    %c0_i32 = arith.constant 0 : i32
    %c0_i32_0 = arith.constant 0 : i32
    return %arg0, %c0_i32 : i32, i32
  }
  func.func @transform_15(%arg0: i32) -> (i32, i32) {
    %c0_i32 = arith.constant 0 : i32
    %c0_i32_0 = arith.constant 0 : i32
    return %arg0, %c0_i32 : i32, i32
  }
  func.func @transform_16(%arg0: i32) -> (i32, i32) {
    %c0_i32 = arith.constant 0 : i32
    %c0_i32_0 = arith.constant 0 : i32
    return %arg0, %c0_i32 : i32, i32
  }
}

</mosaic_0001>

<sc_bundles>
// kernel: kernel.5.cloned.1.call-start
scs
__scs_entry_jumppad:
0x0: {  	(pc) =	sbr.rel $0x88, $3  }
0x1: {  	(tag) =	ssettag $0x0;
	lr =	simm.s32 $0x1  }
0x2: {  	[smem:$0x3F9B] =	sst lr;
	_ =	strace $0xD0000000  }
0x3: {  	_ = 	snop  }
0x4: {  	_ = 	snop  }
0x5: {  	_ = 	snop  }
0x6: {  	_ = 	snop  }
0x7: {  	_ = 	snop  }
__scs_overlays_trampoline_lowered:
0x8: {  	[smem:$0x3FAA] =	sst s0  }
0x9: {  	[smem:$0x3FAB] =	sst s1  }
0xa: {  	[smem:$0x3FAC] =	sst s2  }
0xb: {  	[smem:$0x3FAD] =	sst s3  }
0xc: {  	[smem:$0x3FAE] =	sst s4  }
0xd: {  	[smem:$0x3FAF] =	sst s5  }
0xe: {  	[smem:$0x3FB0] =	sst s6  }
0xf: {  	[smem:$0x3FB1] =	sst s7  }
0x10: {  	[smem:$0x3FB2] =	sst s8  }
0x11: {  	[smem:$0x3FB3] =	sst s9;
	s0 =	simm.s32 @!p0 $0x0  }
0x12: {  	s1 =	sld [smem:$0x3F99];
	s0 =	simm.s32 @p0 $0x1  }
0x13: {  	[smem:$0x3FB4] =	sst s0;
	s0 =	simm.s32 @!p1 $0x0  }
0x14: {  	s2 =	sld [smem:$0x3F98];
	s0 =	simm.s32 @p1 $0x1  }
0x15: {  	[smem:$0x3FB5] =	sst s0;
	s0 =	simm.s32 @!p2 $0x0  }
0x16: {  	s3 =	sld [smem:$0x3FDB];
	s0 =	simm.s32 @p2 $0x1  }
0x17: {  	s4 =	simm.s32 $0x1BF5;
	[smem:$0x3FB7] =	sst s0  }
0x18: {  	s0 =	sld [smem:$0x3F9A];
	_ =	swait.ge [sflag:s4], $0x0  }
0x19: {  	s7 =	sld [smem:$0x3F9B]  }
0x1a: {  	s8 =	sadd.s32 $0xFFFFE003, lr  }
0x1b: {  	s9 =	sadd.s32 $0xFFFFFEF7, lr;
	s5 =	simm.s32 $0xFFFFFFFF;
	p2 =	slt.u32 s8, $0xFFFFF086  }
0x1c: {  	p1 =	slt.u32 s9, $0xF7A;
	s5 =	simm.s32 @!p2 $0x0  }
0x1d: {  	s5 =	simm.s32 @p1 $0x1;
	p0 =	seq.s32 s7, s2  }
0x1e: {  	s7 =	smul.u32 @!p0 $0xF7A, s2;
	p2 =	seq.s32 @!p0 s5, $0x0  }
0x1f: {  	s9 =	smul.u32 $0xF7A, s1;
	s8 =	simm.s32 @!p0 $0x1BF5;
	p2 =	por !p2, p0  }
0x20: {  	[sflag:s8] =	ssyncset.s32 @!p0 $0xFFFFF086;
	s6 =	sadd.s32 @!p0 s3, s7;
	s7 =	simm.s32 @!p0 $0x108  }
0x21: {  	s3 =	sadd.s32 s3, s9;
	s6 =	sadd.s32 @!p0 $0x88, s6;
	s7 =	simm.s32 @p2 $0x1082  }
0x22: {  	[simem:s7], [sflag:s8] =	dma.local @!p0 [hbm:s6], $0xF7A  }
0x23: {  	s9 =	sor.u32 $0xD0000000, s2;
	s6 =	simm.s32 $0x108;
	_ =	swait.ge @!p0 [sflag:s8], $0x0  }
0x24: {  	s3 =	sadd.s32 $0x88, s3;
	s6 =	simm.s32 @!p1 $0x1082;
	[sflag:s4] =	ssyncset.s32 $0xFFFFF086  }
0x25: {  	[simem:s6], [sflag:s4] =	dma.local [hbm:s3], $0xF7A  }
0x26: {  	[smem:$0x3F9B] =	sst s1;
	(tag) =	ssettag s2;
	_ =	strace s9  }
0x27: {  	s1 =	sld [smem:$0x3FAB]  }
0x28: {  	s2 =	sld [smem:$0x3FAC]  }
0x29: {  	s4 =	sld [smem:$0x3FAE]  }
0x2a: {  	p0 =	seq.s32 s5, $0x0;
	s5 =	sld [smem:$0x3FAF]  }
0x2b: {  	s6 =	sld [smem:$0x3FB0]  }
0x2c: {  	s7 =	sld [smem:$0x3FB1]  }
0x2d: {  	s3 =	simm.s32 $0x108;
	s8 =	sld [smem:$0x3FB2]  }
0x2e: {  	s3 =	simm.s32 @!p0 $0x1082;
	s9 =	sld [smem:$0x3FB3]  }
0x2f: {  	lr =	sadd.s32 s0, s3;
	s0 =	sld [smem:$0x3FAA]  }
0x30: {  	s3 =	sld [smem:$0x3FAD]  }
0x31: {  	[smem:$0x3FB6] =	sst s10  }
0x32: {  	s10 =	sld [smem:$0x3FB4];
	_ =	sdelay $0x3  }
0x33: {  	p0 =	seq.s32 s10, $0x1;
	s10 =	sld [smem:$0x3FB6];
	_ =	sdelay $0x3  }
0x34: {  	[smem:$0x3FB6] =	sst s10  }
0x35: {  	s10 =	sld [smem:$0x3FB5];
	_ =	sdelay $0x3  }
0x36: {  	p1 =	seq.s32 s10, $0x1;
	s10 =	sld [smem:$0x3FB6];
	_ =	sdelay $0x3  }
0x37: {  	[smem:$0x3FB6] =	sst s10  }
0x38: {  	s10 =	sld [smem:$0x3FB7]  }
0x39: {  	_ = 	snop;
	(pc) =	sbr.ind lr, $3  }
0x3a: {  	_ = 	snop  }
0x3b: {  	_ = 	snop  }
0x3c: {  	p2 =	seq.s32 s10, $0x1;
	s10 =	sld [smem:$0x3FB6]  }
0x3d: {  	_ =	shalt  }
0x3e: {  	_ =	shalt  }
0x3f: {  	_ =	shalt  }
0x40: {  	_ =	shalt  }
0x41: {  	_ =	shalt  }
0x42: {  	_ =	shalt  }
0x43: {  	_ =	shalt  }
0x44: {  	_ =	shalt  }
0x45: {  	_ =	shalt  }
0x46: {  	_ =	shalt  }
0x47: {  	_ =	shalt  }
0x48: {  	_ =	shalt  }
0x49: {  	_ =	shalt  }
0x4a: {  	_ =	shalt  }
0x4b: {  	_ =	shalt  }
0x4c: {  	_ =	shalt  }
0x4d: {  	_ =	shalt  }
0x4e: {  	_ =	shalt  }
0x4f: {  	_ =	shalt  }
0x50: {  	_ =	shalt  }
0x51: {  	_ =	shalt  }
0x52: {  	_ =	shalt  }
0x53: {  	_ =	shalt  }
0x54: {  	_ =	shalt  }
0x55: {  	_ =	shalt  }
0x56: {  	_ =	shalt  }
0x57: {  	_ =	shalt  }
0x58: {  	_ =	shalt  }
0x59: {  	_ =	shalt  }
0x5a: {  	_ =	shalt  }
0x5b: {  	_ =	shalt  }
0x5c: {  	_ =	shalt  }
0x5d: {  	_ =	shalt  }
0x5e: {  	_ =	shalt  }
0x5f: {  	_ =	shalt  }
0x60: {  	_ =	shalt  }
0x61: {  	_ =	shalt  }
0x62: {  	_ =	shalt  }
0x63: {  	_ =	shalt  }
0x64: {  	_ =	shalt  }
0x65: {  	_ =	shalt  }
0x66: {  	_ =	shalt  }
0x67: {  	_ =	shalt  }
0x68: {  	_ =	shalt  }
0x69: {  	_ =	shalt  }
0x6a: {  	_ =	shalt  }
0x6b: {  	_ =	shalt  }
0x6c: {  	_ =	shalt  }
0x6d: {  	_ =	shalt  }
0x6e: {  	_ =	shalt  }
0x6f: {  	_ =	shalt  }
0x70: {  	_ =	shalt  }
0x71: {  	_ =	shalt  }
0x72: {  	_ =	shalt  }
0x73: {  	_ =	shalt  }
0x74: {  	_ =	shalt  }
0x75: {  	_ =	shalt  }
0x76: {  	_ =	shalt  }
0x77: {  	_ =	shalt  }
0x78: {  	_ =	shalt  }
0x79: {  	_ =	shalt  }
0x7a: {  	_ =	shalt  }
0x7b: {  	_ =	shalt  }
0x7c: {  	_ =	shalt  }
0x7d: {  	_ =	shalt  }
0x7e: {  	_ =	shalt  }
0x7f: {  	_ =	shalt  }
0x80: {  	_ =	shalt  }
0x81: {  	_ =	shalt  }
0x82: {  	_ =	shalt  }
0x83: {  	_ =	shalt  }
0x84: {  	_ =	shalt  }
0x85: {  	_ =	shalt  }
0x86: {  	_ =	shalt  }
0x87: {  	_ =	shalt  }
.Lfunc_end0:
.L_simem_size_0:
called_computation_lowered:
.L_overlay_start_0:
0x88: {  	s2 =	sld [smem:$0x3FD9]  }
0x89: {  	s3 =	sld [smem:$0x3FFE];
	_ =	sdelay $0x1  }
0x8a: {  	s1 =	srdreg.scid  }
0x8b: {  	s0 =	sand.u32 $0x1, s1  }
0x8c: {  	s15 =	sshll.u32 s0, $0xA;
	s2 =	sadd.s32 s3, s2  }
0x8d: {  	s2 =	sadd.s32 s2, s15  }
0x8e: {  	[smem:$0x3FC2] =	sst s2  }
0x8f: {  	_ = 	snop  }
0x90: {  	s2 =	sld [smem:$0x3FD0];
	_ =	sdelay $0x2  }
0x91: {  	s16 =	simm.s32 $0xA;
	s4 =	simm.s32 $0x10  }
0x92: {  	[smem:s4], [sflag:s16] =	dma.local [hbm:s2], $0x1  }
0x93: {  	_ =	swait.eq [sflag:s16], $0x1  }
0x94: {  	[sflag:s16] =	ssyncset.done $0x0  }
0x95: {  	s17 =	sld [smem:$0x11];
	[sflag:s16] =	ssyncadd.s32 $0xFFFFFFFF  }
0x96: {  	s18 =	sld [smem:$0x12];
	(tm) =	ssettm $0x1  }
0x97: {  	s19 =	sld [smem:$0x3FFB];
	_ =	sdelay $0x3  }
0x98: {  	_ =	strace s19  }
0x99: {  	s4 =	sld [smem:$0x3FFC];
	_ =	sdelay $0x3  }
0x9a: {  	_ =	strace s4  }
0x9b: {  	s4 =	sld [smem:$0x3FFD];
	_ =	sdelay $0x3  }
0x9c: {  	_ =	strace s4  }
0x9d: {  	_ =	strace $0x8FFFFFFF  }
0x9e: {  	s20 =	sld [smem:$0x3FDB];
	_ =	sdelay $0x1  }
0x9f: {  	s5 =	simm.s32 $_scs_section_size  }
0xa0: {  	s6 =	simm.s32 $_size__tile_overlayer_lowered;
	s7 =	simm.s32 $_tile_overlayer_lowered  }
0xa1: {  	s23 =	simm.s32 $0x1BFF;
	s22 =	sshll.u32 s7, $0x1;
	s4 =	sadd.s32 s5, s20  }
0xa2: {  	s8 =	simm.s32 $0x0;
	s21 =	sshll.u32 s6, $0x1;
	s6 =	sadd.s32 s22, s4  }
0xa3: {  	[timem:s8], [sflag:s23] =	dma.local [hbm:s6], s21  }
0xa4: {  	_ =	swait.ge [sflag:s23], s21  }
0xa5: {  	s5 =	ssub.s32 $0x0, s21;
	[sflag:s23] =	ssyncset.done $0x0  }
0xa6: {  	[sflag:s23] =	ssyncadd.s32 s5;
	_ =	sdelay $0x1  }
0xa7: {  	s24 =	simm.s32 $0x1B8B  }
0xa8: {  	_ =	swait.ge [sflag:s24], $0x1  }
0xa9: {  	[sflag:s24] =	ssyncset.done $0x0  }
0xaa: {  	s25 =	simm.s32 $0x1B8E;
	[sflag:s24] =	ssyncadd.s32 $0xFFFFFFFF  }
0xab: {  	s26 =	simm.s32 $execute0_lowered;
	[smem:$0x3FD2] =	sst s25  }
0xac: {  	s5 =	sshll.u32 s26, $0x1;
	_ =	strace $0x80000046;
	[dreg:$0x1] =	wrdreg $0xFFFFFFFF  }
0xad: {  	s28 =	simm.s32 $_size_execute0_lowered;
	s4 =	sadd.s32 s4, s5;
	[dreg:$0x0] =	wrdreg $0x0  }
0xae: {  	s5 =	sshll.u32 s28, $0x1;
	[dreg:$0x2] =	wrdreg s4  }
0xaf: {  	[dreg:$0x3] =	wrdreg s5  }
0xb0: {  	[dreg:$0x4] =	wrdreg $0xC0  }
0xb1: {  	_ =	task [dreg:s8], $0x5FFFF  }
0xb2: {  	[dreg:$0x1] =	wrdreg $0xFFFFFFFF  }
0xb3: {  	[dreg:$0x0] =	wrdreg $0x60  }
0xb4: {  	[dreg:$0x2] =	wrdreg s17  }
0xb5: {  	[dreg:$0x3] =	wrdreg s18  }
0xb6: {  	[dreg:$0x4] =	wrdreg $0x7000  }
0xb7: {  	[dreg:$0x5] =	wrdreg $0x9  }
0xb8: {  	_ =	task.clear_ibuf [dreg:s8], $0x6FFFF;
	_ =	strace $0x90000046  }
0xb9: {  	s29 =	simm.s32 $0x9;
	_ =	strace $0x80000048  }
0xba: {  	_ =	swait.ge [sflag:s29], $0x1  }
0xbb: {  	[sflag:s29] =	ssyncadd.s32 $0xFFFFFFFF  }
0xbc: {  	_ =	strace $0x90000048  }
0xbd: {  	_ =	sfence  }
0xbe: {  	s30 =	sld [smem:$0x0];
	_ =	sdelay $0x2  }
0xbf: {  	s31 =	sshll.u32 s1, $0xD;
	s1 =	sshrl.u32 s1, $0x2  }
0xc0: {  	s3 =	sand.u32 $0x4000, s31;
	s1 =	sadd.s32 s1, s30  }
0xc1: {  	s0 =	sor.u32 s3, s0;
	s1 =	sshll.u32 s1, $0x11  }
0xc2: {  	s0 =	sor.u32 s1, s0  }
0xc3: {  	s0 =	sadd.s32 $0x8F2B, s0  }
0xc4: {  	[sflag:s0] =	ssyncadd.remote.s32 $0x1  }
0xc5: {  	_ =	sfence.sel $0xFFFF  }
0xc6: {  	[dreg:$0x0] =	wrdreg $0xFFFFFFFF;
	(pc) =	sbr.abs _section_cstart, $3  }
0xc7: {  	[dreg:$0x1] =	wrdreg $0xFFFFFFFF  }
0xc8: {  	_ =	task.clear_ibuf [dreg:s8], $0x2FFFF;
	_ =	strace $0x9FFFFFFF  }
0xc9: {  	(tm) =	ssettm $0x7FFFFFFF  }
tec
execute0_lowered:
.L_overlay_start_1:
0x0: {  	(tag) =	ssettag $0x1  }
0x1: {  	s7 =	rddreg [dreg:$0x0]  }
0x2: {  	s5 =	rddreg [dreg:$0x1];
	s1 =	srdreg.scid  }
0x3: {  	s0 =	stileid.u32;
	s2 =	rddreg [dreg:$0x2];
	s3 =	simm.s32 $0x0  }
0x4: {  	s12 =	simm.s32 $0x100;
	s13 =	simm.s32 $0x180;
	s14 =	simm.s32 $0x200  }
0x5: {  	s15 =	simm.s32 $0x280;
	s16 =	simm.s32 $0x300;
	s6 =	smul.u32 $0x280, s0  }
0x6: {  	s17 =	simm.s32 $0x380;
	s4 =	sand.u32 $0x1, s1;
	s11 =	smul.u32 $0x2800, s0  }
0x7: {  	s18 =	simm.s32 $0x0;
	s1 =	rddreg [dreg:$0x3];
	s8 =	smul.u32 $0x2800, s4  }
0x8: {  	[smem:$0x7FF] =	sst s3;
	s9 =	ssub.s32 $0x2, s4;
	s10 =	smul.u32 $0x28000, s4  }
0x9: {  	_ =	strace $0x80000047;
	s29 =	sshrl.u32 s9, $0x1;
	s4 =	sadd.s32 s6, s2  }
0xa: {  	s9 =	ssub.s32 s9, s29;
	s8 =	sadd.s32 s6, s8;
	s31 =	sadd.s32 s11, s10  }
0xb: {  	s10 =	simm.s32 $0x80;
	s11 =	simm.s32 $0x400;
	s30 =	sshrl.u32 s8, $0x3  }
0xc: {  	s6 =	smax.u32 s9, $0x1;
	s8 =	sshrl.u32 s31, $0x3;
	s9 =	simm.s32 $0x1  }
0xd: {  	v0 =	vimm.f32 $1.000000000e+00;
	v1 =	vimm.f32 $0.0e+00;
	s5 =	sadd.s32 s5, s30;
	s7 =	sadd.s32 s8, s7;
	s8 =	simm.s32 $0x480  }
.LBB2_1:
0xe: {  	[tilespmem:$0x400] =	vst v0  }
0xf: {  	[tilespmem:$0x410] =	vst v0  }
0x10: {  	[tilespmem:$0x420] =	vst v0  }
0x11: {  	[tilespmem:$0x430] =	vst v0  }
0x12: {  	[tilespmem:$0x440] =	vst v0  }
0x13: {  	[tilespmem:$0x450] =	vst v0  }
0x14: {  	[tilespmem:$0x460] =	vst v0  }
0x15: {  	[tilespmem:$0x470] =	vst v0  }
0x16: {  	[tilespmem:$0x480] =	vst v1  }
0x17: {  	[tilespmem:$0x490] =	vst v1  }
0x18: {  	[tilespmem:$0x4A0] =	vst v1  }
0x19: {  	[tilespmem:$0x4B0] =	vst v1  }
0x1a: {  	[tilespmem:$0x4C0] =	vst v1  }
0x1b: {  	[tilespmem:$0x4D0] =	vst v1  }
0x1c: {  	[tilespmem:$0x4E0] =	vst v1  }
0x1d: {  	[tilespmem:$0x4F0] =	vst v1  }
0x1e: {  	[tilespmem:$0x500] =	vst v1  }
0x1f: {  	[tilespmem:$0x510] =	vst v1  }
0x20: {  	[tilespmem:$0x520] =	vst v1  }
0x21: {  	[tilespmem:$0x530] =	vst v1  }
0x22: {  	[tilespmem:$0x540] =	vst v1  }
0x23: {  	[tilespmem:$0x550] =	vst v1  }
0x24: {  	[tilespmem:$0x560] =	vst v1  }
0x25: {  	[tilespmem:$0x570] =	vst v1  }
0x26: {  	[tilespmem:$0x580] =	vst v1  }
0x27: {  	[tilespmem:$0x590] =	vst v1  }
0x28: {  	[tilespmem:$0x5A0] =	vst v1  }
0x29: {  	[tilespmem:$0x5B0] =	vst v1  }
0x2a: {  	[tilespmem:$0x5C0] =	vst v1  }
0x2b: {  	[tilespmem:$0x5D0] =	vst v1  }
0x2c: {  	[tilespmem:$0x5E0] =	vst v1  }
0x2d: {  	[tilespmem:$0x5F0] =	vst v1  }
0x2e: {  	[tilespmem:$0x600] =	vst v1  }
0x2f: {  	[tilespmem:$0x610] =	vst v1  }
0x30: {  	[tilespmem:$0x620] =	vst v1  }
0x31: {  	[tilespmem:$0x630] =	vst v1  }
0x32: {  	[tilespmem:$0x640] =	vst v1  }
0x33: {  	[tilespmem:$0x650] =	vst v1  }
0x34: {  	[tilespmem:$0x660] =	vst v1  }
0x35: {  	[tilespmem:$0x670] =	vst v1  }
0x36: {  	[tilespmem:$0x680] =	vst v1  }
0x37: {  	[tilespmem:$0x690] =	vst v1  }
0x38: {  	[tilespmem:$0x6A0] =	vst v1  }
0x39: {  	[tilespmem:$0x6B0] =	vst v1  }
0x3a: {  	[tilespmem:$0x6C0] =	vst v1  }
0x3b: {  	[tilespmem:$0x6D0] =	vst v1  }
0x3c: {  	[tilespmem:$0x6E0] =	vst v1  }
0x3d: {  	[tilespmem:$0x6F0] =	vst v1  }
0x3e: {  	[spmem:s4] =	stream.linear.scatter [tilespmem:s8], [sflag:$0x1], $0x280, $0x38;
	[tilespmem:$0x980] =	vst v63  }
0x3f: {  	_ =	swait.ge [sflag:s9], $0x280  }
0x40: {  	[sflag:s9] =	ssyncset.done $0x0  }
0x41: {  	[sflag:s9] =	ssyncadd.s32 $0xFFFFFD80  }
0x42: {  	s19 =	sadd.s32 $0x0, s7;
	[bflag:$0x0] =	sbarrier.arrive $0xFFFF  }
0x43: {  	[tilespmem:s3], [sflag:$0x1] =	stream.linear.gather [hbm4b:s19+s3], $0x400, $0x38;
	[tilespmem:$0x980] =	vst v63  }
0x44: {  	_ =	swait.ge [sflag:s9], $0x400  }
0x45: {  	[sflag:s9] =	ssyncset.done $0x0  }
0x46: {  	[sflag:s9] =	ssyncadd.s32 $0xFFFFFC00  }
0x47: {  	[spmem:s2] =	stream.indirect.scatter.add.f32 [tilespmem:s11], [sflag:$0x1], $0x1, s3, s10, $0xb8;
	[tilespmem:$0x980] =	vst v63  }
0x48: {  	_ =	swait.ge [sflag:s9], $0x80  }
0x49: {  	[sflag:s9] =	ssyncset.done $0x0  }
0x4a: {  	[sflag:s9] =	ssyncadd.s32 $0xFFFFFF80  }
0x4b: {  	[spmem:s2] =	stream.indirect.scatter.add.f32 [tilespmem:s11], [sflag:$0x1], $0x1, s10, s10, $0xb8;
	[tilespmem:$0x980] =	vst v63  }
0x4c: {  	_ =	swait.ge [sflag:s9], $0x80  }
0x4d: {  	[sflag:s9] =	ssyncset.done $0x0  }
0x4e: {  	[sflag:s9] =	ssyncadd.s32 $0xFFFFFF80  }
0x4f: {  	[spmem:s2] =	stream.indirect.scatter.add.f32 [tilespmem:s11], [sflag:$0x1], $0x1, s12, s10, $0xb8;
	[tilespmem:$0x980] =	vst v63  }
0x50: {  	_ =	swait.ge [sflag:s9], $0x80  }
0x51: {  	[sflag:s9] =	ssyncset.done $0x0  }
0x52: {  	[sflag:s9] =	ssyncadd.s32 $0xFFFFFF80  }
0x53: {  	[spmem:s2] =	stream.indirect.scatter.add.f32 [tilespmem:s11], [sflag:$0x1], $0x1, s13, s10, $0xb8;
	[tilespmem:$0x980] =	vst v63  }
0x54: {  	_ =	swait.ge [sflag:s9], $0x80  }
0x55: {  	[sflag:s9] =	ssyncset.done $0x0  }
0x56: {  	[sflag:s9] =	ssyncadd.s32 $0xFFFFFF80  }
0x57: {  	[spmem:s2] =	stream.indirect.scatter.add.f32 [tilespmem:s11], [sflag:$0x1], $0x1, s14, s10, $0xb8;
	[tilespmem:$0x980] =	vst v63  }
0x58: {  	_ =	swait.ge [sflag:s9], $0x80  }
0x59: {  	[sflag:s9] =	ssyncset.done $0x0  }
0x5a: {  	[sflag:s9] =	ssyncadd.s32 $0xFFFFFF80  }
0x5b: {  	[spmem:s2] =	stream.indirect.scatter.add.f32 [tilespmem:s11], [sflag:$0x1], $0x1, s15, s10, $0xb8;
	[tilespmem:$0x980] =	vst v63  }
0x5c: {  	_ =	swait.ge [sflag:s9], $0x80  }
0x5d: {  	[sflag:s9] =	ssyncset.done $0x0  }
0x5e: {  	[sflag:s9] =	ssyncadd.s32 $0xFFFFFF80  }
0x5f: {  	[spmem:s2] =	stream.indirect.scatter.add.f32 [tilespmem:s11], [sflag:$0x1], $0x1, s16, s10, $0xb8;
	[tilespmem:$0x980] =	vst v63  }
0x60: {  	_ =	swait.ge [sflag:s9], $0x80  }
0x61: {  	[sflag:s9] =	ssyncset.done $0x0  }
0x62: {  	[sflag:s9] =	ssyncadd.s32 $0xFFFFFF80  }
0x63: {  	[spmem:s2] =	stream.indirect.scatter.add.f32 [tilespmem:s11], [sflag:$0x1], $0x1, s17, s10, $0xb8;
	[tilespmem:$0x980] =	vst v63  }
0x64: {  	_ =	swait.ge [sflag:s9], $0x80  }
0x65: {  	s21 =	simm.s32 $0x100;
	s19 =	simm.s32 $0x80;
	[sflag:s9] =	ssyncset.done $0x0  }
.LBB2_2:
0x66: {  	s22 =	sadd.s32 s19, s7  }
0x67: {  	[sflag:s9] =	ssyncadd.s32 $0xFFFFFF80;
	s19 =	smov.u32 s21;
	s20 =	sadd.s32 $0x80, s21  }
0x68: {  	[tilespmem:s3], [sflag:$0x1] =	stream.linear.gather [hbm4b:s22+s3], $0x400, $0x38;
	[tilespmem:$0x980] =	vst v63  }
0x69: {  	p0 =	sne.s32 s21, $0x480;
	_ =	swait.ge [sflag:s9], $0x400  }
0x6a: {  	[sflag:s9] =	ssyncset.done $0x0  }
0x6b: {  	[sflag:s9] =	ssyncadd.s32 $0xFFFFFC00  }
0x6c: {  	[spmem:s2] =	stream.indirect.scatter.add.f32 [tilespmem:s11], [sflag:$0x1], $0x1, s3, s10, $0xb8;
	[tilespmem:$0x980] =	vst v63  }
0x6d: {  	_ =	swait.ge [sflag:s9], $0x80  }
0x6e: {  	[sflag:s9] =	ssyncset.done $0x0  }
0x6f: {  	[sflag:s9] =	ssyncadd.s32 $0xFFFFFF80  }
0x70: {  	[spmem:s2] =	stream.indirect.scatter.add.f32 [tilespmem:s11], [sflag:$0x1], $0x1, s10, s10, $0xb8;
	[tilespmem:$0x980] =	vst v63  }
0x71: {  	_ =	swait.ge [sflag:s9], $0x80  }
0x72: {  	[sflag:s9] =	ssyncset.done $0x0  }
0x73: {  	[sflag:s9] =	ssyncadd.s32 $0xFFFFFF80  }
0x74: {  	[spmem:s2] =	stream.indirect.scatter.add.f32 [tilespmem:s11], [sflag:$0x1], $0x1, s12, s10, $0xb8;
	[tilespmem:$0x980] =	vst v63  }
0x75: {  	_ =	swait.ge [sflag:s9], $0x80  }
0x76: {  	[sflag:s9] =	ssyncset.done $0x0  }
0x77: {  	[sflag:s9] =	ssyncadd.s32 $0xFFFFFF80  }
0x78: {  	[spmem:s2] =	stream.indirect.scatter.add.f32 [tilespmem:s11], [sflag:$0x1], $0x1, s13, s10, $0xb8;
	[tilespmem:$0x980] =	vst v63  }
0x79: {  	_ =	swait.ge [sflag:s9], $0x80  }
0x7a: {  	[sflag:s9] =	ssyncset.done $0x0  }
0x7b: {  	[sflag:s9] =	ssyncadd.s32 $0xFFFFFF80  }
0x7c: {  	[spmem:s2] =	stream.indirect.scatter.add.f32 [tilespmem:s11], [sflag:$0x1], $0x1, s14, s10, $0xb8;
	[tilespmem:$0x980] =	vst v63  }
0x7d: {  	_ =	swait.ge [sflag:s9], $0x80  }
0x7e: {  	[sflag:s9] =	ssyncset.done $0x0  }
0x7f: {  	[sflag:s9] =	ssyncadd.s32 $0xFFFFFF80  }
0x80: {  	[spmem:s2] =	stream.indirect.scatter.add.f32 [tilespmem:s11], [sflag:$0x1], $0x1, s15, s10, $0xb8;
	[tilespmem:$0x980] =	vst v63  }
0x81: {  	_ =	swait.ge [sflag:s9], $0x80  }
0x82: {  	[sflag:s9] =	ssyncset.done $0x0  }
0x83: {  	[sflag:s9] =	ssyncadd.s32 $0xFFFFFF80  }
0x84: {  	[spmem:s2] =	stream.indirect.scatter.add.f32 [tilespmem:s11], [sflag:$0x1], $0x1, s16, s10, $0xb8;
	[tilespmem:$0x980] =	vst v63  }
0x85: {  	_ =	swait.ge [sflag:s9], $0x80  }
.Ltmp0:
0x86: {  	[sflag:s9] =	ssyncset.done $0x0;
	(pc) =	sbr.rel @p0 .LBB2_2-.Ltmp0, $4  }
0x87: {  	[sflag:s9] =	ssyncadd.s32 $0xFFFFFF80  }
0x88: {  	[spmem:s2] =	stream.indirect.scatter.add.f32 [tilespmem:s11], [sflag:$0x1], $0x1, s17, s10, $0xb8;
	[tilespmem:$0x980] =	vst v63  }
0x89: {  	_ =	swait.ge [sflag:s9], $0x80  }
0x8a: {  	s21 =	smov.u32 s20;
	[sflag:s9] =	ssyncset.done $0x0  }
0x8b: {  	s19 =	sadd.s32 s19, s7;
	[sflag:s9] =	ssyncadd.s32 $0xFFFFFF80  }
0x8c: {  	[tilespmem:s3], [sflag:$0x1] =	stream.linear.gather [hbm4b:s19+s3], $0x400, $0x38;
	[tilespmem:$0x980] =	vst v63  }
0x8d: {  	_ =	swait.ge [sflag:s9], $0x400  }
0x8e: {  	[sflag:s9] =	ssyncset.done $0x0  }
0x8f: {  	[sflag:s9] =	ssyncadd.s32 $0xFFFFFC00  }
0x90: {  	[spmem:s2] =	stream.indirect.scatter.add.f32 [tilespmem:s11], [sflag:$0x1], $0x1, s3, s10, $0xb8;
	[tilespmem:$0x980] =	vst v63  }
0x91: {  	_ =	swait.ge [sflag:s9], $0x80  }
0x92: {  	[sflag:s9] =	ssyncset.done $0x0  }
0x93: {  	[sflag:s9] =	ssyncadd.s32 $0xFFFFFF80  }
0x94: {  	[spmem:s2] =	stream.indirect.scatter.add.f32 [tilespmem:s11], [sflag:$0x1], $0x1, s10, s10, $0xb8;
	[tilespmem:$0x980] =	vst v63  }
0x95: {  	_ =	swait.ge [sflag:s9], $0x80  }
0x96: {  	[sflag:s9] =	ssyncset.done $0x0  }
0x97: {  	[sflag:s9] =	ssyncadd.s32 $0xFFFFFF80  }
0x98: {  	[spmem:s2] =	stream.indirect.scatter.add.f32 [tilespmem:s11], [sflag:$0x1], $0x1, s12, s10, $0xb8;
	[tilespmem:$0x980] =	vst v63  }
0x99: {  	_ =	swait.ge [sflag:s9], $0x80  }
0x9a: {  	[sflag:s9] =	ssyncset.done $0x0  }
0x9b: {  	[sflag:s9] =	ssyncadd.s32 $0xFFFFFF80  }
0x9c: {  	[spmem:s2] =	stream.indirect.scatter.add.f32 [tilespmem:s11], [sflag:$0x1], $0x1, s13, s10, $0xb8;
	[tilespmem:$0x980] =	vst v63  }
0x9d: {  	_ =	swait.ge [sflag:s9], $0x80  }
0x9e: {  	[sflag:s9] =	ssyncset.done $0x0  }
0x9f: {  	[sflag:s9] =	ssyncadd.s32 $0xFFFFFF80  }
0xa0: {  	[spmem:s2] =	stream.indirect.scatter.add.f32 [tilespmem:s11], [sflag:$0x1], $0x1, s14, s10, $0xb8;
	[tilespmem:$0x980] =	vst v63  }
0xa1: {  	_ =	swait.ge [sflag:s9], $0x80  }
0xa2: {  	[sflag:s9] =	ssyncset.done $0x0  }
0xa3: {  	[sflag:s9] =	ssyncadd.s32 $0xFFFFFF80  }
0xa4: {  	[spmem:s2] =	stream.indirect.scatter.add.f32 [tilespmem:s11], [sflag:$0x1], $0x1, s15, s10, $0xb8;
	[tilespmem:$0x980] =	vst v63  }
0xa5: {  	_ =	swait.ge [sflag:s9], $0x80  }
0xa6: {  	[sflag:s9] =	ssyncset.done $0x0  }
0xa7: {  	[sflag:s9] =	ssyncadd.s32 $0xFFFFFF80  }
0xa8: {  	[spmem:s2] =	stream.indirect.scatter.add.f32 [tilespmem:s11], [sflag:$0x1], $0x1, s16, s10, $0xb8;
	[tilespmem:$0x980] =	vst v63  }
0xa9: {  	_ =	swait.ge [sflag:s9], $0x80  }
0xaa: {  	[sflag:s9] =	ssyncset.done $0x0  }
0xab: {  	[sflag:s9] =	ssyncadd.s32 $0xFFFFFF80  }
0xac: {  	[spmem:s2] =	stream.indirect.scatter.add.f32 [tilespmem:s11], [sflag:$0x1], $0x1, s17, s10, $0xb8;
	[tilespmem:$0x980] =	vst v63  }
0xad: {  	_ =	swait.ge [sflag:s9], $0x80  }
0xae: {  	[sflag:s9] =	ssyncset.done $0x0  }
0xaf: {  	[sflag:s9] =	ssyncadd.s32 $0xFFFFFF80  }
0xb0: {  	[bflag:$0x0] =	sbarrier.arrive $0xFFFF  }
0xb1: {  	[tilespmem:s8], [sflag:$0x1] =	stream.linear.gather [spmem:s4], $0x280, $0x38;
	[tilespmem:$0x980] =	vst v63  }
0xb2: {  	s18 =	sadd.s32 $0x1, s18;
	_ =	swait.ge [sflag:s9], $0x280  }
0xb3: {  	p0 =	sne.s32 s18, s6;
	[sflag:s9] =	ssyncset.done $0x0  }
.Ltmp1:
0xb4: {  	[sflag:s9] =	ssyncadd.s32 $0xFFFFFD80;
	(pc) =	sbr.rel @p0 .LBB2_1-.Ltmp1, $4  }
0xb5: {  	[hbm4b:s5+s3] =	stream.linear.scatter [tilespmem:s8], [sflag:$0x1], $0x280, $0x38;
	[tilespmem:$0x980] =	vst v63  }
0xb6: {  	_ =	swait.ge [sflag:s9], $0x280  }
0xb7: {  	[sflag:s9] =	ssyncset.done $0x0  }
0xb8: {  	[sflag:s9] =	ssyncadd.s32 $0xFFFFFD80  }
0xb9: {  	_ =	sfence.sel $0x180000  }
0xba: {  	[bflag:$0x0] =	sbarrier.arrive $0xFFFF  }
0xbb: {  	p0 =	sne.s32 s0, $0x0;
	_ =	strace $0x90000047  }
0xbc: {  	s0 =	sadd.s32 @!p0 $0x100000, s1;
	[bflag:$0x2] =	sbarrier.arrive $0xFFFF  }
0xbd: {  	[sflag:s0] =	ssyncadd.tile.s32 @!p0 $0x1;
	_ =	shalt  }
.Lfunc_end2:
_tile_overlayer_lowered:
.L_overlay_start_2:
0xbe: {  	(tag) =	ssettag $0x2  }
0xbf: {  	s0 =	rddreg [dreg:$0x0];
	s2 =	stileid.u32  }
0xc0: {  	s1 =	rddreg [dreg:$0x1];
	p0 =	sne.s32 s2, $0x0  }
0xc1: {  	s3 =	rddreg [dreg:$0x2];
	[bflag:$0x3] =	sbarrier.arrive $0xFFFF;
	s2 =	simm.s32 @!p0 $0x1C01  }
0xc2: {  	[timem:s3], [sflag:s2] =	dma.local @!p0 [hbm:s0], s1  }
0xc3: {  	s0 =	simm.s32 @!p0 $0x1  }
0xc4: {  	_ =	swait.ge @!p0 [sflag:s0], s1  }
0xc5: {  	s1 =	ssub.s32 @!p0 $0x0, s1;
	[sflag:s0] =	ssyncset.done @!p0 $0x0  }
0xc6: {  	[sflag:s0] =	ssyncadd.s32 @!p0 s1  }
0xc7: {  	[bflag:$0x3] =	sbarrier.arrive $0xFFFF  }
0xc8: {  	_ =	shalt  }

// kernel: kernel.8.cloned.1.call-start
scs
__scs_entry_jumppad:
0x0: {  	(pc) =	sbr.rel $0x88, $3  }
0x1: {  	(tag) =	ssettag $0x0;
	lr =	simm.s32 $0x1  }
0x2: {  	[smem:$0x3F9B] =	sst lr;
	_ =	strace $0xD0000000  }
0x3: {  	_ = 	snop  }
0x4: {  	_ = 	snop  }
0x5: {  	_ = 	snop  }
0x6: {  	_ = 	snop  }
0x7: {  	_ = 	snop  }
__scs_overlays_trampoline_lowered:
0x8: {  	[smem:$0x3FAA] =	sst s0  }
0x9: {  	[smem:$0x3FAB] =	sst s1  }
0xa: {  	[smem:$0x3FAC] =	sst s2  }
0xb: {  	[smem:$0x3FAD] =	sst s3  }
0xc: {  	[smem:$0x3FAE] =	sst s4  }
0xd: {  	[smem:$0x3FAF] =	sst s5  }
0xe: {  	[smem:$0x3FB0] =	sst s6  }
0xf: {  	[smem:$0x3FB1] =	sst s7  }
0x10: {  	[smem:$0x3FB2] =	sst s8  }
0x11: {  	[smem:$0x3FB3] =	sst s9;
	s0 =	simm.s32 @!p0 $0x0  }
0x12: {  	s1 =	sld [smem:$0x3F99];
	s0 =	simm.s32 @p0 $0x1  }
0x13: {  	[smem:$0x3FB4] =	sst s0;
	s0 =	simm.s32 @!p1 $0x0  }
0x14: {  	s2 =	sld [smem:$0x3F98];
	s0 =	simm.s32 @p1 $0x1  }
0x15: {  	[smem:$0x3FB5] =	sst s0;
	s0 =	simm.s32 @!p2 $0x0  }
0x16: {  	s3 =	sld [smem:$0x3FDB];
	s0 =	simm.s32 @p2 $0x1  }
0x17: {  	s4 =	simm.s32 $0x1BF5;
	[smem:$0x3FB7] =	sst s0  }
0x18: {  	s0 =	sld [smem:$0x3F9A];
	_ =	swait.ge [sflag:s4], $0x0  }
0x19: {  	s7 =	sld [smem:$0x3F9B]  }
0x1a: {  	s8 =	sadd.s32 $0xFFFFE003, lr  }
0x1b: {  	s9 =	sadd.s32 $0xFFFFFEF7, lr;
	s5 =	simm.s32 $0xFFFFFFFF;
	p2 =	slt.u32 s8, $0xFFFFF086  }
0x1c: {  	p1 =	slt.u32 s9, $0xF7A;
	s5 =	simm.s32 @!p2 $0x0  }
0x1d: {  	s5 =	simm.s32 @p1 $0x1;
	p0 =	seq.s32 s7, s2  }
0x1e: {  	s7 =	smul.u32 @!p0 $0xF7A, s2;
	p2 =	seq.s32 @!p0 s5, $0x0  }
0x1f: {  	s9 =	smul.u32 $0xF7A, s1;
	s8 =	simm.s32 @!p0 $0x1BF5;
	p2 =	por !p2, p0  }
0x20: {  	[sflag:s8] =	ssyncset.s32 @!p0 $0xFFFFF086;
	s6 =	sadd.s32 @!p0 s3, s7;
	s7 =	simm.s32 @!p0 $0x108  }
0x21: {  	s3 =	sadd.s32 s3, s9;
	s6 =	sadd.s32 @!p0 $0x88, s6;
	s7 =	simm.s32 @p2 $0x1082  }
0x22: {  	[simem:s7], [sflag:s8] =	dma.local @!p0 [hbm:s6], $0xF7A  }
0x23: {  	s9 =	sor.u32 $0xD0000000, s2;
	s6 =	simm.s32 $0x108;
	_ =	swait.ge @!p0 [sflag:s8], $0x0  }
0x24: {  	s3 =	sadd.s32 $0x88, s3;
	s6 =	simm.s32 @!p1 $0x1082;
	[sflag:s4] =	ssyncset.s32 $0xFFFFF086  }
0x25: {  	[simem:s6], [sflag:s4] =	dma.local [hbm:s3], $0xF7A  }
0x26: {  	[smem:$0x3F9B] =	sst s1;
	(tag) =	ssettag s2;
	_ =	strace s9  }
0x27: {  	s1 =	sld [smem:$0x3FAB]  }
0x28: {  	s2 =	sld [smem:$0x3FAC]  }
0x29: {  	s4 =	sld [smem:$0x3FAE]  }
0x2a: {  	p0 =	seq.s32 s5, $0x0;
	s5 =	sld [smem:$0x3FAF]  }
0x2b: {  	s6 =	sld [smem:$0x3FB0]  }
0x2c: {  	s7 =	sld [smem:$0x3FB1]  }
0x2d: {  	s3 =	simm.s32 $0x108;
	s8 =	sld [smem:$0x3FB2]  }
0x2e: {  	s3 =	simm.s32 @!p0 $0x1082;
	s9 =	sld [smem:$0x3FB3]  }
0x2f: {  	lr =	sadd.s32 s0, s3;
	s0 =	sld [smem:$0x3FAA]  }
0x30: {  	s3 =	sld [smem:$0x3FAD]  }
0x31: {  	[smem:$0x3FB6] =	sst s10  }
0x32: {  	s10 =	sld [smem:$0x3FB4];
	_ =	sdelay $0x3  }
0x33: {  	p0 =	seq.s32 s10, $0x1;
	s10 =	sld [smem:$0x3FB6];
	_ =	sdelay $0x3  }
0x34: {  	[smem:$0x3FB6] =	sst s10  }
0x35: {  	s10 =	sld [smem:$0x3FB5];
	_ =	sdelay $0x3  }
0x36: {  	p1 =	seq.s32 s10, $0x1;
	s10 =	sld [smem:$0x3FB6];
	_ =	sdelay $0x3  }
0x37: {  	[smem:$0x3FB6] =	sst s10  }
0x38: {  	s10 =	sld [smem:$0x3FB7]  }
0x39: {  	_ = 	snop;
	(pc) =	sbr.ind lr, $3  }
0x3a: {  	_ = 	snop  }
0x3b: {  	_ = 	snop  }
0x3c: {  	p2 =	seq.s32 s10, $0x1;
	s10 =	sld [smem:$0x3FB6]  }
0x3d: {  	_ =	shalt  }
0x3e: {  	_ =	shalt  }
0x3f: {  	_ =	shalt  }
0x40: {  	_ =	shalt  }
0x41: {  	_ =	shalt  }
0x42: {  	_ =	shalt  }
0x43: {  	_ =	shalt  }
0x44: {  	_ =	shalt  }
0x45: {  	_ =	shalt  }
0x46: {  	_ =	shalt  }
0x47: {  	_ =	shalt  }
0x48: {  	_ =	shalt  }
0x49: {  	_ =	shalt  }
0x4a: {  	_ =	shalt  }
0x4b: {  	_ =	shalt  }
0x4c: {  	_ =	shalt  }
0x4d: {  	_ =	shalt  }
0x4e: {  	_ =	shalt  }
0x4f: {  	_ =	shalt  }
0x50: {  	_ =	shalt  }
0x51: {  	_ =	shalt  }
0x52: {  	_ =	shalt  }
0x53: {  	_ =	shalt  }
0x54: {  	_ =	shalt  }
0x55: {  	_ =	shalt  }
0x56: {  	_ =	shalt  }
0x57: {  	_ =	shalt  }
0x58: {  	_ =	shalt  }
0x59: {  	_ =	shalt  }
0x5a: {  	_ =	shalt  }
0x5b: {  	_ =	shalt  }
0x5c: {  	_ =	shalt  }
0x5d: {  	_ =	shalt  }
0x5e: {  	_ =	shalt  }
0x5f: {  	_ =	shalt  }
0x60: {  	_ =	shalt  }
0x61: {  	_ =	shalt  }
0x62: {  	_ =	shalt  }
0x63: {  	_ =	shalt  }
0x64: {  	_ =	shalt  }
0x65: {  	_ =	shalt  }
0x66: {  	_ =	shalt  }
0x67: {  	_ =	shalt  }
0x68: {  	_ =	shalt  }
0x69: {  	_ =	shalt  }
0x6a: {  	_ =	shalt  }
0x6b: {  	_ =	shalt  }
0x6c: {  	_ =	shalt  }
0x6d: {  	_ =	shalt  }
0x6e: {  	_ =	shalt  }
0x6f: {  	_ =	shalt  }
0x70: {  	_ =	shalt  }
0x71: {  	_ =	shalt  }
0x72: {  	_ =	shalt  }
0x73: {  	_ =	shalt  }
0x74: {  	_ =	shalt  }
0x75: {  	_ =	shalt  }
0x76: {  	_ =	shalt  }
0x77: {  	_ =	shalt  }
0x78: {  	_ =	shalt  }
0x79: {  	_ =	shalt  }
0x7a: {  	_ =	shalt  }
0x7b: {  	_ =	shalt  }
0x7c: {  	_ =	shalt  }
0x7d: {  	_ =	shalt  }
0x7e: {  	_ =	shalt  }
0x7f: {  	_ =	shalt  }
0x80: {  	_ =	shalt  }
0x81: {  	_ =	shalt  }
0x82: {  	_ =	shalt  }
0x83: {  	_ =	shalt  }
0x84: {  	_ =	shalt  }
0x85: {  	_ =	shalt  }
0x86: {  	_ =	shalt  }
0x87: {  	_ =	shalt  }
.Lfunc_end0:
.L_simem_size_0:
called_computation.1_lowered:
.L_overlay_start_0:
0x88: {  	s2 =	sld [smem:$0x3FD9]  }
0x89: {  	s3 =	sld [smem:$0x3FFE];
	_ =	sdelay $0x1  }
0x8a: {  	s1 =	srdreg.scid  }
0x8b: {  	s0 =	sand.u32 $0x1, s1  }
0x8c: {  	s14 =	sshll.u32 s0, $0xA;
	s2 =	sadd.s32 s3, s2  }
0x8d: {  	s2 =	sadd.s32 s2, s14  }
0x8e: {  	[smem:$0x3FC2] =	sst s2  }
0x8f: {  	_ = 	snop  }
0x90: {  	s2 =	sld [smem:$0x3FD0];
	_ =	sdelay $0x2  }
0x91: {  	s15 =	simm.s32 $0xA;
	s4 =	simm.s32 $0x10  }
0x92: {  	[smem:s4], [sflag:s15] =	dma.local [hbm:s2], $0x1  }
0x93: {  	_ =	swait.eq [sflag:s15], $0x1  }
0x94: {  	[sflag:s15] =	ssyncset.done $0x0  }
0x95: {  	s16 =	sld [smem:$0x10];
	[sflag:s15] =	ssyncadd.s32 $0xFFFFFFFF  }
0x96: {  	s17 =	sld [smem:$0x11];
	(tm) =	ssettm $0x1  }
0x97: {  	s18 =	sld [smem:$0x3FFB];
	_ =	sdelay $0x3  }
0x98: {  	_ =	strace s18  }
0x99: {  	s4 =	sld [smem:$0x3FFC];
	_ =	sdelay $0x3  }
0x9a: {  	_ =	strace s4  }
0x9b: {  	s4 =	sld [smem:$0x3FFD];
	_ =	sdelay $0x3  }
0x9c: {  	_ =	strace s4  }
0x9d: {  	_ =	strace $0x8FFFFFFF  }
0x9e: {  	s19 =	sld [smem:$0x3FDB];
	_ =	sdelay $0x1  }
0x9f: {  	s5 =	simm.s32 $_scs_section_size  }
0xa0: {  	s6 =	simm.s32 $_size__tile_overlayer_lowered;
	s7 =	simm.s32 $_tile_overlayer_lowered  }
0xa1: {  	s22 =	simm.s32 $0x1BFF;
	s21 =	sshll.u32 s7, $0x1;
	s4 =	sadd.s32 s5, s19  }
0xa2: {  	s8 =	simm.s32 $0x0;
	s20 =	sshll.u32 s6, $0x1;
	s6 =	sadd.s32 s21, s4  }
0xa3: {  	[timem:s8], [sflag:s22] =	dma.local [hbm:s6], s20  }
0xa4: {  	_ =	swait.ge [sflag:s22], s20  }
0xa5: {  	s5 =	ssub.s32 $0x0, s20;
	[sflag:s22] =	ssyncset.done $0x0  }
0xa6: {  	[sflag:s22] =	ssyncadd.s32 s5;
	_ =	sdelay $0x1  }
0xa7: {  	s23 =	simm.s32 $0x1B8B  }
0xa8: {  	_ =	swait.ge [sflag:s23], $0x1  }
0xa9: {  	[sflag:s23] =	ssyncset.done $0x0  }
0xaa: {  	s25 =	simm.s32 $0x1B8E;
	s24 =	sld [smem:$0x3FFE];
	[sflag:s23] =	ssyncadd.s32 $0xFFFFFFFF  }
0xab: {  	s26 =	simm.s32 $execute0_lowered;
	[smem:$0x3FD2] =	sst s25  }
0xac: {  	s6 =	sshll.u32 s26, $0x1;
	_ =	strace $0x80000049;
	[dreg:$0x1] =	wrdreg $0xFFFFFFFF  }
0xad: {  	s28 =	simm.s32 $_size_execute0_lowered;
	s4 =	sadd.s32 s4, s6;
	[dreg:$0x0] =	wrdreg $0x0  }
0xae: {  	s6 =	sshll.u32 s28, $0x1;
	[dreg:$0x2] =	wrdreg s4  }
0xaf: {  	[dreg:$0x3] =	wrdreg s6  }
0xb0: {  	[dreg:$0x4] =	wrdreg $0xC0  }
0xb1: {  	_ =	task [dreg:s8], $0x5FFFF  }
0xb2: {  	[dreg:$0x1] =	wrdreg $0xFFFFFFFF  }
0xb3: {  	[dreg:$0x0] =	wrdreg $0x60  }
0xb4: {  	[dreg:$0x2] =	wrdreg s24  }
0xb5: {  	[dreg:$0x3] =	wrdreg s17  }
0xb6: {  	[dreg:$0x4] =	wrdreg s16  }
0xb7: {  	[dreg:$0x5] =	wrdreg $0x11B000  }
0xb8: {  	[dreg:$0x6] =	wrdreg $0x1BB000  }
0xb9: {  	[dreg:$0x7] =	wrdreg $0x9  }
0xba: {  	_ =	task.clear_ibuf [dreg:s8], $0x8FFFF;
	_ =	strace $0x90000049  }
0xbb: {  	s29 =	simm.s32 $0x9;
	_ =	strace $0x8000004B  }
0xbc: {  	_ =	swait.ge [sflag:s29], $0x1  }
0xbd: {  	[sflag:s29] =	ssyncadd.s32 $0xFFFFFFFF  }
0xbe: {  	_ =	strace $0x9000004B  }
0xbf: {  	_ =	sfence  }
0xc0: {  	s30 =	sld [smem:$0x0];
	_ =	sdelay $0x2  }
0xc1: {  	s31 =	sshll.u32 s1, $0xD;
	s1 =	sshrl.u32 s1, $0x2  }
0xc2: {  	s3 =	sand.u32 $0x4000, s31;
	s1 =	sadd.s32 s1, s30  }
0xc3: {  	s0 =	sor.u32 s3, s0;
	s1 =	sshll.u32 s1, $0x11  }
0xc4: {  	s0 =	sor.u32 s1, s0  }
0xc5: {  	s0 =	sadd.s32 $0x8F2B, s0  }
0xc6: {  	[sflag:s0] =	ssyncadd.remote.s32 $0x1  }
0xc7: {  	_ =	sfence.sel $0xFFFF  }
0xc8: {  	[dreg:$0x0] =	wrdreg $0xFFFFFFFF;
	(pc) =	sbr.abs _section_cstart, $3  }
0xc9: {  	[dreg:$0x1] =	wrdreg $0xFFFFFFFF  }
0xca: {  	_ =	task.clear_ibuf [dreg:s8], $0x2FFFF;
	_ =	strace $0x9FFFFFFF  }
0xcb: {  	(tm) =	ssettm $0x7FFFFFFF  }
tec
execute0_lowered:
.L_overlay_start_1:
0x0: {  	(tag) =	ssettag $0x1  }
0x1: {  	s0 =	rddreg [dreg:$0x0]  }
0x2: {  	s1 =	rddreg [dreg:$0x1]  }
0x3: {  	s5 =	rddreg [dreg:$0x2]  }
0x4: {  	s2 =	rddreg [dreg:$0x3]  }
0x5: {  	s3 =	rddreg [dreg:$0x4];
	s16 =	stileid.u32  }
0x6: {  	s4 =	simm.s32 $0x0;
	s10 =	srdreg.scid;
	s28 =	simm.s32 $0x400  }
0x7: {  	s29 =	simm.s32 $0x80;
	s30 =	simm.s32 $0x800;
	s6 =	smul.u32 $0xA00, s16  }
0x8: {  	[smem:$0x7FF] =	sst s4;
	s8 =	smul.u32 $0x500, s16;
	s9 =	sadd.s32 $0xE600, s0  }
0x9: {  	s20 =	sadd.s32 $0x4A600, s0;
	_ =	strace $0x8000004A;
	[dreg:$0xa] =	wrdreg s9  }
0xa: {  	s21 =	sadd.s32 $0x36600, s0;
	s22 =	sadd.s32 $0x22600, s0;
	[dreg:$0xb] =	wrdreg s20  }
0xb: {  	s11 =	sadd.s32 $0x6D600, s0;
	s23 =	sadd.s32 $0x68600, s0;
	[dreg:$0xc] =	wrdreg s21  }
0xc: {  	s10 =	sand.u32 $0x1, s10;
	s24 =	sadd.s32 $0x63600, s0;
	[dreg:$0xd] =	wrdreg s22  }
0xd: {  	s25 =	sadd.s32 $0x5E600, s0;
	s15 =	smul.u32 $0xA000, s16;
	[dreg:$0xe] =	wrdreg s11  }
0xe: {  	s13 =	sadd.s32 $0x77600, s0;
	s18 =	smul.u32 $0x280, s16;
	[dreg:$0xf] =	wrdreg s23  }
0xf: {  	s14 =	sadd.s32 $0x8B600, s0;
	[dreg:$0x10] =	wrdreg s24;
	s20 =	smul.u32 $0x28000, s16  }
0x10: {  	[dreg:$0x11] =	wrdreg s25;
	s26 =	ssub.s32 $0x2, s10;
	s22 =	smul.u32 $0x1400, s16  }
0x11: {  	p0 =	sne.s32 s10, $0x0;
	s11 =	simm.s32 $0x3;
	s16 =	simm.s32 $0xB000  }
0x12: {  	s10 =	simm.s32 $0xC000;
	s7 =	sadd.s32 s6, s0;
	s9 =	sadd.s32 s8, s0  }
0x13: {  	s12 =	sshrl.u32 s26, $0x1;
	[dreg:$0x12] =	wrdreg s18;
	s19 =	sshrl.u32 s15, $0x2  }
0x14: {  	s21 =	sadd.s32 s6, s1;
	s8 =	sadd.s32 s8, s14;
	s15 =	simm.s32 $0x7  }
0x15: {  	s6 =	simm.s32 $0xA800;
	s17 =	ssub.s32 s26, s12;
	[dreg:$0x15] =	wrdreg s21  }
0x16: {  	s12 =	sadd.s32 $0x72600, s9;
	s23 =	sshrl.u32 s20, $0x2;
	s24 =	sadd.s32 s22, s5  }
0x17: {  	s18 =	sadd.s32 s22, s13;
	s25 =	sadd.s32 $0x4600, s7;
	s26 =	simm.s32 $0xB  }
0x18: {  	s9 =	simm.s32 $0x4;
	s5 =	simm.s32 $0x6;
	[dreg:$0x7] =	wrdreg s8  }
0x19: {  	s22 =	simm.s32 $0x5;
	s21 =	simm.s32 $0x8;
	[dreg:$0x8] =	wrdreg s24  }
0x1a: {  	s20 =	simm.s32 $0xC800;
	s7 =	simm.s32 $0x0;
	[dreg:$0x6] =	wrdreg s12  }
.Ltmp0:
0x1b: {  	s0 =	smax.u32 s17, $0x1;
	[dreg:$0x9] =	wrdreg s18;
	(pc) =	sbr.rel .LBB2_1-.Ltmp0, $4  }
0x1c: {  	s1 =	sadd.s32 s23, s2;
	s24 =	simm.s32 $0x2800;
	[dreg:$0x17] =	wrdreg s25  }
0x1d: {  	s17 =	simm.s32 $0x2;
	s23 =	simm.s32 $0x10C00;
	[dreg:$0x13] =	wrdreg s0  }
0x1e: {  	s31 =	smov.u32 s25;
	s0 =	sadd.s32 s19, s3;
	[dreg:$0x16] =	wrdreg s1  }
0x1f: {  	s19 =	simm.s32 $0xB800;
	[dreg:$0x14] =	wrdreg s0;
	s0 =	simm.s32 $0x1  }
.LBB2_36:
0x20: {  	s7 =	rddreg [dreg:$0x18]  }
0x21: {  	s1 =	rddreg [dreg:$0x13];
	s7 =	sadd.s32 $0x1, s7  }
0x22: {  	p1 =	sne.s32 s7, s1  }
.Ltmp1:
0x23: {  	_ = 	snop;
	(pc) =	sbr.rel @!p1 .LBB2_37-.Ltmp1, $4  }
0x24: {  	[bflag:$0x0] =	sbarrier.arrive $0xFFFF  }
0x25: {  	s12 =	rddreg [dreg:$0x6]  }
0x26: {  	s8 =	rddreg [dreg:$0x7]  }
0x27: {  	s6 =	simm.s32 $0xA800;
	s10 =	simm.s32 $0xC000;
	s18 =	rddreg [dreg:$0x9]  }
.LBB2_1:
.Ltmp2:
0x28: {  	(pc) =	sbr.rel @p0 .LBB2_5-.Ltmp2, $2  }
0x29: {  	_ =	sdelay $0x2  }
0x2a: {  	[dreg:$0x18] =	wrdreg s7  }
0x2b: {  	s1 =	rddreg [dreg:$0x8]  }
0x2c: {  	s23 =	simm.s32 $0xD000;
	s1 =	sadd.s32 $0x0, s1  }
0x2d: {  	[tilespmem:s23], [sflag:$0xB] =	stream.linear.gather [hbm4b:s1+s4], $0x1400, $0x38;
	[tilespmem:$0x1E300] =	vst v63  }
0x2e: {  	_ =	swait.ge [sflag:s26], $0x1400  }
0x2f: {  	[sflag:s26] =	ssyncset.done $0x0  }
0x30: {  	s25 =	sadd.s32 $0x0, s18;
	[sflag:s26] =	ssyncadd.s32 $0xFFFFEC00  }
0x31: {  	[hbm4b:s25+s4] =	stream.linear.scatter [tilespmem:s23], [sflag:$0xB], $0x1400, $0x38;
	[tilespmem:$0x1E300] =	vst v63  }
0x32: {  	_ =	swait.ge [sflag:s26], $0x1400  }
0x33: {  	[sflag:s26] =	ssyncset.done $0x0  }
0x34: {  	s7 =	rddreg [dreg:$0x16];
	[sflag:s26] =	ssyncadd.s32 $0xFFFFEC00  }
0x35: {  	[spmem:s7] =	stream.linear.scatter [tilespmem:s23], [sflag:$0xB], $0x1400, $0x38;
	[tilespmem:$0x1E300] =	vst v63  }
0x36: {  	s8 =	simm.s32 $0x280;
	_ =	swait.ge [sflag:s26], $0x1400  }
0x37: {  	s1 =	simm.s32 $0x500;
	s7 =	sadd.s32 $0x1400, s7;
	[sflag:s26] =	ssyncset.done $0x0  }
.LBB2_3:
0x38: {  	s12 =	rddreg [dreg:$0x8]  }
0x39: {  	[sflag:s26] =	ssyncadd.s32 $0xFFFFEC00;
	s25 =	smov.u32 s1;
	s12 =	sadd.s32 s8, s12  }
0x3a: {  	[tilespmem:s23], [sflag:$0xB] =	stream.linear.gather [hbm4b:s12+s4], $0x1400, $0x38;
	[tilespmem:$0x1E300] =	vst v63  }
0x3b: {  	s18 =	sadd.s32 $0x280, s1;
	s12 =	rddreg [dreg:$0x8];
	_ =	swait.ge [sflag:s26], $0x1400  }
0x3c: {  	p1 =	seq.s32 s1, $0x1180;
	[sflag:s26] =	ssyncset.done $0x0;
	s1 =	rddreg [dreg:$0x9]  }
0x3d: {  	[sflag:s26] =	ssyncadd.s32 $0xFFFFEC00;
	s1 =	sadd.s32 s8, s1  }
0x3e: {  	[hbm4b:s1+s4] =	stream.linear.scatter [tilespmem:s23], [sflag:$0xB], $0x1400, $0x38;
	[tilespmem:$0x1E300] =	vst v63  }
0x3f: {  	_ =	swait.ge [sflag:s26], $0x1400  }
.Ltmp3:
0x40: {  	[sflag:s26] =	ssyncset.done $0x0;
	(pc) =	sbr.rel @!p1 .LBB2_3-.Ltmp3, $4  }
0x41: {  	[sflag:s26] =	ssyncadd.s32 $0xFFFFEC00  }
0x42: {  	[spmem:s7] =	stream.linear.scatter [tilespmem:s23], [sflag:$0xB], $0x1400, $0x38;
	[tilespmem:$0x1E300] =	vst v63  }
0x43: {  	s8 =	smov.u32 s25;
	_ =	swait.ge [sflag:s26], $0x1400  }
0x44: {  	s1 =	smov.u32 s18;
	s7 =	sadd.s32 $0x1400, s7;
	[sflag:s26] =	ssyncset.done $0x0  }
0x45: {  	s1 =	sadd.s32 s8, s12;
	[sflag:s26] =	ssyncadd.s32 $0xFFFFEC00  }
0x46: {  	[tilespmem:s23], [sflag:$0xB] =	stream.linear.gather [hbm4b:s1+s4], $0x1400, $0x38;
	[tilespmem:$0x1E300] =	vst v63  }
0x47: {  	_ =	swait.ge [sflag:s26], $0x1400  }
0x48: {  	[sflag:s26] =	ssyncset.done $0x0;
	s25 =	rddreg [dreg:$0x9]  }
0x49: {  	[sflag:s26] =	ssyncadd.s32 $0xFFFFEC00;
	s1 =	sadd.s32 s8, s25  }
0x4a: {  	[hbm4b:s1+s4] =	stream.linear.scatter [tilespmem:s23], [sflag:$0xB], $0x1400, $0x38;
	[tilespmem:$0x1E300] =	vst v63  }
0x4b: {  	_ =	swait.ge [sflag:s26], $0x1400  }
0x4c: {  	[sflag:s26] =	ssyncset.done $0x0  }
.Ltmp4:
0x4d: {  	[sflag:s26] =	ssyncadd.s32 $0xFFFFEC00;
	(pc) =	sbr.rel .LBB2_8-.Ltmp4, $4  }
0x4e: {  	[spmem:s7] =	stream.linear.scatter [tilespmem:s23], [sflag:$0xB], $0x1400, $0x38;
	[tilespmem:$0x1E300] =	vst v63  }
0x4f: {  	_ =	swait.ge [sflag:s26], $0x1400  }
0x50: {  	[sflag:s26] =	ssyncset.done $0x0  }
0x51: {  	[sflag:s26] =	ssyncadd.s32 $0xFFFFEC00  }
.LBB2_5:
0x52: {  	s1 =	sadd.s32 $0x0, s12  }
0x53: {  	[tilespmem:s23], [sflag:$0xB] =	stream.linear.gather [hbm4b:s1+s4], $0x500, $0x38;
	[tilespmem:$0x1E300] =	vst v63  }
0x54: {  	_ =	swait.ge [sflag:s26], $0x500  }
0x55: {  	[sflag:s26] =	ssyncset.done $0x0  }
0x56: {  	s25 =	sadd.s32 $0x0, s8;
	[sflag:s26] =	ssyncadd.s32 $0xFFFFFB00  }
0x57: {  	[hbm4b:s25+s4] =	stream.linear.scatter [tilespmem:s23], [sflag:$0xB], $0x500, $0x38;
	[tilespmem:$0x1E300] =	vst v63  }
0x58: {  	_ =	swait.ge [sflag:s26], $0x500  }
0x59: {  	[sflag:s26] =	ssyncset.done $0x0  }
0x5a: {  	s7 =	rddreg [dreg:$0x14];
	[sflag:s26] =	ssyncadd.s32 $0xFFFFFB00  }
0x5b: {  	[spmem:s7] =	stream.linear.scatter [tilespmem:s23], [sflag:$0xB], $0x500, $0x38;
	[tilespmem:$0x1E300] =	vst v63  }
0x5c: {  	s8 =	simm.s32 $0xA0;
	_ =	swait.ge [sflag:s26], $0x500  }
0x5d: {  	s1 =	simm.s32 $0x140;
	s7 =	sadd.s32 $0x500, s7;
	[sflag:s26] =	ssyncset.done $0x0  }
.LBB2_6:
0x5e: {  	s12 =	rddreg [dreg:$0x6]  }
0x5f: {  	[sflag:s26] =	ssyncadd.s32 $0xFFFFFB00;
	s18 =	smov.u32 s1;
	s12 =	sadd.s32 s8, s12  }
0x60: {  	[tilespmem:s23], [sflag:$0xB] =	stream.linear.gather [hbm4b:s12+s4], $0x500, $0x38;
	[tilespmem:$0x1E300] =	vst v63  }
0x61: {  	s25 =	sadd.s32 $0xA0, s1;
	s12 =	rddreg [dreg:$0x6];
	_ =	swait.ge [sflag:s26], $0x500  }
0x62: {  	p1 =	sne.s32 s1, $0x460;
	[sflag:s26] =	ssyncset.done $0x0;
	s1 =	rddreg [dreg:$0x7]  }
0x63: {  	[sflag:s26] =	ssyncadd.s32 $0xFFFFFB00;
	s1 =	sadd.s32 s8, s1  }
0x64: {  	[hbm4b:s1+s4] =	stream.linear.scatter [tilespmem:s23], [sflag:$0xB], $0x500, $0x38;
	[tilespmem:$0x1E300] =	vst v63  }
0x65: {  	_ =	swait.ge [sflag:s26], $0x500  }
.Ltmp5:
0x66: {  	[sflag:s26] =	ssyncset.done $0x0;
	(pc) =	sbr.rel @p1 .LBB2_6-.Ltmp5, $4  }
0x67: {  	[sflag:s26] =	ssyncadd.s32 $0xFFFFFB00  }
0x68: {  	[spmem:s7] =	stream.linear.scatter [tilespmem:s23], [sflag:$0xB], $0x500, $0x38;
	[tilespmem:$0x1E300] =	vst v63  }
0x69: {  	s8 =	smov.u32 s18;
	_ =	swait.ge [sflag:s26], $0x500  }
0x6a: {  	s1 =	smov.u32 s25;
	s7 =	sadd.s32 $0x500, s7;
	[sflag:s26] =	ssyncset.done $0x0  }
0x6b: {  	s1 =	sadd.s32 s8, s12;
	[sflag:s26] =	ssyncadd.s32 $0xFFFFFB00  }
0x6c: {  	[tilespmem:s23], [sflag:$0xB] =	stream.linear.gather [hbm4b:s1+s4], $0x500, $0x38;
	[tilespmem:$0x1E300] =	vst v63  }
0x6d: {  	_ =	swait.ge [sflag:s26], $0x500  }
0x6e: {  	[sflag:s26] =	ssyncset.done $0x0;
	s25 =	rddreg [dreg:$0x7]  }
0x6f: {  	[sflag:s26] =	ssyncadd.s32 $0xFFFFFB00;
	s1 =	sadd.s32 s8, s25  }
0x70: {  	[hbm4b:s1+s4] =	stream.linear.scatter [tilespmem:s23], [sflag:$0xB], $0x500, $0x38;
	[tilespmem:$0x1E300] =	vst v63  }
0x71: {  	_ =	swait.ge [sflag:s26], $0x500  }
0x72: {  	[sflag:s26] =	ssyncset.done $0x0  }
0x73: {  	[sflag:s26] =	ssyncadd.s32 $0xFFFFFB00  }
0x74: {  	[spmem:s7] =	stream.linear.scatter [tilespmem:s23], [sflag:$0xB], $0x500, $0x38;
	[tilespmem:$0x1E300] =	vst v63  }
0x75: {  	_ =	swait.ge [sflag:s26], $0x500  }
0x76: {  	[sflag:s26] =	ssyncset.done $0x0  }
0x77: {  	[sflag:s26] =	ssyncadd.s32 $0xFFFFFB00  }
.LBB2_8:
.Ltmp6:
0x78: {  	(pc) =	sbr.rel .LBB2_9-.Ltmp6, $4  }
0x79: {  	_ = 	snop  }
0x7a: {  	[bflag:$0x0] =	sbarrier.arrive $0xFFFF  }
0x7b: {  	s1 =	simm.s32 $0x0;
	s7 =	simm.s32 $0x100;
	s8 =	simm.s32 $0x480  }
0x7c: {  	s12 =	simm.s32 $0x500;
	s18 =	simm.s32 $0x600;
	s25 =	rddreg [dreg:$0x15]  }
.LBB2_22:
0x7d: {  	s1 =	rddreg [dreg:$0x19]  }
0x7e: {  	s1 =	sadd.s32 $0x1, s1  }
0x7f: {  	p1 =	sne.s32 s1, $0x9  }
.Ltmp7:
0x80: {  	_ = 	snop;
	(pc) =	sbr.rel @!p1 .LBB2_23-.Ltmp7, $4  }
0x81: {  	_ = 	snop  }
0x82: {  	[bflag:$0x0] =	sbarrier.arrive $0xFFFF;
	s7 =	simm.s32 $0x100  }
0x83: {  	s8 =	simm.s32 $0x480;
	s6 =	simm.s32 $0xA800;
	s10 =	simm.s32 $0xC000  }
0x84: {  	s12 =	simm.s32 $0x500;
	s18 =	simm.s32 $0x600;
	s25 =	rddreg [dreg:$0x15]  }
.LBB2_9:
.Ltmp8:
0x85: {  	(pc) =	sbr.rel @p0 .LBB2_16-.Ltmp8, $2  }
0x86: {  	_ =	sdelay $0x2  }
0x87: {  	[dreg:$0x19] =	wrdreg s1;
	s1 =	sadd.s32 $0x0, s31  }
0x88: {  	[tilespmem:s4], [sflag:$0xB] =	stream.linear.gather [hbm4b:s1+s4], $0x400, $0x38;
	[tilespmem:$0x1E300] =	vst v63  }
0x89: {  	_ =	swait.ge [sflag:s26], $0x400  }
0x8a: {  	[sflag:s26] =	ssyncset.done $0x0  }
0x8b: {  	s22 =	sadd.s32 $0x0, s25;
	[sflag:s26] =	ssyncadd.s32 $0xFFFFFC00  }
0x8c: {  	[tilespmem:s28], [sflag:$0xB] =	stream.linear.gather [hbm4b:s22+s4], $0x400, $0x38;
	[tilespmem:$0x1E300] =	vst v63  }
0x8d: {  	_ =	swait.ge [sflag:s26], $0x400  }
0x8e: {  	[sflag:s26] =	ssyncset.done $0x0  }
0x8f: {  	[sflag:s26] =	ssyncadd.s32 $0xFFFFFC00  }
0x90: {  	[tilespmem:s30], [sflag:$0x1] =	stream.indirect.gather [hbm4b:s13+s29], $0x40, s4, s29, $0xb8;
	[tilespmem:$0x1E300] =	vst v63  }
0x91: {  	_ = 	snop  }
0x92: {  	[tilespmem:s24], [sflag:$0x2] =	stream.indirect.gather [hbm4b:s13+s29], $0x40, s29, s29, $0xb8;
	[tilespmem:$0x1E300] =	vst v63  }
0x93: {  	_ =	swait.ge [sflag:s0], $0x2000  }
0x94: {  	[sflag:s0] =	ssyncset.done $0x0  }
0x95: {  	[sflag:s0] =	ssyncadd.s32 $0xFFFFE000  }
0x96: {  	[spmem:s2] =	stream.indirect.scatter.add.f32 [tilespmem:s30], [sflag:$0x6], $0x40, s28, s29, $0xb8;
	[tilespmem:$0x1E300] =	vst v63  }
0x97: {  	s23 =	simm.s32 $0x4800  }
0x98: {  	[tilespmem:s23], [sflag:$0x3] =	stream.indirect.gather [hbm4b:s13+s29], $0x40, s7, s29, $0xb8;
	[tilespmem:$0x1E300] =	vst v63  }
0x99: {  	_ =	swait.ge [sflag:s17], $0x2000  }
0x9a: {  	[sflag:s17] =	ssyncset.done $0x0  }
0x9b: {  	[sflag:s17] =	ssyncadd.s32 $0xFFFFE000  }
0x9c: {  	[spmem:s2] =	stream.indirect.scatter.add.f32 [tilespmem:s24], [sflag:$0x7], $0x40, s8, s29, $0xb8;
	[tilespmem:$0x1E300] =	vst v63  }
0x9d: {  	s6 =	simm.s32 $0x6800;
	s18 =	simm.s32 $0x180  }
0x9e: {  	[tilespmem:s6], [sflag:$0x4] =	stream.indirect.gather [hbm4b:s13+s29], $0x40, s18, s29, $0xb8;
	[tilespmem:$0x1E300] =	vst v63  }
0x9f: {  	_ =	swait.ge [sflag:s11], $0x2000  }
0xa0: {  	[sflag:s11] =	ssyncset.done $0x0  }
0xa1: {  	s12 =	simm.s32 $0x500;
	s23 =	simm.s32 $0x4800;
	[sflag:s11] =	ssyncadd.s32 $0xFFFFE000  }
0xa2: {  	[spmem:s2] =	stream.indirect.scatter.add.f32 [tilespmem:s23], [sflag:$0x8], $0x40, s12, s29, $0xb8;
	[tilespmem:$0x1E300] =	vst v63  }
0xa3: {  	s19 =	simm.s32 $0x4;
	s10 =	simm.s32 $0x200;
	s4 =	simm.s32 $0x8800  }
0xa4: {  	[tilespmem:s4], [sflag:$0x5] =	stream.indirect.gather [hbm4b:s13+s29], $0x40, s10, s29, $0xb8;
	[tilespmem:$0x1E300] =	vst v63  }
0xa5: {  	_ =	swait.ge [sflag:s19], $0x2000  }
0xa6: {  	[sflag:s19] =	ssyncset.done $0x0  }
0xa7: {  	s1 =	simm.s32 $0x580;
	[sflag:s19] =	ssyncadd.s32 $0xFFFFE000  }
0xa8: {  	[spmem:s2] =	stream.indirect.scatter.add.f32 [tilespmem:s6], [sflag:$0x9], $0x40, s1, s29, $0xb8;
	[tilespmem:$0x1E300] =	vst v63  }
0xa9: {  	_ =	swait.ge [sflag:s5], $0x2000  }
0xaa: {  	s20 =	simm.s32 $0x5;
	s7 =	simm.s32 $0x280;
	[sflag:s5] =	ssyncset.done $0x0  }
0xab: {  	s24 =	smov.u32 s31;
	s31 =	simm.s32 $0x800;
	[sflag:s5] =	ssyncadd.s32 $0xFFFFE000  }
0xac: {  	[tilespmem:s31], [sflag:$0x1] =	stream.indirect.gather [hbm4b:s13+s29], $0x40, s7, s29, $0xb8;
	[tilespmem:$0x1E300] =	vst v63  }
0xad: {  	_ =	swait.ge [sflag:s20], $0x2000  }
0xae: {  	[sflag:s20] =	ssyncset.done $0x0  }
0xaf: {  	s22 =	simm.s32 $0x600;
	[sflag:s20] =	ssyncadd.s32 $0xFFFFE000  }
0xb0: {  	[spmem:s2] =	stream.indirect.scatter.add.f32 [tilespmem:s4], [sflag:$0xA], $0x40, s22, s29, $0xb8;
	[tilespmem:$0x1E300] =	vst v63  }
0xb1: {  	_ =	swait.ge [sflag:s15], $0x2000  }
0xb2: {  	[sflag:s15] =	ssyncset.done $0x0  }
0xb3: {  	s16 =	simm.s32 $0x2800;
	s8 =	simm.s32 $0x300;
	[sflag:s15] =	ssyncadd.s32 $0xFFFFE000  }
0xb4: {  	[tilespmem:s16], [sflag:$0x2] =	stream.indirect.gather [hbm4b:s13+s29], $0x40, s8, s29, $0xb8;
	[tilespmem:$0x1E300] =	vst v63  }
0xb5: {  	_ =	swait.ge [sflag:s0], $0x2000  }
0xb6: {  	[sflag:s0] =	ssyncset.done $0x0  }
0xb7: {  	s10 =	simm.s32 $0x680;
	[sflag:s0] =	ssyncadd.s32 $0xFFFFE000  }
0xb8: {  	[spmem:s2] =	stream.indirect.scatter.add.f32 [tilespmem:s31], [sflag:$0x6], $0x40, s10, s29, $0xb8;
	[tilespmem:$0x1E300] =	vst v63  }
0xb9: {  	_ =	swait.ge [sflag:s21], $0x2000  }
0xba: {  	[sflag:s21] =	ssyncset.done $0x0  }
0xbb: {  	s12 =	simm.s32 $0x380;
	[sflag:s21] =	ssyncadd.s32 $0xFFFFE000  }
0xbc: {  	[tilespmem:s23], [sflag:$0x3] =	stream.indirect.gather [hbm4b:s13+s29], $0x40, s12, s29, $0xb8;
	[tilespmem:$0x1E300] =	vst v63  }
0xbd: {  	_ =	swait.ge [sflag:s17], $0x2000  }
0xbe: {  	[sflag:s17] =	ssyncset.done $0x0  }
0xbf: {  	s18 =	simm.s32 $0x700;
	[sflag:s17] =	ssyncadd.s32 $0xFFFFE000  }
0xc0: {  	[spmem:s2] =	stream.indirect.scatter.add.f32 [tilespmem:s16], [sflag:$0x7], $0x40, s18, s29, $0xb8;
	[tilespmem:$0x1E300] =	vst v63  }
0xc1: {  	_ =	swait.ge [sflag:s11], $0x2000  }
0xc2: {  	[sflag:s11] =	ssyncset.done $0x0  }
0xc3: {  	s22 =	simm.s32 $0x780;
	s10 =	simm.s32 $0x9;
	[sflag:s11] =	ssyncadd.s32 $0xFFFFE000  }
0xc4: {  	[spmem:s2] =	stream.indirect.scatter.add.f32 [tilespmem:s23], [sflag:$0x8], $0x40, s22, s29, $0xb8;
	[tilespmem:$0x1E300] =	vst v63  }
0xc5: {  	_ =	swait.ge [sflag:s10], $0x2000  }
0xc6: {  	[sflag:s10] =	ssyncset.done $0x0  }
0xc7: {  	s22 =	simm.s32 $0xA;
	[sflag:s10] =	ssyncadd.s32 $0xFFFFE000  }
0xc8: {  	_ =	swait.ge [sflag:s22], $0x2000  }
0xc9: {  	[sflag:s22] =	ssyncset.done $0x0  }
0xca: {  	[sflag:s22] =	ssyncadd.s32 $0xFFFFE000  }
0xcb: {  	_ =	swait.ge [sflag:s5], $0x2000  }
0xcc: {  	[sflag:s5] =	ssyncset.done $0x0  }
0xcd: {  	[sflag:s5] =	ssyncadd.s32 $0xFFFFE000  }
0xce: {  	_ =	swait.ge [sflag:s15], $0x2000  }
0xcf: {  	[sflag:s15] =	ssyncset.done $0x0  }
0xd0: {  	s9 =	simm.s32 $0x0;
	[sflag:s15] =	ssyncadd.s32 $0xFFFFE000  }
0xd1: {  	s30 =	simm.s32 $0x400;
	s28 =	simm.s32 $0x180;
	_ =	swait.ge [sflag:s21], $0x2000  }
0xd2: {  	s1 =	simm.s32 $0x100;
	s7 =	simm.s32 $0x80;
	[sflag:s21] =	ssyncset.done $0x0  }
.LBB2_11:
0xd3: {  	s12 =	sadd.s32 s7, s24  }
0xd4: {  	[sflag:s21] =	ssyncadd.s32 $0xFFFFE000;
	s18 =	smov.u32 s1;
	s8 =	sadd.s32 $0x80, s1  }
0xd5: {  	[tilespmem:s9], [sflag:$0xB] =	stream.linear.gather [hbm4b:s12+s9], $0x400, $0x38;
	[tilespmem:$0x1E300] =	vst v63  }
0xd6: {  	s12 =	simm.s32 $0x100  }
0xd7: {  	p1 =	seq.s32 s1, $0x980;
	_ =	swait.ge [sflag:s26], $0x400  }
0xd8: {  	s1 =	sadd.s32 s7, s25;
	[sflag:s26] =	ssyncset.done $0x0  }
0xd9: {  	s7 =	smov.u32 s18;
	s18 =	simm.s32 $0x480;
	[sflag:s26] =	ssyncadd.s32 $0xFFFFFC00  }
0xda: {  	[tilespmem:s30], [sflag:$0xB] =	stream.linear.gather [hbm4b:s1+s9], $0x400, $0x38;
	[tilespmem:$0x1E300] =	vst v63  }
0xdb: {  	_ =	swait.ge [sflag:s26], $0x400  }
0xdc: {  	[sflag:s26] =	ssyncset.done $0x0  }
0xdd: {  	[sflag:s26] =	ssyncadd.s32 $0xFFFFFC00  }
0xde: {  	[tilespmem:s31], [sflag:$0x1] =	stream.indirect.gather [hbm4b:s13+s29], $0x40, s9, s29, $0xb8;
	[tilespmem:$0x1E300] =	vst v63  }
0xdf: {  	_ = 	snop  }
0xe0: {  	[tilespmem:s16], [sflag:$0x2] =	stream.indirect.gather [hbm4b:s13+s29], $0x40, s29, s29, $0xb8;
	[tilespmem:$0x1E300] =	vst v63  }
0xe1: {  	_ =	swait.ge [sflag:s0], $0x2000  }
0xe2: {  	[sflag:s0] =	ssyncset.done $0x0  }
0xe3: {  	[sflag:s0] =	ssyncadd.s32 $0xFFFFE000  }
0xe4: {  	[spmem:s2] =	stream.indirect.scatter.add.f32 [tilespmem:s31], [sflag:$0x6], $0x40, s30, s29, $0xb8;
	[tilespmem:$0x1E300] =	vst v63  }
0xe5: {  	_ = 	snop  }
0xe6: {  	[tilespmem:s23], [sflag:$0x3] =	stream.indirect.gather [hbm4b:s13+s29], $0x40, s12, s29, $0xb8;
	[tilespmem:$0x1E300] =	vst v63  }
0xe7: {  	_ =	swait.ge [sflag:s17], $0x2000  }
0xe8: {  	[sflag:s17] =	ssyncset.done $0x0  }
0xe9: {  	[sflag:s17] =	ssyncadd.s32 $0xFFFFE000  }
0xea: {  	[spmem:s2] =	stream.indirect.scatter.add.f32 [tilespmem:s16], [sflag:$0x7], $0x40, s18, s29, $0xb8;
	[tilespmem:$0x1E300] =	vst v63  }
0xeb: {  	_ = 	snop  }
0xec: {  	[tilespmem:s6], [sflag:$0x4] =	stream.indirect.gather [hbm4b:s13+s29], $0x40, s28, s29, $0xb8;
	[tilespmem:$0x1E300] =	vst v63  }
0xed: {  	_ =	swait.ge [sflag:s11], $0x2000  }
0xee: {  	[sflag:s11] =	ssyncset.done $0x0  }
0xef: {  	s1 =	simm.s32 $0x500;
	[sflag:s11] =	ssyncadd.s32 $0xFFFFE000  }
0xf0: {  	[spmem:s2] =	stream.indirect.scatter.add.f32 [tilespmem:s23], [sflag:$0x8], $0x40, s1, s29, $0xb8;
	[tilespmem:$0x1E300] =	vst v63  }
0xf1: {  	s1 =	simm.s32 $0x200  }
0xf2: {  	[tilespmem:s4], [sflag:$0x5] =	stream.indirect.gather [hbm4b:s13+s29], $0x40, s1, s29, $0xb8;
	[tilespmem:$0x1E300] =	vst v63  }
0xf3: {  	_ =	swait.ge [sflag:s19], $0x2000  }
0xf4: {  	[sflag:s19] =	ssyncset.done $0x0  }
0xf5: {  	s1 =	simm.s32 $0x580;
	[sflag:s19] =	ssyncadd.s32 $0xFFFFE000  }
0xf6: {  	[spmem:s2] =	stream.indirect.scatter.add.f32 [tilespmem:s6], [sflag:$0x9], $0x40, s1, s29, $0xb8;
	[tilespmem:$0x1E300] =	vst v63  }
0xf7: {  	_ =	swait.ge [sflag:s5], $0x2000  }
0xf8: {  	[sflag:s5] =	ssyncset.done $0x0  }
0xf9: {  	s1 =	simm.s32 $0x280;
	[sflag:s5] =	ssyncadd.s32 $0xFFFFE000  }
0xfa: {  	[tilespmem:s31], [sflag:$0x1] =	stream.indirect.gather [hbm4b:s13+s29], $0x40, s1, s29, $0xb8;
	[tilespmem:$0x1E300] =	vst v63  }
0xfb: {  	_ =	swait.ge [sflag:s20], $0x2000  }
0xfc: {  	[sflag:s20] =	ssyncset.done $0x0  }
0xfd: {  	s1 =	simm.s32 $0x600;
	[sflag:s20] =	ssyncadd.s32 $0xFFFFE000  }
0xfe: {  	[spmem:s2] =	stream.indirect.scatter.add.f32 [tilespmem:s4], [sflag:$0xA], $0x40, s1, s29, $0xb8;
	[tilespmem:$0x1E300] =	vst v63  }
0xff: {  	_ =	swait.ge [sflag:s15], $0x2000  }
0x100: {  	[sflag:s15] =	ssyncset.done $0x0  }
0x101: {  	s1 =	simm.s32 $0x300;
	[sflag:s15] =	ssyncadd.s32 $0xFFFFE000  }
0x102: {  	[tilespmem:s16], [sflag:$0x2] =	stream.indirect.gather [hbm4b:s13+s29], $0x40, s1, s29, $0xb8;
	[tilespmem:$0x1E300] =	vst v63  }
0x103: {  	_ =	swait.ge [sflag:s0], $0x2000  }
0x104: {  	[sflag:s0] =	ssyncset.done $0x0  }
0x105: {  	s1 =	simm.s32 $0x680;
	[sflag:s0] =	ssyncadd.s32 $0xFFFFE000  }
0x106: {  	[spmem:s2] =	stream.indirect.scatter.add.f32 [tilespmem:s31], [sflag:$0x6], $0x40, s1, s29, $0xb8;
	[tilespmem:$0x1E300] =	vst v63  }
0x107: {  	_ =	swait.ge [sflag:s21], $0x2000  }
0x108: {  	[sflag:s21] =	ssyncset.done $0x0  }
0x109: {  	s1 =	simm.s32 $0x380;
	[sflag:s21] =	ssyncadd.s32 $0xFFFFE000  }
0x10a: {  	[tilespmem:s23], [sflag:$0x3] =	stream.indirect.gather [hbm4b:s13+s29], $0x40, s1, s29, $0xb8;
	[tilespmem:$0x1E300] =	vst v63  }
0x10b: {  	_ =	swait.ge [sflag:s17], $0x2000  }
0x10c: {  	[sflag:s17] =	ssyncset.done $0x0  }
0x10d: {  	s1 =	simm.s32 $0x700;
	[sflag:s17] =	ssyncadd.s32 $0xFFFFE000  }
0x10e: {  	[spmem:s2] =	stream.indirect.scatter.add.f32 [tilespmem:s16], [sflag:$0x7], $0x40, s1, s29, $0xb8;
	[tilespmem:$0x1E300] =	vst v63  }
0x10f: {  	_ =	swait.ge [sflag:s11], $0x2000  }
0x110: {  	[sflag:s11] =	ssyncset.done $0x0  }
0x111: {  	s1 =	simm.s32 $0x780;
	[sflag:s11] =	ssyncadd.s32 $0xFFFFE000  }
0x112: {  	[spmem:s2] =	stream.indirect.scatter.add.f32 [tilespmem:s23], [sflag:$0x8], $0x40, s1, s29, $0xb8;
	[tilespmem:$0x1E300] =	vst v63  }
0x113: {  	_ =	swait.ge [sflag:s10], $0x2000  }
0x114: {  	[sflag:s10] =	ssyncset.done $0x0  }
0x115: {  	[sflag:s10] =	ssyncadd.s32 $0xFFFFE000  }
0x116: {  	_ =	swait.ge [sflag:s22], $0x2000  }
0x117: {  	[sflag:s22] =	ssyncset.done $0x0  }
0x118: {  	[sflag:s22] =	ssyncadd.s32 $0xFFFFE000  }
0x119: {  	_ =	swait.ge [sflag:s5], $0x2000  }
0x11a: {  	[sflag:s5] =	ssyncset.done $0x0  }
0x11b: {  	[sflag:s5] =	ssyncadd.s32 $0xFFFFE000  }
.Ltmp9:
0x11c: {  	_ =	swait.ge [sflag:s15], $0x2000;
	(pc) =	sbr.rel @!p1 .LBB2_11-.Ltmp9, $4  }
0x11d: {  	[sflag:s15] =	ssyncset.done $0x0  }
0x11e: {  	[sflag:s15] =	ssyncadd.s32 $0xFFFFE000  }
0x11f: {  	_ =	swait.ge [sflag:s21], $0x2000  }
0x120: {  	s1 =	smov.u32 s8;
	[sflag:s21] =	ssyncset.done $0x0  }
0x121: {  	s1 =	sadd.s32 s7, s24;
	[sflag:s21] =	ssyncadd.s32 $0xFFFFE000  }
0x122: {  	[tilespmem:s9], [sflag:$0xB] =	stream.linear.gather [hbm4b:s1+s9], $0x400, $0x38;
	[tilespmem:$0x1E300] =	vst v63  }
0x123: {  	_ =	swait.ge [sflag:s26], $0x400  }
0x124: {  	[sflag:s26] =	ssyncset.done $0x0  }
0x125: {  	s24 =	sadd.s32 s7, s25;
	[sflag:s26] =	ssyncadd.s32 $0xFFFFFC00  }
0x126: {  	[tilespmem:s30], [sflag:$0xB] =	stream.linear.gather [hbm4b:s24+s9], $0x400, $0x38;
	[tilespmem:$0x1E300] =	vst v63  }
0x127: {  	_ =	swait.ge [sflag:s26], $0x400  }
0x128: {  	[sflag:s26] =	ssyncset.done $0x0  }
0x129: {  	[sflag:s26] =	ssyncadd.s32 $0xFFFFFC00  }
0x12a: {  	[tilespmem:s31], [sflag:$0x1] =	stream.indirect.gather [hbm4b:s13+s29], $0x40, s9, s29, $0xb8;
	[tilespmem:$0x1E300] =	vst v63  }
0x12b: {  	_ = 	snop  }
0x12c: {  	[tilespmem:s16], [sflag:$0x2] =	stream.indirect.gather [hbm4b:s13+s29], $0x40, s29, s29, $0xb8;
	[tilespmem:$0x1E300] =	vst v63  }
0x12d: {  	_ =	swait.ge [sflag:s0], $0x2000  }
0x12e: {  	[sflag:s0] =	ssyncset.done $0x0  }
0x12f: {  	[sflag:s0] =	ssyncadd.s32 $0xFFFFE000  }
0x130: {  	[spmem:s2] =	stream.indirect.scatter.add.f32 [tilespmem:s31], [sflag:$0x6], $0x40, s30, s29, $0xb8;
	[tilespmem:$0x1E300] =	vst v63  }
0x131: {  	_ = 	snop  }
0x132: {  	[tilespmem:s23], [sflag:$0x3] =	stream.indirect.gather [hbm4b:s13+s29], $0x40, s12, s29, $0xb8;
	[tilespmem:$0x1E300] =	vst v63  }
0x133: {  	_ =	swait.ge [sflag:s17], $0x2000  }
0x134: {  	[sflag:s17] =	ssyncset.done $0x0  }
0x135: {  	[sflag:s17] =	ssyncadd.s32 $0xFFFFE000  }
0x136: {  	[spmem:s2] =	stream.indirect.scatter.add.f32 [tilespmem:s16], [sflag:$0x7], $0x40, s18, s29, $0xb8;
	[tilespmem:$0x1E300] =	vst v63  }
0x137: {  	_ = 	snop  }
0x138: {  	[tilespmem:s6], [sflag:$0x4] =	stream.indirect.gather [hbm4b:s13+s29], $0x40, s28, s29, $0xb8;
	[tilespmem:$0x1E300] =	vst v63  }
0x139: {  	_ =	swait.ge [sflag:s11], $0x2000  }
0x13a: {  	[sflag:s11] =	ssyncset.done $0x0  }
0x13b: {  	s25 =	simm.s32 $0x500;
	[sflag:s11] =	ssyncadd.s32 $0xFFFFE000  }
0x13c: {  	[spmem:s2] =	stream.indirect.scatter.add.f32 [tilespmem:s23], [sflag:$0x8], $0x40, s25, s29, $0xb8;
	[tilespmem:$0x1E300] =	vst v63  }
0x13d: {  	s7 =	simm.s32 $0x200  }
0x13e: {  	[tilespmem:s4], [sflag:$0x5] =	stream.indirect.gather [hbm4b:s13+s29], $0x40, s7, s29, $0xb8;
	[tilespmem:$0x1E300] =	vst v63  }
0x13f: {  	_ =	swait.ge [sflag:s19], $0x2000  }
0x140: {  	[sflag:s19] =	ssyncset.done $0x0  }
0x141: {  	s8 =	simm.s32 $0x580;
	[sflag:s19] =	ssyncadd.s32 $0xFFFFE000  }
0x142: {  	[spmem:s2] =	stream.indirect.scatter.add.f32 [tilespmem:s6], [sflag:$0x9], $0x40, s8, s29, $0xb8;
	[tilespmem:$0x1E300] =	vst v63  }
0x143: {  	_ =	swait.ge [sflag:s5], $0x2000  }
0x144: {  	[sflag:s5] =	ssyncset.done $0x0  }
0x145: {  	s9 =	simm.s32 $0x280;
	[sflag:s5] =	ssyncadd.s32 $0xFFFFE000  }
0x146: {  	[tilespmem:s31], [sflag:$0x1] =	stream.indirect.gather [hbm4b:s13+s29], $0x40, s9, s29, $0xb8;
	[tilespmem:$0x1E300] =	vst v63  }
0x147: {  	_ =	swait.ge [sflag:s20], $0x2000  }
0x148: {  	[sflag:s20] =	ssyncset.done $0x0  }
0x149: {  	s12 =	simm.s32 $0x600;
	[sflag:s20] =	ssyncadd.s32 $0xFFFFE000  }
0x14a: {  	[spmem:s2] =	stream.indirect.scatter.add.f32 [tilespmem:s4], [sflag:$0xA], $0x40, s12, s29, $0xb8;
	[tilespmem:$0x1E300] =	vst v63  }
0x14b: {  	_ =	swait.ge [sflag:s15], $0x2000  }
0x14c: {  	[sflag:s15] =	ssyncset.done $0x0  }
0x14d: {  	s18 =	simm.s32 $0x300;
	[sflag:s15] =	ssyncadd.s32 $0xFFFFE000  }
0x14e: {  	[tilespmem:s16], [sflag:$0x2] =	stream.indirect.gather [hbm4b:s13+s29], $0x40, s18, s29, $0xb8;
	[tilespmem:$0x1E300] =	vst v63  }
0x14f: {  	_ =	swait.ge [sflag:s0], $0x2000  }
0x150: {  	[sflag:s0] =	ssyncset.done $0x0  }
0x151: {  	s19 =	simm.s32 $0x680;
	[sflag:s0] =	ssyncadd.s32 $0xFFFFE000  }
0x152: {  	[spmem:s2] =	stream.indirect.scatter.add.f32 [tilespmem:s31], [sflag:$0x6], $0x40, s19, s29, $0xb8;
	[tilespmem:$0x1E300] =	vst v63  }
0x153: {  	_ =	swait.ge [sflag:s21], $0x2000  }
0x154: {  	[sflag:s21] =	ssyncset.done $0x0  }
0x155: {  	s20 =	simm.s32 $0x380;
	[sflag:s21] =	ssyncadd.s32 $0xFFFFE000  }
0x156: {  	[tilespmem:s23], [sflag:$0x3] =	stream.indirect.gather [hbm4b:s13+s29], $0x40, s20, s29, $0xb8;
	[tilespmem:$0x1E300] =	vst v63  }
0x157: {  	_ =	swait.ge [sflag:s17], $0x2000  }
0x158: {  	[sflag:s17] =	ssyncset.done $0x0  }
0x159: {  	s24 =	simm.s32 $0x700;
	[sflag:s17] =	ssyncadd.s32 $0xFFFFE000  }
0x15a: {  	[spmem:s2] =	stream.indirect.scatter.add.f32 [tilespmem:s16], [sflag:$0x7], $0x40, s24, s29, $0xb8;
	[tilespmem:$0x1E300] =	vst v63  }
0x15b: {  	_ =	swait.ge [sflag:s11], $0x2000  }
0x15c: {  	[sflag:s11] =	ssyncset.done $0x0  }
0x15d: {  	s25 =	simm.s32 $0x780;
	[sflag:s11] =	ssyncadd.s32 $0xFFFFE000  }
0x15e: {  	[spmem:s2] =	stream.indirect.scatter.add.f32 [tilespmem:s23], [sflag:$0x8], $0x40, s25, s29, $0xb8;
	[tilespmem:$0x1E300] =	vst v63  }
0x15f: {  	_ =	swait.ge [sflag:s10], $0x2000  }
0x160: {  	[sflag:s10] =	ssyncset.done $0x0  }
0x161: {  	[sflag:s10] =	ssyncadd.s32 $0xFFFFE000  }
0x162: {  	_ =	swait.ge [sflag:s22], $0x2000  }
0x163: {  	[sflag:s22] =	ssyncset.done $0x0  }
0x164: {  	[sflag:s22] =	ssyncadd.s32 $0xFFFFE000  }
0x165: {  	_ =	swait.ge [sflag:s5], $0x2000  }
0x166: {  	[sflag:s5] =	ssyncset.done $0x0  }
0x167: {  	[sflag:s5] =	ssyncadd.s32 $0xFFFFE000  }
0x168: {  	_ =	swait.ge [sflag:s15], $0x2000  }
0x169: {  	s30 =	simm.s32 $0x800;
	s28 =	simm.s32 $0x400;
	[sflag:s15] =	ssyncset.done $0x0  }
0x16a: {  	s8 =	simm.s32 $0x0;
	s6 =	simm.s32 $0xE400;
	[sflag:s15] =	ssyncadd.s32 $0xFFFFE000  }
0x16b: {  	s9 =	simm.s32 $0x4;
	s12 =	simm.s32 $0xD000;
	_ =	swait.ge [sflag:s21], $0x2000  }
0x16c: {  	s4 =	simm.s32 $0x0;
	s19 =	simm.s32 $0xB800;
	[sflag:s21] =	ssyncset.done $0x0  }
0x16d: {  	s20 =	simm.s32 $0xC800;
	s24 =	simm.s32 $0x2800;
	[sflag:s21] =	ssyncadd.s32 $0xFFFFE000  }
0x16e: {  	s16 =	simm.s32 $0xB000;
	s23 =	simm.s32 $0x0;
	[bflag:$0x0] =	sbarrier.arrive $0xFFFF  }
0x16f: {  	s10 =	simm.s32 $0xF800;
	s22 =	simm.s32 $0x5;
	s31 =	rddreg [dreg:$0x17]  }
.LBB2_13:
0x170: {  	s1 =	smul.u32 $0x50, s8  }
0x171: {  	s7 =	rddreg [dreg:$0x12]  }
0x172: {  	s1 =	sadd.s32 s7, s1  }
0x173: {  	s7 =	sshll.u32 s1, $0x6  }
0x174: {  	s7 =	sand.u32 $0x3FFFFFC0, s7  }
0x175: {  	s7 =	sadd.s32 s7, s2  }
0x176: {  	[tilespmem:s12], [sflag:$0xB] =	stream.linear.gather [spmem:s7], $0x1400, $0x38;
	[tilespmem:$0x1E300] =	vst v63  }
0x177: {  	_ =	swait.ge [sflag:s26], $0x1400  }
0x178: {  	s12 =	sshll.u32 s1, $0x3;
	[sflag:s26] =	ssyncset.done $0x0;
	s18 =	rddreg [dreg:$0xa]  }
0x179: {  	[sflag:s26] =	ssyncadd.s32 $0xFFFFEC00;
	s1 =	sadd.s32 s18, s12  }
0x17a: {  	[tilespmem:s6], [sflag:$0xB] =	stream.linear.gather [hbm4b:s1+s23], $0x1400, $0x38;
	[tilespmem:$0x1E300] =	vst v63  }
0x17b: {  	_ =	swait.ge [sflag:s26], $0x1400  }
0x17c: {  	[sflag:s26] =	ssyncset.done $0x0;
	s25 =	rddreg [dreg:$0xb]  }
0x17d: {  	[sflag:s26] =	ssyncadd.s32 $0xFFFFEC00;
	s1 =	sadd.s32 s25, s12  }
0x17e: {  	[tilespmem:s10], [sflag:$0xB] =	stream.linear.gather [hbm4b:s1+s23], $0x1400, $0x38;
	[tilespmem:$0x1E300] =	vst v63  }
0x17f: {  	_ =	swait.ge [sflag:s26], $0x1400  }
0x180: {  	[sflag:s26] =	ssyncset.done $0x0  }
0x181: {  	s25 =	simm.s32 $0x0;
	[sflag:s26] =	ssyncadd.s32 $0xFFFFEC00  }
0x182: {  	v5 =	vld [tilespmem:s25+$0xF800]  }
0x183: {  	v4 =	vld [tilespmem:s25+$0xF810]  }
0x184: {  	v3 =	vld [tilespmem:s25+$0xE400]  }
0x185: {  	v2 =	vld [tilespmem:s25+$0xE410]  }
0x186: {  	v1 =	vld [tilespmem:s25+$0xE420]  }
0x187: {  	v0 =	vld [tilespmem:s25+$0xE430]  }
0x188: {  	v7 =	vld [tilespmem:s25+$0xD000]  }
0x189: {  	v8 =	vld [tilespmem:s25+$0xD010]  }
0x18a: {  	s1 =	simm.s32 $0x100;
	v6 =	vld [tilespmem:s25+$0xD020]  }
.LBB2_14:
0x18b: {  	p1 =	sne.s32 s1, $0x4F00;
	v9 =	vld [tilespmem:s25+$0xD030]  }
0x18c: {  	v10 =	vld [tilespmem:s25+$0xF820]  }
0x18d: {  	s18 =	sshra.s32 s1, $0x2;
	v3 =	vmul.f32 v3, v7;
	v7 =	vld [tilespmem:s25+$0xF830]  }
0x18e: {  	v11 =	vld [tilespmem:s18+$0xF800];
	v2 =	vmul.f32 v2, v8  }
0x18f: {  	v8 =	vld [tilespmem:s18+$0xF810];
	v5 =	vadd.f32 v5, v3;
	v1 =	vmul.f32 v1, v6  }
0x190: {  	v3 =	vld [tilespmem:s18+$0xE400];
	v4 =	vadd.f32 v4, v2;
	v0 =	vmul.f32 v0, v9  }
0x191: {  	v2 =	vld [tilespmem:s18+$0xE410];
	[tilespmem:s25+$0xD000] =	vst v5;
	v6 =	vadd.f32 v10, v1  }
.Ltmp10:
0x192: {  	v1 =	vld [tilespmem:s18+$0xE420];
	[tilespmem:s25+$0xD010] =	vst v4;
	v9 =	vadd.f32 v7, v0;
	(pc) =	sbr.rel @p1 .LBB2_14-.Ltmp10, $4  }
0x193: {  	v0 =	vld [tilespmem:s18+$0xE430];
	[tilespmem:s25+$0xD020] =	vst v6;
	v5 =	vmov v11  }
0x194: {  	v7 =	vld [tilespmem:s18+$0xD000];
	[tilespmem:s25+$0xD030] =	vst v9;
	v4 =	vmov v8;
	s25 =	smov.u32 s18  }
0x195: {  	v8 =	vld [tilespmem:s25+$0xD010]  }
0x196: {  	s1 =	sadd.s32 $0x100, s1;
	v6 =	vld [tilespmem:s25+$0xD020]  }
0x197: {  	v9 =	vld [tilespmem:s25+$0xD030]  }
0x198: {  	v10 =	vld [tilespmem:s25+$0xF820]  }
0x199: {  	v63 =	vld [tilespmem:s25+$0xF830];
	v3 =	vmul.f32 v3, v7  }
0x19a: {  	v2 =	vmul.f32 v2, v8  }
0x19b: {  	v3 =	vadd.f32 v5, v3;
	v1 =	vmul.f32 v1, v6  }
0x19c: {  	v2 =	vadd.f32 v4, v2;
	v0 =	vmul.f32 v0, v9  }
0x19d: {  	[tilespmem:s25+$0xD000] =	vst v3;
	v1 =	vadd.f32 v10, v1  }
0x19e: {  	[tilespmem:s25+$0xD010] =	vst v2;
	v0 =	vadd.f32 v63, v0  }
0x19f: {  	[tilespmem:s25+$0xD020] =	vst v1  }
0x1a0: {  	s1 =	sadd.s32 s13, s12;
	s12 =	simm.s32 $0xD000;
	[tilespmem:s25+$0xD030] =	vst v0  }
0x1a1: {  	[hbm4b:s1+s4] =	stream.linear.scatter [tilespmem:s12], [sflag:$0xB], $0x1400, $0x38;
	[tilespmem:$0x1E300] =	vst v63  }
0x1a2: {  	_ =	swait.ge [sflag:s26], $0x1400  }
0x1a3: {  	s8 =	sadd.s32 $0x1, s8;
	[sflag:s26] =	ssyncset.done $0x0  }
0x1a4: {  	p1 =	seq.s32 s8, $0x8;
	[sflag:s26] =	ssyncadd.s32 $0xFFFFEC00  }
0x1a5: {  	[spmem:s7] =	stream.linear.scatter [tilespmem:s12], [sflag:$0xB], $0x1400, $0x38;
	[tilespmem:$0x1E300] =	vst v63  }
.Ltmp11:
0x1a6: {  	_ = 	snop;
	(pc) =	sbr.rel @!p1 .LBB2_13-.Ltmp11, $4  }
.Ltmp12:
0x1a7: {  	_ = 	snop;
	(pc) =	sbr.rel @p1 .LBB2_22-.Ltmp12, $4  }
0x1a8: {  	_ =	swait.ge [sflag:s26], $0x1400  }
0x1a9: {  	[sflag:s26] =	ssyncset.done $0x0  }
0x1aa: {  	[sflag:s26] =	ssyncadd.s32 $0xFFFFEC00  }
0x1ab: {  	_ = 	snop  }
.LBB2_16:
0x1ac: {  	[tilespmem:s4], [sflag:$0xB] =	stream.linear.gather [hbm4b:s1+s4], $0x400, $0x38;
	[tilespmem:$0x1E300] =	vst v63  }
0x1ad: {  	_ =	swait.ge [sflag:s26], $0x400  }
0x1ae: {  	[sflag:s26] =	ssyncset.done $0x0  }
0x1af: {  	s24 =	sadd.s32 $0x0, s25;
	[sflag:s26] =	ssyncadd.s32 $0xFFFFFC00  }
0x1b0: {  	[tilespmem:s28], [sflag:$0xB] =	stream.linear.gather [hbm4b:s24+s4], $0x400, $0x38;
	[tilespmem:$0x1E300] =	vst v63  }
0x1b1: {  	_ =	swait.ge [sflag:s26], $0x400  }
0x1b2: {  	[sflag:s26] =	ssyncset.done $0x0  }
0x1b3: {  	[sflag:s26] =	ssyncadd.s32 $0xFFFFFC00  }
0x1b4: {  	[tilespmem:s6], [sflag:$0x1] =	stream.indirect.gather [hbm4b:s14+s29], $0x10, s4, s29, $0xb8;
	[tilespmem:$0x1E300] =	vst v63  }
0x1b5: {  	_ = 	snop  }
0x1b6: {  	[tilespmem:s16], [sflag:$0x2] =	stream.indirect.gather [hbm4b:s14+s29], $0x10, s29, s29, $0xb8;
	[tilespmem:$0x1E300] =	vst v63  }
0x1b7: {  	_ =	swait.ge [sflag:s0], $0x800  }
0x1b8: {  	[sflag:s0] =	ssyncset.done $0x0  }
0x1b9: {  	[sflag:s0] =	ssyncadd.s32 $0xFFFFF800  }
0x1ba: {  	[spmem:s3] =	stream.indirect.scatter.add.f32 [tilespmem:s6], [sflag:$0x6], $0x10, s28, s29, $0xb8;
	[tilespmem:$0x1E300] =	vst v63  }
0x1bb: {  	_ = 	snop  }
0x1bc: {  	[tilespmem:s19], [sflag:$0x3] =	stream.indirect.gather [hbm4b:s14+s29], $0x10, s7, s29, $0xb8;
	[tilespmem:$0x1E300] =	vst v63  }
0x1bd: {  	_ =	swait.ge [sflag:s17], $0x800  }
0x1be: {  	[sflag:s17] =	ssyncset.done $0x0  }
0x1bf: {  	[sflag:s17] =	ssyncadd.s32 $0xFFFFF800  }
0x1c0: {  	[spmem:s3] =	stream.indirect.scatter.add.f32 [tilespmem:s16], [sflag:$0x7], $0x10, s8, s29, $0xb8;
	[tilespmem:$0x1E300] =	vst v63  }
0x1c1: {  	s2 =	simm.s32 $0x180  }
0x1c2: {  	[tilespmem:s10], [sflag:$0x4] =	stream.indirect.gather [hbm4b:s14+s29], $0x10, s2, s29, $0xb8;
	[tilespmem:$0x1E300] =	vst v63  }
0x1c3: {  	_ =	swait.ge [sflag:s11], $0x800  }
0x1c4: {  	[sflag:s11] =	ssyncset.done $0x0  }
0x1c5: {  	[sflag:s11] =	ssyncadd.s32 $0xFFFFF800  }
0x1c6: {  	[spmem:s3] =	stream.indirect.scatter.add.f32 [tilespmem:s19], [sflag:$0x8], $0x10, s12, s29, $0xb8;
	[tilespmem:$0x1E300] =	vst v63  }
0x1c7: {  	s7 =	simm.s32 $0x200  }
0x1c8: {  	[tilespmem:s20], [sflag:$0x5] =	stream.indirect.gather [hbm4b:s14+s29], $0x10, s7, s29, $0xb8;
	[tilespmem:$0x1E300] =	vst v63  }
0x1c9: {  	_ =	swait.ge [sflag:s9], $0x800  }
0x1ca: {  	[sflag:s9] =	ssyncset.done $0x0  }
0x1cb: {  	s8 =	simm.s32 $0x580;
	[sflag:s9] =	ssyncadd.s32 $0xFFFFF800  }
0x1cc: {  	[spmem:s3] =	stream.indirect.scatter.add.f32 [tilespmem:s10], [sflag:$0x9], $0x10, s8, s29, $0xb8;
	[tilespmem:$0x1E300] =	vst v63  }
0x1cd: {  	_ =	swait.ge [sflag:s5], $0x800  }
0x1ce: {  	[sflag:s5] =	ssyncset.done $0x0  }
0x1cf: {  	s10 =	simm.s32 $0x280;
	[sflag:s5] =	ssyncadd.s32 $0xFFFFF800  }
0x1d0: {  	[tilespmem:s6], [sflag:$0x1] =	stream.indirect.gather [hbm4b:s14+s29], $0x10, s10, s29, $0xb8;
	[tilespmem:$0x1E300] =	vst v63  }
0x1d1: {  	_ =	swait.ge [sflag:s22], $0x800  }
0x1d2: {  	[sflag:s22] =	ssyncset.done $0x0  }
0x1d3: {  	[sflag:s22] =	ssyncadd.s32 $0xFFFFF800  }
0x1d4: {  	[spmem:s3] =	stream.indirect.scatter.add.f32 [tilespmem:s20], [sflag:$0xA], $0x10, s18, s29, $0xb8;
	[tilespmem:$0x1E300] =	vst v63  }
0x1d5: {  	_ =	swait.ge [sflag:s15], $0x800  }
0x1d6: {  	[sflag:s15] =	ssyncset.done $0x0  }
0x1d7: {  	s16 =	simm.s32 $0xB000;
	s12 =	simm.s32 $0x300;
	[sflag:s15] =	ssyncadd.s32 $0xFFFFF800  }
0x1d8: {  	[tilespmem:s16], [sflag:$0x2] =	stream.indirect.gather [hbm4b:s14+s29], $0x10, s12, s29, $0xb8;
	[tilespmem:$0x1E300] =	vst v63  }
0x1d9: {  	_ =	swait.ge [sflag:s0], $0x800  }
0x1da: {  	[sflag:s0] =	ssyncset.done $0x0  }
0x1db: {  	s18 =	simm.s32 $0x680;
	[sflag:s0] =	ssyncadd.s32 $0xFFFFF800  }
0x1dc: {  	[spmem:s3] =	stream.indirect.scatter.add.f32 [tilespmem:s6], [sflag:$0x6], $0x10, s18, s29, $0xb8;
	[tilespmem:$0x1E300] =	vst v63  }
0x1dd: {  	_ =	swait.ge [sflag:s21], $0x800  }
0x1de: {  	[sflag:s21] =	ssyncset.done $0x0  }
0x1df: {  	s20 =	simm.s32 $0x380;
	[sflag:s21] =	ssyncadd.s32 $0xFFFFF800  }
0x1e0: {  	[tilespmem:s19], [sflag:$0x3] =	stream.indirect.gather [hbm4b:s14+s29], $0x10, s20, s29, $0xb8;
	[tilespmem:$0x1E300] =	vst v63  }
0x1e1: {  	_ =	swait.ge [sflag:s17], $0x800  }
0x1e2: {  	[sflag:s17] =	ssyncset.done $0x0  }
0x1e3: {  	s23 =	simm.s32 $0x700;
	[sflag:s17] =	ssyncadd.s32 $0xFFFFF800  }
0x1e4: {  	[spmem:s3] =	stream.indirect.scatter.add.f32 [tilespmem:s16], [sflag:$0x7], $0x10, s23, s29, $0xb8;
	[tilespmem:$0x1E300] =	vst v63  }
0x1e5: {  	_ =	swait.ge [sflag:s11], $0x800  }
0x1e6: {  	s24 =	simm.s32 $0x780;
	[sflag:s11] =	ssyncset.done $0x0  }
0x1e7: {  	s6 =	simm.s32 $0x9;
	s19 =	simm.s32 $0xB800;
	[sflag:s11] =	ssyncadd.s32 $0xFFFFF800  }
0x1e8: {  	[spmem:s3] =	stream.indirect.scatter.add.f32 [tilespmem:s19], [sflag:$0x8], $0x10, s24, s29, $0xb8;
	[tilespmem:$0x1E300] =	vst v63  }
0x1e9: {  	_ =	swait.ge [sflag:s6], $0x800  }
0x1ea: {  	[sflag:s6] =	ssyncset.done $0x0  }
0x1eb: {  	s23 =	simm.s32 $0xA;
	[sflag:s6] =	ssyncadd.s32 $0xFFFFF800  }
0x1ec: {  	_ =	swait.ge [sflag:s23], $0x800  }
0x1ed: {  	[sflag:s23] =	ssyncset.done $0x0  }
0x1ee: {  	[sflag:s23] =	ssyncadd.s32 $0xFFFFF800  }
0x1ef: {  	_ =	swait.ge [sflag:s5], $0x800  }
0x1f0: {  	[sflag:s5] =	ssyncset.done $0x0  }
0x1f1: {  	[sflag:s5] =	ssyncadd.s32 $0xFFFFF800  }
0x1f2: {  	s30 =	simm.s32 $0x400;
	_ =	swait.ge [sflag:s15], $0x800  }
0x1f3: {  	s1 =	simm.s32 $0x100;
	s28 =	smov.u32 s31;
	[sflag:s15] =	ssyncset.done $0x0  }
0x1f4: {  	s31 =	simm.s32 $0x500;
	s2 =	simm.s32 $0x600;
	[sflag:s15] =	ssyncadd.s32 $0xFFFFF800  }
0x1f5: {  	s7 =	simm.s32 $0x80;
	s10 =	simm.s32 $0xA800;
	_ =	swait.ge [sflag:s21], $0x800  }
0x1f6: {  	s20 =	simm.s32 $0xC000;
	s24 =	simm.s32 $0xC800;
	[sflag:s21] =	ssyncset.done $0x0  }
.LBB2_17:
0x1f7: {  	s12 =	sadd.s32 s7, s28  }
0x1f8: {  	[sflag:s21] =	ssyncadd.s32 $0xFFFFF800;
	s18 =	smov.u32 s1;
	s8 =	sadd.s32 $0x80, s1  }
0x1f9: {  	[tilespmem:s4], [sflag:$0xB] =	stream.linear.gather [hbm4b:s12+s4], $0x400, $0x38;
	[tilespmem:$0x1E300] =	vst v63  }
0x1fa: {  	s12 =	simm.s32 $0x100  }
0x1fb: {  	p1 =	seq.s32 s1, $0x980;
	_ =	swait.ge [sflag:s26], $0x400  }
0x1fc: {  	s1 =	sadd.s32 s7, s25;
	[sflag:s26] =	ssyncset.done $0x0  }
0x1fd: {  	s7 =	smov.u32 s18;
	s18 =	simm.s32 $0x480;
	[sflag:s26] =	ssyncadd.s32 $0xFFFFFC00  }
0x1fe: {  	[tilespmem:s30], [sflag:$0xB] =	stream.linear.gather [hbm4b:s1+s4], $0x400, $0x38;
	[tilespmem:$0x1E300] =	vst v63  }
0x1ff: {  	_ =	swait.ge [sflag:s26], $0x400  }
0x200: {  	[sflag:s26] =	ssyncset.done $0x0  }
0x201: {  	[sflag:s26] =	ssyncadd.s32 $0xFFFFFC00  }
0x202: {  	[tilespmem:s10], [sflag:$0x1] =	stream.indirect.gather [hbm4b:s14+s29], $0x10, s4, s29, $0xb8;
	[tilespmem:$0x1E300] =	vst v63  }
0x203: {  	_ = 	snop  }
0x204: {  	[tilespmem:s16], [sflag:$0x2] =	stream.indirect.gather [hbm4b:s14+s29], $0x10, s29, s29, $0xb8;
	[tilespmem:$0x1E300] =	vst v63  }
0x205: {  	_ =	swait.ge [sflag:s0], $0x800  }
0x206: {  	[sflag:s0] =	ssyncset.done $0x0  }
0x207: {  	[sflag:s0] =	ssyncadd.s32 $0xFFFFF800  }
0x208: {  	[spmem:s3] =	stream.indirect.scatter.add.f32 [tilespmem:s10], [sflag:$0x6], $0x10, s30, s29, $0xb8;
	[tilespmem:$0x1E300] =	vst v63  }
0x209: {  	_ = 	snop  }
0x20a: {  	[tilespmem:s19], [sflag:$0x3] =	stream.indirect.gather [hbm4b:s14+s29], $0x10, s12, s29, $0xb8;
	[tilespmem:$0x1E300] =	vst v63  }
0x20b: {  	_ =	swait.ge [sflag:s17], $0x800  }
0x20c: {  	[sflag:s17] =	ssyncset.done $0x0  }
0x20d: {  	[sflag:s17] =	ssyncadd.s32 $0xFFFFF800  }
0x20e: {  	[spmem:s3] =	stream.indirect.scatter.add.f32 [tilespmem:s16], [sflag:$0x7], $0x10, s18, s29, $0xb8;
	[tilespmem:$0x1E300] =	vst v63  }
0x20f: {  	s1 =	simm.s32 $0x180  }
0x210: {  	[tilespmem:s20], [sflag:$0x4] =	stream.indirect.gather [hbm4b:s14+s29], $0x10, s1, s29, $0xb8;
	[tilespmem:$0x1E300] =	vst v63  }
0x211: {  	_ =	swait.ge [sflag:s11], $0x800  }
0x212: {  	[sflag:s11] =	ssyncset.done $0x0  }
0x213: {  	[sflag:s11] =	ssyncadd.s32 $0xFFFFF800  }
0x214: {  	[spmem:s3] =	stream.indirect.scatter.add.f32 [tilespmem:s19], [sflag:$0x8], $0x10, s31, s29, $0xb8;
	[tilespmem:$0x1E300] =	vst v63  }
0x215: {  	s1 =	simm.s32 $0x200  }
0x216: {  	[tilespmem:s24], [sflag:$0x5] =	stream.indirect.gather [hbm4b:s14+s29], $0x10, s1, s29, $0xb8;
	[tilespmem:$0x1E300] =	vst v63  }
0x217: {  	_ =	swait.ge [sflag:s9], $0x800  }
0x218: {  	[sflag:s9] =	ssyncset.done $0x0  }
0x219: {  	s1 =	simm.s32 $0x580;
	[sflag:s9] =	ssyncadd.s32 $0xFFFFF800  }
0x21a: {  	[spmem:s3] =	stream.indirect.scatter.add.f32 [tilespmem:s20], [sflag:$0x9], $0x10, s1, s29, $0xb8;
	[tilespmem:$0x1E300] =	vst v63  }
0x21b: {  	_ =	swait.ge [sflag:s5], $0x800  }
0x21c: {  	[sflag:s5] =	ssyncset.done $0x0  }
0x21d: {  	s1 =	simm.s32 $0x280;
	[sflag:s5] =	ssyncadd.s32 $0xFFFFF800  }
0x21e: {  	[tilespmem:s10], [sflag:$0x1] =	stream.indirect.gather [hbm4b:s14+s29], $0x10, s1, s29, $0xb8;
	[tilespmem:$0x1E300] =	vst v63  }
0x21f: {  	_ =	swait.ge [sflag:s22], $0x800  }
0x220: {  	[sflag:s22] =	ssyncset.done $0x0  }
0x221: {  	[sflag:s22] =	ssyncadd.s32 $0xFFFFF800  }
0x222: {  	[spmem:s3] =	stream.indirect.scatter.add.f32 [tilespmem:s24], [sflag:$0xA], $0x10, s2, s29, $0xb8;
	[tilespmem:$0x1E300] =	vst v63  }
0x223: {  	_ =	swait.ge [sflag:s15], $0x800  }
0x224: {  	[sflag:s15] =	ssyncset.done $0x0  }
0x225: {  	s1 =	simm.s32 $0x300;
	[sflag:s15] =	ssyncadd.s32 $0xFFFFF800  }
0x226: {  	[tilespmem:s16], [sflag:$0x2] =	stream.indirect.gather [hbm4b:s14+s29], $0x10, s1, s29, $0xb8;
	[tilespmem:$0x1E300] =	vst v63  }
0x227: {  	_ =	swait.ge [sflag:s0], $0x800  }
0x228: {  	[sflag:s0] =	ssyncset.done $0x0  }
0x229: {  	s1 =	simm.s32 $0x680;
	[sflag:s0] =	ssyncadd.s32 $0xFFFFF800  }
0x22a: {  	[spmem:s3] =	stream.indirect.scatter.add.f32 [tilespmem:s10], [sflag:$0x6], $0x10, s1, s29, $0xb8;
	[tilespmem:$0x1E300] =	vst v63  }
0x22b: {  	_ =	swait.ge [sflag:s21], $0x800  }
0x22c: {  	[sflag:s21] =	ssyncset.done $0x0  }
0x22d: {  	s1 =	simm.s32 $0x380;
	[sflag:s21] =	ssyncadd.s32 $0xFFFFF800  }
0x22e: {  	[tilespmem:s19], [sflag:$0x3] =	stream.indirect.gather [hbm4b:s14+s29], $0x10, s1, s29, $0xb8;
	[tilespmem:$0x1E300] =	vst v63  }
0x22f: {  	_ =	swait.ge [sflag:s17], $0x800  }
0x230: {  	[sflag:s17] =	ssyncset.done $0x0  }
0x231: {  	s1 =	simm.s32 $0x700;
	[sflag:s17] =	ssyncadd.s32 $0xFFFFF800  }
0x232: {  	[spmem:s3] =	stream.indirect.scatter.add.f32 [tilespmem:s16], [sflag:$0x7], $0x10, s1, s29, $0xb8;
	[tilespmem:$0x1E300] =	vst v63  }
0x233: {  	_ =	swait.ge [sflag:s11], $0x800  }
0x234: {  	[sflag:s11] =	ssyncset.done $0x0  }
0x235: {  	s1 =	simm.s32 $0x780;
	[sflag:s11] =	ssyncadd.s32 $0xFFFFF800  }
0x236: {  	[spmem:s3] =	stream.indirect.scatter.add.f32 [tilespmem:s19], [sflag:$0x8], $0x10, s1, s29, $0xb8;
	[tilespmem:$0x1E300] =	vst v63  }
0x237: {  	_ =	swait.ge [sflag:s6], $0x800  }
0x238: {  	[sflag:s6] =	ssyncset.done $0x0  }
0x239: {  	[sflag:s6] =	ssyncadd.s32 $0xFFFFF800  }
0x23a: {  	_ =	swait.ge [sflag:s23], $0x800  }
0x23b: {  	[sflag:s23] =	ssyncset.done $0x0  }
0x23c: {  	[sflag:s23] =	ssyncadd.s32 $0xFFFFF800  }
0x23d: {  	_ =	swait.ge [sflag:s5], $0x800  }
0x23e: {  	[sflag:s5] =	ssyncset.done $0x0  }
0x23f: {  	[sflag:s5] =	ssyncadd.s32 $0xFFFFF800  }
.Ltmp13:
0x240: {  	_ =	swait.ge [sflag:s15], $0x800;
	(pc) =	sbr.rel @!p1 .LBB2_17-.Ltmp13, $4  }
0x241: {  	[sflag:s15] =	ssyncset.done $0x0  }
0x242: {  	[sflag:s15] =	ssyncadd.s32 $0xFFFFF800  }
0x243: {  	_ =	swait.ge [sflag:s21], $0x800  }
0x244: {  	s1 =	smov.u32 s8;
	[sflag:s21] =	ssyncset.done $0x0  }
0x245: {  	s1 =	sadd.s32 s7, s28;
	[sflag:s21] =	ssyncadd.s32 $0xFFFFF800  }
0x246: {  	[tilespmem:s4], [sflag:$0xB] =	stream.linear.gather [hbm4b:s1+s4], $0x400, $0x38;
	[tilespmem:$0x1E300] =	vst v63  }
0x247: {  	_ =	swait.ge [sflag:s26], $0x400  }
0x248: {  	[sflag:s26] =	ssyncset.done $0x0  }
0x249: {  	s8 =	sadd.s32 s7, s25;
	[sflag:s26] =	ssyncadd.s32 $0xFFFFFC00  }
0x24a: {  	[tilespmem:s30], [sflag:$0xB] =	stream.linear.gather [hbm4b:s8+s4], $0x400, $0x38;
	[tilespmem:$0x1E300] =	vst v63  }
0x24b: {  	_ =	swait.ge [sflag:s26], $0x400  }
0x24c: {  	[sflag:s26] =	ssyncset.done $0x0  }
0x24d: {  	[sflag:s26] =	ssyncadd.s32 $0xFFFFFC00  }
0x24e: {  	[tilespmem:s10], [sflag:$0x1] =	stream.indirect.gather [hbm4b:s14+s29], $0x10, s4, s29, $0xb8;
	[tilespmem:$0x1E300] =	vst v63  }
0x24f: {  	_ = 	snop  }
0x250: {  	[tilespmem:s16], [sflag:$0x2] =	stream.indirect.gather [hbm4b:s14+s29], $0x10, s29, s29, $0xb8;
	[tilespmem:$0x1E300] =	vst v63  }
0x251: {  	_ =	swait.ge [sflag:s0], $0x800  }
0x252: {  	[sflag:s0] =	ssyncset.done $0x0  }
0x253: {  	[sflag:s0] =	ssyncadd.s32 $0xFFFFF800  }
0x254: {  	[spmem:s3] =	stream.indirect.scatter.add.f32 [tilespmem:s10], [sflag:$0x6], $0x10, s30, s29, $0xb8;
	[tilespmem:$0x1E300] =	vst v63  }
0x255: {  	_ = 	snop  }
0x256: {  	[tilespmem:s19], [sflag:$0x3] =	stream.indirect.gather [hbm4b:s14+s29], $0x10, s12, s29, $0xb8;
	[tilespmem:$0x1E300] =	vst v63  }
0x257: {  	_ =	swait.ge [sflag:s17], $0x800  }
0x258: {  	[sflag:s17] =	ssyncset.done $0x0  }
0x259: {  	[sflag:s17] =	ssyncadd.s32 $0xFFFFF800  }
0x25a: {  	[spmem:s3] =	stream.indirect.scatter.add.f32 [tilespmem:s16], [sflag:$0x7], $0x10, s18, s29, $0xb8;
	[tilespmem:$0x1E300] =	vst v63  }
0x25b: {  	s18 =	simm.s32 $0x180  }
0x25c: {  	[tilespmem:s20], [sflag:$0x4] =	stream.indirect.gather [hbm4b:s14+s29], $0x10, s18, s29, $0xb8;
	[tilespmem:$0x1E300] =	vst v63  }
0x25d: {  	_ =	swait.ge [sflag:s11], $0x800  }
0x25e: {  	[sflag:s11] =	ssyncset.done $0x0  }
0x25f: {  	[sflag:s11] =	ssyncadd.s32 $0xFFFFF800  }
0x260: {  	[spmem:s3] =	stream.indirect.scatter.add.f32 [tilespmem:s19], [sflag:$0x8], $0x10, s31, s29, $0xb8;
	[tilespmem:$0x1E300] =	vst v63  }
0x261: {  	s25 =	simm.s32 $0x200  }
0x262: {  	[tilespmem:s24], [sflag:$0x5] =	stream.indirect.gather [hbm4b:s14+s29], $0x10, s25, s29, $0xb8;
	[tilespmem:$0x1E300] =	vst v63  }
0x263: {  	_ =	swait.ge [sflag:s9], $0x800  }
0x264: {  	[sflag:s9] =	ssyncset.done $0x0  }
0x265: {  	s7 =	simm.s32 $0x580;
	[sflag:s9] =	ssyncadd.s32 $0xFFFFF800  }
0x266: {  	[spmem:s3] =	stream.indirect.scatter.add.f32 [tilespmem:s20], [sflag:$0x9], $0x10, s7, s29, $0xb8;
	[tilespmem:$0x1E300] =	vst v63  }
0x267: {  	_ =	swait.ge [sflag:s5], $0x800  }
0x268: {  	[sflag:s5] =	ssyncset.done $0x0  }
0x269: {  	s8 =	simm.s32 $0x280;
	[sflag:s5] =	ssyncadd.s32 $0xFFFFF800  }
0x26a: {  	[tilespmem:s10], [sflag:$0x1] =	stream.indirect.gather [hbm4b:s14+s29], $0x10, s8, s29, $0xb8;
	[tilespmem:$0x1E300] =	vst v63  }
0x26b: {  	_ =	swait.ge [sflag:s22], $0x800  }
0x26c: {  	[sflag:s22] =	ssyncset.done $0x0  }
0x26d: {  	[sflag:s22] =	ssyncadd.s32 $0xFFFFF800  }
0x26e: {  	[spmem:s3] =	stream.indirect.scatter.add.f32 [tilespmem:s24], [sflag:$0xA], $0x10, s2, s29, $0xb8;
	[tilespmem:$0x1E300] =	vst v63  }
0x26f: {  	_ =	swait.ge [sflag:s15], $0x800  }
0x270: {  	[sflag:s15] =	ssyncset.done $0x0  }
0x271: {  	s12 =	simm.s32 $0x300;
	[sflag:s15] =	ssyncadd.s32 $0xFFFFF800  }
0x272: {  	[tilespmem:s16], [sflag:$0x2] =	stream.indirect.gather [hbm4b:s14+s29], $0x10, s12, s29, $0xb8;
	[tilespmem:$0x1E300] =	vst v63  }
0x273: {  	_ =	swait.ge [sflag:s0], $0x800  }
0x274: {  	[sflag:s0] =	ssyncset.done $0x0  }
0x275: {  	s18 =	simm.s32 $0x680;
	[sflag:s0] =	ssyncadd.s32 $0xFFFFF800  }
0x276: {  	[spmem:s3] =	stream.indirect.scatter.add.f32 [tilespmem:s10], [sflag:$0x6], $0x10, s18, s29, $0xb8;
	[tilespmem:$0x1E300] =	vst v63  }
0x277: {  	_ =	swait.ge [sflag:s21], $0x800  }
0x278: {  	[sflag:s21] =	ssyncset.done $0x0  }
0x279: {  	s20 =	simm.s32 $0x380;
	[sflag:s21] =	ssyncadd.s32 $0xFFFFF800  }
0x27a: {  	[tilespmem:s19], [sflag:$0x3] =	stream.indirect.gather [hbm4b:s14+s29], $0x10, s20, s29, $0xb8;
	[tilespmem:$0x1E300] =	vst v63  }
0x27b: {  	_ =	swait.ge [sflag:s17], $0x800  }
0x27c: {  	[sflag:s17] =	ssyncset.done $0x0  }
0x27d: {  	s24 =	simm.s32 $0x700;
	[sflag:s17] =	ssyncadd.s32 $0xFFFFF800  }
0x27e: {  	[spmem:s3] =	stream.indirect.scatter.add.f32 [tilespmem:s16], [sflag:$0x7], $0x10, s24, s29, $0xb8;
	[tilespmem:$0x1E300] =	vst v63  }
0x27f: {  	_ =	swait.ge [sflag:s11], $0x800  }
0x280: {  	[sflag:s11] =	ssyncset.done $0x0  }
0x281: {  	s25 =	simm.s32 $0x780;
	[sflag:s11] =	ssyncadd.s32 $0xFFFFF800  }
0x282: {  	[spmem:s3] =	stream.indirect.scatter.add.f32 [tilespmem:s19], [sflag:$0x8], $0x10, s25, s29, $0xb8;
	[tilespmem:$0x1E300] =	vst v63  }
0x283: {  	_ =	swait.ge [sflag:s6], $0x800  }
0x284: {  	[sflag:s6] =	ssyncset.done $0x0  }
0x285: {  	[sflag:s6] =	ssyncadd.s32 $0xFFFFF800  }
0x286: {  	_ =	swait.ge [sflag:s23], $0x800  }
0x287: {  	[sflag:s23] =	ssyncset.done $0x0  }
0x288: {  	[sflag:s23] =	ssyncadd.s32 $0xFFFFF800  }
0x289: {  	_ =	swait.ge [sflag:s5], $0x800  }
0x28a: {  	[sflag:s5] =	ssyncset.done $0x0  }
0x28b: {  	[sflag:s5] =	ssyncadd.s32 $0xFFFFF800  }
0x28c: {  	_ =	swait.ge [sflag:s15], $0x800  }
0x28d: {  	[sflag:s15] =	ssyncset.done $0x0  }
0x28e: {  	[sflag:s15] =	ssyncadd.s32 $0xFFFFF800  }
0x28f: {  	_ =	swait.ge [sflag:s21], $0x800  }
0x290: {  	s28 =	simm.s32 $0x400;
	s30 =	simm.s32 $0x800;
	[sflag:s21] =	ssyncset.done $0x0  }
0x291: {  	s8 =	simm.s32 $0x0;
	s10 =	simm.s32 $0x11100;
	[sflag:s21] =	ssyncadd.s32 $0xFFFFF800  }
0x292: {  	s20 =	simm.s32 $0xC800;
	s16 =	simm.s32 $0xB000;
	[bflag:$0x0] =	sbarrier.arrive $0xFFFF  }
0x293: {  	s24 =	simm.s32 $0x2800;
	s19 =	simm.s32 $0xB800;
	s31 =	rddreg [dreg:$0x17]  }
0x294: {  	s6 =	simm.s32 $0x10C00;
	s23 =	simm.s32 $0x11600;
	s2 =	rddreg [dreg:$0x3]  }
.LBB2_19:
0x295: {  	s1 =	smul.u32 $0x50, s8  }
0x296: {  	s7 =	rddreg [dreg:$0x12]  }
0x297: {  	s1 =	sadd.s32 s7, s1  }
0x298: {  	s7 =	sshll.u32 s1, $0x4  }
0x299: {  	s7 =	sand.u32 $0x3FFFFFF0, s7  }
0x29a: {  	s12 =	sadd.s32 s7, s3  }
0x29b: {  	[tilespmem:s6], [sflag:$0xB] =	stream.linear.gather [spmem:s12], $0x500, $0x38;
	[tilespmem:$0x1E300] =	vst v63  }
0x29c: {  	_ =	swait.ge [sflag:s26], $0x500  }
0x29d: {  	s1 =	sshll.u32 s1, $0x1;
	[sflag:s26] =	ssyncset.done $0x0;
	s18 =	rddreg [dreg:$0xe]  }
0x29e: {  	[sflag:s26] =	ssyncadd.s32 $0xFFFFFB00;
	s7 =	sadd.s32 s18, s1;
	s18 =	simm.s32 $0x0  }
0x29f: {  	[tilespmem:s10], [sflag:$0xB] =	stream.linear.gather [hbm4b:s7+s18], $0x500, $0x38;
	[tilespmem:$0x1E300] =	vst v63  }
0x2a0: {  	_ =	swait.ge [sflag:s26], $0x500  }
0x2a1: {  	[sflag:s26] =	ssyncset.done $0x0;
	s25 =	rddreg [dreg:$0xf]  }
0x2a2: {  	[sflag:s26] =	ssyncadd.s32 $0xFFFFFB00;
	s7 =	sadd.s32 s25, s1  }
0x2a3: {  	[tilespmem:s23], [sflag:$0xB] =	stream.linear.gather [hbm4b:s7+s18], $0x500, $0x38;
	[tilespmem:$0x1E300] =	vst v63  }
0x2a4: {  	_ =	swait.ge [sflag:s26], $0x500  }
0x2a5: {  	[sflag:s26] =	ssyncset.done $0x0  }
0x2a6: {  	s25 =	simm.s32 $0x0;
	[sflag:s26] =	ssyncadd.s32 $0xFFFFFB00  }
0x2a7: {  	s7 =	simm.s32 $0x40;
	v0 =	vld [tilespmem:s25+$0x11100]  }
.LBB2_20:
0x2a8: {  	p1 =	sne.s32 s7, $0x13C0;
	v1 =	vld [tilespmem:s25+$0x10C00];
	_ =	sdelay $0x1  }
0x2a9: {  	v2 =	vld [tilespmem:s25+$0x11600];
	_ =	sdelay $0x2  }
.Ltmp14:
0x2aa: {  	v0 =	vmul.f32 v0, v1;
	(pc) =	sbr.rel @p1 .LBB2_20-.Ltmp14, $4  }
0x2ab: {  	_ = 	snop  }
0x2ac: {  	v1 =	vadd.f32 v2, v0  }
0x2ad: {  	s18 =	sshra.s32 s7, $0x2  }
0x2ae: {  	s7 =	sadd.s32 $0x40, s7;
	v0 =	vld [tilespmem:s18+$0x11100];
	[tilespmem:s25+$0x10C00] =	vst v1;
	s25 =	smov.u32 s18  }
0x2af: {  	v1 =	vld [tilespmem:s25+$0x10C00];
	_ =	sdelay $0x1  }
0x2b0: {  	v2 =	vld [tilespmem:s25+$0x11600];
	_ =	sdelay $0x2  }
0x2b1: {  	v0 =	vmul.f32 v0, v1;
	_ =	sdelay $0x1  }
0x2b2: {  	v0 =	vadd.f32 v2, v0;
	_ =	sdelay $0x1  }
0x2b3: {  	s1 =	sadd.s32 s14, s1;
	[tilespmem:s25+$0x10C00] =	vst v0  }
0x2b4: {  	[hbm4b:s1+s4] =	stream.linear.scatter [tilespmem:s6], [sflag:$0xB], $0x500, $0x38;
	[tilespmem:$0x1E300] =	vst v63  }
0x2b5: {  	_ =	swait.ge [sflag:s26], $0x500  }
0x2b6: {  	s8 =	sadd.s32 $0x1, s8;
	[sflag:s26] =	ssyncset.done $0x0  }
0x2b7: {  	p1 =	sne.s32 s8, $0x8;
	[sflag:s26] =	ssyncadd.s32 $0xFFFFFB00  }
0x2b8: {  	[spmem:s12] =	stream.linear.scatter [tilespmem:s6], [sflag:$0xB], $0x500, $0x38;
	[tilespmem:$0x1E300] =	vst v63  }
.Ltmp15:
0x2b9: {  	_ = 	snop;
	(pc) =	sbr.rel @p1 .LBB2_19-.Ltmp15, $4  }
.Ltmp16:
0x2ba: {  	_ = 	snop;
	(pc) =	sbr.rel @!p1 .LBB2_22-.Ltmp16, $4  }
0x2bb: {  	_ =	swait.ge [sflag:s26], $0x500  }
0x2bc: {  	[sflag:s26] =	ssyncset.done $0x0  }
0x2bd: {  	[sflag:s26] =	ssyncadd.s32 $0xFFFFFB00  }
0x2be: {  	_ = 	snop  }
.LBB2_23:
.Ltmp17:
0x2bf: {  	(pc) =	sbr.rel @p0 .LBB2_30-.Ltmp17, $2  }
0x2c0: {  	_ =	sdelay $0x2  }
0x2c1: {  	s1 =	sadd.s32 $0x0, s31  }
0x2c2: {  	[tilespmem:s4], [sflag:$0xB] =	stream.linear.gather [hbm4b:s1+s4], $0x400, $0x38;
	[tilespmem:$0x1E300] =	vst v63  }
0x2c3: {  	_ =	swait.ge [sflag:s26], $0x400  }
0x2c4: {  	[sflag:s26] =	ssyncset.done $0x0  }
0x2c5: {  	s22 =	sadd.s32 $0x0, s25;
	[sflag:s26] =	ssyncadd.s32 $0xFFFFFC00  }
0x2c6: {  	[tilespmem:s28], [sflag:$0xB] =	stream.linear.gather [hbm4b:s22+s4], $0x400, $0x38;
	[tilespmem:$0x1E300] =	vst v63  }
0x2c7: {  	_ =	swait.ge [sflag:s26], $0x400  }
0x2c8: {  	[sflag:s26] =	ssyncset.done $0x0  }
0x2c9: {  	[sflag:s26] =	ssyncadd.s32 $0xFFFFFC00  }
0x2ca: {  	[tilespmem:s30], [sflag:$0x1] =	stream.indirect.gather [hbm4b:s13+s29], $0x40, s4, s29, $0xb8;
	[tilespmem:$0x1E300] =	vst v63  }
0x2cb: {  	_ = 	snop  }
0x2cc: {  	[tilespmem:s24], [sflag:$0x2] =	stream.indirect.gather [hbm4b:s13+s29], $0x40, s29, s29, $0xb8;
	[tilespmem:$0x1E300] =	vst v63  }
0x2cd: {  	_ =	swait.ge [sflag:s0], $0x2000  }
0x2ce: {  	[sflag:s0] =	ssyncset.done $0x0  }
0x2cf: {  	[sflag:s0] =	ssyncadd.s32 $0xFFFFE000  }
0x2d0: {  	[spmem:s2] =	stream.indirect.scatter.add.f32 [tilespmem:s30], [sflag:$0x6], $0x40, s28, s29, $0xb8;
	[tilespmem:$0x1E300] =	vst v63  }
0x2d1: {  	s23 =	simm.s32 $0x4800  }
0x2d2: {  	[tilespmem:s23], [sflag:$0x3] =	stream.indirect.gather [hbm4b:s13+s29], $0x40, s7, s29, $0xb8;
	[tilespmem:$0x1E300] =	vst v63  }
0x2d3: {  	_ =	swait.ge [sflag:s17], $0x2000  }
0x2d4: {  	[sflag:s17] =	ssyncset.done $0x0  }
0x2d5: {  	[sflag:s17] =	ssyncadd.s32 $0xFFFFE000  }
0x2d6: {  	[spmem:s2] =	stream.indirect.scatter.add.f32 [tilespmem:s24], [sflag:$0x7], $0x40, s8, s29, $0xb8;
	[tilespmem:$0x1E300] =	vst v63  }
0x2d7: {  	s6 =	simm.s32 $0x6800;
	s18 =	simm.s32 $0x180  }
0x2d8: {  	[tilespmem:s6], [sflag:$0x4] =	stream.indirect.gather [hbm4b:s13+s29], $0x40, s18, s29, $0xb8;
	[tilespmem:$0x1E300] =	vst v63  }
0x2d9: {  	_ =	swait.ge [sflag:s11], $0x2000  }
0x2da: {  	[sflag:s11] =	ssyncset.done $0x0  }
0x2db: {  	s12 =	simm.s32 $0x500;
	s23 =	simm.s32 $0x4800;
	[sflag:s11] =	ssyncadd.s32 $0xFFFFE000  }
0x2dc: {  	[spmem:s2] =	stream.indirect.scatter.add.f32 [tilespmem:s23], [sflag:$0x8], $0x40, s12, s29, $0xb8;
	[tilespmem:$0x1E300] =	vst v63  }
0x2dd: {  	s19 =	simm.s32 $0x4;
	s10 =	simm.s32 $0x200;
	s4 =	simm.s32 $0x8800  }
0x2de: {  	[tilespmem:s4], [sflag:$0x5] =	stream.indirect.gather [hbm4b:s13+s29], $0x40, s10, s29, $0xb8;
	[tilespmem:$0x1E300] =	vst v63  }
0x2df: {  	_ =	swait.ge [sflag:s19], $0x2000  }
0x2e0: {  	[sflag:s19] =	ssyncset.done $0x0  }
0x2e1: {  	s1 =	simm.s32 $0x580;
	[sflag:s19] =	ssyncadd.s32 $0xFFFFE000  }
0x2e2: {  	[spmem:s2] =	stream.indirect.scatter.add.f32 [tilespmem:s6], [sflag:$0x9], $0x40, s1, s29, $0xb8;
	[tilespmem:$0x1E300] =	vst v63  }
0x2e3: {  	_ =	swait.ge [sflag:s5], $0x2000  }
0x2e4: {  	s20 =	simm.s32 $0x5;
	[sflag:s5] =	ssyncset.done $0x0  }
0x2e5: {  	s7 =	simm.s32 $0x280;
	s24 =	simm.s32 $0x800;
	[sflag:s5] =	ssyncadd.s32 $0xFFFFE000  }
0x2e6: {  	[tilespmem:s24], [sflag:$0x1] =	stream.indirect.gather [hbm4b:s13+s29], $0x40, s7, s29, $0xb8;
	[tilespmem:$0x1E300] =	vst v63  }
0x2e7: {  	_ =	swait.ge [sflag:s20], $0x2000  }
0x2e8: {  	[sflag:s20] =	ssyncset.done $0x0  }
0x2e9: {  	s22 =	simm.s32 $0x600;
	[sflag:s20] =	ssyncadd.s32 $0xFFFFE000  }
0x2ea: {  	[spmem:s2] =	stream.indirect.scatter.add.f32 [tilespmem:s4], [sflag:$0xA], $0x40, s22, s29, $0xb8;
	[tilespmem:$0x1E300] =	vst v63  }
0x2eb: {  	_ =	swait.ge [sflag:s15], $0x2000  }
0x2ec: {  	[sflag:s15] =	ssyncset.done $0x0  }
0x2ed: {  	s16 =	simm.s32 $0x2800;
	s8 =	simm.s32 $0x300;
	[sflag:s15] =	ssyncadd.s32 $0xFFFFE000  }
0x2ee: {  	[tilespmem:s16], [sflag:$0x2] =	stream.indirect.gather [hbm4b:s13+s29], $0x40, s8, s29, $0xb8;
	[tilespmem:$0x1E300] =	vst v63  }
0x2ef: {  	_ =	swait.ge [sflag:s0], $0x2000  }
0x2f0: {  	[sflag:s0] =	ssyncset.done $0x0  }
0x2f1: {  	s10 =	simm.s32 $0x680;
	[sflag:s0] =	ssyncadd.s32 $0xFFFFE000  }
0x2f2: {  	[spmem:s2] =	stream.indirect.scatter.add.f32 [tilespmem:s24], [sflag:$0x6], $0x40, s10, s29, $0xb8;
	[tilespmem:$0x1E300] =	vst v63  }
0x2f3: {  	_ =	swait.ge [sflag:s21], $0x2000  }
0x2f4: {  	[sflag:s21] =	ssyncset.done $0x0  }
0x2f5: {  	s12 =	simm.s32 $0x380;
	[sflag:s21] =	ssyncadd.s32 $0xFFFFE000  }
0x2f6: {  	[tilespmem:s23], [sflag:$0x3] =	stream.indirect.gather [hbm4b:s13+s29], $0x40, s12, s29, $0xb8;
	[tilespmem:$0x1E300] =	vst v63  }
0x2f7: {  	_ =	swait.ge [sflag:s17], $0x2000  }
0x2f8: {  	[sflag:s17] =	ssyncset.done $0x0  }
0x2f9: {  	s18 =	simm.s32 $0x700;
	[sflag:s17] =	ssyncadd.s32 $0xFFFFE000  }
0x2fa: {  	[spmem:s2] =	stream.indirect.scatter.add.f32 [tilespmem:s16], [sflag:$0x7], $0x40, s18, s29, $0xb8;
	[tilespmem:$0x1E300] =	vst v63  }
0x2fb: {  	_ =	swait.ge [sflag:s11], $0x2000  }
0x2fc: {  	[sflag:s11] =	ssyncset.done $0x0  }
0x2fd: {  	s22 =	simm.s32 $0x780;
	s10 =	simm.s32 $0x9;
	[sflag:s11] =	ssyncadd.s32 $0xFFFFE000  }
0x2fe: {  	[spmem:s2] =	stream.indirect.scatter.add.f32 [tilespmem:s23], [sflag:$0x8], $0x40, s22, s29, $0xb8;
	[tilespmem:$0x1E300] =	vst v63  }
0x2ff: {  	_ =	swait.ge [sflag:s10], $0x2000  }
0x300: {  	[sflag:s10] =	ssyncset.done $0x0  }
0x301: {  	s22 =	simm.s32 $0xA;
	[sflag:s10] =	ssyncadd.s32 $0xFFFFE000  }
0x302: {  	_ =	swait.ge [sflag:s22], $0x2000  }
0x303: {  	[sflag:s22] =	ssyncset.done $0x0  }
0x304: {  	[sflag:s22] =	ssyncadd.s32 $0xFFFFE000  }
0x305: {  	_ =	swait.ge [sflag:s5], $0x2000  }
0x306: {  	[sflag:s5] =	ssyncset.done $0x0  }
0x307: {  	[sflag:s5] =	ssyncadd.s32 $0xFFFFE000  }
0x308: {  	_ =	swait.ge [sflag:s15], $0x2000  }
0x309: {  	[sflag:s15] =	ssyncset.done $0x0  }
0x30a: {  	s9 =	simm.s32 $0x0;
	s30 =	simm.s32 $0x400;
	[sflag:s15] =	ssyncadd.s32 $0xFFFFE000  }
0x30b: {  	s28 =	smov.u32 s31;
	s31 =	simm.s32 $0x180;
	_ =	swait.ge [sflag:s21], $0x2000  }
0x30c: {  	s1 =	simm.s32 $0x100;
	s7 =	simm.s32 $0x80;
	[sflag:s21] =	ssyncset.done $0x0  }
.LBB2_25:
0x30d: {  	s12 =	sadd.s32 s7, s28  }
0x30e: {  	[sflag:s21] =	ssyncadd.s32 $0xFFFFE000;
	s18 =	smov.u32 s1;
	s8 =	sadd.s32 $0x80, s1  }
0x30f: {  	[tilespmem:s9], [sflag:$0xB] =	stream.linear.gather [hbm4b:s12+s9], $0x400, $0x38;
	[tilespmem:$0x1E300] =	vst v63  }
0x310: {  	s12 =	simm.s32 $0x100  }
0x311: {  	p1 =	seq.s32 s1, $0x980;
	_ =	swait.ge [sflag:s26], $0x400  }
0x312: {  	s1 =	sadd.s32 s7, s25;
	[sflag:s26] =	ssyncset.done $0x0  }
0x313: {  	s7 =	smov.u32 s18;
	s18 =	simm.s32 $0x480;
	[sflag:s26] =	ssyncadd.s32 $0xFFFFFC00  }
0x314: {  	[tilespmem:s30], [sflag:$0xB] =	stream.linear.gather [hbm4b:s1+s9], $0x400, $0x38;
	[tilespmem:$0x1E300] =	vst v63  }
0x315: {  	_ =	swait.ge [sflag:s26], $0x400  }
0x316: {  	[sflag:s26] =	ssyncset.done $0x0  }
0x317: {  	[sflag:s26] =	ssyncadd.s32 $0xFFFFFC00  }
0x318: {  	[tilespmem:s24], [sflag:$0x1] =	stream.indirect.gather [hbm4b:s13+s29], $0x40, s9, s29, $0xb8;
	[tilespmem:$0x1E300] =	vst v63  }
0x319: {  	_ = 	snop  }
0x31a: {  	[tilespmem:s16], [sflag:$0x2] =	stream.indirect.gather [hbm4b:s13+s29], $0x40, s29, s29, $0xb8;
	[tilespmem:$0x1E300] =	vst v63  }
0x31b: {  	_ =	swait.ge [sflag:s0], $0x2000  }
0x31c: {  	[sflag:s0] =	ssyncset.done $0x0  }
0x31d: {  	[sflag:s0] =	ssyncadd.s32 $0xFFFFE000  }
0x31e: {  	[spmem:s2] =	stream.indirect.scatter.add.f32 [tilespmem:s24], [sflag:$0x6], $0x40, s30, s29, $0xb8;
	[tilespmem:$0x1E300] =	vst v63  }
0x31f: {  	_ = 	snop  }
0x320: {  	[tilespmem:s23], [sflag:$0x3] =	stream.indirect.gather [hbm4b:s13+s29], $0x40, s12, s29, $0xb8;
	[tilespmem:$0x1E300] =	vst v63  }
0x321: {  	_ =	swait.ge [sflag:s17], $0x2000  }
0x322: {  	[sflag:s17] =	ssyncset.done $0x0  }
0x323: {  	[sflag:s17] =	ssyncadd.s32 $0xFFFFE000  }
0x324: {  	[spmem:s2] =	stream.indirect.scatter.add.f32 [tilespmem:s16], [sflag:$0x7], $0x40, s18, s29, $0xb8;
	[tilespmem:$0x1E300] =	vst v63  }
0x325: {  	_ = 	snop  }
0x326: {  	[tilespmem:s6], [sflag:$0x4] =	stream.indirect.gather [hbm4b:s13+s29], $0x40, s31, s29, $0xb8;
	[tilespmem:$0x1E300] =	vst v63  }
0x327: {  	_ =	swait.ge [sflag:s11], $0x2000  }
0x328: {  	[sflag:s11] =	ssyncset.done $0x0  }
0x329: {  	s1 =	simm.s32 $0x500;
	[sflag:s11] =	ssyncadd.s32 $0xFFFFE000  }
0x32a: {  	[spmem:s2] =	stream.indirect.scatter.add.f32 [tilespmem:s23], [sflag:$0x8], $0x40, s1, s29, $0xb8;
	[tilespmem:$0x1E300] =	vst v63  }
0x32b: {  	s1 =	simm.s32 $0x200  }
0x32c: {  	[tilespmem:s4], [sflag:$0x5] =	stream.indirect.gather [hbm4b:s13+s29], $0x40, s1, s29, $0xb8;
	[tilespmem:$0x1E300] =	vst v63  }
0x32d: {  	_ =	swait.ge [sflag:s19], $0x2000  }
0x32e: {  	[sflag:s19] =	ssyncset.done $0x0  }
0x32f: {  	s1 =	simm.s32 $0x580;
	[sflag:s19] =	ssyncadd.s32 $0xFFFFE000  }
0x330: {  	[spmem:s2] =	stream.indirect.scatter.add.f32 [tilespmem:s6], [sflag:$0x9], $0x40, s1, s29, $0xb8;
	[tilespmem:$0x1E300] =	vst v63  }
0x331: {  	_ =	swait.ge [sflag:s5], $0x2000  }
0x332: {  	[sflag:s5] =	ssyncset.done $0x0  }
0x333: {  	s1 =	simm.s32 $0x280;
	[sflag:s5] =	ssyncadd.s32 $0xFFFFE000  }
0x334: {  	[tilespmem:s24], [sflag:$0x1] =	stream.indirect.gather [hbm4b:s13+s29], $0x40, s1, s29, $0xb8;
	[tilespmem:$0x1E300] =	vst v63  }
0x335: {  	_ =	swait.ge [sflag:s20], $0x2000  }
0x336: {  	[sflag:s20] =	ssyncset.done $0x0  }
0x337: {  	s1 =	simm.s32 $0x600;
	[sflag:s20] =	ssyncadd.s32 $0xFFFFE000  }
0x338: {  	[spmem:s2] =	stream.indirect.scatter.add.f32 [tilespmem:s4], [sflag:$0xA], $0x40, s1, s29, $0xb8;
	[tilespmem:$0x1E300] =	vst v63  }
0x339: {  	_ =	swait.ge [sflag:s15], $0x2000  }
0x33a: {  	[sflag:s15] =	ssyncset.done $0x0  }
0x33b: {  	s1 =	simm.s32 $0x300;
	[sflag:s15] =	ssyncadd.s32 $0xFFFFE000  }
0x33c: {  	[tilespmem:s16], [sflag:$0x2] =	stream.indirect.gather [hbm4b:s13+s29], $0x40, s1, s29, $0xb8;
	[tilespmem:$0x1E300] =	vst v63  }
0x33d: {  	_ =	swait.ge [sflag:s0], $0x2000  }
0x33e: {  	[sflag:s0] =	ssyncset.done $0x0  }
0x33f: {  	s1 =	simm.s32 $0x680;
	[sflag:s0] =	ssyncadd.s32 $0xFFFFE000  }
0x340: {  	[spmem:s2] =	stream.indirect.scatter.add.f32 [tilespmem:s24], [sflag:$0x6], $0x40, s1, s29, $0xb8;
	[tilespmem:$0x1E300] =	vst v63  }
0x341: {  	_ =	swait.ge [sflag:s21], $0x2000  }
0x342: {  	[sflag:s21] =	ssyncset.done $0x0  }
0x343: {  	s1 =	simm.s32 $0x380;
	[sflag:s21] =	ssyncadd.s32 $0xFFFFE000  }
0x344: {  	[tilespmem:s23], [sflag:$0x3] =	stream.indirect.gather [hbm4b:s13+s29], $0x40, s1, s29, $0xb8;
	[tilespmem:$0x1E300] =	vst v63  }
0x345: {  	_ =	swait.ge [sflag:s17], $0x2000  }
0x346: {  	[sflag:s17] =	ssyncset.done $0x0  }
0x347: {  	s1 =	simm.s32 $0x700;
	[sflag:s17] =	ssyncadd.s32 $0xFFFFE000  }
0x348: {  	[spmem:s2] =	stream.indirect.scatter.add.f32 [tilespmem:s16], [sflag:$0x7], $0x40, s1, s29, $0xb8;
	[tilespmem:$0x1E300] =	vst v63  }
0x349: {  	_ =	swait.ge [sflag:s11], $0x2000  }
0x34a: {  	[sflag:s11] =	ssyncset.done $0x0  }
0x34b: {  	s1 =	simm.s32 $0x780;
	[sflag:s11] =	ssyncadd.s32 $0xFFFFE000  }
0x34c: {  	[spmem:s2] =	stream.indirect.scatter.add.f32 [tilespmem:s23], [sflag:$0x8], $0x40, s1, s29, $0xb8;
	[tilespmem:$0x1E300] =	vst v63  }
0x34d: {  	_ =	swait.ge [sflag:s10], $0x2000  }
0x34e: {  	[sflag:s10] =	ssyncset.done $0x0  }
0x34f: {  	[sflag:s10] =	ssyncadd.s32 $0xFFFFE000  }
0x350: {  	_ =	swait.ge [sflag:s22], $0x2000  }
0x351: {  	[sflag:s22] =	ssyncset.done $0x0  }
0x352: {  	[sflag:s22] =	ssyncadd.s32 $0xFFFFE000  }
0x353: {  	_ =	swait.ge [sflag:s5], $0x2000  }
0x354: {  	[sflag:s5] =	ssyncset.done $0x0  }
0x355: {  	[sflag:s5] =	ssyncadd.s32 $0xFFFFE000  }
.Ltmp18:
0x356: {  	_ =	swait.ge [sflag:s15], $0x2000;
	(pc) =	sbr.rel @!p1 .LBB2_25-.Ltmp18, $4  }
0x357: {  	[sflag:s15] =	ssyncset.done $0x0  }
0x358: {  	[sflag:s15] =	ssyncadd.s32 $0xFFFFE000  }
0x359: {  	_ =	swait.ge [sflag:s21], $0x2000  }
0x35a: {  	s1 =	smov.u32 s8;
	[sflag:s21] =	ssyncset.done $0x0  }
0x35b: {  	s1 =	sadd.s32 s7, s28;
	[sflag:s21] =	ssyncadd.s32 $0xFFFFE000  }
0x35c: {  	[tilespmem:s9], [sflag:$0xB] =	stream.linear.gather [hbm4b:s1+s9], $0x400, $0x38;
	[tilespmem:$0x1E300] =	vst v63  }
0x35d: {  	_ =	swait.ge [sflag:s26], $0x400  }
0x35e: {  	[sflag:s26] =	ssyncset.done $0x0  }
0x35f: {  	s8 =	sadd.s32 s7, s25;
	[sflag:s26] =	ssyncadd.s32 $0xFFFFFC00  }
0x360: {  	[tilespmem:s30], [sflag:$0xB] =	stream.linear.gather [hbm4b:s8+s9], $0x400, $0x38;
	[tilespmem:$0x1E300] =	vst v63  }
0x361: {  	_ =	swait.ge [sflag:s26], $0x400  }
0x362: {  	[sflag:s26] =	ssyncset.done $0x0  }
0x363: {  	[sflag:s26] =	ssyncadd.s32 $0xFFFFFC00  }
0x364: {  	[tilespmem:s24], [sflag:$0x1] =	stream.indirect.gather [hbm4b:s13+s29], $0x40, s9, s29, $0xb8;
	[tilespmem:$0x1E300] =	vst v63  }
0x365: {  	_ = 	snop  }
0x366: {  	[tilespmem:s16], [sflag:$0x2] =	stream.indirect.gather [hbm4b:s13+s29], $0x40, s29, s29, $0xb8;
	[tilespmem:$0x1E300] =	vst v63  }
0x367: {  	_ =	swait.ge [sflag:s0], $0x2000  }
0x368: {  	[sflag:s0] =	ssyncset.done $0x0  }
0x369: {  	[sflag:s0] =	ssyncadd.s32 $0xFFFFE000  }
0x36a: {  	[spmem:s2] =	stream.indirect.scatter.add.f32 [tilespmem:s24], [sflag:$0x6], $0x40, s30, s29, $0xb8;
	[tilespmem:$0x1E300] =	vst v63  }
0x36b: {  	_ = 	snop  }
0x36c: {  	[tilespmem:s23], [sflag:$0x3] =	stream.indirect.gather [hbm4b:s13+s29], $0x40, s12, s29, $0xb8;
	[tilespmem:$0x1E300] =	vst v63  }
0x36d: {  	_ =	swait.ge [sflag:s17], $0x2000  }
0x36e: {  	[sflag:s17] =	ssyncset.done $0x0  }
0x36f: {  	[sflag:s17] =	ssyncadd.s32 $0xFFFFE000  }
0x370: {  	[spmem:s2] =	stream.indirect.scatter.add.f32 [tilespmem:s16], [sflag:$0x7], $0x40, s18, s29, $0xb8;
	[tilespmem:$0x1E300] =	vst v63  }
0x371: {  	_ = 	snop  }
0x372: {  	[tilespmem:s6], [sflag:$0x4] =	stream.indirect.gather [hbm4b:s13+s29], $0x40, s31, s29, $0xb8;
	[tilespmem:$0x1E300] =	vst v63  }
0x373: {  	_ =	swait.ge [sflag:s11], $0x2000  }
0x374: {  	[sflag:s11] =	ssyncset.done $0x0  }
0x375: {  	s25 =	simm.s32 $0x500;
	[sflag:s11] =	ssyncadd.s32 $0xFFFFE000  }
0x376: {  	[spmem:s2] =	stream.indirect.scatter.add.f32 [tilespmem:s23], [sflag:$0x8], $0x40, s25, s29, $0xb8;
	[tilespmem:$0x1E300] =	vst v63  }
0x377: {  	s7 =	simm.s32 $0x200  }
0x378: {  	[tilespmem:s4], [sflag:$0x5] =	stream.indirect.gather [hbm4b:s13+s29], $0x40, s7, s29, $0xb8;
	[tilespmem:$0x1E300] =	vst v63  }
0x379: {  	_ =	swait.ge [sflag:s19], $0x2000  }
0x37a: {  	[sflag:s19] =	ssyncset.done $0x0  }
0x37b: {  	s8 =	simm.s32 $0x580;
	[sflag:s19] =	ssyncadd.s32 $0xFFFFE000  }
0x37c: {  	[spmem:s2] =	stream.indirect.scatter.add.f32 [tilespmem:s6], [sflag:$0x9], $0x40, s8, s29, $0xb8;
	[tilespmem:$0x1E300] =	vst v63  }
0x37d: {  	_ =	swait.ge [sflag:s5], $0x2000  }
0x37e: {  	[sflag:s5] =	ssyncset.done $0x0  }
0x37f: {  	s9 =	simm.s32 $0x280;
	[sflag:s5] =	ssyncadd.s32 $0xFFFFE000  }
0x380: {  	[tilespmem:s24], [sflag:$0x1] =	stream.indirect.gather [hbm4b:s13+s29], $0x40, s9, s29, $0xb8;
	[tilespmem:$0x1E300] =	vst v63  }
0x381: {  	_ =	swait.ge [sflag:s20], $0x2000  }
0x382: {  	[sflag:s20] =	ssyncset.done $0x0  }
0x383: {  	s12 =	simm.s32 $0x600;
	[sflag:s20] =	ssyncadd.s32 $0xFFFFE000  }
0x384: {  	[spmem:s2] =	stream.indirect.scatter.add.f32 [tilespmem:s4], [sflag:$0xA], $0x40, s12, s29, $0xb8;
	[tilespmem:$0x1E300] =	vst v63  }
0x385: {  	_ =	swait.ge [sflag:s15], $0x2000  }
0x386: {  	[sflag:s15] =	ssyncset.done $0x0  }
0x387: {  	s18 =	simm.s32 $0x300;
	[sflag:s15] =	ssyncadd.s32 $0xFFFFE000  }
0x388: {  	[tilespmem:s16], [sflag:$0x2] =	stream.indirect.gather [hbm4b:s13+s29], $0x40, s18, s29, $0xb8;
	[tilespmem:$0x1E300] =	vst v63  }
0x389: {  	_ =	swait.ge [sflag:s0], $0x2000  }
0x38a: {  	[sflag:s0] =	ssyncset.done $0x0  }
0x38b: {  	s19 =	simm.s32 $0x680;
	[sflag:s0] =	ssyncadd.s32 $0xFFFFE000  }
0x38c: {  	[spmem:s2] =	stream.indirect.scatter.add.f32 [tilespmem:s24], [sflag:$0x6], $0x40, s19, s29, $0xb8;
	[tilespmem:$0x1E300] =	vst v63  }
0x38d: {  	_ =	swait.ge [sflag:s21], $0x2000  }
0x38e: {  	[sflag:s21] =	ssyncset.done $0x0  }
0x38f: {  	s20 =	simm.s32 $0x380;
	[sflag:s21] =	ssyncadd.s32 $0xFFFFE000  }
0x390: {  	[tilespmem:s23], [sflag:$0x3] =	stream.indirect.gather [hbm4b:s13+s29], $0x40, s20, s29, $0xb8;
	[tilespmem:$0x1E300] =	vst v63  }
0x391: {  	_ =	swait.ge [sflag:s17], $0x2000  }
0x392: {  	[sflag:s17] =	ssyncset.done $0x0  }
0x393: {  	s24 =	simm.s32 $0x700;
	[sflag:s17] =	ssyncadd.s32 $0xFFFFE000  }
0x394: {  	[spmem:s2] =	stream.indirect.scatter.add.f32 [tilespmem:s16], [sflag:$0x7], $0x40, s24, s29, $0xb8;
	[tilespmem:$0x1E300] =	vst v63  }
0x395: {  	_ =	swait.ge [sflag:s11], $0x2000  }
0x396: {  	[sflag:s11] =	ssyncset.done $0x0  }
0x397: {  	s25 =	simm.s32 $0x780;
	[sflag:s11] =	ssyncadd.s32 $0xFFFFE000  }
0x398: {  	[spmem:s2] =	stream.indirect.scatter.add.f32 [tilespmem:s23], [sflag:$0x8], $0x40, s25, s29, $0xb8;
	[tilespmem:$0x1E300] =	vst v63  }
0x399: {  	_ =	swait.ge [sflag:s10], $0x2000  }
0x39a: {  	[sflag:s10] =	ssyncset.done $0x0  }
0x39b: {  	[sflag:s10] =	ssyncadd.s32 $0xFFFFE000  }
0x39c: {  	_ =	swait.ge [sflag:s22], $0x2000  }
0x39d: {  	[sflag:s22] =	ssyncset.done $0x0  }
0x39e: {  	[sflag:s22] =	ssyncadd.s32 $0xFFFFE000  }
0x39f: {  	_ =	swait.ge [sflag:s5], $0x2000  }
0x3a0: {  	[sflag:s5] =	ssyncset.done $0x0  }
0x3a1: {  	[sflag:s5] =	ssyncadd.s32 $0xFFFFE000  }
0x3a2: {  	_ =	swait.ge [sflag:s15], $0x2000  }
0x3a3: {  	s28 =	simm.s32 $0x400;
	[sflag:s15] =	ssyncset.done $0x0  }
0x3a4: {  	s30 =	simm.s32 $0x800;
	s8 =	simm.s32 $0x0;
	[sflag:s15] =	ssyncadd.s32 $0xFFFFE000  }
0x3a5: {  	s6 =	simm.s32 $0xE400;
	s9 =	simm.s32 $0x4;
	_ =	swait.ge [sflag:s21], $0x2000  }
0x3a6: {  	s4 =	simm.s32 $0x0;
	s19 =	simm.s32 $0xB800;
	[sflag:s21] =	ssyncset.done $0x0  }
0x3a7: {  	s20 =	simm.s32 $0xC800;
	s24 =	simm.s32 $0x2800;
	[sflag:s21] =	ssyncadd.s32 $0xFFFFE000  }
0x3a8: {  	s16 =	simm.s32 $0xB000;
	s23 =	simm.s32 $0x10C00;
	[bflag:$0x0] =	sbarrier.arrive $0xFFFF  }
0x3a9: {  	s10 =	simm.s32 $0xF800;
	s22 =	simm.s32 $0x5;
	s31 =	rddreg [dreg:$0x17]  }
.LBB2_27:
0x3aa: {  	s1 =	smul.u32 $0x50, s8  }
0x3ab: {  	s7 =	rddreg [dreg:$0x12]  }
0x3ac: {  	s1 =	sadd.s32 s7, s1  }
0x3ad: {  	s7 =	sshll.u32 s1, $0x6  }
0x3ae: {  	s7 =	sand.u32 $0x3FFFFFC0, s7  }
0x3af: {  	s12 =	simm.s32 $0xD000;
	s7 =	sadd.s32 s7, s2  }
0x3b0: {  	[tilespmem:s12], [sflag:$0xB] =	stream.linear.gather [spmem:s7], $0x1400, $0x38;
	[tilespmem:$0x1E300] =	vst v63  }
0x3b1: {  	_ =	swait.ge [sflag:s26], $0x1400  }
0x3b2: {  	s12 =	sshll.u32 s1, $0x3;
	[sflag:s26] =	ssyncset.done $0x0;
	s18 =	rddreg [dreg:$0xc]  }
0x3b3: {  	[sflag:s26] =	ssyncadd.s32 $0xFFFFEC00;
	s1 =	sadd.s32 s18, s12;
	s18 =	simm.s32 $0x0  }
0x3b4: {  	[tilespmem:s6], [sflag:$0xB] =	stream.linear.gather [hbm4b:s1+s18], $0x1400, $0x38;
	[tilespmem:$0x1E300] =	vst v63  }
0x3b5: {  	_ =	swait.ge [sflag:s26], $0x1400  }
0x3b6: {  	[sflag:s26] =	ssyncset.done $0x0;
	s25 =	rddreg [dreg:$0xd]  }
0x3b7: {  	[sflag:s26] =	ssyncadd.s32 $0xFFFFEC00;
	s1 =	sadd.s32 s25, s12  }
0x3b8: {  	[tilespmem:s10], [sflag:$0xB] =	stream.linear.gather [hbm4b:s1+s18], $0x1400, $0x38;
	[tilespmem:$0x1E300] =	vst v63  }
0x3b9: {  	_ =	swait.ge [sflag:s26], $0x1400  }
0x3ba: {  	[sflag:s26] =	ssyncset.done $0x0  }
0x3bb: {  	s25 =	simm.s32 $0x0;
	[sflag:s26] =	ssyncadd.s32 $0xFFFFEC00  }
0x3bc: {  	v5 =	vld [tilespmem:s25+$0xF800]  }
0x3bd: {  	v4 =	vld [tilespmem:s25+$0xF810]  }
0x3be: {  	v3 =	vld [tilespmem:s25+$0xE400]  }
0x3bf: {  	v2 =	vld [tilespmem:s25+$0xE410]  }
0x3c0: {  	v1 =	vld [tilespmem:s25+$0xE420]  }
0x3c1: {  	v0 =	vld [tilespmem:s25+$0xE430]  }
0x3c2: {  	v7 =	vld [tilespmem:s25+$0xD000]  }
0x3c3: {  	v8 =	vld [tilespmem:s25+$0xD010]  }
0x3c4: {  	s1 =	simm.s32 $0x100;
	v6 =	vld [tilespmem:s25+$0xD020]  }
.LBB2_28:
0x3c5: {  	p1 =	sne.s32 s1, $0x4F00;
	v9 =	vld [tilespmem:s25+$0xD030]  }
0x3c6: {  	v10 =	vld [tilespmem:s25+$0xF820]  }
0x3c7: {  	s18 =	sshra.s32 s1, $0x2;
	v3 =	vmul.f32 v3, v7;
	v7 =	vld [tilespmem:s25+$0xF830]  }
0x3c8: {  	v11 =	vld [tilespmem:s18+$0xF800];
	v2 =	vmul.f32 v2, v8  }
0x3c9: {  	v8 =	vld [tilespmem:s18+$0xF810];
	v5 =	vadd.f32 v5, v3;
	v1 =	vmul.f32 v1, v6  }
0x3ca: {  	v3 =	vld [tilespmem:s18+$0xE400];
	v4 =	vadd.f32 v4, v2;
	v0 =	vmul.f32 v0, v9  }
0x3cb: {  	v2 =	vld [tilespmem:s18+$0xE410];
	[tilespmem:s25+$0xD000] =	vst v5;
	v6 =	vadd.f32 v10, v1  }
.Ltmp19:
0x3cc: {  	v1 =	vld [tilespmem:s18+$0xE420];
	[tilespmem:s25+$0xD010] =	vst v4;
	v9 =	vadd.f32 v7, v0;
	(pc) =	sbr.rel @p1 .LBB2_28-.Ltmp19, $4  }
0x3cd: {  	v0 =	vld [tilespmem:s18+$0xE430];
	[tilespmem:s25+$0xD020] =	vst v6;
	v5 =	vmov v11  }
0x3ce: {  	v7 =	vld [tilespmem:s18+$0xD000];
	[tilespmem:s25+$0xD030] =	vst v9;
	v4 =	vmov v8;
	s25 =	smov.u32 s18  }
0x3cf: {  	v8 =	vld [tilespmem:s25+$0xD010]  }
0x3d0: {  	s1 =	sadd.s32 $0x100, s1;
	v6 =	vld [tilespmem:s25+$0xD020]  }
0x3d1: {  	v9 =	vld [tilespmem:s25+$0xD030]  }
0x3d2: {  	v10 =	vld [tilespmem:s25+$0xF820]  }
0x3d3: {  	v63 =	vld [tilespmem:s25+$0xF830];
	v3 =	vmul.f32 v3, v7  }
0x3d4: {  	v2 =	vmul.f32 v2, v8  }
0x3d5: {  	v3 =	vadd.f32 v5, v3;
	v1 =	vmul.f32 v1, v6  }
0x3d6: {  	v2 =	vadd.f32 v4, v2;
	v0 =	vmul.f32 v0, v9  }
0x3d7: {  	[tilespmem:s25+$0xD000] =	vst v3;
	v1 =	vadd.f32 v10, v1  }
0x3d8: {  	[tilespmem:s25+$0xD010] =	vst v2;
	v0 =	vadd.f32 v63, v0  }
0x3d9: {  	[tilespmem:s25+$0xD020] =	vst v1  }
0x3da: {  	s1 =	sadd.s32 s13, s12;
	[tilespmem:s25+$0xD030] =	vst v0;
	s25 =	simm.s32 $0xD000  }
0x3db: {  	[hbm4b:s1+s4] =	stream.linear.scatter [tilespmem:s25], [sflag:$0xB], $0x1400, $0x38;
	[tilespmem:$0x1E300] =	vst v63  }
0x3dc: {  	_ =	swait.ge [sflag:s26], $0x1400  }
0x3dd: {  	s8 =	sadd.s32 $0x1, s8;
	[sflag:s26] =	ssyncset.done $0x0  }
0x3de: {  	p1 =	seq.s32 s8, $0x8;
	[sflag:s26] =	ssyncadd.s32 $0xFFFFEC00  }
0x3df: {  	[spmem:s7] =	stream.linear.scatter [tilespmem:s25], [sflag:$0xB], $0x1400, $0x38;
	[tilespmem:$0x1E300] =	vst v63  }
.Ltmp20:
0x3e0: {  	_ = 	snop;
	(pc) =	sbr.rel @!p1 .LBB2_27-.Ltmp20, $4  }
.Ltmp21:
0x3e1: {  	_ = 	snop;
	(pc) =	sbr.rel @p1 .LBB2_36-.Ltmp21, $4  }
0x3e2: {  	_ =	swait.ge [sflag:s26], $0x1400  }
0x3e3: {  	[sflag:s26] =	ssyncset.done $0x0  }
0x3e4: {  	[sflag:s26] =	ssyncadd.s32 $0xFFFFEC00  }
0x3e5: {  	_ = 	snop  }
.LBB2_30:
0x3e6: {  	[tilespmem:s4], [sflag:$0xB] =	stream.linear.gather [hbm4b:s1+s4], $0x400, $0x38;
	[tilespmem:$0x1E300] =	vst v63  }
0x3e7: {  	_ =	swait.ge [sflag:s26], $0x400  }
0x3e8: {  	[sflag:s26] =	ssyncset.done $0x0  }
0x3e9: {  	s24 =	sadd.s32 $0x0, s25;
	[sflag:s26] =	ssyncadd.s32 $0xFFFFFC00  }
0x3ea: {  	[tilespmem:s28], [sflag:$0xB] =	stream.linear.gather [hbm4b:s24+s4], $0x400, $0x38;
	[tilespmem:$0x1E300] =	vst v63  }
0x3eb: {  	_ =	swait.ge [sflag:s26], $0x400  }
0x3ec: {  	[sflag:s26] =	ssyncset.done $0x0  }
0x3ed: {  	[sflag:s26] =	ssyncadd.s32 $0xFFFFFC00  }
0x3ee: {  	[tilespmem:s6], [sflag:$0x1] =	stream.indirect.gather [hbm4b:s14+s29], $0x10, s4, s29, $0xb8;
	[tilespmem:$0x1E300] =	vst v63  }
0x3ef: {  	_ = 	snop  }
0x3f0: {  	[tilespmem:s16], [sflag:$0x2] =	stream.indirect.gather [hbm4b:s14+s29], $0x10, s29, s29, $0xb8;
	[tilespmem:$0x1E300] =	vst v63  }
0x3f1: {  	_ =	swait.ge [sflag:s0], $0x800  }
0x3f2: {  	[sflag:s0] =	ssyncset.done $0x0  }
0x3f3: {  	[sflag:s0] =	ssyncadd.s32 $0xFFFFF800  }
0x3f4: {  	[spmem:s3] =	stream.indirect.scatter.add.f32 [tilespmem:s6], [sflag:$0x6], $0x10, s28, s29, $0xb8;
	[tilespmem:$0x1E300] =	vst v63  }
0x3f5: {  	_ = 	snop  }
0x3f6: {  	[tilespmem:s19], [sflag:$0x3] =	stream.indirect.gather [hbm4b:s14+s29], $0x10, s7, s29, $0xb8;
	[tilespmem:$0x1E300] =	vst v63  }
0x3f7: {  	_ =	swait.ge [sflag:s17], $0x800  }
0x3f8: {  	[sflag:s17] =	ssyncset.done $0x0  }
0x3f9: {  	[sflag:s17] =	ssyncadd.s32 $0xFFFFF800  }
0x3fa: {  	[spmem:s3] =	stream.indirect.scatter.add.f32 [tilespmem:s16], [sflag:$0x7], $0x10, s8, s29, $0xb8;
	[tilespmem:$0x1E300] =	vst v63  }
0x3fb: {  	s2 =	simm.s32 $0x180  }
0x3fc: {  	[tilespmem:s10], [sflag:$0x4] =	stream.indirect.gather [hbm4b:s14+s29], $0x10, s2, s29, $0xb8;
	[tilespmem:$0x1E300] =	vst v63  }
0x3fd: {  	_ =	swait.ge [sflag:s11], $0x800  }
0x3fe: {  	[sflag:s11] =	ssyncset.done $0x0  }
0x3ff: {  	[sflag:s11] =	ssyncadd.s32 $0xFFFFF800  }
0x400: {  	[spmem:s3] =	stream.indirect.scatter.add.f32 [tilespmem:s19], [sflag:$0x8], $0x10, s12, s29, $0xb8;
	[tilespmem:$0x1E300] =	vst v63  }
0x401: {  	s7 =	simm.s32 $0x200  }
0x402: {  	[tilespmem:s20], [sflag:$0x5] =	stream.indirect.gather [hbm4b:s14+s29], $0x10, s7, s29, $0xb8;
	[tilespmem:$0x1E300] =	vst v63  }
0x403: {  	_ =	swait.ge [sflag:s9], $0x800  }
0x404: {  	[sflag:s9] =	ssyncset.done $0x0  }
0x405: {  	s8 =	simm.s32 $0x580;
	[sflag:s9] =	ssyncadd.s32 $0xFFFFF800  }
0x406: {  	[spmem:s3] =	stream.indirect.scatter.add.f32 [tilespmem:s10], [sflag:$0x9], $0x10, s8, s29, $0xb8;
	[tilespmem:$0x1E300] =	vst v63  }
0x407: {  	_ =	swait.ge [sflag:s5], $0x800  }
0x408: {  	[sflag:s5] =	ssyncset.done $0x0  }
0x409: {  	s10 =	simm.s32 $0x280;
	[sflag:s5] =	ssyncadd.s32 $0xFFFFF800  }
0x40a: {  	[tilespmem:s6], [sflag:$0x1] =	stream.indirect.gather [hbm4b:s14+s29], $0x10, s10, s29, $0xb8;
	[tilespmem:$0x1E300] =	vst v63  }
0x40b: {  	_ =	swait.ge [sflag:s22], $0x800  }
0x40c: {  	[sflag:s22] =	ssyncset.done $0x0  }
0x40d: {  	[sflag:s22] =	ssyncadd.s32 $0xFFFFF800  }
0x40e: {  	[spmem:s3] =	stream.indirect.scatter.add.f32 [tilespmem:s20], [sflag:$0xA], $0x10, s18, s29, $0xb8;
	[tilespmem:$0x1E300] =	vst v63  }
0x40f: {  	_ =	swait.ge [sflag:s15], $0x800  }
0x410: {  	[sflag:s15] =	ssyncset.done $0x0  }
0x411: {  	s16 =	simm.s32 $0xB000;
	s12 =	simm.s32 $0x300;
	[sflag:s15] =	ssyncadd.s32 $0xFFFFF800  }
0x412: {  	[tilespmem:s16], [sflag:$0x2] =	stream.indirect.gather [hbm4b:s14+s29], $0x10, s12, s29, $0xb8;
	[tilespmem:$0x1E300] =	vst v63  }
0x413: {  	_ =	swait.ge [sflag:s0], $0x800  }
0x414: {  	[sflag:s0] =	ssyncset.done $0x0  }
0x415: {  	s18 =	simm.s32 $0x680;
	[sflag:s0] =	ssyncadd.s32 $0xFFFFF800  }
0x416: {  	[spmem:s3] =	stream.indirect.scatter.add.f32 [tilespmem:s6], [sflag:$0x6], $0x10, s18, s29, $0xb8;
	[tilespmem:$0x1E300] =	vst v63  }
0x417: {  	_ =	swait.ge [sflag:s21], $0x800  }
0x418: {  	[sflag:s21] =	ssyncset.done $0x0  }
0x419: {  	s20 =	simm.s32 $0x380;
	[sflag:s21] =	ssyncadd.s32 $0xFFFFF800  }
0x41a: {  	[tilespmem:s19], [sflag:$0x3] =	stream.indirect.gather [hbm4b:s14+s29], $0x10, s20, s29, $0xb8;
	[tilespmem:$0x1E300] =	vst v63  }
0x41b: {  	_ =	swait.ge [sflag:s17], $0x800  }
0x41c: {  	[sflag:s17] =	ssyncset.done $0x0  }
0x41d: {  	s23 =	simm.s32 $0x700;
	[sflag:s17] =	ssyncadd.s32 $0xFFFFF800  }
0x41e: {  	[spmem:s3] =	stream.indirect.scatter.add.f32 [tilespmem:s16], [sflag:$0x7], $0x10, s23, s29, $0xb8;
	[tilespmem:$0x1E300] =	vst v63  }
0x41f: {  	_ =	swait.ge [sflag:s11], $0x800  }
0x420: {  	s24 =	simm.s32 $0x780;
	[sflag:s11] =	ssyncset.done $0x0  }
0x421: {  	s6 =	simm.s32 $0x9;
	s19 =	simm.s32 $0xB800;
	[sflag:s11] =	ssyncadd.s32 $0xFFFFF800  }
0x422: {  	[spmem:s3] =	stream.indirect.scatter.add.f32 [tilespmem:s19], [sflag:$0x8], $0x10, s24, s29, $0xb8;
	[tilespmem:$0x1E300] =	vst v63  }
0x423: {  	_ =	swait.ge [sflag:s6], $0x800  }
0x424: {  	[sflag:s6] =	ssyncset.done $0x0  }
0x425: {  	s23 =	simm.s32 $0xA;
	[sflag:s6] =	ssyncadd.s32 $0xFFFFF800  }
0x426: {  	_ =	swait.ge [sflag:s23], $0x800  }
0x427: {  	[sflag:s23] =	ssyncset.done $0x0  }
0x428: {  	[sflag:s23] =	ssyncadd.s32 $0xFFFFF800  }
0x429: {  	_ =	swait.ge [sflag:s5], $0x800  }
0x42a: {  	[sflag:s5] =	ssyncset.done $0x0  }
0x42b: {  	[sflag:s5] =	ssyncadd.s32 $0xFFFFF800  }
0x42c: {  	s30 =	simm.s32 $0x400;
	s1 =	simm.s32 $0x100;
	_ =	swait.ge [sflag:s15], $0x800  }
0x42d: {  	s28 =	smov.u32 s31;
	s31 =	simm.s32 $0x500;
	[sflag:s15] =	ssyncset.done $0x0  }
0x42e: {  	s2 =	smov.u32 s25;
	s25 =	simm.s32 $0x600;
	[sflag:s15] =	ssyncadd.s32 $0xFFFFF800  }
0x42f: {  	s7 =	simm.s32 $0x80;
	s10 =	simm.s32 $0xA800;
	_ =	swait.ge [sflag:s21], $0x800  }
0x430: {  	s20 =	simm.s32 $0xC000;
	s24 =	simm.s32 $0xC800;
	[sflag:s21] =	ssyncset.done $0x0  }
.LBB2_31:
0x431: {  	s12 =	sadd.s32 s7, s28  }
0x432: {  	[sflag:s21] =	ssyncadd.s32 $0xFFFFF800;
	s18 =	smov.u32 s1;
	s8 =	sadd.s32 $0x80, s1  }
0x433: {  	[tilespmem:s4], [sflag:$0xB] =	stream.linear.gather [hbm4b:s12+s4], $0x400, $0x38;
	[tilespmem:$0x1E300] =	vst v63  }
0x434: {  	s12 =	simm.s32 $0x100  }
0x435: {  	p1 =	seq.s32 s1, $0x980;
	_ =	swait.ge [sflag:s26], $0x400  }
0x436: {  	s1 =	sadd.s32 s7, s2;
	[sflag:s26] =	ssyncset.done $0x0  }
0x437: {  	s7 =	smov.u32 s18;
	s18 =	simm.s32 $0x480;
	[sflag:s26] =	ssyncadd.s32 $0xFFFFFC00  }
0x438: {  	[tilespmem:s30], [sflag:$0xB] =	stream.linear.gather [hbm4b:s1+s4], $0x400, $0x38;
	[tilespmem:$0x1E300] =	vst v63  }
0x439: {  	_ =	swait.ge [sflag:s26], $0x400  }
0x43a: {  	[sflag:s26] =	ssyncset.done $0x0  }
0x43b: {  	[sflag:s26] =	ssyncadd.s32 $0xFFFFFC00  }
0x43c: {  	[tilespmem:s10], [sflag:$0x1] =	stream.indirect.gather [hbm4b:s14+s29], $0x10, s4, s29, $0xb8;
	[tilespmem:$0x1E300] =	vst v63  }
0x43d: {  	_ = 	snop  }
0x43e: {  	[tilespmem:s16], [sflag:$0x2] =	stream.indirect.gather [hbm4b:s14+s29], $0x10, s29, s29, $0xb8;
	[tilespmem:$0x1E300] =	vst v63  }
0x43f: {  	_ =	swait.ge [sflag:s0], $0x800  }
0x440: {  	[sflag:s0] =	ssyncset.done $0x0  }
0x441: {  	[sflag:s0] =	ssyncadd.s32 $0xFFFFF800  }
0x442: {  	[spmem:s3] =	stream.indirect.scatter.add.f32 [tilespmem:s10], [sflag:$0x6], $0x10, s30, s29, $0xb8;
	[tilespmem:$0x1E300] =	vst v63  }
0x443: {  	_ = 	snop  }
0x444: {  	[tilespmem:s19], [sflag:$0x3] =	stream.indirect.gather [hbm4b:s14+s29], $0x10, s12, s29, $0xb8;
	[tilespmem:$0x1E300] =	vst v63  }
0x445: {  	_ =	swait.ge [sflag:s17], $0x800  }
0x446: {  	[sflag:s17] =	ssyncset.done $0x0  }
0x447: {  	[sflag:s17] =	ssyncadd.s32 $0xFFFFF800  }
0x448: {  	[spmem:s3] =	stream.indirect.scatter.add.f32 [tilespmem:s16], [sflag:$0x7], $0x10, s18, s29, $0xb8;
	[tilespmem:$0x1E300] =	vst v63  }
0x449: {  	s1 =	simm.s32 $0x180  }
0x44a: {  	[tilespmem:s20], [sflag:$0x4] =	stream.indirect.gather [hbm4b:s14+s29], $0x10, s1, s29, $0xb8;
	[tilespmem:$0x1E300] =	vst v63  }
0x44b: {  	_ =	swait.ge [sflag:s11], $0x800  }
0x44c: {  	[sflag:s11] =	ssyncset.done $0x0  }
0x44d: {  	[sflag:s11] =	ssyncadd.s32 $0xFFFFF800  }
0x44e: {  	[spmem:s3] =	stream.indirect.scatter.add.f32 [tilespmem:s19], [sflag:$0x8], $0x10, s31, s29, $0xb8;
	[tilespmem:$0x1E300] =	vst v63  }
0x44f: {  	s1 =	simm.s32 $0x200  }
0x450: {  	[tilespmem:s24], [sflag:$0x5] =	stream.indirect.gather [hbm4b:s14+s29], $0x10, s1, s29, $0xb8;
	[tilespmem:$0x1E300] =	vst v63  }
0x451: {  	_ =	swait.ge [sflag:s9], $0x800  }
0x452: {  	[sflag:s9] =	ssyncset.done $0x0  }
0x453: {  	s1 =	simm.s32 $0x580;
	[sflag:s9] =	ssyncadd.s32 $0xFFFFF800  }
0x454: {  	[spmem:s3] =	stream.indirect.scatter.add.f32 [tilespmem:s20], [sflag:$0x9], $0x10, s1, s29, $0xb8;
	[tilespmem:$0x1E300] =	vst v63  }
0x455: {  	_ =	swait.ge [sflag:s5], $0x800  }
0x456: {  	[sflag:s5] =	ssyncset.done $0x0  }
0x457: {  	s1 =	simm.s32 $0x280;
	[sflag:s5] =	ssyncadd.s32 $0xFFFFF800  }
0x458: {  	[tilespmem:s10], [sflag:$0x1] =	stream.indirect.gather [hbm4b:s14+s29], $0x10, s1, s29, $0xb8;
	[tilespmem:$0x1E300] =	vst v63  }
0x459: {  	_ =	swait.ge [sflag:s22], $0x800  }
0x45a: {  	[sflag:s22] =	ssyncset.done $0x0  }
0x45b: {  	[sflag:s22] =	ssyncadd.s32 $0xFFFFF800  }
0x45c: {  	[spmem:s3] =	stream.indirect.scatter.add.f32 [tilespmem:s24], [sflag:$0xA], $0x10, s25, s29, $0xb8;
	[tilespmem:$0x1E300] =	vst v63  }
0x45d: {  	_ =	swait.ge [sflag:s15], $0x800  }
0x45e: {  	[sflag:s15] =	ssyncset.done $0x0  }
0x45f: {  	s1 =	simm.s32 $0x300;
	[sflag:s15] =	ssyncadd.s32 $0xFFFFF800  }
0x460: {  	[tilespmem:s16], [sflag:$0x2] =	stream.indirect.gather [hbm4b:s14+s29], $0x10, s1, s29, $0xb8;
	[tilespmem:$0x1E300] =	vst v63  }
0x461: {  	_ =	swait.ge [sflag:s0], $0x800  }
0x462: {  	[sflag:s0] =	ssyncset.done $0x0  }
0x463: {  	s1 =	simm.s32 $0x680;
	[sflag:s0] =	ssyncadd.s32 $0xFFFFF800  }
0x464: {  	[spmem:s3] =	stream.indirect.scatter.add.f32 [tilespmem:s10], [sflag:$0x6], $0x10, s1, s29, $0xb8;
	[tilespmem:$0x1E300] =	vst v63  }
0x465: {  	_ =	swait.ge [sflag:s21], $0x800  }
0x466: {  	[sflag:s21] =	ssyncset.done $0x0  }
0x467: {  	s1 =	simm.s32 $0x380;
	[sflag:s21] =	ssyncadd.s32 $0xFFFFF800  }
0x468: {  	[tilespmem:s19], [sflag:$0x3] =	stream.indirect.gather [hbm4b:s14+s29], $0x10, s1, s29, $0xb8;
	[tilespmem:$0x1E300] =	vst v63  }
0x469: {  	_ =	swait.ge [sflag:s17], $0x800  }
0x46a: {  	[sflag:s17] =	ssyncset.done $0x0  }
0x46b: {  	s1 =	simm.s32 $0x700;
	[sflag:s17] =	ssyncadd.s32 $0xFFFFF800  }
0x46c: {  	[spmem:s3] =	stream.indirect.scatter.add.f32 [tilespmem:s16], [sflag:$0x7], $0x10, s1, s29, $0xb8;
	[tilespmem:$0x1E300] =	vst v63  }
0x46d: {  	_ =	swait.ge [sflag:s11], $0x800  }
0x46e: {  	[sflag:s11] =	ssyncset.done $0x0  }
0x46f: {  	s1 =	simm.s32 $0x780;
	[sflag:s11] =	ssyncadd.s32 $0xFFFFF800  }
0x470: {  	[spmem:s3] =	stream.indirect.scatter.add.f32 [tilespmem:s19], [sflag:$0x8], $0x10, s1, s29, $0xb8;
	[tilespmem:$0x1E300] =	vst v63  }
0x471: {  	_ =	swait.ge [sflag:s6], $0x800  }
0x472: {  	[sflag:s6] =	ssyncset.done $0x0  }
0x473: {  	[sflag:s6] =	ssyncadd.s32 $0xFFFFF800  }
0x474: {  	_ =	swait.ge [sflag:s23], $0x800  }
0x475: {  	[sflag:s23] =	ssyncset.done $0x0  }
0x476: {  	[sflag:s23] =	ssyncadd.s32 $0xFFFFF800  }
0x477: {  	_ =	swait.ge [sflag:s5], $0x800  }
0x478: {  	[sflag:s5] =	ssyncset.done $0x0  }
0x479: {  	[sflag:s5] =	ssyncadd.s32 $0xFFFFF800  }
.Ltmp22:
0x47a: {  	_ =	swait.ge [sflag:s15], $0x800;
	(pc) =	sbr.rel @!p1 .LBB2_31-.Ltmp22, $4  }
0x47b: {  	[sflag:s15] =	ssyncset.done $0x0  }
0x47c: {  	[sflag:s15] =	ssyncadd.s32 $0xFFFFF800  }
0x47d: {  	_ =	swait.ge [sflag:s21], $0x800  }
0x47e: {  	s1 =	smov.u32 s8;
	[sflag:s21] =	ssyncset.done $0x0  }
0x47f: {  	s1 =	sadd.s32 s7, s28;
	[sflag:s21] =	ssyncadd.s32 $0xFFFFF800  }
0x480: {  	[tilespmem:s4], [sflag:$0xB] =	stream.linear.gather [hbm4b:s1+s4], $0x400, $0x38;
	[tilespmem:$0x1E300] =	vst v63  }
0x481: {  	_ =	swait.ge [sflag:s26], $0x400  }
0x482: {  	[sflag:s26] =	ssyncset.done $0x0  }
0x483: {  	s8 =	sadd.s32 s7, s2;
	[sflag:s26] =	ssyncadd.s32 $0xFFFFFC00  }
0x484: {  	[tilespmem:s30], [sflag:$0xB] =	stream.linear.gather [hbm4b:s8+s4], $0x400, $0x38;
	[tilespmem:$0x1E300] =	vst v63  }
0x485: {  	_ =	swait.ge [sflag:s26], $0x400  }
0x486: {  	[sflag:s26] =	ssyncset.done $0x0  }
0x487: {  	[sflag:s26] =	ssyncadd.s32 $0xFFFFFC00  }
0x488: {  	[tilespmem:s10], [sflag:$0x1] =	stream.indirect.gather [hbm4b:s14+s29], $0x10, s4, s29, $0xb8;
	[tilespmem:$0x1E300] =	vst v63  }
0x489: {  	_ = 	snop  }
0x48a: {  	[tilespmem:s16], [sflag:$0x2] =	stream.indirect.gather [hbm4b:s14+s29], $0x10, s29, s29, $0xb8;
	[tilespmem:$0x1E300] =	vst v63  }
0x48b: {  	_ =	swait.ge [sflag:s0], $0x800  }
0x48c: {  	[sflag:s0] =	ssyncset.done $0x0  }
0x48d: {  	[sflag:s0] =	ssyncadd.s32 $0xFFFFF800  }
0x48e: {  	[spmem:s3] =	stream.indirect.scatter.add.f32 [tilespmem:s10], [sflag:$0x6], $0x10, s30, s29, $0xb8;
	[tilespmem:$0x1E300] =	vst v63  }
0x48f: {  	_ = 	snop  }
0x490: {  	[tilespmem:s19], [sflag:$0x3] =	stream.indirect.gather [hbm4b:s14+s29], $0x10, s12, s29, $0xb8;
	[tilespmem:$0x1E300] =	vst v63  }
0x491: {  	_ =	swait.ge [sflag:s17], $0x800  }
0x492: {  	[sflag:s17] =	ssyncset.done $0x0  }
0x493: {  	[sflag:s17] =	ssyncadd.s32 $0xFFFFF800  }
0x494: {  	[spmem:s3] =	stream.indirect.scatter.add.f32 [tilespmem:s16], [sflag:$0x7], $0x10, s18, s29, $0xb8;
	[tilespmem:$0x1E300] =	vst v63  }
0x495: {  	s18 =	simm.s32 $0x180  }
0x496: {  	[tilespmem:s20], [sflag:$0x4] =	stream.indirect.gather [hbm4b:s14+s29], $0x10, s18, s29, $0xb8;
	[tilespmem:$0x1E300] =	vst v63  }
0x497: {  	_ =	swait.ge [sflag:s11], $0x800  }
0x498: {  	[sflag:s11] =	ssyncset.done $0x0  }
0x499: {  	[sflag:s11] =	ssyncadd.s32 $0xFFFFF800  }
0x49a: {  	[spmem:s3] =	stream.indirect.scatter.add.f32 [tilespmem:s19], [sflag:$0x8], $0x10, s31, s29, $0xb8;
	[tilespmem:$0x1E300] =	vst v63  }
0x49b: {  	s2 =	simm.s32 $0x200  }
0x49c: {  	[tilespmem:s24], [sflag:$0x5] =	stream.indirect.gather [hbm4b:s14+s29], $0x10, s2, s29, $0xb8;
	[tilespmem:$0x1E300] =	vst v63  }
0x49d: {  	_ =	swait.ge [sflag:s9], $0x800  }
0x49e: {  	[sflag:s9] =	ssyncset.done $0x0  }
0x49f: {  	s7 =	simm.s32 $0x580;
	[sflag:s9] =	ssyncadd.s32 $0xFFFFF800  }
0x4a0: {  	[spmem:s3] =	stream.indirect.scatter.add.f32 [tilespmem:s20], [sflag:$0x9], $0x10, s7, s29, $0xb8;
	[tilespmem:$0x1E300] =	vst v63  }
0x4a1: {  	_ =	swait.ge [sflag:s5], $0x800  }
0x4a2: {  	[sflag:s5] =	ssyncset.done $0x0  }
0x4a3: {  	s8 =	simm.s32 $0x280;
	[sflag:s5] =	ssyncadd.s32 $0xFFFFF800  }
0x4a4: {  	[tilespmem:s10], [sflag:$0x1] =	stream.indirect.gather [hbm4b:s14+s29], $0x10, s8, s29, $0xb8;
	[tilespmem:$0x1E300] =	vst v63  }
0x4a5: {  	_ =	swait.ge [sflag:s22], $0x800  }
0x4a6: {  	[sflag:s22] =	ssyncset.done $0x0  }
0x4a7: {  	[sflag:s22] =	ssyncadd.s32 $0xFFFFF800  }
0x4a8: {  	[spmem:s3] =	stream.indirect.scatter.add.f32 [tilespmem:s24], [sflag:$0xA], $0x10, s25, s29, $0xb8;
	[tilespmem:$0x1E300] =	vst v63  }
0x4a9: {  	_ =	swait.ge [sflag:s15], $0x800  }
0x4aa: {  	[sflag:s15] =	ssyncset.done $0x0  }
0x4ab: {  	s12 =	simm.s32 $0x300;
	[sflag:s15] =	ssyncadd.s32 $0xFFFFF800  }
0x4ac: {  	[tilespmem:s16], [sflag:$0x2] =	stream.indirect.gather [hbm4b:s14+s29], $0x10, s12, s29, $0xb8;
	[tilespmem:$0x1E300] =	vst v63  }
0x4ad: {  	_ =	swait.ge [sflag:s0], $0x800  }
0x4ae: {  	[sflag:s0] =	ssyncset.done $0x0  }
0x4af: {  	s18 =	simm.s32 $0x680;
	[sflag:s0] =	ssyncadd.s32 $0xFFFFF800  }
0x4b0: {  	[spmem:s3] =	stream.indirect.scatter.add.f32 [tilespmem:s10], [sflag:$0x6], $0x10, s18, s29, $0xb8;
	[tilespmem:$0x1E300] =	vst v63  }
0x4b1: {  	_ =	swait.ge [sflag:s21], $0x800  }
0x4b2: {  	[sflag:s21] =	ssyncset.done $0x0  }
0x4b3: {  	s20 =	simm.s32 $0x380;
	[sflag:s21] =	ssyncadd.s32 $0xFFFFF800  }
0x4b4: {  	[tilespmem:s19], [sflag:$0x3] =	stream.indirect.gather [hbm4b:s14+s29], $0x10, s20, s29, $0xb8;
	[tilespmem:$0x1E300] =	vst v63  }
0x4b5: {  	_ =	swait.ge [sflag:s17], $0x800  }
0x4b6: {  	[sflag:s17] =	ssyncset.done $0x0  }
0x4b7: {  	s24 =	simm.s32 $0x700;
	[sflag:s17] =	ssyncadd.s32 $0xFFFFF800  }
0x4b8: {  	[spmem:s3] =	stream.indirect.scatter.add.f32 [tilespmem:s16], [sflag:$0x7], $0x10, s24, s29, $0xb8;
	[tilespmem:$0x1E300] =	vst v63  }
0x4b9: {  	_ =	swait.ge [sflag:s11], $0x800  }
0x4ba: {  	[sflag:s11] =	ssyncset.done $0x0  }
0x4bb: {  	s25 =	simm.s32 $0x780;
	[sflag:s11] =	ssyncadd.s32 $0xFFFFF800  }
0x4bc: {  	[spmem:s3] =	stream.indirect.scatter.add.f32 [tilespmem:s19], [sflag:$0x8], $0x10, s25, s29, $0xb8;
	[tilespmem:$0x1E300] =	vst v63  }
0x4bd: {  	_ =	swait.ge [sflag:s6], $0x800  }
0x4be: {  	[sflag:s6] =	ssyncset.done $0x0  }
0x4bf: {  	[sflag:s6] =	ssyncadd.s32 $0xFFFFF800  }
0x4c0: {  	_ =	swait.ge [sflag:s23], $0x800  }
0x4c1: {  	[sflag:s23] =	ssyncset.done $0x0  }
0x4c2: {  	[sflag:s23] =	ssyncadd.s32 $0xFFFFF800  }
0x4c3: {  	_ =	swait.ge [sflag:s5], $0x800  }
0x4c4: {  	[sflag:s5] =	ssyncset.done $0x0  }
0x4c5: {  	[sflag:s5] =	ssyncadd.s32 $0xFFFFF800  }
0x4c6: {  	_ =	swait.ge [sflag:s15], $0x800  }
0x4c7: {  	[sflag:s15] =	ssyncset.done $0x0  }
0x4c8: {  	[sflag:s15] =	ssyncadd.s32 $0xFFFFF800  }
0x4c9: {  	_ =	swait.ge [sflag:s21], $0x800  }
0x4ca: {  	s28 =	simm.s32 $0x400;
	s30 =	simm.s32 $0x800;
	[sflag:s21] =	ssyncset.done $0x0  }
0x4cb: {  	s8 =	simm.s32 $0x0;
	s10 =	simm.s32 $0x11600;
	[sflag:s21] =	ssyncadd.s32 $0xFFFFF800  }
0x4cc: {  	s20 =	simm.s32 $0xC800;
	s16 =	simm.s32 $0xB000;
	[bflag:$0x0] =	sbarrier.arrive $0xFFFF  }
0x4cd: {  	s24 =	simm.s32 $0x2800;
	s19 =	simm.s32 $0xB800;
	s31 =	rddreg [dreg:$0x17]  }
0x4ce: {  	s6 =	simm.s32 $0x11100;
	s23 =	simm.s32 $0x10C00;
	s2 =	rddreg [dreg:$0x3]  }
.LBB2_33:
0x4cf: {  	s1 =	smul.u32 $0x50, s8  }
0x4d0: {  	s7 =	rddreg [dreg:$0x12]  }
0x4d1: {  	s1 =	sadd.s32 s7, s1  }
0x4d2: {  	s7 =	sshll.u32 s1, $0x4  }
0x4d3: {  	s7 =	sand.u32 $0x3FFFFFF0, s7  }
0x4d4: {  	s12 =	sadd.s32 s7, s3  }
0x4d5: {  	[tilespmem:s23], [sflag:$0xB] =	stream.linear.gather [spmem:s12], $0x500, $0x38;
	[tilespmem:$0x1E300] =	vst v63  }
0x4d6: {  	_ =	swait.ge [sflag:s26], $0x500  }
0x4d7: {  	s1 =	sshll.u32 s1, $0x1;
	[sflag:s26] =	ssyncset.done $0x0;
	s18 =	rddreg [dreg:$0x10]  }
0x4d8: {  	[sflag:s26] =	ssyncadd.s32 $0xFFFFFB00;
	s7 =	sadd.s32 s18, s1;
	s18 =	simm.s32 $0x0  }
0x4d9: {  	[tilespmem:s6], [sflag:$0xB] =	stream.linear.gather [hbm4b:s7+s18], $0x500, $0x38;
	[tilespmem:$0x1E300] =	vst v63  }
0x4da: {  	_ =	swait.ge [sflag:s26], $0x500  }
0x4db: {  	[sflag:s26] =	ssyncset.done $0x0;
	s25 =	rddreg [dreg:$0x11]  }
0x4dc: {  	[sflag:s26] =	ssyncadd.s32 $0xFFFFFB00;
	s7 =	sadd.s32 s25, s1  }
0x4dd: {  	[tilespmem:s10], [sflag:$0xB] =	stream.linear.gather [hbm4b:s7+s18], $0x500, $0x38;
	[tilespmem:$0x1E300] =	vst v63  }
0x4de: {  	_ =	swait.ge [sflag:s26], $0x500  }
0x4df: {  	[sflag:s26] =	ssyncset.done $0x0  }
0x4e0: {  	s25 =	simm.s32 $0x0;
	[sflag:s26] =	ssyncadd.s32 $0xFFFFFB00  }
0x4e1: {  	s7 =	simm.s32 $0x40;
	v0 =	vld [tilespmem:s25+$0x11100]  }
.LBB2_34:
0x4e2: {  	p1 =	sne.s32 s7, $0x13C0;
	v1 =	vld [tilespmem:s25+$0x10C00];
	_ =	sdelay $0x1  }
0x4e3: {  	v2 =	vld [tilespmem:s25+$0x11600];
	_ =	sdelay $0x2  }
.Ltmp23:
0x4e4: {  	v0 =	vmul.f32 v0, v1;
	(pc) =	sbr.rel @p1 .LBB2_34-.Ltmp23, $4  }
0x4e5: {  	_ = 	snop  }
0x4e6: {  	v1 =	vadd.f32 v2, v0  }
0x4e7: {  	s18 =	sshra.s32 s7, $0x2  }
0x4e8: {  	s7 =	sadd.s32 $0x40, s7;
	v0 =	vld [tilespmem:s18+$0x11100];
	[tilespmem:s25+$0x10C00] =	vst v1;
	s25 =	smov.u32 s18  }
0x4e9: {  	v1 =	vld [tilespmem:s25+$0x10C00];
	_ =	sdelay $0x1  }
0x4ea: {  	v2 =	vld [tilespmem:s25+$0x11600];
	_ =	sdelay $0x2  }
0x4eb: {  	v0 =	vmul.f32 v0, v1;
	_ =	sdelay $0x1  }
0x4ec: {  	v0 =	vadd.f32 v2, v0;
	_ =	sdelay $0x1  }
0x4ed: {  	s1 =	sadd.s32 s14, s1;
	[tilespmem:s25+$0x10C00] =	vst v0  }
0x4ee: {  	[hbm4b:s1+s4] =	stream.linear.scatter [tilespmem:s23], [sflag:$0xB], $0x500, $0x38;
	[tilespmem:$0x1E300] =	vst v63  }
0x4ef: {  	_ =	swait.ge [sflag:s26], $0x500  }
0x4f0: {  	s8 =	sadd.s32 $0x1, s8;
	[sflag:s26] =	ssyncset.done $0x0  }
0x4f1: {  	p1 =	sne.s32 s8, $0x8;
	[sflag:s26] =	ssyncadd.s32 $0xFFFFFB00  }
0x4f2: {  	[spmem:s12] =	stream.linear.scatter [tilespmem:s23], [sflag:$0xB], $0x500, $0x38;
	[tilespmem:$0x1E300] =	vst v63  }
.Ltmp24:
0x4f3: {  	_ = 	snop;
	(pc) =	sbr.rel @p1 .LBB2_33-.Ltmp24, $4  }
.Ltmp25:
0x4f4: {  	_ = 	snop;
	(pc) =	sbr.rel @!p1 .LBB2_36-.Ltmp25, $4  }
0x4f5: {  	_ =	swait.ge [sflag:s26], $0x500  }
0x4f6: {  	[sflag:s26] =	ssyncset.done $0x0  }
0x4f7: {  	[sflag:s26] =	ssyncadd.s32 $0xFFFFFB00  }
0x4f8: {  	_ = 	snop  }
.LBB2_37:
0x4f9: {  	_ =	sfence.sel $0x180000  }
0x4fa: {  	[bflag:$0x0] =	sbarrier.arrive $0xFFFF  }
0x4fb: {  	_ =	strace $0x9000004A  }
0x4fc: {  	s0 =	stileid.u32;
	[bflag:$0x2] =	sbarrier.arrive $0xFFFF  }
0x4fd: {  	p0 =	sne.s32 s0, $0x0;
	s0 =	rddreg [dreg:$0x5]  }
0x4fe: {  	s0 =	sadd.s32 @!p0 $0x100000, s0  }
0x4ff: {  	[sflag:s0] =	ssyncadd.tile.s32 @!p0 $0x1;
	_ =	shalt  }
.Lfunc_end2:
_tile_overlayer_lowered:
.L_overlay_start_2:
0x500: {  	(tag) =	ssettag $0x2  }
0x501: {  	s0 =	rddreg [dreg:$0x0];
	s2 =	stileid.u32  }
0x502: {  	s1 =	rddreg [dreg:$0x1];
	p0 =	sne.s32 s2, $0x0  }
0x503: {  	s3 =	rddreg [dreg:$0x2];
	[bflag:$0x3] =	sbarrier.arrive $0xFFFF;
	s2 =	simm.s32 @!p0 $0x1C0B  }
0x504: {  	[timem:s3], [sflag:s2] =	dma.local @!p0 [hbm:s0], s1  }
0x505: {  	s0 =	simm.s32 @!p0 $0xB  }
0x506: {  	_ =	swait.ge @!p0 [sflag:s0], s1  }
0x507: {  	s1 =	ssub.s32 @!p0 $0x0, s1;
	[sflag:s0] =	ssyncset.done @!p0 $0x0  }
0x508: {  	[sflag:s0] =	ssyncadd.s32 @!p0 s1  }
0x509: {  	[bflag:$0x3] =	sbarrier.arrive $0xFFFF  }
0x50a: {  	_ =	shalt  }

</sc_bundles>
